<compile_context>
chip_gen: v7x
topology: tpu7x:2x2x1
jax: 0.10.2.dev20260603
libtpu: 0.0.44.dev20260713+nightly
codegen_flags: <defaults>
</compile_context>

<pallas_src>
import functools

import jax
import jax.numpy as jnp
from jax import lax
from jax.experimental import pallas as pl
from jax.experimental.pallas import tpu as pltpu
from jax.experimental.pallas import tpu_sc as plsc

N_ITEMS = 100000
D_DIM = 64
B_ROWS = 4096
K_NN = 10
ENH = 0.3

NEG = -1e9
SENT = -3.0e38
BIGI = 2**30

CW = 128
NSEL = 12


def _stage_a_body(emb_ref, e_ref, sc_ref, m_ref):
    bb = emb_ref.shape[0]
    nbk = e_ref.shape[0]
    s = lax.dot_general(emb_ref[...], e_ref[...], (((1,), (1,)), ((), ())),
                        preferred_element_type=jnp.float32)
    for j in range(nbk // CW):
        sc_ref[:, 8 * j:8 * j + 8, :] = (
            s[:, CW * j:CW * (j + 1)].reshape(bb // 8, 8, CW))
    st = lax.dot_general(e_ref[...], emb_ref[...], (((1,), (1,)), ((), ())),
                         preferred_element_type=jnp.float32)
    m = jnp.max(st.reshape(nbk // CW, CW, bb), axis=1)
    m_ref[...] = m.reshape(1, nbk // CW, bb)


def _scores_and_chunkmax(emb_bf, e_bf, *, bb=512, nbk=2048, interpret=False):
    b = emb_bf.shape[0]
    npad = e_bf.shape[0]
    nb_b, nb_n = b // bb, npad // nbk
    grid = (nb_b, nb_n)
    return pl.pallas_call(
        _stage_a_body,
        grid=grid,
        in_specs=[
            pl.BlockSpec((bb, D_DIM), lambda i, n: (i, 0)),
            pl.BlockSpec((nbk, D_DIM), lambda i, n: (n, 0)),
        ],
        out_specs=[
            pl.BlockSpec((bb // 8, (nbk // CW) * 8, CW), lambda i, n: (i, n, 0)),
            pl.BlockSpec((1, nbk // CW, bb), lambda i, n: (n, 0, i)),
        ],
        out_shape=[
            jax.ShapeDtypeStruct((b // 8, (npad // CW) * 8, CW), jnp.float32),
            jax.ShapeDtypeStruct((nb_n, nbk // CW, b), jnp.float32),
        ],
        interpret=interpret,
    )(emb_bf, e_bf)


def _select_body(c_real, mt_ref, sel_ref):
    bb, cpad = mt_ref.shape
    x = mt_ref[...]
    ci = lax.broadcasted_iota(jnp.int32, (bb, cpad), 1)
    picks = []
    for _ in range(NSEL):
        m = jnp.max(x, axis=1, keepdims=True)
        pos = jnp.min(jnp.where(x == m, ci, BIGI), axis=1, keepdims=True)
        picks.append(pos)
        x = jnp.where(ci == pos, SENT, x)
    sel = jnp.concatenate(picks, axis=1)
    row = pl.program_id(0) * bb + lax.broadcasted_iota(jnp.int32, (bb, 1), 0)
    p = (row >> 3) * (c_real * 8) + sel * 8 + (row & 7)
    sel_ref[...] = p.reshape(1, bb, NSEL)


def _select_chunks(mt, *, c_real, bb=512, interpret=False):
    b, cpad = mt.shape
    nb_b = b // bb
    return pl.pallas_call(
        functools.partial(_select_body, c_real),
        grid=(nb_b,),
        in_specs=[pl.BlockSpec((bb, cpad), lambda i: (i, 0))],
        out_specs=pl.BlockSpec((1, bb, NSEL), lambda i: (i, 0, 0)),
        out_shape=jax.ShapeDtypeStruct((nb_b, bb, NSEL), jnp.int32),
        interpret=interpret,
    )(mt)


def _topk_body(c_real, n_items, g_ref, sel_ref, ids_ref, nidx_ref, w_ref):
    _, bb, nc = sel_ref.shape
    ncand = nc * CW
    x = g_ref[...]
    ids = ids_ref[...].reshape(bb, 1)
    selflat = sel_ref[...].reshape(bb, nc)
    row = pl.program_id(0) * bb + lax.broadcasted_iota(jnp.int32, (bb, 1), 0)
    c = (selflat - (row >> 3) * (c_real * 8) - (row & 7)) >> 3
    base = c * CW
    basew = jnp.broadcast_to(base.reshape(bb, nc, 1), (bb, nc, CW))
    pi = lax.broadcasted_iota(jnp.int32, (bb, ncand), 1)
    gcol = basew.reshape(bb, ncand) + (pi % CW)
    x = jnp.where((gcol == ids) | (gcol >= n_items), SENT, x)
    vals, idxs = [], []
    for _ in range(K_NN):
        m = jnp.max(x, axis=1, keepdims=True)
        pos = jnp.min(jnp.where(x == m, pi, BIGI), axis=1, keepdims=True)
        gi = jnp.min(jnp.where(pi == pos, gcol, BIGI), axis=1, keepdims=True)
        vals.append(m)
        idxs.append(gi)
        x = jnp.where(pi == pos, SENT, x)
    v = jnp.concatenate(vals, axis=1)
    gi10 = jnp.concatenate(idxs, axis=1)
    ws = jnp.sum(v, axis=1, keepdims=True)
    denom = jnp.where(ws > 0, ws, 1.0)
    w = jnp.where(ws > 0, v / denom, v)
    if NSEL > K_NN:
        zf = jnp.zeros((bb, NSEL - K_NN), jnp.float32)
        zi = jnp.zeros((bb, NSEL - K_NN), jnp.int32)
        gi10 = jnp.concatenate([gi10, zi], axis=1)
        w = jnp.concatenate([w, zf], axis=1)
    nidx_ref[...] = gi10.reshape(1, bb, NSEL)
    w_ref[...] = w.reshape(1, bb, NSEL)


def _topk_weights(g2, sel3, ids, *, c_real, n_items, bb=512, interpret=False):
    b = g2.shape[0]
    nb_b = b // bb
    ids3 = ids.reshape(nb_b, bb, 1)
    return pl.pallas_call(
        functools.partial(_topk_body, c_real, n_items),
        grid=(nb_b,),
        in_specs=[
            pl.BlockSpec((bb, g2.shape[1]), lambda i: (i, 0)),
            pl.BlockSpec((1, bb, NSEL), lambda i: (i, 0, 0)),
            pl.BlockSpec((1, bb, 1), lambda i: (i, 0, 0)),
        ],
        out_specs=[
            pl.BlockSpec((1, bb, NSEL), lambda i: (i, 0, 0)),
            pl.BlockSpec((1, bb, NSEL), lambda i: (i, 0, 0)),
        ],
        out_shape=[
            jax.ShapeDtypeStruct((nb_b, bb, NSEL), jnp.int32),
            jax.ShapeDtypeStruct((nb_b, bb, NSEL), jnp.float32),
        ],
        interpret=interpret,
    )(g2, sel3, ids3)


def _blend_body(emb_ref, w_ref, n_ref, idx_ref, out_ref):
    bb = emb_ref.shape[0]
    w = w_ref[...].reshape(bb, NSEL)
    idx = idx_ref[...].reshape(bb, NSEL)
    nrows = n_ref[...]
    acc = None
    for j in range(NSEL):
        lo = nrows[:, j * 2 * D_DIM:j * 2 * D_DIM + D_DIM]
        hi = nrows[:, j * 2 * D_DIM + D_DIM:(j + 1) * 2 * D_DIM]
        pick = jnp.where((idx[:, j:j + 1] & 1) == 1, hi, lo)
        term = w[:, j:j + 1] * pick
        acc = term if acc is None else acc + term
    out_ref[...] = (1.0 - ENH) * emb_ref[...] + ENH * acc


def _blend(emb, w3, neigh2, nidx3, *, bb=512, interpret=False):
    b = emb.shape[0]
    nb_b = b // bb
    return pl.pallas_call(
        _blend_body,
        grid=(nb_b,),
        in_specs=[
            pl.BlockSpec((bb, D_DIM), lambda i: (i, 0)),
            pl.BlockSpec((1, bb, NSEL), lambda i: (i, 0, 0)),
            pl.BlockSpec((bb, NSEL * 2 * D_DIM), lambda i: (i, 0)),
            pl.BlockSpec((1, bb, NSEL), lambda i: (i, 0, 0)),
        ],
        out_specs=pl.BlockSpec((bb, D_DIM), lambda i: (i, 0)),
        out_shape=jax.ShapeDtypeStruct((b, D_DIM), jnp.float32),
        interpret=interpret,
    )(emb, w3, neigh2, nidx3)


_NW = 32
_GCH = 128


def _sc_gather(table, idx, row_w):
    m = idx.shape[0]
    per_tile = m // _NW
    nch = 8
    while per_tile % nch == 0 and per_tile // nch > _GCH:
        nch += 8
    ch = per_tile // nch
    idx2 = idx.reshape(_NW * nch, ch)
    mesh = plsc.VectorSubcoreMesh(core_axis_name="c", subcore_axis_name="s")

    depth = min(4, nch)

    @functools.partial(
        pl.kernel,
        out_type=jax.ShapeDtypeStruct((m, row_w), jnp.float32),
        mesh=mesh,
        scratch_types=[
            pltpu.VMEM((nch, ch), jnp.int32),
            pltpu.VMEM((depth, ch, row_w), jnp.float32),
            [pltpu.SemaphoreType.DMA] * depth,
        ],
    )
    def gather_k(table_hbm, idx_hbm, out_hbm, idx_v, rows_v, sems):
        wid = lax.axis_index("s") * 2 + lax.axis_index("c")
        base = wid * per_tile
        pltpu.sync_copy(idx_hbm.at[pl.ds(wid * nch, nch)], idx_v)
        handles = [None] * depth
        for k in range(depth):
            handles[k] = pltpu.async_copy(
                table_hbm.at[idx_v.at[k]], rows_v.at[k], sems[k])
        for k in range(nch):
            s = k % depth
            handles[s].wait()
            pltpu.sync_copy(rows_v.at[s], out_hbm.at[pl.ds(base + k * ch, ch)])
            nk = k + depth
            if nk < nch:
                handles[s] = pltpu.async_copy(
                    table_hbm.at[idx_v.at[nk]], rows_v.at[s], sems[s])

    return gather_k(table, idx2)


def _run(item_ids, item_embeddings, *, interpret=False, nbk=2048, bb=512,
         use_sc=True):
    b = item_ids.shape[0]
    n, d = item_embeddings.shape
    npad = ((n + nbk - 1) // nbk) * nbk
    c_real = npad // CW

    e_pairs = item_embeddings.reshape(n // 2, 2 * d)
    if use_sc:
        ep = _sc_gather(e_pairs, item_ids >> 1, 2 * d)
        emb = jnp.where((item_ids & 1)[:, None] == 1, ep[:, d:], ep[:, :d])
    else:
        emb = jnp.take(item_embeddings, item_ids, axis=0)
    e_bf = item_embeddings.astype(jnp.bfloat16)
    e_bf = jnp.pad(e_bf, ((0, npad - n), (0, 0)))
    emb_bf = emb.astype(jnp.bfloat16)

    scores3, m3 = _scores_and_chunkmax(emb_bf, e_bf, bb=bb, nbk=nbk,
                                       interpret=interpret)
    scores_flat = scores3.reshape(b * c_real, CW)
    mt = jnp.transpose(m3.reshape(c_real, b), (1, 0))
    cpad = ((c_real + 127) // 128) * 128
    mt = jnp.pad(mt, ((0, 0), (0, cpad - c_real)), constant_values=SENT)

    sel3 = _select_chunks(mt, c_real=c_real, bb=bb, interpret=interpret)
    selflat = sel3.reshape(b * NSEL)

    if use_sc:
        g = _sc_gather(scores_flat, selflat, CW)
    else:
        g = jnp.take(scores_flat, selflat, axis=0)
    g2 = g.reshape(b, NSEL * CW)

    nidx3, w3 = _topk_weights(g2, sel3, item_ids, c_real=c_real, n_items=n,
                              bb=bb, interpret=interpret)

    nflat = nidx3.reshape(b * NSEL)
    if use_sc:
        neigh = _sc_gather(e_pairs, nflat >> 1, 2 * d)
    else:
        neigh = jnp.take(e_pairs, nflat >> 1, axis=0)
    neigh2 = neigh.reshape(b, NSEL * 2 * d)

    return _blend(emb, w3, neigh2, nidx3, bb=bb, interpret=interpret)


def kernel(item_ids, item_embeddings):
    return _run(item_ids, item_embeddings)

# --- scband reference (transcript-rebuilt; emitter-appended) ---
"""Pipeline reference for scband-swing-enhancement-42511586296329 (READ-ONLY COPY).

The authoritative reference and input builder live on the scoring server;
editing this copy changes nothing except your own understanding.
"""

import jax, jax.numpy as jnp
import numpy as np

N_ITEMS = 100000
D = 64
B = 4096
K_NEIGH = 10
ENH_W = 0.3


def setup_inputs(seed: int = 0) -> dict:
    key = jax.random.key(seed)
    k1, k2 = jax.random.split(key)
    item_ids = jax.random.randint(k1, (B,), 0, N_ITEMS, dtype=jnp.int32)
    item_embeddings = jax.random.normal(k2, (N_ITEMS, D), dtype=jnp.float32)
    return {"item_ids": item_ids, "item_embeddings": item_embeddings}


def reference(item_ids, item_embeddings):
    # Gather batch item embeddings (queries)
    emb = jnp.take(item_embeddings, item_ids, axis=0)  # [B, D]
    # Similarity of each batch item against the full catalog (swing-sim proxy row lookup)
    scores = emb @ item_embeddings.T  # [B, N_ITEMS]
    # Mask self-similarity (original code excludes item_id from its own neighbor list)
    scores = scores.at[jnp.arange(B), item_ids].set(-1e9)
    # Top-k neighbor retrieval
    topk_vals, topk_idx = jax.lax.top_k(scores, K_NEIGH)  # [B, k]
    # Normalize neighbor weights (weight_sum > 0 guard, as in precompute_topk_neighbors)
    wsum = jnp.sum(topk_vals, axis=-1, keepdims=True)
    denom = jnp.where(wsum > 0, wsum, 1.0)
    weights = jnp.where(wsum > 0, topk_vals / denom, topk_vals)  # [B, k]
    # Gather neighbor embeddings and aggregate
    neigh = jnp.take(item_embeddings, topk_idx, axis=0)  # [B, k, D]
    agg = jnp.sum(weights[..., None] * neigh, axis=1)  # [B, D]
    # Additive enhancement: blend original embedding with swing-neighbor aggregate
    enhanced = (1.0 - ENH_W) * emb + ENH_W * agg
    return enhanced

if __name__ == "__main__":
    import jax
    _d = setup_inputs()
    print(jax.jit(kernel)(*tuple(_d.values())))

</pallas_src>

<mosaic_0001>
#map = affine_map<(d0, d1) -> (0, 0)>
module attributes {stable_mosaic.version = 14 : i64} {
  func.func @gather_k(%arg0: i32, %arg1: i32, %arg2: memref<50000x128xf32, #tpu.memory_space<hbm>>, %arg3: memref<512x96xi32, #tpu.memory_space<hbm>>, %arg4: memref<49152x128xf32, #tpu.memory_space<hbm>>, %arg5: memref<16x96xi32, #tpu.memory_space<vmem>>, %arg6: memref<4x96x128xf32, #tpu.memory_space<vmem>>, %arg7: memref<!tpu.dma_semaphore, #tpu.memory_space<semaphore_mem>>, %arg8: memref<!tpu.dma_semaphore, #tpu.memory_space<semaphore_mem>>, %arg9: memref<!tpu.dma_semaphore, #tpu.memory_space<semaphore_mem>>, %arg10: memref<!tpu.dma_semaphore, #tpu.memory_space<semaphore_mem>>) attributes {dimension_semantics = [#tpu.dimension_semantics<core_parallel>, #tpu.dimension_semantics<subcore_parallel>], iteration_bounds = array<i64: 2, 16>, scalar_prefetch = 0 : i64, scratch_operands = 6 : i64, tpu.core_type = #tpu.core_type<sc_vector_subcore>, window_params = [{transform_indices = #map}, {transform_indices = #map}, {transform_indices = #map}]} {
    %mul3A = arith.constant 2 : i32
    %mul3A_0 = arith.muli %arg1, %mul3A : i32
    %add3A = arith.addi %mul3A_0, %arg0 : i32
    %mul3A_1 = arith.constant 1536 : i32
    %mul3A_2 = arith.muli %add3A, %mul3A_1 : i32
    %mul3A_3 = arith.constant 16 : i32
    %mul3A_4 = arith.muli %add3A, %mul3A_3 : i32
    "tpu.region"() ({
      %run_scoped3A_434 = tpu.sem_alloc : memref<!tpu.dma_semaphore, #tpu.memory_space<semaphore_mem>>
      %dma_start3A_435 = arith.constant 0 : i32
      %dma_start3A_436 = tpu.memref_slice %arg3[%mul3A_4, %dma_start3A_435] : memref<512x96xi32, #tpu.memory_space<hbm>> -> memref<16x96xi32, #tpu.memory_space<hbm>>
      %dma_start3A_437 = arith.constant 0 : i32
      %dma_start3A_438 = tpu.memref_slice %arg3[%mul3A_4, %dma_start3A_437] : memref<512x96xi32, #tpu.memory_space<hbm>> -> memref<16x96xi32, #tpu.memory_space<hbm>>
      tpu.enqueue_dma source(%dma_start3A_438 : memref<16x96xi32, #tpu.memory_space<hbm>>) target(%arg5 : memref<16x96xi32, #tpu.memory_space<vmem>>) target_semaphore(%run_scoped3A_434 : memref<!tpu.dma_semaphore, #tpu.memory_space<semaphore_mem>>)
      %dma_wait3A_439 = arith.constant 0 : i32
      %dma_wait3A_440 = tpu.memref_slice %arg3[%mul3A_4, %dma_wait3A_439] : memref<512x96xi32, #tpu.memory_space<hbm>> -> memref<16x96xi32, #tpu.memory_space<hbm>>
      %dma_wait3A_441 = arith.constant 0 : i32
      %dma_wait3A_442 = tpu.memref_slice %arg3[%mul3A_4, %dma_wait3A_441] : memref<512x96xi32, #tpu.memory_space<hbm>> -> memref<16x96xi32, #tpu.memory_space<hbm>>
      tpu.wait_dma2 semaphore(%run_scoped3A_434 : memref<!tpu.dma_semaphore, #tpu.memory_space<semaphore_mem>>) src(%dma_wait3A_442 : memref<16x96xi32, #tpu.memory_space<hbm>>) dst(%arg5 : memref<16x96xi32, #tpu.memory_space<vmem>>)
      tpu.yield
    }) : () -> ()
    %dma_start3A = arith.constant 0 : i32
    %dma_start3A_5 = arith.constant 0 : i32
    %dma_start3A_6 = arith.constant 0 : i32
    %dma_start3A_7 = arith.constant 0 : i32
    %dma_start3A_8 = tpu.memref_slice %arg6[%dma_start3A_5, %dma_start3A_6, %dma_start3A_7] : memref<4x96x128xf32, #tpu.memory_space<vmem>> -> memref<1x96x128xf32, #tpu.memory_space<vmem>>
    %dma_start3A_9 = tpu.memref_squeeze %dma_start3A_8 : memref<1x96x128xf32, #tpu.memory_space<vmem>> -> memref<96x128xf32, #tpu.memory_space<vmem>>
    %dma_start3A_10 = arith.constant 0 : i32
    %dma_start3A_11 = tpu.memref_slice %arg5[%dma_start3A, %dma_start3A_10] : memref<16x96xi32, #tpu.memory_space<vmem>> -> memref<1x96xi32, #tpu.memory_space<vmem>>
    %dma_start3A_12 = tpu.memref_squeeze %dma_start3A_11 : memref<1x96xi32, #tpu.memory_space<vmem>> -> memref<96xi32, #tpu.memory_space<vmem>>
    %dma_start3A_13 = arith.constant 0 : i32
    %dma_start3A_14 = arith.constant 0 : i32
    %dma_start3A_15 = tpu.memref_slice %arg2[%dma_start3A_13, %dma_start3A_14] : memref<50000x128xf32, #tpu.memory_space<hbm>> -> memref<50000x128xf32, #tpu.memory_space<hbm>>
    tpu.enqueue_indirect_dma source(%dma_start3A_15 : memref<50000x128xf32, #tpu.memory_space<hbm>>) target(%dma_start3A_9 : memref<96x128xf32, #tpu.memory_space<vmem>>) offsets(%dma_start3A_12 : memref<96xi32, #tpu.memory_space<vmem>>) semaphore(%arg7 : memref<!tpu.dma_semaphore, #tpu.memory_space<semaphore_mem>>)
    %dma_start3A_16 = arith.constant 1 : i32
    %dma_start3A_17 = arith.constant 1 : i32
    %dma_start3A_18 = arith.constant 0 : i32
    %dma_start3A_19 = arith.constant 0 : i32
    %dma_start3A_20 = tpu.memref_slice %arg6[%dma_start3A_17, %dma_start3A_18, %dma_start3A_19] : memref<4x96x128xf32, #tpu.memory_space<vmem>> -> memref<1x96x128xf32, #tpu.memory_space<vmem>>
    %dma_start3A_21 = tpu.memref_squeeze %dma_start3A_20 : memref<1x96x128xf32, #tpu.memory_space<vmem>> -> memref<96x128xf32, #tpu.memory_space<vmem>>
    %dma_start3A_22 = arith.constant 0 : i32
    %dma_start3A_23 = tpu.memref_slice %arg5[%dma_start3A_16, %dma_start3A_22] : memref<16x96xi32, #tpu.memory_space<vmem>> -> memref<1x96xi32, #tpu.memory_space<vmem>>
    %dma_start3A_24 = tpu.memref_squeeze %dma_start3A_23 : memref<1x96xi32, #tpu.memory_space<vmem>> -> memref<96xi32, #tpu.memory_space<vmem>>
    %dma_start3A_25 = arith.constant 0 : i32
    %dma_start3A_26 = arith.constant 0 : i32
    %dma_start3A_27 = tpu.memref_slice %arg2[%dma_start3A_25, %dma_start3A_26] : memref<50000x128xf32, #tpu.memory_space<hbm>> -> memref<50000x128xf32, #tpu.memory_space<hbm>>
    tpu.enqueue_indirect_dma source(%dma_start3A_27 : memref<50000x128xf32, #tpu.memory_space<hbm>>) target(%dma_start3A_21 : memref<96x128xf32, #tpu.memory_space<vmem>>) offsets(%dma_start3A_24 : memref<96xi32, #tpu.memory_space<vmem>>) semaphore(%arg8 : memref<!tpu.dma_semaphore, #tpu.memory_space<semaphore_mem>>)
    %dma_start3A_28 = arith.constant 2 : i32
    %dma_start3A_29 = arith.constant 2 : i32
    %dma_start3A_30 = arith.constant 0 : i32
    %dma_start3A_31 = arith.constant 0 : i32
    %dma_start3A_32 = tpu.memref_slice %arg6[%dma_start3A_29, %dma_start3A_30, %dma_start3A_31] : memref<4x96x128xf32, #tpu.memory_space<vmem>> -> memref<1x96x128xf32, #tpu.memory_space<vmem>>
    %dma_start3A_33 = tpu.memref_squeeze %dma_start3A_32 : memref<1x96x128xf32, #tpu.memory_space<vmem>> -> memref<96x128xf32, #tpu.memory_space<vmem>>
    %dma_start3A_34 = arith.constant 0 : i32
    %dma_start3A_35 = tpu.memref_slice %arg5[%dma_start3A_28, %dma_start3A_34] : memref<16x96xi32, #tpu.memory_space<vmem>> -> memref<1x96xi32, #tpu.memory_space<vmem>>
    %dma_start3A_36 = tpu.memref_squeeze %dma_start3A_35 : memref<1x96xi32, #tpu.memory_space<vmem>> -> memref<96xi32, #tpu.memory_space<vmem>>
    %dma_start3A_37 = arith.constant 0 : i32
    %dma_start3A_38 = arith.constant 0 : i32
    %dma_start3A_39 = tpu.memref_slice %arg2[%dma_start3A_37, %dma_start3A_38] : memref<50000x128xf32, #tpu.memory_space<hbm>> -> memref<50000x128xf32, #tpu.memory_space<hbm>>
    tpu.enqueue_indirect_dma source(%dma_start3A_39 : memref<50000x128xf32, #tpu.memory_space<hbm>>) target(%dma_start3A_33 : memref<96x128xf32, #tpu.memory_space<vmem>>) offsets(%dma_start3A_36 : memref<96xi32, #tpu.memory_space<vmem>>) semaphore(%arg9 : memref<!tpu.dma_semaphore, #tpu.memory_space<semaphore_mem>>)
    %dma_start3A_40 = arith.constant 3 : i32
    %dma_start3A_41 = arith.constant 3 : i32
    %dma_start3A_42 = arith.constant 0 : i32
    %dma_start3A_43 = arith.constant 0 : i32
    %dma_start3A_44 = tpu.memref_slice %arg6[%dma_start3A_41, %dma_start3A_42, %dma_start3A_43] : memref<4x96x128xf32, #tpu.memory_space<vmem>> -> memref<1x96x128xf32, #tpu.memory_space<vmem>>
    %dma_start3A_45 = tpu.memref_squeeze %dma_start3A_44 : memref<1x96x128xf32, #tpu.memory_space<vmem>> -> memref<96x128xf32, #tpu.memory_space<vmem>>
    %dma_start3A_46 = arith.constant 0 : i32
    %dma_start3A_47 = tpu.memref_slice %arg5[%dma_start3A_40, %dma_start3A_46] : memref<16x96xi32, #tpu.memory_space<vmem>> -> memref<1x96xi32, #tpu.memory_space<vmem>>
    %dma_start3A_48 = tpu.memref_squeeze %dma_start3A_47 : memref<1x96xi32, #tpu.memory_space<vmem>> -> memref<96xi32, #tpu.memory_space<vmem>>
    %dma_start3A_49 = arith.constant 0 : i32
    %dma_start3A_50 = arith.constant 0 : i32
    %dma_start3A_51 = tpu.memref_slice %arg2[%dma_start3A_49, %dma_start3A_50] : memref<50000x128xf32, #tpu.memory_space<hbm>> -> memref<50000x128xf32, #tpu.memory_space<hbm>>
    tpu.enqueue_indirect_dma source(%dma_start3A_51 : memref<50000x128xf32, #tpu.memory_space<hbm>>) target(%dma_start3A_45 : memref<96x128xf32, #tpu.memory_space<vmem>>) offsets(%dma_start3A_48 : memref<96xi32, #tpu.memory_space<vmem>>) semaphore(%arg10 : memref<!tpu.dma_semaphore, #tpu.memory_space<semaphore_mem>>)
    %dma_wait3A = arith.constant 0 : i32
    %dma_wait3A_52 = arith.constant 0 : i32
    %dma_wait3A_53 = arith.constant 0 : i32
    %dma_wait3A_54 = arith.constant 0 : i32
    %dma_wait3A_55 = tpu.memref_slice %arg6[%dma_wait3A_52, %dma_wait3A_53, %dma_wait3A_54] : memref<4x96x128xf32, #tpu.memory_space<vmem>> -> memref<1x96x128xf32, #tpu.memory_space<vmem>>
    %dma_wait3A_56 = tpu.memref_squeeze %dma_wait3A_55 : memref<1x96x128xf32, #tpu.memory_space<vmem>> -> memref<96x128xf32, #tpu.memory_space<vmem>>
    %dma_wait3A_57 = arith.constant 0 : i32
    %dma_wait3A_58 = tpu.memref_slice %arg5[%dma_wait3A, %dma_wait3A_57] : memref<16x96xi32, #tpu.memory_space<vmem>> -> memref<1x96xi32, #tpu.memory_space<vmem>>
    %dma_wait3A_59 = tpu.memref_squeeze %dma_wait3A_58 : memref<1x96xi32, #tpu.memory_space<vmem>> -> memref<96xi32, #tpu.memory_space<vmem>>
    %dma_wait3A_60 = arith.constant 0 : i32
    %dma_wait3A_61 = arith.constant 0 : i32
    %dma_wait3A_62 = tpu.memref_slice %arg2[%dma_wait3A_60, %dma_wait3A_61] : memref<50000x128xf32, #tpu.memory_space<hbm>> -> memref<50000x128xf32, #tpu.memory_space<hbm>>
    tpu.wait_indirect_dma semaphore(%arg7 : memref<!tpu.dma_semaphore, #tpu.memory_space<semaphore_mem>>) src(%dma_wait3A_62 : memref<50000x128xf32, #tpu.memory_space<hbm>>) dst(%dma_wait3A_56 : memref<96x128xf32, #tpu.memory_space<vmem>>)
    %add3A_63 = arith.constant 0 : i32
    %add3A_64 = arith.addi %mul3A_2, %add3A_63 : i32
    %run_scoped3A = arith.constant 0 : i32
    "tpu.region"() ({
      %run_scoped3A_434 = tpu.sem_alloc : memref<!tpu.dma_semaphore, #tpu.memory_space<semaphore_mem>>
      %dma_start3A_435 = arith.constant 0 : i32
      %dma_start3A_436 = arith.constant 0 : i32
      %dma_start3A_437 = tpu.memref_slice %arg6[%run_scoped3A, %dma_start3A_435, %dma_start3A_436] : memref<4x96x128xf32, #tpu.memory_space<vmem>> -> memref<1x96x128xf32, #tpu.memory_space<vmem>>
      %dma_start3A_438 = tpu.memref_squeeze %dma_start3A_437 : memref<1x96x128xf32, #tpu.memory_space<vmem>> -> memref<96x128xf32, #tpu.memory_space<vmem>>
      %dma_start3A_439 = arith.constant 0 : i32
      %dma_start3A_440 = tpu.memref_slice %arg4[%add3A_64, %dma_start3A_439] : memref<49152x128xf32, #tpu.memory_space<hbm>> -> memref<96x128xf32, #tpu.memory_space<hbm>>
      %dma_start3A_441 = arith.constant 0 : i32
      %dma_start3A_442 = tpu.memref_slice %arg4[%add3A_64, %dma_start3A_441] : memref<49152x128xf32, #tpu.memory_space<hbm>> -> memref<96x128xf32, #tpu.memory_space<hbm>>
      %dma_start3A_443 = arith.constant 0 : i32
      %dma_start3A_444 = arith.constant 0 : i32
      %dma_start3A_445 = tpu.memref_slice %arg6[%run_scoped3A, %dma_start3A_443, %dma_start3A_444] : memref<4x96x128xf32, #tpu.memory_space<vmem>> -> memref<1x96x128xf32, #tpu.memory_space<vmem>>
      %dma_start3A_446 = tpu.memref_squeeze %dma_start3A_445 : memref<1x96x128xf32, #tpu.memory_space<vmem>> -> memref<96x128xf32, #tpu.memory_space<vmem>>
      tpu.enqueue_dma source(%dma_start3A_446 : memref<96x128xf32, #tpu.memory_space<vmem>>) target(%dma_start3A_442 : memref<96x128xf32, #tpu.memory_space<hbm>>) target_semaphore(%run_scoped3A_434 : memref<!tpu.dma_semaphore, #tpu.memory_space<semaphore_mem>>)
      %dma_wait3A_447 = arith.constant 0 : i32
      %dma_wait3A_448 = arith.constant 0 : i32
      %dma_wait3A_449 = tpu.memref_slice %arg6[%run_scoped3A, %dma_wait3A_447, %dma_wait3A_448] : memref<4x96x128xf32, #tpu.memory_space<vmem>> -> memref<1x96x128xf32, #tpu.memory_space<vmem>>
      %dma_wait3A_450 = tpu.memref_squeeze %dma_wait3A_449 : memref<1x96x128xf32, #tpu.memory_space<vmem>> -> memref<96x128xf32, #tpu.memory_space<vmem>>
      %dma_wait3A_451 = arith.constant 0 : i32
      %dma_wait3A_452 = tpu.memref_slice %arg4[%add3A_64, %dma_wait3A_451] : memref<49152x128xf32, #tpu.memory_space<hbm>> -> memref<96x128xf32, #tpu.memory_space<hbm>>
      %dma_wait3A_453 = arith.constant 0 : i32
      %dma_wait3A_454 = tpu.memref_slice %arg4[%add3A_64, %dma_wait3A_453] : memref<49152x128xf32, #tpu.memory_space<hbm>> -> memref<96x128xf32, #tpu.memory_space<hbm>>
      %dma_wait3A_455 = arith.constant 0 : i32
      %dma_wait3A_456 = arith.constant 0 : i32
      %dma_wait3A_457 = tpu.memref_slice %arg6[%run_scoped3A, %dma_wait3A_455, %dma_wait3A_456] : memref<4x96x128xf32, #tpu.memory_space<vmem>> -> memref<1x96x128xf32, #tpu.memory_space<vmem>>
      %dma_wait3A_458 = tpu.memref_squeeze %dma_wait3A_457 : memref<1x96x128xf32, #tpu.memory_space<vmem>> -> memref<96x128xf32, #tpu.memory_space<vmem>>
      tpu.wait_dma2 semaphore(%run_scoped3A_434 : memref<!tpu.dma_semaphore, #tpu.memory_space<semaphore_mem>>) src(%dma_wait3A_458 : memref<96x128xf32, #tpu.memory_space<vmem>>) dst(%dma_wait3A_454 : memref<96x128xf32, #tpu.memory_space<hbm>>)
      tpu.yield
    }) : () -> ()
    %dma_start3A_65 = arith.constant 4 : i32
    %dma_start3A_66 = arith.constant 0 : i32
    %dma_start3A_67 = arith.constant 0 : i32
    %dma_start3A_68 = arith.constant 0 : i32
    %dma_start3A_69 = tpu.memref_slice %arg6[%dma_start3A_66, %dma_start3A_67, %dma_start3A_68] : memref<4x96x128xf32, #tpu.memory_space<vmem>> -> memref<1x96x128xf32, #tpu.memory_space<vmem>>
    %dma_start3A_70 = tpu.memref_squeeze %dma_start3A_69 : memref<1x96x128xf32, #tpu.memory_space<vmem>> -> memref<96x128xf32, #tpu.memory_space<vmem>>
    %dma_start3A_71 = arith.constant 0 : i32
    %dma_start3A_72 = tpu.memref_slice %arg5[%dma_start3A_65, %dma_start3A_71] : memref<16x96xi32, #tpu.memory_space<vmem>> -> memref<1x96xi32, #tpu.memory_space<vmem>>
    %dma_start3A_73 = tpu.memref_squeeze %dma_start3A_72 : memref<1x96xi32, #tpu.memory_space<vmem>> -> memref<96xi32, #tpu.memory_space<vmem>>
    %dma_start3A_74 = arith.constant 0 : i32
    %dma_start3A_75 = arith.constant 0 : i32
    %dma_start3A_76 = tpu.memref_slice %arg2[%dma_start3A_74, %dma_start3A_75] : memref<50000x128xf32, #tpu.memory_space<hbm>> -> memref<50000x128xf32, #tpu.memory_space<hbm>>
    tpu.enqueue_indirect_dma source(%dma_start3A_76 : memref<50000x128xf32, #tpu.memory_space<hbm>>) target(%dma_start3A_70 : memref<96x128xf32, #tpu.memory_space<vmem>>) offsets(%dma_start3A_73 : memref<96xi32, #tpu.memory_space<vmem>>) semaphore(%arg7 : memref<!tpu.dma_semaphore, #tpu.memory_space<semaphore_mem>>)
    %dma_wait3A_77 = arith.constant 1 : i32
    %dma_wait3A_78 = arith.constant 1 : i32
    %dma_wait3A_79 = arith.constant 0 : i32
    %dma_wait3A_80 = arith.constant 0 : i32
    %dma_wait3A_81 = tpu.memref_slice %arg6[%dma_wait3A_78, %dma_wait3A_79, %dma_wait3A_80] : memref<4x96x128xf32, #tpu.memory_space<vmem>> -> memref<1x96x128xf32, #tpu.memory_space<vmem>>
    %dma_wait3A_82 = tpu.memref_squeeze %dma_wait3A_81 : memref<1x96x128xf32, #tpu.memory_space<vmem>> -> memref<96x128xf32, #tpu.memory_space<vmem>>
    %dma_wait3A_83 = arith.constant 0 : i32
    %dma_wait3A_84 = tpu.memref_slice %arg5[%dma_wait3A_77, %dma_wait3A_83] : memref<16x96xi32, #tpu.memory_space<vmem>> -> memref<1x96xi32, #tpu.memory_space<vmem>>
    %dma_wait3A_85 = tpu.memref_squeeze %dma_wait3A_84 : memref<1x96xi32, #tpu.memory_space<vmem>> -> memref<96xi32, #tpu.memory_space<vmem>>
    %dma_wait3A_86 = arith.constant 0 : i32
    %dma_wait3A_87 = arith.constant 0 : i32
    %dma_wait3A_88 = tpu.memref_slice %arg2[%dma_wait3A_86, %dma_wait3A_87] : memref<50000x128xf32, #tpu.memory_space<hbm>> -> memref<50000x128xf32, #tpu.memory_space<hbm>>
    tpu.wait_indirect_dma semaphore(%arg8 : memref<!tpu.dma_semaphore, #tpu.memory_space<semaphore_mem>>) src(%dma_wait3A_88 : memref<50000x128xf32, #tpu.memory_space<hbm>>) dst(%dma_wait3A_82 : memref<96x128xf32, #tpu.memory_space<vmem>>)
    %add3A_89 = arith.constant 96 : i32
    %add3A_90 = arith.addi %mul3A_2, %add3A_89 : i32
    %run_scoped3A_91 = arith.constant 1 : i32
    "tpu.region"() ({
      %run_scoped3A_434 = tpu.sem_alloc : memref<!tpu.dma_semaphore, #tpu.memory_space<semaphore_mem>>
      %dma_start3A_435 = arith.constant 0 : i32
      %dma_start3A_436 = arith.constant 0 : i32
      %dma_start3A_437 = tpu.memref_slice %arg6[%run_scoped3A_91, %dma_start3A_435, %dma_start3A_436] : memref<4x96x128xf32, #tpu.memory_space<vmem>> -> memref<1x96x128xf32, #tpu.memory_space<vmem>>
      %dma_start3A_438 = tpu.memref_squeeze %dma_start3A_437 : memref<1x96x128xf32, #tpu.memory_space<vmem>> -> memref<96x128xf32, #tpu.memory_space<vmem>>
      %dma_start3A_439 = arith.constant 0 : i32
      %dma_start3A_440 = tpu.memref_slice %arg4[%add3A_90, %dma_start3A_439] : memref<49152x128xf32, #tpu.memory_space<hbm>> -> memref<96x128xf32, #tpu.memory_space<hbm>>
      %dma_start3A_441 = arith.constant 0 : i32
      %dma_start3A_442 = tpu.memref_slice %arg4[%add3A_90, %dma_start3A_441] : memref<49152x128xf32, #tpu.memory_space<hbm>> -> memref<96x128xf32, #tpu.memory_space<hbm>>
      %dma_start3A_443 = arith.constant 0 : i32
      %dma_start3A_444 = arith.constant 0 : i32
      %dma_start3A_445 = tpu.memref_slice %arg6[%run_scoped3A_91, %dma_start3A_443, %dma_start3A_444] : memref<4x96x128xf32, #tpu.memory_space<vmem>> -> memref<1x96x128xf32, #tpu.memory_space<vmem>>
      %dma_start3A_446 = tpu.memref_squeeze %dma_start3A_445 : memref<1x96x128xf32, #tpu.memory_space<vmem>> -> memref<96x128xf32, #tpu.memory_space<vmem>>
      tpu.enqueue_dma source(%dma_start3A_446 : memref<96x128xf32, #tpu.memory_space<vmem>>) target(%dma_start3A_442 : memref<96x128xf32, #tpu.memory_space<hbm>>) target_semaphore(%run_scoped3A_434 : memref<!tpu.dma_semaphore, #tpu.memory_space<semaphore_mem>>)
      %dma_wait3A_447 = arith.constant 0 : i32
      %dma_wait3A_448 = arith.constant 0 : i32
      %dma_wait3A_449 = tpu.memref_slice %arg6[%run_scoped3A_91, %dma_wait3A_447, %dma_wait3A_448] : memref<4x96x128xf32, #tpu.memory_space<vmem>> -> memref<1x96x128xf32, #tpu.memory_space<vmem>>
      %dma_wait3A_450 = tpu.memref_squeeze %dma_wait3A_449 : memref<1x96x128xf32, #tpu.memory_space<vmem>> -> memref<96x128xf32, #tpu.memory_space<vmem>>
      %dma_wait3A_451 = arith.constant 0 : i32
      %dma_wait3A_452 = tpu.memref_slice %arg4[%add3A_90, %dma_wait3A_451] : memref<49152x128xf32, #tpu.memory_space<hbm>> -> memref<96x128xf32, #tpu.memory_space<hbm>>
      %dma_wait3A_453 = arith.constant 0 : i32
      %dma_wait3A_454 = tpu.memref_slice %arg4[%add3A_90, %dma_wait3A_453] : memref<49152x128xf32, #tpu.memory_space<hbm>> -> memref<96x128xf32, #tpu.memory_space<hbm>>
      %dma_wait3A_455 = arith.constant 0 : i32
      %dma_wait3A_456 = arith.constant 0 : i32
      %dma_wait3A_457 = tpu.memref_slice %arg6[%run_scoped3A_91, %dma_wait3A_455, %dma_wait3A_456] : memref<4x96x128xf32, #tpu.memory_space<vmem>> -> memref<1x96x128xf32, #tpu.memory_space<vmem>>
      %dma_wait3A_458 = tpu.memref_squeeze %dma_wait3A_457 : memref<1x96x128xf32, #tpu.memory_space<vmem>> -> memref<96x128xf32, #tpu.memory_space<vmem>>
      tpu.wait_dma2 semaphore(%run_scoped3A_434 : memref<!tpu.dma_semaphore, #tpu.memory_space<semaphore_mem>>) src(%dma_wait3A_458 : memref<96x128xf32, #tpu.memory_space<vmem>>) dst(%dma_wait3A_454 : memref<96x128xf32, #tpu.memory_space<hbm>>)
      tpu.yield
    }) : () -> ()
    %dma_start3A_92 = arith.constant 5 : i32
    %dma_start3A_93 = arith.constant 1 : i32
    %dma_start3A_94 = arith.constant 0 : i32
    %dma_start3A_95 = arith.constant 0 : i32
    %dma_start3A_96 = tpu.memref_slice %arg6[%dma_start3A_93, %dma_start3A_94, %dma_start3A_95] : memref<4x96x128xf32, #tpu.memory_space<vmem>> -> memref<1x96x128xf32, #tpu.memory_space<vmem>>
    %dma_start3A_97 = tpu.memref_squeeze %dma_start3A_96 : memref<1x96x128xf32, #tpu.memory_space<vmem>> -> memref<96x128xf32, #tpu.memory_space<vmem>>
    %dma_start3A_98 = arith.constant 0 : i32
    %dma_start3A_99 = tpu.memref_slice %arg5[%dma_start3A_92, %dma_start3A_98] : memref<16x96xi32, #tpu.memory_space<vmem>> -> memref<1x96xi32, #tpu.memory_space<vmem>>
    %dma_start3A_100 = tpu.memref_squeeze %dma_start3A_99 : memref<1x96xi32, #tpu.memory_space<vmem>> -> memref<96xi32, #tpu.memory_space<vmem>>
    %dma_start3A_101 = arith.constant 0 : i32
    %dma_start3A_102 = arith.constant 0 : i32
    %dma_start3A_103 = tpu.memref_slice %arg2[%dma_start3A_101, %dma_start3A_102] : memref<50000x128xf32, #tpu.memory_space<hbm>> -> memref<50000x128xf32, #tpu.memory_space<hbm>>
    tpu.enqueue_indirect_dma source(%dma_start3A_103 : memref<50000x128xf32, #tpu.memory_space<hbm>>) target(%dma_start3A_97 : memref<96x128xf32, #tpu.memory_space<vmem>>) offsets(%dma_start3A_100 : memref<96xi32, #tpu.memory_space<vmem>>) semaphore(%arg8 : memref<!tpu.dma_semaphore, #tpu.memory_space<semaphore_mem>>)
    %dma_wait3A_104 = arith.constant 2 : i32
    %dma_wait3A_105 = arith.constant 2 : i32
    %dma_wait3A_106 = arith.constant 0 : i32
    %dma_wait3A_107 = arith.constant 0 : i32
    %dma_wait3A_108 = tpu.memref_slice %arg6[%dma_wait3A_105, %dma_wait3A_106, %dma_wait3A_107] : memref<4x96x128xf32, #tpu.memory_space<vmem>> -> memref<1x96x128xf32, #tpu.memory_space<vmem>>
    %dma_wait3A_109 = tpu.memref_squeeze %dma_wait3A_108 : memref<1x96x128xf32, #tpu.memory_space<vmem>> -> memref<96x128xf32, #tpu.memory_space<vmem>>
    %dma_wait3A_110 = arith.constant 0 : i32
    %dma_wait3A_111 = tpu.memref_slice %arg5[%dma_wait3A_104, %dma_wait3A_110] : memref<16x96xi32, #tpu.memory_space<vmem>> -> memref<1x96xi32, #tpu.memory_space<vmem>>
    %dma_wait3A_112 = tpu.memref_squeeze %dma_wait3A_111 : memref<1x96xi32, #tpu.memory_space<vmem>> -> memref<96xi32, #tpu.memory_space<vmem>>
    %dma_wait3A_113 = arith.constant 0 : i32
    %dma_wait3A_114 = arith.constant 0 : i32
    %dma_wait3A_115 = tpu.memref_slice %arg2[%dma_wait3A_113, %dma_wait3A_114] : memref<50000x128xf32, #tpu.memory_space<hbm>> -> memref<50000x128xf32, #tpu.memory_space<hbm>>
    tpu.wait_indirect_dma semaphore(%arg9 : memref<!tpu.dma_semaphore, #tpu.memory_space<semaphore_mem>>) src(%dma_wait3A_115 : memref<50000x128xf32, #tpu.memory_space<hbm>>) dst(%dma_wait3A_109 : memref<96x128xf32, #tpu.memory_space<vmem>>)
    %add3A_116 = arith.constant 192 : i32
    %add3A_117 = arith.addi %mul3A_2, %add3A_116 : i32
    %run_scoped3A_118 = arith.constant 2 : i32
    "tpu.region"() ({
      %run_scoped3A_434 = tpu.sem_alloc : memref<!tpu.dma_semaphore, #tpu.memory_space<semaphore_mem>>
      %dma_start3A_435 = arith.constant 0 : i32
      %dma_start3A_436 = arith.constant 0 : i32
      %dma_start3A_437 = tpu.memref_slice %arg6[%run_scoped3A_118, %dma_start3A_435, %dma_start3A_436] : memref<4x96x128xf32, #tpu.memory_space<vmem>> -> memref<1x96x128xf32, #tpu.memory_space<vmem>>
      %dma_start3A_438 = tpu.memref_squeeze %dma_start3A_437 : memref<1x96x128xf32, #tpu.memory_space<vmem>> -> memref<96x128xf32, #tpu.memory_space<vmem>>
      %dma_start3A_439 = arith.constant 0 : i32
      %dma_start3A_440 = tpu.memref_slice %arg4[%add3A_117, %dma_start3A_439] : memref<49152x128xf32, #tpu.memory_space<hbm>> -> memref<96x128xf32, #tpu.memory_space<hbm>>
      %dma_start3A_441 = arith.constant 0 : i32
      %dma_start3A_442 = tpu.memref_slice %arg4[%add3A_117, %dma_start3A_441] : memref<49152x128xf32, #tpu.memory_space<hbm>> -> memref<96x128xf32, #tpu.memory_space<hbm>>
      %dma_start3A_443 = arith.constant 0 : i32
      %dma_start3A_444 = arith.constant 0 : i32
      %dma_start3A_445 = tpu.memref_slice %arg6[%run_scoped3A_118, %dma_start3A_443, %dma_start3A_444] : memref<4x96x128xf32, #tpu.memory_space<vmem>> -> memref<1x96x128xf32, #tpu.memory_space<vmem>>
      %dma_start3A_446 = tpu.memref_squeeze %dma_start3A_445 : memref<1x96x128xf32, #tpu.memory_space<vmem>> -> memref<96x128xf32, #tpu.memory_space<vmem>>
      tpu.enqueue_dma source(%dma_start3A_446 : memref<96x128xf32, #tpu.memory_space<vmem>>) target(%dma_start3A_442 : memref<96x128xf32, #tpu.memory_space<hbm>>) target_semaphore(%run_scoped3A_434 : memref<!tpu.dma_semaphore, #tpu.memory_space<semaphore_mem>>)
      %dma_wait3A_447 = arith.constant 0 : i32
      %dma_wait3A_448 = arith.constant 0 : i32
      %dma_wait3A_449 = tpu.memref_slice %arg6[%run_scoped3A_118, %dma_wait3A_447, %dma_wait3A_448] : memref<4x96x128xf32, #tpu.memory_space<vmem>> -> memref<1x96x128xf32, #tpu.memory_space<vmem>>
      %dma_wait3A_450 = tpu.memref_squeeze %dma_wait3A_449 : memref<1x96x128xf32, #tpu.memory_space<vmem>> -> memref<96x128xf32, #tpu.memory_space<vmem>>
      %dma_wait3A_451 = arith.constant 0 : i32
      %dma_wait3A_452 = tpu.memref_slice %arg4[%add3A_117, %dma_wait3A_451] : memref<49152x128xf32, #tpu.memory_space<hbm>> -> memref<96x128xf32, #tpu.memory_space<hbm>>
      %dma_wait3A_453 = arith.constant 0 : i32
      %dma_wait3A_454 = tpu.memref_slice %arg4[%add3A_117, %dma_wait3A_453] : memref<49152x128xf32, #tpu.memory_space<hbm>> -> memref<96x128xf32, #tpu.memory_space<hbm>>
      %dma_wait3A_455 = arith.constant 0 : i32
      %dma_wait3A_456 = arith.constant 0 : i32
      %dma_wait3A_457 = tpu.memref_slice %arg6[%run_scoped3A_118, %dma_wait3A_455, %dma_wait3A_456] : memref<4x96x128xf32, #tpu.memory_space<vmem>> -> memref<1x96x128xf32, #tpu.memory_space<vmem>>
      %dma_wait3A_458 = tpu.memref_squeeze %dma_wait3A_457 : memref<1x96x128xf32, #tpu.memory_space<vmem>> -> memref<96x128xf32, #tpu.memory_space<vmem>>
      tpu.wait_dma2 semaphore(%run_scoped3A_434 : memref<!tpu.dma_semaphore, #tpu.memory_space<semaphore_mem>>) src(%dma_wait3A_458 : memref<96x128xf32, #tpu.memory_space<vmem>>) dst(%dma_wait3A_454 : memref<96x128xf32, #tpu.memory_space<hbm>>)
      tpu.yield
    }) : () -> ()
    %dma_start3A_119 = arith.constant 6 : i32
    %dma_start3A_120 = arith.constant 2 : i32
    %dma_start3A_121 = arith.constant 0 : i32
    %dma_start3A_122 = arith.constant 0 : i32
    %dma_start3A_123 = tpu.memref_slice %arg6[%dma_start3A_120, %dma_start3A_121, %dma_start3A_122] : memref<4x96x128xf32, #tpu.memory_space<vmem>> -> memref<1x96x128xf32, #tpu.memory_space<vmem>>
    %dma_start3A_124 = tpu.memref_squeeze %dma_start3A_123 : memref<1x96x128xf32, #tpu.memory_space<vmem>> -> memref<96x128xf32, #tpu.memory_space<vmem>>
    %dma_start3A_125 = arith.constant 0 : i32
    %dma_start3A_126 = tpu.memref_slice %arg5[%dma_start3A_119, %dma_start3A_125] : memref<16x96xi32, #tpu.memory_space<vmem>> -> memref<1x96xi32, #tpu.memory_space<vmem>>
    %dma_start3A_127 = tpu.memref_squeeze %dma_start3A_126 : memref<1x96xi32, #tpu.memory_space<vmem>> -> memref<96xi32, #tpu.memory_space<vmem>>
    %dma_start3A_128 = arith.constant 0 : i32
    %dma_start3A_129 = arith.constant 0 : i32
    %dma_start3A_130 = tpu.memref_slice %arg2[%dma_start3A_128, %dma_start3A_129] : memref<50000x128xf32, #tpu.memory_space<hbm>> -> memref<50000x128xf32, #tpu.memory_space<hbm>>
    tpu.enqueue_indirect_dma source(%dma_start3A_130 : memref<50000x128xf32, #tpu.memory_space<hbm>>) target(%dma_start3A_124 : memref<96x128xf32, #tpu.memory_space<vmem>>) offsets(%dma_start3A_127 : memref<96xi32, #tpu.memory_space<vmem>>) semaphore(%arg9 : memref<!tpu.dma_semaphore, #tpu.memory_space<semaphore_mem>>)
    %dma_wait3A_131 = arith.constant 3 : i32
    %dma_wait3A_132 = arith.constant 3 : i32
    %dma_wait3A_133 = arith.constant 0 : i32
    %dma_wait3A_134 = arith.constant 0 : i32
    %dma_wait3A_135 = tpu.memref_slice %arg6[%dma_wait3A_132, %dma_wait3A_133, %dma_wait3A_134] : memref<4x96x128xf32, #tpu.memory_space<vmem>> -> memref<1x96x128xf32, #tpu.memory_space<vmem>>
    %dma_wait3A_136 = tpu.memref_squeeze %dma_wait3A_135 : memref<1x96x128xf32, #tpu.memory_space<vmem>> -> memref<96x128xf32, #tpu.memory_space<vmem>>
    %dma_wait3A_137 = arith.constant 0 : i32
    %dma_wait3A_138 = tpu.memref_slice %arg5[%dma_wait3A_131, %dma_wait3A_137] : memref<16x96xi32, #tpu.memory_space<vmem>> -> memref<1x96xi32, #tpu.memory_space<vmem>>
    %dma_wait3A_139 = tpu.memref_squeeze %dma_wait3A_138 : memref<1x96xi32, #tpu.memory_space<vmem>> -> memref<96xi32, #tpu.memory_space<vmem>>
    %dma_wait3A_140 = arith.constant 0 : i32
    %dma_wait3A_141 = arith.constant 0 : i32
    %dma_wait3A_142 = tpu.memref_slice %arg2[%dma_wait3A_140, %dma_wait3A_141] : memref<50000x128xf32, #tpu.memory_space<hbm>> -> memref<50000x128xf32, #tpu.memory_space<hbm>>
    tpu.wait_indirect_dma semaphore(%arg10 : memref<!tpu.dma_semaphore, #tpu.memory_space<semaphore_mem>>) src(%dma_wait3A_142 : memref<50000x128xf32, #tpu.memory_space<hbm>>) dst(%dma_wait3A_136 : memref<96x128xf32, #tpu.memory_space<vmem>>)
    %add3A_143 = arith.constant 288 : i32
    %add3A_144 = arith.addi %mul3A_2, %add3A_143 : i32
    %run_scoped3A_145 = arith.constant 3 : i32
    "tpu.region"() ({
      %run_scoped3A_434 = tpu.sem_alloc : memref<!tpu.dma_semaphore, #tpu.memory_space<semaphore_mem>>
      %dma_start3A_435 = arith.constant 0 : i32
      %dma_start3A_436 = arith.constant 0 : i32
      %dma_start3A_437 = tpu.memref_slice %arg6[%run_scoped3A_145, %dma_start3A_435, %dma_start3A_436] : memref<4x96x128xf32, #tpu.memory_space<vmem>> -> memref<1x96x128xf32, #tpu.memory_space<vmem>>
      %dma_start3A_438 = tpu.memref_squeeze %dma_start3A_437 : memref<1x96x128xf32, #tpu.memory_space<vmem>> -> memref<96x128xf32, #tpu.memory_space<vmem>>
      %dma_start3A_439 = arith.constant 0 : i32
      %dma_start3A_440 = tpu.memref_slice %arg4[%add3A_144, %dma_start3A_439] : memref<49152x128xf32, #tpu.memory_space<hbm>> -> memref<96x128xf32, #tpu.memory_space<hbm>>
      %dma_start3A_441 = arith.constant 0 : i32
      %dma_start3A_442 = tpu.memref_slice %arg4[%add3A_144, %dma_start3A_441] : memref<49152x128xf32, #tpu.memory_space<hbm>> -> memref<96x128xf32, #tpu.memory_space<hbm>>
      %dma_start3A_443 = arith.constant 0 : i32
      %dma_start3A_444 = arith.constant 0 : i32
      %dma_start3A_445 = tpu.memref_slice %arg6[%run_scoped3A_145, %dma_start3A_443, %dma_start3A_444] : memref<4x96x128xf32, #tpu.memory_space<vmem>> -> memref<1x96x128xf32, #tpu.memory_space<vmem>>
      %dma_start3A_446 = tpu.memref_squeeze %dma_start3A_445 : memref<1x96x128xf32, #tpu.memory_space<vmem>> -> memref<96x128xf32, #tpu.memory_space<vmem>>
      tpu.enqueue_dma source(%dma_start3A_446 : memref<96x128xf32, #tpu.memory_space<vmem>>) target(%dma_start3A_442 : memref<96x128xf32, #tpu.memory_space<hbm>>) target_semaphore(%run_scoped3A_434 : memref<!tpu.dma_semaphore, #tpu.memory_space<semaphore_mem>>)
      %dma_wait3A_447 = arith.constant 0 : i32
      %dma_wait3A_448 = arith.constant 0 : i32
      %dma_wait3A_449 = tpu.memref_slice %arg6[%run_scoped3A_145, %dma_wait3A_447, %dma_wait3A_448] : memref<4x96x128xf32, #tpu.memory_space<vmem>> -> memref<1x96x128xf32, #tpu.memory_space<vmem>>
      %dma_wait3A_450 = tpu.memref_squeeze %dma_wait3A_449 : memref<1x96x128xf32, #tpu.memory_space<vmem>> -> memref<96x128xf32, #tpu.memory_space<vmem>>
      %dma_wait3A_451 = arith.constant 0 : i32
      %dma_wait3A_452 = tpu.memref_slice %arg4[%add3A_144, %dma_wait3A_451] : memref<49152x128xf32, #tpu.memory_space<hbm>> -> memref<96x128xf32, #tpu.memory_space<hbm>>
      %dma_wait3A_453 = arith.constant 0 : i32
      %dma_wait3A_454 = tpu.memref_slice %arg4[%add3A_144, %dma_wait3A_453] : memref<49152x128xf32, #tpu.memory_space<hbm>> -> memref<96x128xf32, #tpu.memory_space<hbm>>
      %dma_wait3A_455 = arith.constant 0 : i32
      %dma_wait3A_456 = arith.constant 0 : i32
      %dma_wait3A_457 = tpu.memref_slice %arg6[%run_scoped3A_145, %dma_wait3A_455, %dma_wait3A_456] : memref<4x96x128xf32, #tpu.memory_space<vmem>> -> memref<1x96x128xf32, #tpu.memory_space<vmem>>
      %dma_wait3A_458 = tpu.memref_squeeze %dma_wait3A_457 : memref<1x96x128xf32, #tpu.memory_space<vmem>> -> memref<96x128xf32, #tpu.memory_space<vmem>>
      tpu.wait_dma2 semaphore(%run_scoped3A_434 : memref<!tpu.dma_semaphore, #tpu.memory_space<semaphore_mem>>) src(%dma_wait3A_458 : memref<96x128xf32, #tpu.memory_space<vmem>>) dst(%dma_wait3A_454 : memref<96x128xf32, #tpu.memory_space<hbm>>)
      tpu.yield
    }) : () -> ()
    %dma_start3A_146 = arith.constant 7 : i32
    %dma_start3A_147 = arith.constant 3 : i32
    %dma_start3A_148 = arith.constant 0 : i32
    %dma_start3A_149 = arith.constant 0 : i32
    %dma_start3A_150 = tpu.memref_slice %arg6[%dma_start3A_147, %dma_start3A_148, %dma_start3A_149] : memref<4x96x128xf32, #tpu.memory_space<vmem>> -> memref<1x96x128xf32, #tpu.memory_space<vmem>>
    %dma_start3A_151 = tpu.memref_squeeze %dma_start3A_150 : memref<1x96x128xf32, #tpu.memory_space<vmem>> -> memref<96x128xf32, #tpu.memory_space<vmem>>
    %dma_start3A_152 = arith.constant 0 : i32
    %dma_start3A_153 = tpu.memref_slice %arg5[%dma_start3A_146, %dma_start3A_152] : memref<16x96xi32, #tpu.memory_space<vmem>> -> memref<1x96xi32, #tpu.memory_space<vmem>>
    %dma_start3A_154 = tpu.memref_squeeze %dma_start3A_153 : memref<1x96xi32, #tpu.memory_space<vmem>> -> memref<96xi32, #tpu.memory_space<vmem>>
    %dma_start3A_155 = arith.constant 0 : i32
    %dma_start3A_156 = arith.constant 0 : i32
    %dma_start3A_157 = tpu.memref_slice %arg2[%dma_start3A_155, %dma_start3A_156] : memref<50000x128xf32, #tpu.memory_space<hbm>> -> memref<50000x128xf32, #tpu.memory_space<hbm>>
    tpu.enqueue_indirect_dma source(%dma_start3A_157 : memref<50000x128xf32, #tpu.memory_space<hbm>>) target(%dma_start3A_151 : memref<96x128xf32, #tpu.memory_space<vmem>>) offsets(%dma_start3A_154 : memref<96xi32, #tpu.memory_space<vmem>>) semaphore(%arg10 : memref<!tpu.dma_semaphore, #tpu.memory_space<semaphore_mem>>)
    %dma_wait3A_158 = arith.constant 4 : i32
    %dma_wait3A_159 = arith.constant 0 : i32
    %dma_wait3A_160 = arith.constant 0 : i32
    %dma_wait3A_161 = arith.constant 0 : i32
    %dma_wait3A_162 = tpu.memref_slice %arg6[%dma_wait3A_159, %dma_wait3A_160, %dma_wait3A_161] : memref<4x96x128xf32, #tpu.memory_space<vmem>> -> memref<1x96x128xf32, #tpu.memory_space<vmem>>
    %dma_wait3A_163 = tpu.memref_squeeze %dma_wait3A_162 : memref<1x96x128xf32, #tpu.memory_space<vmem>> -> memref<96x128xf32, #tpu.memory_space<vmem>>
    %dma_wait3A_164 = arith.constant 0 : i32
    %dma_wait3A_165 = tpu.memref_slice %arg5[%dma_wait3A_158, %dma_wait3A_164] : memref<16x96xi32, #tpu.memory_space<vmem>> -> memref<1x96xi32, #tpu.memory_space<vmem>>
    %dma_wait3A_166 = tpu.memref_squeeze %dma_wait3A_165 : memref<1x96xi32, #tpu.memory_space<vmem>> -> memref<96xi32, #tpu.memory_space<vmem>>
    %dma_wait3A_167 = arith.constant 0 : i32
    %dma_wait3A_168 = arith.constant 0 : i32
    %dma_wait3A_169 = tpu.memref_slice %arg2[%dma_wait3A_167, %dma_wait3A_168] : memref<50000x128xf32, #tpu.memory_space<hbm>> -> memref<50000x128xf32, #tpu.memory_space<hbm>>
    tpu.wait_indirect_dma semaphore(%arg7 : memref<!tpu.dma_semaphore, #tpu.memory_space<semaphore_mem>>) src(%dma_wait3A_169 : memref<50000x128xf32, #tpu.memory_space<hbm>>) dst(%dma_wait3A_163 : memref<96x128xf32, #tpu.memory_space<vmem>>)
    %add3A_170 = arith.constant 384 : i32
    %add3A_171 = arith.addi %mul3A_2, %add3A_170 : i32
    %run_scoped3A_172 = arith.constant 0 : i32
    "tpu.region"() ({
      %run_scoped3A_434 = tpu.sem_alloc : memref<!tpu.dma_semaphore, #tpu.memory_space<semaphore_mem>>
      %dma_start3A_435 = arith.constant 0 : i32
      %dma_start3A_436 = arith.constant 0 : i32
      %dma_start3A_437 = tpu.memref_slice %arg6[%run_scoped3A_172, %dma_start3A_435, %dma_start3A_436] : memref<4x96x128xf32, #tpu.memory_space<vmem>> -> memref<1x96x128xf32, #tpu.memory_space<vmem>>
      %dma_start3A_438 = tpu.memref_squeeze %dma_start3A_437 : memref<1x96x128xf32, #tpu.memory_space<vmem>> -> memref<96x128xf32, #tpu.memory_space<vmem>>
      %dma_start3A_439 = arith.constant 0 : i32
      %dma_start3A_440 = tpu.memref_slice %arg4[%add3A_171, %dma_start3A_439] : memref<49152x128xf32, #tpu.memory_space<hbm>> -> memref<96x128xf32, #tpu.memory_space<hbm>>
      %dma_start3A_441 = arith.constant 0 : i32
      %dma_start3A_442 = tpu.memref_slice %arg4[%add3A_171, %dma_start3A_441] : memref<49152x128xf32, #tpu.memory_space<hbm>> -> memref<96x128xf32, #tpu.memory_space<hbm>>
      %dma_start3A_443 = arith.constant 0 : i32
      %dma_start3A_444 = arith.constant 0 : i32
      %dma_start3A_445 = tpu.memref_slice %arg6[%run_scoped3A_172, %dma_start3A_443, %dma_start3A_444] : memref<4x96x128xf32, #tpu.memory_space<vmem>> -> memref<1x96x128xf32, #tpu.memory_space<vmem>>
      %dma_start3A_446 = tpu.memref_squeeze %dma_start3A_445 : memref<1x96x128xf32, #tpu.memory_space<vmem>> -> memref<96x128xf32, #tpu.memory_space<vmem>>
      tpu.enqueue_dma source(%dma_start3A_446 : memref<96x128xf32, #tpu.memory_space<vmem>>) target(%dma_start3A_442 : memref<96x128xf32, #tpu.memory_space<hbm>>) target_semaphore(%run_scoped3A_434 : memref<!tpu.dma_semaphore, #tpu.memory_space<semaphore_mem>>)
      %dma_wait3A_447 = arith.constant 0 : i32
      %dma_wait3A_448 = arith.constant 0 : i32
      %dma_wait3A_449 = tpu.memref_slice %arg6[%run_scoped3A_172, %dma_wait3A_447, %dma_wait3A_448] : memref<4x96x128xf32, #tpu.memory_space<vmem>> -> memref<1x96x128xf32, #tpu.memory_space<vmem>>
      %dma_wait3A_450 = tpu.memref_squeeze %dma_wait3A_449 : memref<1x96x128xf32, #tpu.memory_space<vmem>> -> memref<96x128xf32, #tpu.memory_space<vmem>>
      %dma_wait3A_451 = arith.constant 0 : i32
      %dma_wait3A_452 = tpu.memref_slice %arg4[%add3A_171, %dma_wait3A_451] : memref<49152x128xf32, #tpu.memory_space<hbm>> -> memref<96x128xf32, #tpu.memory_space<hbm>>
      %dma_wait3A_453 = arith.constant 0 : i32
      %dma_wait3A_454 = tpu.memref_slice %arg4[%add3A_171, %dma_wait3A_453] : memref<49152x128xf32, #tpu.memory_space<hbm>> -> memref<96x128xf32, #tpu.memory_space<hbm>>
      %dma_wait3A_455 = arith.constant 0 : i32
      %dma_wait3A_456 = arith.constant 0 : i32
      %dma_wait3A_457 = tpu.memref_slice %arg6[%run_scoped3A_172, %dma_wait3A_455, %dma_wait3A_456] : memref<4x96x128xf32, #tpu.memory_space<vmem>> -> memref<1x96x128xf32, #tpu.memory_space<vmem>>
      %dma_wait3A_458 = tpu.memref_squeeze %dma_wait3A_457 : memref<1x96x128xf32, #tpu.memory_space<vmem>> -> memref<96x128xf32, #tpu.memory_space<vmem>>
      tpu.wait_dma2 semaphore(%run_scoped3A_434 : memref<!tpu.dma_semaphore, #tpu.memory_space<semaphore_mem>>) src(%dma_wait3A_458 : memref<96x128xf32, #tpu.memory_space<vmem>>) dst(%dma_wait3A_454 : memref<96x128xf32, #tpu.memory_space<hbm>>)
      tpu.yield
    }) : () -> ()
    %dma_start3A_173 = arith.constant 8 : i32
    %dma_start3A_174 = arith.constant 0 : i32
    %dma_start3A_175 = arith.constant 0 : i32
    %dma_start3A_176 = arith.constant 0 : i32
    %dma_start3A_177 = tpu.memref_slice %arg6[%dma_start3A_174, %dma_start3A_175, %dma_start3A_176] : memref<4x96x128xf32, #tpu.memory_space<vmem>> -> memref<1x96x128xf32, #tpu.memory_space<vmem>>
    %dma_start3A_178 = tpu.memref_squeeze %dma_start3A_177 : memref<1x96x128xf32, #tpu.memory_space<vmem>> -> memref<96x128xf32, #tpu.memory_space<vmem>>
    %dma_start3A_179 = arith.constant 0 : i32
    %dma_start3A_180 = tpu.memref_slice %arg5[%dma_start3A_173, %dma_start3A_179] : memref<16x96xi32, #tpu.memory_space<vmem>> -> memref<1x96xi32, #tpu.memory_space<vmem>>
    %dma_start3A_181 = tpu.memref_squeeze %dma_start3A_180 : memref<1x96xi32, #tpu.memory_space<vmem>> -> memref<96xi32, #tpu.memory_space<vmem>>
    %dma_start3A_182 = arith.constant 0 : i32
    %dma_start3A_183 = arith.constant 0 : i32
    %dma_start3A_184 = tpu.memref_slice %arg2[%dma_start3A_182, %dma_start3A_183] : memref<50000x128xf32, #tpu.memory_space<hbm>> -> memref<50000x128xf32, #tpu.memory_space<hbm>>
    tpu.enqueue_indirect_dma source(%dma_start3A_184 : memref<50000x128xf32, #tpu.memory_space<hbm>>) target(%dma_start3A_178 : memref<96x128xf32, #tpu.memory_space<vmem>>) offsets(%dma_start3A_181 : memref<96xi32, #tpu.memory_space<vmem>>) semaphore(%arg7 : memref<!tpu.dma_semaphore, #tpu.memory_space<semaphore_mem>>)
    %dma_wait3A_185 = arith.constant 5 : i32
    %dma_wait3A_186 = arith.constant 1 : i32
    %dma_wait3A_187 = arith.constant 0 : i32
    %dma_wait3A_188 = arith.constant 0 : i32
    %dma_wait3A_189 = tpu.memref_slice %arg6[%dma_wait3A_186, %dma_wait3A_187, %dma_wait3A_188] : memref<4x96x128xf32, #tpu.memory_space<vmem>> -> memref<1x96x128xf32, #tpu.memory_space<vmem>>
    %dma_wait3A_190 = tpu.memref_squeeze %dma_wait3A_189 : memref<1x96x128xf32, #tpu.memory_space<vmem>> -> memref<96x128xf32, #tpu.memory_space<vmem>>
    %dma_wait3A_191 = arith.constant 0 : i32
    %dma_wait3A_192 = tpu.memref_slice %arg5[%dma_wait3A_185, %dma_wait3A_191] : memref<16x96xi32, #tpu.memory_space<vmem>> -> memref<1x96xi32, #tpu.memory_space<vmem>>
    %dma_wait3A_193 = tpu.memref_squeeze %dma_wait3A_192 : memref<1x96xi32, #tpu.memory_space<vmem>> -> memref<96xi32, #tpu.memory_space<vmem>>
    %dma_wait3A_194 = arith.constant 0 : i32
    %dma_wait3A_195 = arith.constant 0 : i32
    %dma_wait3A_196 = tpu.memref_slice %arg2[%dma_wait3A_194, %dma_wait3A_195] : memref<50000x128xf32, #tpu.memory_space<hbm>> -> memref<50000x128xf32, #tpu.memory_space<hbm>>
    tpu.wait_indirect_dma semaphore(%arg8 : memref<!tpu.dma_semaphore, #tpu.memory_space<semaphore_mem>>) src(%dma_wait3A_196 : memref<50000x128xf32, #tpu.memory_space<hbm>>) dst(%dma_wait3A_190 : memref<96x128xf32, #tpu.memory_space<vmem>>)
    %add3A_197 = arith.constant 480 : i32
    %add3A_198 = arith.addi %mul3A_2, %add3A_197 : i32
    %run_scoped3A_199 = arith.constant 1 : i32
    "tpu.region"() ({
      %run_scoped3A_434 = tpu.sem_alloc : memref<!tpu.dma_semaphore, #tpu.memory_space<semaphore_mem>>
      %dma_start3A_435 = arith.constant 0 : i32
      %dma_start3A_436 = arith.constant 0 : i32
      %dma_start3A_437 = tpu.memref_slice %arg6[%run_scoped3A_199, %dma_start3A_435, %dma_start3A_436] : memref<4x96x128xf32, #tpu.memory_space<vmem>> -> memref<1x96x128xf32, #tpu.memory_space<vmem>>
      %dma_start3A_438 = tpu.memref_squeeze %dma_start3A_437 : memref<1x96x128xf32, #tpu.memory_space<vmem>> -> memref<96x128xf32, #tpu.memory_space<vmem>>
      %dma_start3A_439 = arith.constant 0 : i32
      %dma_start3A_440 = tpu.memref_slice %arg4[%add3A_198, %dma_start3A_439] : memref<49152x128xf32, #tpu.memory_space<hbm>> -> memref<96x128xf32, #tpu.memory_space<hbm>>
      %dma_start3A_441 = arith.constant 0 : i32
      %dma_start3A_442 = tpu.memref_slice %arg4[%add3A_198, %dma_start3A_441] : memref<49152x128xf32, #tpu.memory_space<hbm>> -> memref<96x128xf32, #tpu.memory_space<hbm>>
      %dma_start3A_443 = arith.constant 0 : i32
      %dma_start3A_444 = arith.constant 0 : i32
      %dma_start3A_445 = tpu.memref_slice %arg6[%run_scoped3A_199, %dma_start3A_443, %dma_start3A_444] : memref<4x96x128xf32, #tpu.memory_space<vmem>> -> memref<1x96x128xf32, #tpu.memory_space<vmem>>
      %dma_start3A_446 = tpu.memref_squeeze %dma_start3A_445 : memref<1x96x128xf32, #tpu.memory_space<vmem>> -> memref<96x128xf32, #tpu.memory_space<vmem>>
      tpu.enqueue_dma source(%dma_start3A_446 : memref<96x128xf32, #tpu.memory_space<vmem>>) target(%dma_start3A_442 : memref<96x128xf32, #tpu.memory_space<hbm>>) target_semaphore(%run_scoped3A_434 : memref<!tpu.dma_semaphore, #tpu.memory_space<semaphore_mem>>)
      %dma_wait3A_447 = arith.constant 0 : i32
      %dma_wait3A_448 = arith.constant 0 : i32
      %dma_wait3A_449 = tpu.memref_slice %arg6[%run_scoped3A_199, %dma_wait3A_447, %dma_wait3A_448] : memref<4x96x128xf32, #tpu.memory_space<vmem>> -> memref<1x96x128xf32, #tpu.memory_space<vmem>>
      %dma_wait3A_450 = tpu.memref_squeeze %dma_wait3A_449 : memref<1x96x128xf32, #tpu.memory_space<vmem>> -> memref<96x128xf32, #tpu.memory_space<vmem>>
      %dma_wait3A_451 = arith.constant 0 : i32
      %dma_wait3A_452 = tpu.memref_slice %arg4[%add3A_198, %dma_wait3A_451] : memref<49152x128xf32, #tpu.memory_space<hbm>> -> memref<96x128xf32, #tpu.memory_space<hbm>>
      %dma_wait3A_453 = arith.constant 0 : i32
      %dma_wait3A_454 = tpu.memref_slice %arg4[%add3A_198, %dma_wait3A_453] : memref<49152x128xf32, #tpu.memory_space<hbm>> -> memref<96x128xf32, #tpu.memory_space<hbm>>
      %dma_wait3A_455 = arith.constant 0 : i32
      %dma_wait3A_456 = arith.constant 0 : i32
      %dma_wait3A_457 = tpu.memref_slice %arg6[%run_scoped3A_199, %dma_wait3A_455, %dma_wait3A_456] : memref<4x96x128xf32, #tpu.memory_space<vmem>> -> memref<1x96x128xf32, #tpu.memory_space<vmem>>
      %dma_wait3A_458 = tpu.memref_squeeze %dma_wait3A_457 : memref<1x96x128xf32, #tpu.memory_space<vmem>> -> memref<96x128xf32, #tpu.memory_space<vmem>>
      tpu.wait_dma2 semaphore(%run_scoped3A_434 : memref<!tpu.dma_semaphore, #tpu.memory_space<semaphore_mem>>) src(%dma_wait3A_458 : memref<96x128xf32, #tpu.memory_space<vmem>>) dst(%dma_wait3A_454 : memref<96x128xf32, #tpu.memory_space<hbm>>)
      tpu.yield
    }) : () -> ()
    %dma_start3A_200 = arith.constant 9 : i32
    %dma_start3A_201 = arith.constant 1 : i32
    %dma_start3A_202 = arith.constant 0 : i32
    %dma_start3A_203 = arith.constant 0 : i32
    %dma_start3A_204 = tpu.memref_slice %arg6[%dma_start3A_201, %dma_start3A_202, %dma_start3A_203] : memref<4x96x128xf32, #tpu.memory_space<vmem>> -> memref<1x96x128xf32, #tpu.memory_space<vmem>>
    %dma_start3A_205 = tpu.memref_squeeze %dma_start3A_204 : memref<1x96x128xf32, #tpu.memory_space<vmem>> -> memref<96x128xf32, #tpu.memory_space<vmem>>
    %dma_start3A_206 = arith.constant 0 : i32
    %dma_start3A_207 = tpu.memref_slice %arg5[%dma_start3A_200, %dma_start3A_206] : memref<16x96xi32, #tpu.memory_space<vmem>> -> memref<1x96xi32, #tpu.memory_space<vmem>>
    %dma_start3A_208 = tpu.memref_squeeze %dma_start3A_207 : memref<1x96xi32, #tpu.memory_space<vmem>> -> memref<96xi32, #tpu.memory_space<vmem>>
    %dma_start3A_209 = arith.constant 0 : i32
    %dma_start3A_210 = arith.constant 0 : i32
    %dma_start3A_211 = tpu.memref_slice %arg2[%dma_start3A_209, %dma_start3A_210] : memref<50000x128xf32, #tpu.memory_space<hbm>> -> memref<50000x128xf32, #tpu.memory_space<hbm>>
    tpu.enqueue_indirect_dma source(%dma_start3A_211 : memref<50000x128xf32, #tpu.memory_space<hbm>>) target(%dma_start3A_205 : memref<96x128xf32, #tpu.memory_space<vmem>>) offsets(%dma_start3A_208 : memref<96xi32, #tpu.memory_space<vmem>>) semaphore(%arg8 : memref<!tpu.dma_semaphore, #tpu.memory_space<semaphore_mem>>)
    %dma_wait3A_212 = arith.constant 6 : i32
    %dma_wait3A_213 = arith.constant 2 : i32
    %dma_wait3A_214 = arith.constant 0 : i32
    %dma_wait3A_215 = arith.constant 0 : i32
    %dma_wait3A_216 = tpu.memref_slice %arg6[%dma_wait3A_213, %dma_wait3A_214, %dma_wait3A_215] : memref<4x96x128xf32, #tpu.memory_space<vmem>> -> memref<1x96x128xf32, #tpu.memory_space<vmem>>
    %dma_wait3A_217 = tpu.memref_squeeze %dma_wait3A_216 : memref<1x96x128xf32, #tpu.memory_space<vmem>> -> memref<96x128xf32, #tpu.memory_space<vmem>>
    %dma_wait3A_218 = arith.constant 0 : i32
    %dma_wait3A_219 = tpu.memref_slice %arg5[%dma_wait3A_212, %dma_wait3A_218] : memref<16x96xi32, #tpu.memory_space<vmem>> -> memref<1x96xi32, #tpu.memory_space<vmem>>
    %dma_wait3A_220 = tpu.memref_squeeze %dma_wait3A_219 : memref<1x96xi32, #tpu.memory_space<vmem>> -> memref<96xi32, #tpu.memory_space<vmem>>
    %dma_wait3A_221 = arith.constant 0 : i32
    %dma_wait3A_222 = arith.constant 0 : i32
    %dma_wait3A_223 = tpu.memref_slice %arg2[%dma_wait3A_221, %dma_wait3A_222] : memref<50000x128xf32, #tpu.memory_space<hbm>> -> memref<50000x128xf32, #tpu.memory_space<hbm>>
    tpu.wait_indirect_dma semaphore(%arg9 : memref<!tpu.dma_semaphore, #tpu.memory_space<semaphore_mem>>) src(%dma_wait3A_223 : memref<50000x128xf32, #tpu.memory_space<hbm>>) dst(%dma_wait3A_217 : memref<96x128xf32, #tpu.memory_space<vmem>>)
    %add3A_224 = arith.constant 576 : i32
    %add3A_225 = arith.addi %mul3A_2, %add3A_224 : i32
    %run_scoped3A_226 = arith.constant 2 : i32
    "tpu.region"() ({
      %run_scoped3A_434 = tpu.sem_alloc : memref<!tpu.dma_semaphore, #tpu.memory_space<semaphore_mem>>
      %dma_start3A_435 = arith.constant 0 : i32
      %dma_start3A_436 = arith.constant 0 : i32
      %dma_start3A_437 = tpu.memref_slice %arg6[%run_scoped3A_226, %dma_start3A_435, %dma_start3A_436] : memref<4x96x128xf32, #tpu.memory_space<vmem>> -> memref<1x96x128xf32, #tpu.memory_space<vmem>>
      %dma_start3A_438 = tpu.memref_squeeze %dma_start3A_437 : memref<1x96x128xf32, #tpu.memory_space<vmem>> -> memref<96x128xf32, #tpu.memory_space<vmem>>
      %dma_start3A_439 = arith.constant 0 : i32
      %dma_start3A_440 = tpu.memref_slice %arg4[%add3A_225, %dma_start3A_439] : memref<49152x128xf32, #tpu.memory_space<hbm>> -> memref<96x128xf32, #tpu.memory_space<hbm>>
      %dma_start3A_441 = arith.constant 0 : i32
      %dma_start3A_442 = tpu.memref_slice %arg4[%add3A_225, %dma_start3A_441] : memref<49152x128xf32, #tpu.memory_space<hbm>> -> memref<96x128xf32, #tpu.memory_space<hbm>>
      %dma_start3A_443 = arith.constant 0 : i32
      %dma_start3A_444 = arith.constant 0 : i32
      %dma_start3A_445 = tpu.memref_slice %arg6[%run_scoped3A_226, %dma_start3A_443, %dma_start3A_444] : memref<4x96x128xf32, #tpu.memory_space<vmem>> -> memref<1x96x128xf32, #tpu.memory_space<vmem>>
      %dma_start3A_446 = tpu.memref_squeeze %dma_start3A_445 : memref<1x96x128xf32, #tpu.memory_space<vmem>> -> memref<96x128xf32, #tpu.memory_space<vmem>>
      tpu.enqueue_dma source(%dma_start3A_446 : memref<96x128xf32, #tpu.memory_space<vmem>>) target(%dma_start3A_442 : memref<96x128xf32, #tpu.memory_space<hbm>>) target_semaphore(%run_scoped3A_434 : memref<!tpu.dma_semaphore, #tpu.memory_space<semaphore_mem>>)
      %dma_wait3A_447 = arith.constant 0 : i32
      %dma_wait3A_448 = arith.constant 0 : i32
      %dma_wait3A_449 = tpu.memref_slice %arg6[%run_scoped3A_226, %dma_wait3A_447, %dma_wait3A_448] : memref<4x96x128xf32, #tpu.memory_space<vmem>> -> memref<1x96x128xf32, #tpu.memory_space<vmem>>
      %dma_wait3A_450 = tpu.memref_squeeze %dma_wait3A_449 : memref<1x96x128xf32, #tpu.memory_space<vmem>> -> memref<96x128xf32, #tpu.memory_space<vmem>>
      %dma_wait3A_451 = arith.constant 0 : i32
      %dma_wait3A_452 = tpu.memref_slice %arg4[%add3A_225, %dma_wait3A_451] : memref<49152x128xf32, #tpu.memory_space<hbm>> -> memref<96x128xf32, #tpu.memory_space<hbm>>
      %dma_wait3A_453 = arith.constant 0 : i32
      %dma_wait3A_454 = tpu.memref_slice %arg4[%add3A_225, %dma_wait3A_453] : memref<49152x128xf32, #tpu.memory_space<hbm>> -> memref<96x128xf32, #tpu.memory_space<hbm>>
      %dma_wait3A_455 = arith.constant 0 : i32
      %dma_wait3A_456 = arith.constant 0 : i32
      %dma_wait3A_457 = tpu.memref_slice %arg6[%run_scoped3A_226, %dma_wait3A_455, %dma_wait3A_456] : memref<4x96x128xf32, #tpu.memory_space<vmem>> -> memref<1x96x128xf32, #tpu.memory_space<vmem>>
      %dma_wait3A_458 = tpu.memref_squeeze %dma_wait3A_457 : memref<1x96x128xf32, #tpu.memory_space<vmem>> -> memref<96x128xf32, #tpu.memory_space<vmem>>
      tpu.wait_dma2 semaphore(%run_scoped3A_434 : memref<!tpu.dma_semaphore, #tpu.memory_space<semaphore_mem>>) src(%dma_wait3A_458 : memref<96x128xf32, #tpu.memory_space<vmem>>) dst(%dma_wait3A_454 : memref<96x128xf32, #tpu.memory_space<hbm>>)
      tpu.yield
    }) : () -> ()
    %dma_start3A_227 = arith.constant 10 : i32
    %dma_start3A_228 = arith.constant 2 : i32
    %dma_start3A_229 = arith.constant 0 : i32
    %dma_start3A_230 = arith.constant 0 : i32
    %dma_start3A_231 = tpu.memref_slice %arg6[%dma_start3A_228, %dma_start3A_229, %dma_start3A_230] : memref<4x96x128xf32, #tpu.memory_space<vmem>> -> memref<1x96x128xf32, #tpu.memory_space<vmem>>
    %dma_start3A_232 = tpu.memref_squeeze %dma_start3A_231 : memref<1x96x128xf32, #tpu.memory_space<vmem>> -> memref<96x128xf32, #tpu.memory_space<vmem>>
    %dma_start3A_233 = arith.constant 0 : i32
    %dma_start3A_234 = tpu.memref_slice %arg5[%dma_start3A_227, %dma_start3A_233] : memref<16x96xi32, #tpu.memory_space<vmem>> -> memref<1x96xi32, #tpu.memory_space<vmem>>
    %dma_start3A_235 = tpu.memref_squeeze %dma_start3A_234 : memref<1x96xi32, #tpu.memory_space<vmem>> -> memref<96xi32, #tpu.memory_space<vmem>>
    %dma_start3A_236 = arith.constant 0 : i32
    %dma_start3A_237 = arith.constant 0 : i32
    %dma_start3A_238 = tpu.memref_slice %arg2[%dma_start3A_236, %dma_start3A_237] : memref<50000x128xf32, #tpu.memory_space<hbm>> -> memref<50000x128xf32, #tpu.memory_space<hbm>>
    tpu.enqueue_indirect_dma source(%dma_start3A_238 : memref<50000x128xf32, #tpu.memory_space<hbm>>) target(%dma_start3A_232 : memref<96x128xf32, #tpu.memory_space<vmem>>) offsets(%dma_start3A_235 : memref<96xi32, #tpu.memory_space<vmem>>) semaphore(%arg9 : memref<!tpu.dma_semaphore, #tpu.memory_space<semaphore_mem>>)
    %dma_wait3A_239 = arith.constant 7 : i32
    %dma_wait3A_240 = arith.constant 3 : i32
    %dma_wait3A_241 = arith.constant 0 : i32
    %dma_wait3A_242 = arith.constant 0 : i32
    %dma_wait3A_243 = tpu.memref_slice %arg6[%dma_wait3A_240, %dma_wait3A_241, %dma_wait3A_242] : memref<4x96x128xf32, #tpu.memory_space<vmem>> -> memref<1x96x128xf32, #tpu.memory_space<vmem>>
    %dma_wait3A_244 = tpu.memref_squeeze %dma_wait3A_243 : memref<1x96x128xf32, #tpu.memory_space<vmem>> -> memref<96x128xf32, #tpu.memory_space<vmem>>
    %dma_wait3A_245 = arith.constant 0 : i32
    %dma_wait3A_246 = tpu.memref_slice %arg5[%dma_wait3A_239, %dma_wait3A_245] : memref<16x96xi32, #tpu.memory_space<vmem>> -> memref<1x96xi32, #tpu.memory_space<vmem>>
    %dma_wait3A_247 = tpu.memref_squeeze %dma_wait3A_246 : memref<1x96xi32, #tpu.memory_space<vmem>> -> memref<96xi32, #tpu.memory_space<vmem>>
    %dma_wait3A_248 = arith.constant 0 : i32
    %dma_wait3A_249 = arith.constant 0 : i32
    %dma_wait3A_250 = tpu.memref_slice %arg2[%dma_wait3A_248, %dma_wait3A_249] : memref<50000x128xf32, #tpu.memory_space<hbm>> -> memref<50000x128xf32, #tpu.memory_space<hbm>>
    tpu.wait_indirect_dma semaphore(%arg10 : memref<!tpu.dma_semaphore, #tpu.memory_space<semaphore_mem>>) src(%dma_wait3A_250 : memref<50000x128xf32, #tpu.memory_space<hbm>>) dst(%dma_wait3A_244 : memref<96x128xf32, #tpu.memory_space<vmem>>)
    %add3A_251 = arith.constant 672 : i32
    %add3A_252 = arith.addi %mul3A_2, %add3A_251 : i32
    %run_scoped3A_253 = arith.constant 3 : i32
    "tpu.region"() ({
      %run_scoped3A_434 = tpu.sem_alloc : memref<!tpu.dma_semaphore, #tpu.memory_space<semaphore_mem>>
      %dma_start3A_435 = arith.constant 0 : i32
      %dma_start3A_436 = arith.constant 0 : i32
      %dma_start3A_437 = tpu.memref_slice %arg6[%run_scoped3A_253, %dma_start3A_435, %dma_start3A_436] : memref<4x96x128xf32, #tpu.memory_space<vmem>> -> memref<1x96x128xf32, #tpu.memory_space<vmem>>
      %dma_start3A_438 = tpu.memref_squeeze %dma_start3A_437 : memref<1x96x128xf32, #tpu.memory_space<vmem>> -> memref<96x128xf32, #tpu.memory_space<vmem>>
      %dma_start3A_439 = arith.constant 0 : i32
      %dma_start3A_440 = tpu.memref_slice %arg4[%add3A_252, %dma_start3A_439] : memref<49152x128xf32, #tpu.memory_space<hbm>> -> memref<96x128xf32, #tpu.memory_space<hbm>>
      %dma_start3A_441 = arith.constant 0 : i32
      %dma_start3A_442 = tpu.memref_slice %arg4[%add3A_252, %dma_start3A_441] : memref<49152x128xf32, #tpu.memory_space<hbm>> -> memref<96x128xf32, #tpu.memory_space<hbm>>
      %dma_start3A_443 = arith.constant 0 : i32
      %dma_start3A_444 = arith.constant 0 : i32
      %dma_start3A_445 = tpu.memref_slice %arg6[%run_scoped3A_253, %dma_start3A_443, %dma_start3A_444] : memref<4x96x128xf32, #tpu.memory_space<vmem>> -> memref<1x96x128xf32, #tpu.memory_space<vmem>>
      %dma_start3A_446 = tpu.memref_squeeze %dma_start3A_445 : memref<1x96x128xf32, #tpu.memory_space<vmem>> -> memref<96x128xf32, #tpu.memory_space<vmem>>
      tpu.enqueue_dma source(%dma_start3A_446 : memref<96x128xf32, #tpu.memory_space<vmem>>) target(%dma_start3A_442 : memref<96x128xf32, #tpu.memory_space<hbm>>) target_semaphore(%run_scoped3A_434 : memref<!tpu.dma_semaphore, #tpu.memory_space<semaphore_mem>>)
      %dma_wait3A_447 = arith.constant 0 : i32
      %dma_wait3A_448 = arith.constant 0 : i32
      %dma_wait3A_449 = tpu.memref_slice %arg6[%run_scoped3A_253, %dma_wait3A_447, %dma_wait3A_448] : memref<4x96x128xf32, #tpu.memory_space<vmem>> -> memref<1x96x128xf32, #tpu.memory_space<vmem>>
      %dma_wait3A_450 = tpu.memref_squeeze %dma_wait3A_449 : memref<1x96x128xf32, #tpu.memory_space<vmem>> -> memref<96x128xf32, #tpu.memory_space<vmem>>
      %dma_wait3A_451 = arith.constant 0 : i32
      %dma_wait3A_452 = tpu.memref_slice %arg4[%add3A_252, %dma_wait3A_451] : memref<49152x128xf32, #tpu.memory_space<hbm>> -> memref<96x128xf32, #tpu.memory_space<hbm>>
      %dma_wait3A_453 = arith.constant 0 : i32
      %dma_wait3A_454 = tpu.memref_slice %arg4[%add3A_252, %dma_wait3A_453] : memref<49152x128xf32, #tpu.memory_space<hbm>> -> memref<96x128xf32, #tpu.memory_space<hbm>>
      %dma_wait3A_455 = arith.constant 0 : i32
      %dma_wait3A_456 = arith.constant 0 : i32
      %dma_wait3A_457 = tpu.memref_slice %arg6[%run_scoped3A_253, %dma_wait3A_455, %dma_wait3A_456] : memref<4x96x128xf32, #tpu.memory_space<vmem>> -> memref<1x96x128xf32, #tpu.memory_space<vmem>>
      %dma_wait3A_458 = tpu.memref_squeeze %dma_wait3A_457 : memref<1x96x128xf32, #tpu.memory_space<vmem>> -> memref<96x128xf32, #tpu.memory_space<vmem>>
      tpu.wait_dma2 semaphore(%run_scoped3A_434 : memref<!tpu.dma_semaphore, #tpu.memory_space<semaphore_mem>>) src(%dma_wait3A_458 : memref<96x128xf32, #tpu.memory_space<vmem>>) dst(%dma_wait3A_454 : memref<96x128xf32, #tpu.memory_space<hbm>>)
      tpu.yield
    }) : () -> ()
    %dma_start3A_254 = arith.constant 11 : i32
    %dma_start3A_255 = arith.constant 3 : i32
    %dma_start3A_256 = arith.constant 0 : i32
    %dma_start3A_257 = arith.constant 0 : i32
    %dma_start3A_258 = tpu.memref_slice %arg6[%dma_start3A_255, %dma_start3A_256, %dma_start3A_257] : memref<4x96x128xf32, #tpu.memory_space<vmem>> -> memref<1x96x128xf32, #tpu.memory_space<vmem>>
    %dma_start3A_259 = tpu.memref_squeeze %dma_start3A_258 : memref<1x96x128xf32, #tpu.memory_space<vmem>> -> memref<96x128xf32, #tpu.memory_space<vmem>>
    %dma_start3A_260 = arith.constant 0 : i32
    %dma_start3A_261 = tpu.memref_slice %arg5[%dma_start3A_254, %dma_start3A_260] : memref<16x96xi32, #tpu.memory_space<vmem>> -> memref<1x96xi32, #tpu.memory_space<vmem>>
    %dma_start3A_262 = tpu.memref_squeeze %dma_start3A_261 : memref<1x96xi32, #tpu.memory_space<vmem>> -> memref<96xi32, #tpu.memory_space<vmem>>
    %dma_start3A_263 = arith.constant 0 : i32
    %dma_start3A_264 = arith.constant 0 : i32
    %dma_start3A_265 = tpu.memref_slice %arg2[%dma_start3A_263, %dma_start3A_264] : memref<50000x128xf32, #tpu.memory_space<hbm>> -> memref<50000x128xf32, #tpu.memory_space<hbm>>
    tpu.enqueue_indirect_dma source(%dma_start3A_265 : memref<50000x128xf32, #tpu.memory_space<hbm>>) target(%dma_start3A_259 : memref<96x128xf32, #tpu.memory_space<vmem>>) offsets(%dma_start3A_262 : memref<96xi32, #tpu.memory_space<vmem>>) semaphore(%arg10 : memref<!tpu.dma_semaphore, #tpu.memory_space<semaphore_mem>>)
    %dma_wait3A_266 = arith.constant 8 : i32
    %dma_wait3A_267 = arith.constant 0 : i32
    %dma_wait3A_268 = arith.constant 0 : i32
    %dma_wait3A_269 = arith.constant 0 : i32
    %dma_wait3A_270 = tpu.memref_slice %arg6[%dma_wait3A_267, %dma_wait3A_268, %dma_wait3A_269] : memref<4x96x128xf32, #tpu.memory_space<vmem>> -> memref<1x96x128xf32, #tpu.memory_space<vmem>>
    %dma_wait3A_271 = tpu.memref_squeeze %dma_wait3A_270 : memref<1x96x128xf32, #tpu.memory_space<vmem>> -> memref<96x128xf32, #tpu.memory_space<vmem>>
    %dma_wait3A_272 = arith.constant 0 : i32
    %dma_wait3A_273 = tpu.memref_slice %arg5[%dma_wait3A_266, %dma_wait3A_272] : memref<16x96xi32, #tpu.memory_space<vmem>> -> memref<1x96xi32, #tpu.memory_space<vmem>>
    %dma_wait3A_274 = tpu.memref_squeeze %dma_wait3A_273 : memref<1x96xi32, #tpu.memory_space<vmem>> -> memref<96xi32, #tpu.memory_space<vmem>>
    %dma_wait3A_275 = arith.constant 0 : i32
    %dma_wait3A_276 = arith.constant 0 : i32
    %dma_wait3A_277 = tpu.memref_slice %arg2[%dma_wait3A_275, %dma_wait3A_276] : memref<50000x128xf32, #tpu.memory_space<hbm>> -> memref<50000x128xf32, #tpu.memory_space<hbm>>
    tpu.wait_indirect_dma semaphore(%arg7 : memref<!tpu.dma_semaphore, #tpu.memory_space<semaphore_mem>>) src(%dma_wait3A_277 : memref<50000x128xf32, #tpu.memory_space<hbm>>) dst(%dma_wait3A_271 : memref<96x128xf32, #tpu.memory_space<vmem>>)
    %add3A_278 = arith.constant 768 : i32
    %add3A_279 = arith.addi %mul3A_2, %add3A_278 : i32
    %run_scoped3A_280 = arith.constant 0 : i32
    "tpu.region"() ({
      %run_scoped3A_434 = tpu.sem_alloc : memref<!tpu.dma_semaphore, #tpu.memory_space<semaphore_mem>>
      %dma_start3A_435 = arith.constant 0 : i32
      %dma_start3A_436 = arith.constant 0 : i32
      %dma_start3A_437 = tpu.memref_slice %arg6[%run_scoped3A_280, %dma_start3A_435, %dma_start3A_436] : memref<4x96x128xf32, #tpu.memory_space<vmem>> -> memref<1x96x128xf32, #tpu.memory_space<vmem>>
      %dma_start3A_438 = tpu.memref_squeeze %dma_start3A_437 : memref<1x96x128xf32, #tpu.memory_space<vmem>> -> memref<96x128xf32, #tpu.memory_space<vmem>>
      %dma_start3A_439 = arith.constant 0 : i32
      %dma_start3A_440 = tpu.memref_slice %arg4[%add3A_279, %dma_start3A_439] : memref<49152x128xf32, #tpu.memory_space<hbm>> -> memref<96x128xf32, #tpu.memory_space<hbm>>
      %dma_start3A_441 = arith.constant 0 : i32
      %dma_start3A_442 = tpu.memref_slice %arg4[%add3A_279, %dma_start3A_441] : memref<49152x128xf32, #tpu.memory_space<hbm>> -> memref<96x128xf32, #tpu.memory_space<hbm>>
      %dma_start3A_443 = arith.constant 0 : i32
      %dma_start3A_444 = arith.constant 0 : i32
      %dma_start3A_445 = tpu.memref_slice %arg6[%run_scoped3A_280, %dma_start3A_443, %dma_start3A_444] : memref<4x96x128xf32, #tpu.memory_space<vmem>> -> memref<1x96x128xf32, #tpu.memory_space<vmem>>
      %dma_start3A_446 = tpu.memref_squeeze %dma_start3A_445 : memref<1x96x128xf32, #tpu.memory_space<vmem>> -> memref<96x128xf32, #tpu.memory_space<vmem>>
      tpu.enqueue_dma source(%dma_start3A_446 : memref<96x128xf32, #tpu.memory_space<vmem>>) target(%dma_start3A_442 : memref<96x128xf32, #tpu.memory_space<hbm>>) target_semaphore(%run_scoped3A_434 : memref<!tpu.dma_semaphore, #tpu.memory_space<semaphore_mem>>)
      %dma_wait3A_447 = arith.constant 0 : i32
      %dma_wait3A_448 = arith.constant 0 : i32
      %dma_wait3A_449 = tpu.memref_slice %arg6[%run_scoped3A_280, %dma_wait3A_447, %dma_wait3A_448] : memref<4x96x128xf32, #tpu.memory_space<vmem>> -> memref<1x96x128xf32, #tpu.memory_space<vmem>>
      %dma_wait3A_450 = tpu.memref_squeeze %dma_wait3A_449 : memref<1x96x128xf32, #tpu.memory_space<vmem>> -> memref<96x128xf32, #tpu.memory_space<vmem>>
      %dma_wait3A_451 = arith.constant 0 : i32
      %dma_wait3A_452 = tpu.memref_slice %arg4[%add3A_279, %dma_wait3A_451] : memref<49152x128xf32, #tpu.memory_space<hbm>> -> memref<96x128xf32, #tpu.memory_space<hbm>>
      %dma_wait3A_453 = arith.constant 0 : i32
      %dma_wait3A_454 = tpu.memref_slice %arg4[%add3A_279, %dma_wait3A_453] : memref<49152x128xf32, #tpu.memory_space<hbm>> -> memref<96x128xf32, #tpu.memory_space<hbm>>
      %dma_wait3A_455 = arith.constant 0 : i32
      %dma_wait3A_456 = arith.constant 0 : i32
      %dma_wait3A_457 = tpu.memref_slice %arg6[%run_scoped3A_280, %dma_wait3A_455, %dma_wait3A_456] : memref<4x96x128xf32, #tpu.memory_space<vmem>> -> memref<1x96x128xf32, #tpu.memory_space<vmem>>
      %dma_wait3A_458 = tpu.memref_squeeze %dma_wait3A_457 : memref<1x96x128xf32, #tpu.memory_space<vmem>> -> memref<96x128xf32, #tpu.memory_space<vmem>>
      tpu.wait_dma2 semaphore(%run_scoped3A_434 : memref<!tpu.dma_semaphore, #tpu.memory_space<semaphore_mem>>) src(%dma_wait3A_458 : memref<96x128xf32, #tpu.memory_space<vmem>>) dst(%dma_wait3A_454 : memref<96x128xf32, #tpu.memory_space<hbm>>)
      tpu.yield
    }) : () -> ()
    %dma_start3A_281 = arith.constant 12 : i32
    %dma_start3A_282 = arith.constant 0 : i32
    %dma_start3A_283 = arith.constant 0 : i32
    %dma_start3A_284 = arith.constant 0 : i32
    %dma_start3A_285 = tpu.memref_slice %arg6[%dma_start3A_282, %dma_start3A_283, %dma_start3A_284] : memref<4x96x128xf32, #tpu.memory_space<vmem>> -> memref<1x96x128xf32, #tpu.memory_space<vmem>>
    %dma_start3A_286 = tpu.memref_squeeze %dma_start3A_285 : memref<1x96x128xf32, #tpu.memory_space<vmem>> -> memref<96x128xf32, #tpu.memory_space<vmem>>
    %dma_start3A_287 = arith.constant 0 : i32
    %dma_start3A_288 = tpu.memref_slice %arg5[%dma_start3A_281, %dma_start3A_287] : memref<16x96xi32, #tpu.memory_space<vmem>> -> memref<1x96xi32, #tpu.memory_space<vmem>>
    %dma_start3A_289 = tpu.memref_squeeze %dma_start3A_288 : memref<1x96xi32, #tpu.memory_space<vmem>> -> memref<96xi32, #tpu.memory_space<vmem>>
    %dma_start3A_290 = arith.constant 0 : i32
    %dma_start3A_291 = arith.constant 0 : i32
    %dma_start3A_292 = tpu.memref_slice %arg2[%dma_start3A_290, %dma_start3A_291] : memref<50000x128xf32, #tpu.memory_space<hbm>> -> memref<50000x128xf32, #tpu.memory_space<hbm>>
    tpu.enqueue_indirect_dma source(%dma_start3A_292 : memref<50000x128xf32, #tpu.memory_space<hbm>>) target(%dma_start3A_286 : memref<96x128xf32, #tpu.memory_space<vmem>>) offsets(%dma_start3A_289 : memref<96xi32, #tpu.memory_space<vmem>>) semaphore(%arg7 : memref<!tpu.dma_semaphore, #tpu.memory_space<semaphore_mem>>)
    %dma_wait3A_293 = arith.constant 9 : i32
    %dma_wait3A_294 = arith.constant 1 : i32
    %dma_wait3A_295 = arith.constant 0 : i32
    %dma_wait3A_296 = arith.constant 0 : i32
    %dma_wait3A_297 = tpu.memref_slice %arg6[%dma_wait3A_294, %dma_wait3A_295, %dma_wait3A_296] : memref<4x96x128xf32, #tpu.memory_space<vmem>> -> memref<1x96x128xf32, #tpu.memory_space<vmem>>
    %dma_wait3A_298 = tpu.memref_squeeze %dma_wait3A_297 : memref<1x96x128xf32, #tpu.memory_space<vmem>> -> memref<96x128xf32, #tpu.memory_space<vmem>>
    %dma_wait3A_299 = arith.constant 0 : i32
    %dma_wait3A_300 = tpu.memref_slice %arg5[%dma_wait3A_293, %dma_wait3A_299] : memref<16x96xi32, #tpu.memory_space<vmem>> -> memref<1x96xi32, #tpu.memory_space<vmem>>
    %dma_wait3A_301 = tpu.memref_squeeze %dma_wait3A_300 : memref<1x96xi32, #tpu.memory_space<vmem>> -> memref<96xi32, #tpu.memory_space<vmem>>
    %dma_wait3A_302 = arith.constant 0 : i32
    %dma_wait3A_303 = arith.constant 0 : i32
    %dma_wait3A_304 = tpu.memref_slice %arg2[%dma_wait3A_302, %dma_wait3A_303] : memref<50000x128xf32, #tpu.memory_space<hbm>> -> memref<50000x128xf32, #tpu.memory_space<hbm>>
    tpu.wait_indirect_dma semaphore(%arg8 : memref<!tpu.dma_semaphore, #tpu.memory_space<semaphore_mem>>) src(%dma_wait3A_304 : memref<50000x128xf32, #tpu.memory_space<hbm>>) dst(%dma_wait3A_298 : memref<96x128xf32, #tpu.memory_space<vmem>>)
    %add3A_305 = arith.constant 864 : i32
    %add3A_306 = arith.addi %mul3A_2, %add3A_305 : i32
    %run_scoped3A_307 = arith.constant 1 : i32
    "tpu.region"() ({
      %run_scoped3A_434 = tpu.sem_alloc : memref<!tpu.dma_semaphore, #tpu.memory_space<semaphore_mem>>
      %dma_start3A_435 = arith.constant 0 : i32
      %dma_start3A_436 = arith.constant 0 : i32
      %dma_start3A_437 = tpu.memref_slice %arg6[%run_scoped3A_307, %dma_start3A_435, %dma_start3A_436] : memref<4x96x128xf32, #tpu.memory_space<vmem>> -> memref<1x96x128xf32, #tpu.memory_space<vmem>>
      %dma_start3A_438 = tpu.memref_squeeze %dma_start3A_437 : memref<1x96x128xf32, #tpu.memory_space<vmem>> -> memref<96x128xf32, #tpu.memory_space<vmem>>
      %dma_start3A_439 = arith.constant 0 : i32
      %dma_start3A_440 = tpu.memref_slice %arg4[%add3A_306, %dma_start3A_439] : memref<49152x128xf32, #tpu.memory_space<hbm>> -> memref<96x128xf32, #tpu.memory_space<hbm>>
      %dma_start3A_441 = arith.constant 0 : i32
      %dma_start3A_442 = tpu.memref_slice %arg4[%add3A_306, %dma_start3A_441] : memref<49152x128xf32, #tpu.memory_space<hbm>> -> memref<96x128xf32, #tpu.memory_space<hbm>>
      %dma_start3A_443 = arith.constant 0 : i32
      %dma_start3A_444 = arith.constant 0 : i32
      %dma_start3A_445 = tpu.memref_slice %arg6[%run_scoped3A_307, %dma_start3A_443, %dma_start3A_444] : memref<4x96x128xf32, #tpu.memory_space<vmem>> -> memref<1x96x128xf32, #tpu.memory_space<vmem>>
      %dma_start3A_446 = tpu.memref_squeeze %dma_start3A_445 : memref<1x96x128xf32, #tpu.memory_space<vmem>> -> memref<96x128xf32, #tpu.memory_space<vmem>>
      tpu.enqueue_dma source(%dma_start3A_446 : memref<96x128xf32, #tpu.memory_space<vmem>>) target(%dma_start3A_442 : memref<96x128xf32, #tpu.memory_space<hbm>>) target_semaphore(%run_scoped3A_434 : memref<!tpu.dma_semaphore, #tpu.memory_space<semaphore_mem>>)
      %dma_wait3A_447 = arith.constant 0 : i32
      %dma_wait3A_448 = arith.constant 0 : i32
      %dma_wait3A_449 = tpu.memref_slice %arg6[%run_scoped3A_307, %dma_wait3A_447, %dma_wait3A_448] : memref<4x96x128xf32, #tpu.memory_space<vmem>> -> memref<1x96x128xf32, #tpu.memory_space<vmem>>
      %dma_wait3A_450 = tpu.memref_squeeze %dma_wait3A_449 : memref<1x96x128xf32, #tpu.memory_space<vmem>> -> memref<96x128xf32, #tpu.memory_space<vmem>>
      %dma_wait3A_451 = arith.constant 0 : i32
      %dma_wait3A_452 = tpu.memref_slice %arg4[%add3A_306, %dma_wait3A_451] : memref<49152x128xf32, #tpu.memory_space<hbm>> -> memref<96x128xf32, #tpu.memory_space<hbm>>
      %dma_wait3A_453 = arith.constant 0 : i32
      %dma_wait3A_454 = tpu.memref_slice %arg4[%add3A_306, %dma_wait3A_453] : memref<49152x128xf32, #tpu.memory_space<hbm>> -> memref<96x128xf32, #tpu.memory_space<hbm>>
      %dma_wait3A_455 = arith.constant 0 : i32
      %dma_wait3A_456 = arith.constant 0 : i32
      %dma_wait3A_457 = tpu.memref_slice %arg6[%run_scoped3A_307, %dma_wait3A_455, %dma_wait3A_456] : memref<4x96x128xf32, #tpu.memory_space<vmem>> -> memref<1x96x128xf32, #tpu.memory_space<vmem>>
      %dma_wait3A_458 = tpu.memref_squeeze %dma_wait3A_457 : memref<1x96x128xf32, #tpu.memory_space<vmem>> -> memref<96x128xf32, #tpu.memory_space<vmem>>
      tpu.wait_dma2 semaphore(%run_scoped3A_434 : memref<!tpu.dma_semaphore, #tpu.memory_space<semaphore_mem>>) src(%dma_wait3A_458 : memref<96x128xf32, #tpu.memory_space<vmem>>) dst(%dma_wait3A_454 : memref<96x128xf32, #tpu.memory_space<hbm>>)
      tpu.yield
    }) : () -> ()
    %dma_start3A_308 = arith.constant 13 : i32
    %dma_start3A_309 = arith.constant 1 : i32
    %dma_start3A_310 = arith.constant 0 : i32
    %dma_start3A_311 = arith.constant 0 : i32
    %dma_start3A_312 = tpu.memref_slice %arg6[%dma_start3A_309, %dma_start3A_310, %dma_start3A_311] : memref<4x96x128xf32, #tpu.memory_space<vmem>> -> memref<1x96x128xf32, #tpu.memory_space<vmem>>
    %dma_start3A_313 = tpu.memref_squeeze %dma_start3A_312 : memref<1x96x128xf32, #tpu.memory_space<vmem>> -> memref<96x128xf32, #tpu.memory_space<vmem>>
    %dma_start3A_314 = arith.constant 0 : i32
    %dma_start3A_315 = tpu.memref_slice %arg5[%dma_start3A_308, %dma_start3A_314] : memref<16x96xi32, #tpu.memory_space<vmem>> -> memref<1x96xi32, #tpu.memory_space<vmem>>
    %dma_start3A_316 = tpu.memref_squeeze %dma_start3A_315 : memref<1x96xi32, #tpu.memory_space<vmem>> -> memref<96xi32, #tpu.memory_space<vmem>>
    %dma_start3A_317 = arith.constant 0 : i32
    %dma_start3A_318 = arith.constant 0 : i32
    %dma_start3A_319 = tpu.memref_slice %arg2[%dma_start3A_317, %dma_start3A_318] : memref<50000x128xf32, #tpu.memory_space<hbm>> -> memref<50000x128xf32, #tpu.memory_space<hbm>>
    tpu.enqueue_indirect_dma source(%dma_start3A_319 : memref<50000x128xf32, #tpu.memory_space<hbm>>) target(%dma_start3A_313 : memref<96x128xf32, #tpu.memory_space<vmem>>) offsets(%dma_start3A_316 : memref<96xi32, #tpu.memory_space<vmem>>) semaphore(%arg8 : memref<!tpu.dma_semaphore, #tpu.memory_space<semaphore_mem>>)
    %dma_wait3A_320 = arith.constant 10 : i32
    %dma_wait3A_321 = arith.constant 2 : i32
    %dma_wait3A_322 = arith.constant 0 : i32
    %dma_wait3A_323 = arith.constant 0 : i32
    %dma_wait3A_324 = tpu.memref_slice %arg6[%dma_wait3A_321, %dma_wait3A_322, %dma_wait3A_323] : memref<4x96x128xf32, #tpu.memory_space<vmem>> -> memref<1x96x128xf32, #tpu.memory_space<vmem>>
    %dma_wait3A_325 = tpu.memref_squeeze %dma_wait3A_324 : memref<1x96x128xf32, #tpu.memory_space<vmem>> -> memref<96x128xf32, #tpu.memory_space<vmem>>
    %dma_wait3A_326 = arith.constant 0 : i32
    %dma_wait3A_327 = tpu.memref_slice %arg5[%dma_wait3A_320, %dma_wait3A_326] : memref<16x96xi32, #tpu.memory_space<vmem>> -> memref<1x96xi32, #tpu.memory_space<vmem>>
    %dma_wait3A_328 = tpu.memref_squeeze %dma_wait3A_327 : memref<1x96xi32, #tpu.memory_space<vmem>> -> memref<96xi32, #tpu.memory_space<vmem>>
    %dma_wait3A_329 = arith.constant 0 : i32
    %dma_wait3A_330 = arith.constant 0 : i32
    %dma_wait3A_331 = tpu.memref_slice %arg2[%dma_wait3A_329, %dma_wait3A_330] : memref<50000x128xf32, #tpu.memory_space<hbm>> -> memref<50000x128xf32, #tpu.memory_space<hbm>>
    tpu.wait_indirect_dma semaphore(%arg9 : memref<!tpu.dma_semaphore, #tpu.memory_space<semaphore_mem>>) src(%dma_wait3A_331 : memref<50000x128xf32, #tpu.memory_space<hbm>>) dst(%dma_wait3A_325 : memref<96x128xf32, #tpu.memory_space<vmem>>)
    %add3A_332 = arith.constant 960 : i32
    %add3A_333 = arith.addi %mul3A_2, %add3A_332 : i32
    %run_scoped3A_334 = arith.constant 2 : i32
    "tpu.region"() ({
      %run_scoped3A_434 = tpu.sem_alloc : memref<!tpu.dma_semaphore, #tpu.memory_space<semaphore_mem>>
      %dma_start3A_435 = arith.constant 0 : i32
      %dma_start3A_436 = arith.constant 0 : i32
      %dma_start3A_437 = tpu.memref_slice %arg6[%run_scoped3A_334, %dma_start3A_435, %dma_start3A_436] : memref<4x96x128xf32, #tpu.memory_space<vmem>> -> memref<1x96x128xf32, #tpu.memory_space<vmem>>
      %dma_start3A_438 = tpu.memref_squeeze %dma_start3A_437 : memref<1x96x128xf32, #tpu.memory_space<vmem>> -> memref<96x128xf32, #tpu.memory_space<vmem>>
      %dma_start3A_439 = arith.constant 0 : i32
      %dma_start3A_440 = tpu.memref_slice %arg4[%add3A_333, %dma_start3A_439] : memref<49152x128xf32, #tpu.memory_space<hbm>> -> memref<96x128xf32, #tpu.memory_space<hbm>>
      %dma_start3A_441 = arith.constant 0 : i32
      %dma_start3A_442 = tpu.memref_slice %arg4[%add3A_333, %dma_start3A_441] : memref<49152x128xf32, #tpu.memory_space<hbm>> -> memref<96x128xf32, #tpu.memory_space<hbm>>
      %dma_start3A_443 = arith.constant 0 : i32
      %dma_start3A_444 = arith.constant 0 : i32
      %dma_start3A_445 = tpu.memref_slice %arg6[%run_scoped3A_334, %dma_start3A_443, %dma_start3A_444] : memref<4x96x128xf32, #tpu.memory_space<vmem>> -> memref<1x96x128xf32, #tpu.memory_space<vmem>>
      %dma_start3A_446 = tpu.memref_squeeze %dma_start3A_445 : memref<1x96x128xf32, #tpu.memory_space<vmem>> -> memref<96x128xf32, #tpu.memory_space<vmem>>
      tpu.enqueue_dma source(%dma_start3A_446 : memref<96x128xf32, #tpu.memory_space<vmem>>) target(%dma_start3A_442 : memref<96x128xf32, #tpu.memory_space<hbm>>) target_semaphore(%run_scoped3A_434 : memref<!tpu.dma_semaphore, #tpu.memory_space<semaphore_mem>>)
      %dma_wait3A_447 = arith.constant 0 : i32
      %dma_wait3A_448 = arith.constant 0 : i32
      %dma_wait3A_449 = tpu.memref_slice %arg6[%run_scoped3A_334, %dma_wait3A_447, %dma_wait3A_448] : memref<4x96x128xf32, #tpu.memory_space<vmem>> -> memref<1x96x128xf32, #tpu.memory_space<vmem>>
      %dma_wait3A_450 = tpu.memref_squeeze %dma_wait3A_449 : memref<1x96x128xf32, #tpu.memory_space<vmem>> -> memref<96x128xf32, #tpu.memory_space<vmem>>
      %dma_wait3A_451 = arith.constant 0 : i32
      %dma_wait3A_452 = tpu.memref_slice %arg4[%add3A_333, %dma_wait3A_451] : memref<49152x128xf32, #tpu.memory_space<hbm>> -> memref<96x128xf32, #tpu.memory_space<hbm>>
      %dma_wait3A_453 = arith.constant 0 : i32
      %dma_wait3A_454 = tpu.memref_slice %arg4[%add3A_333, %dma_wait3A_453] : memref<49152x128xf32, #tpu.memory_space<hbm>> -> memref<96x128xf32, #tpu.memory_space<hbm>>
      %dma_wait3A_455 = arith.constant 0 : i32
      %dma_wait3A_456 = arith.constant 0 : i32
      %dma_wait3A_457 = tpu.memref_slice %arg6[%run_scoped3A_334, %dma_wait3A_455, %dma_wait3A_456] : memref<4x96x128xf32, #tpu.memory_space<vmem>> -> memref<1x96x128xf32, #tpu.memory_space<vmem>>
      %dma_wait3A_458 = tpu.memref_squeeze %dma_wait3A_457 : memref<1x96x128xf32, #tpu.memory_space<vmem>> -> memref<96x128xf32, #tpu.memory_space<vmem>>
      tpu.wait_dma2 semaphore(%run_scoped3A_434 : memref<!tpu.dma_semaphore, #tpu.memory_space<semaphore_mem>>) src(%dma_wait3A_458 : memref<96x128xf32, #tpu.memory_space<vmem>>) dst(%dma_wait3A_454 : memref<96x128xf32, #tpu.memory_space<hbm>>)
      tpu.yield
    }) : () -> ()
    %dma_start3A_335 = arith.constant 14 : i32
    %dma_start3A_336 = arith.constant 2 : i32
    %dma_start3A_337 = arith.constant 0 : i32
    %dma_start3A_338 = arith.constant 0 : i32
    %dma_start3A_339 = tpu.memref_slice %arg6[%dma_start3A_336, %dma_start3A_337, %dma_start3A_338] : memref<4x96x128xf32, #tpu.memory_space<vmem>> -> memref<1x96x128xf32, #tpu.memory_space<vmem>>
    %dma_start3A_340 = tpu.memref_squeeze %dma_start3A_339 : memref<1x96x128xf32, #tpu.memory_space<vmem>> -> memref<96x128xf32, #tpu.memory_space<vmem>>
    %dma_start3A_341 = arith.constant 0 : i32
    %dma_start3A_342 = tpu.memref_slice %arg5[%dma_start3A_335, %dma_start3A_341] : memref<16x96xi32, #tpu.memory_space<vmem>> -> memref<1x96xi32, #tpu.memory_space<vmem>>
    %dma_start3A_343 = tpu.memref_squeeze %dma_start3A_342 : memref<1x96xi32, #tpu.memory_space<vmem>> -> memref<96xi32, #tpu.memory_space<vmem>>
    %dma_start3A_344 = arith.constant 0 : i32
    %dma_start3A_345 = arith.constant 0 : i32
    %dma_start3A_346 = tpu.memref_slice %arg2[%dma_start3A_344, %dma_start3A_345] : memref<50000x128xf32, #tpu.memory_space<hbm>> -> memref<50000x128xf32, #tpu.memory_space<hbm>>
    tpu.enqueue_indirect_dma source(%dma_start3A_346 : memref<50000x128xf32, #tpu.memory_space<hbm>>) target(%dma_start3A_340 : memref<96x128xf32, #tpu.memory_space<vmem>>) offsets(%dma_start3A_343 : memref<96xi32, #tpu.memory_space<vmem>>) semaphore(%arg9 : memref<!tpu.dma_semaphore, #tpu.memory_space<semaphore_mem>>)
    %dma_wait3A_347 = arith.constant 11 : i32
    %dma_wait3A_348 = arith.constant 3 : i32
    %dma_wait3A_349 = arith.constant 0 : i32
    %dma_wait3A_350 = arith.constant 0 : i32
    %dma_wait3A_351 = tpu.memref_slice %arg6[%dma_wait3A_348, %dma_wait3A_349, %dma_wait3A_350] : memref<4x96x128xf32, #tpu.memory_space<vmem>> -> memref<1x96x128xf32, #tpu.memory_space<vmem>>
    %dma_wait3A_352 = tpu.memref_squeeze %dma_wait3A_351 : memref<1x96x128xf32, #tpu.memory_space<vmem>> -> memref<96x128xf32, #tpu.memory_space<vmem>>
    %dma_wait3A_353 = arith.constant 0 : i32
    %dma_wait3A_354 = tpu.memref_slice %arg5[%dma_wait3A_347, %dma_wait3A_353] : memref<16x96xi32, #tpu.memory_space<vmem>> -> memref<1x96xi32, #tpu.memory_space<vmem>>
    %dma_wait3A_355 = tpu.memref_squeeze %dma_wait3A_354 : memref<1x96xi32, #tpu.memory_space<vmem>> -> memref<96xi32, #tpu.memory_space<vmem>>
    %dma_wait3A_356 = arith.constant 0 : i32
    %dma_wait3A_357 = arith.constant 0 : i32
    %dma_wait3A_358 = tpu.memref_slice %arg2[%dma_wait3A_356, %dma_wait3A_357] : memref<50000x128xf32, #tpu.memory_space<hbm>> -> memref<50000x128xf32, #tpu.memory_space<hbm>>
    tpu.wait_indirect_dma semaphore(%arg10 : memref<!tpu.dma_semaphore, #tpu.memory_space<semaphore_mem>>) src(%dma_wait3A_358 : memref<50000x128xf32, #tpu.memory_space<hbm>>) dst(%dma_wait3A_352 : memref<96x128xf32, #tpu.memory_space<vmem>>)
    %add3A_359 = arith.constant 1056 : i32
    %add3A_360 = arith.addi %mul3A_2, %add3A_359 : i32
    %run_scoped3A_361 = arith.constant 3 : i32
    "tpu.region"() ({
      %run_scoped3A_434 = tpu.sem_alloc : memref<!tpu.dma_semaphore, #tpu.memory_space<semaphore_mem>>
      %dma_start3A_435 = arith.constant 0 : i32
      %dma_start3A_436 = arith.constant 0 : i32
      %dma_start3A_437 = tpu.memref_slice %arg6[%run_scoped3A_361, %dma_start3A_435, %dma_start3A_436] : memref<4x96x128xf32, #tpu.memory_space<vmem>> -> memref<1x96x128xf32, #tpu.memory_space<vmem>>
      %dma_start3A_438 = tpu.memref_squeeze %dma_start3A_437 : memref<1x96x128xf32, #tpu.memory_space<vmem>> -> memref<96x128xf32, #tpu.memory_space<vmem>>
      %dma_start3A_439 = arith.constant 0 : i32
      %dma_start3A_440 = tpu.memref_slice %arg4[%add3A_360, %dma_start3A_439] : memref<49152x128xf32, #tpu.memory_space<hbm>> -> memref<96x128xf32, #tpu.memory_space<hbm>>
      %dma_start3A_441 = arith.constant 0 : i32
      %dma_start3A_442 = tpu.memref_slice %arg4[%add3A_360, %dma_start3A_441] : memref<49152x128xf32, #tpu.memory_space<hbm>> -> memref<96x128xf32, #tpu.memory_space<hbm>>
      %dma_start3A_443 = arith.constant 0 : i32
      %dma_start3A_444 = arith.constant 0 : i32
      %dma_start3A_445 = tpu.memref_slice %arg6[%run_scoped3A_361, %dma_start3A_443, %dma_start3A_444] : memref<4x96x128xf32, #tpu.memory_space<vmem>> -> memref<1x96x128xf32, #tpu.memory_space<vmem>>
      %dma_start3A_446 = tpu.memref_squeeze %dma_start3A_445 : memref<1x96x128xf32, #tpu.memory_space<vmem>> -> memref<96x128xf32, #tpu.memory_space<vmem>>
      tpu.enqueue_dma source(%dma_start3A_446 : memref<96x128xf32, #tpu.memory_space<vmem>>) target(%dma_start3A_442 : memref<96x128xf32, #tpu.memory_space<hbm>>) target_semaphore(%run_scoped3A_434 : memref<!tpu.dma_semaphore, #tpu.memory_space<semaphore_mem>>)
      %dma_wait3A_447 = arith.constant 0 : i32
      %dma_wait3A_448 = arith.constant 0 : i32
      %dma_wait3A_449 = tpu.memref_slice %arg6[%run_scoped3A_361, %dma_wait3A_447, %dma_wait3A_448] : memref<4x96x128xf32, #tpu.memory_space<vmem>> -> memref<1x96x128xf32, #tpu.memory_space<vmem>>
      %dma_wait3A_450 = tpu.memref_squeeze %dma_wait3A_449 : memref<1x96x128xf32, #tpu.memory_space<vmem>> -> memref<96x128xf32, #tpu.memory_space<vmem>>
      %dma_wait3A_451 = arith.constant 0 : i32
      %dma_wait3A_452 = tpu.memref_slice %arg4[%add3A_360, %dma_wait3A_451] : memref<49152x128xf32, #tpu.memory_space<hbm>> -> memref<96x128xf32, #tpu.memory_space<hbm>>
      %dma_wait3A_453 = arith.constant 0 : i32
      %dma_wait3A_454 = tpu.memref_slice %arg4[%add3A_360, %dma_wait3A_453] : memref<49152x128xf32, #tpu.memory_space<hbm>> -> memref<96x128xf32, #tpu.memory_space<hbm>>
      %dma_wait3A_455 = arith.constant 0 : i32
      %dma_wait3A_456 = arith.constant 0 : i32
      %dma_wait3A_457 = tpu.memref_slice %arg6[%run_scoped3A_361, %dma_wait3A_455, %dma_wait3A_456] : memref<4x96x128xf32, #tpu.memory_space<vmem>> -> memref<1x96x128xf32, #tpu.memory_space<vmem>>
      %dma_wait3A_458 = tpu.memref_squeeze %dma_wait3A_457 : memref<1x96x128xf32, #tpu.memory_space<vmem>> -> memref<96x128xf32, #tpu.memory_space<vmem>>
      tpu.wait_dma2 semaphore(%run_scoped3A_434 : memref<!tpu.dma_semaphore, #tpu.memory_space<semaphore_mem>>) src(%dma_wait3A_458 : memref<96x128xf32, #tpu.memory_space<vmem>>) dst(%dma_wait3A_454 : memref<96x128xf32, #tpu.memory_space<hbm>>)
      tpu.yield
    }) : () -> ()
    %dma_start3A_362 = arith.constant 15 : i32
    %dma_start3A_363 = arith.constant 3 : i32
    %dma_start3A_364 = arith.constant 0 : i32
    %dma_start3A_365 = arith.constant 0 : i32
    %dma_start3A_366 = tpu.memref_slice %arg6[%dma_start3A_363, %dma_start3A_364, %dma_start3A_365] : memref<4x96x128xf32, #tpu.memory_space<vmem>> -> memref<1x96x128xf32, #tpu.memory_space<vmem>>
    %dma_start3A_367 = tpu.memref_squeeze %dma_start3A_366 : memref<1x96x128xf32, #tpu.memory_space<vmem>> -> memref<96x128xf32, #tpu.memory_space<vmem>>
    %dma_start3A_368 = arith.constant 0 : i32
    %dma_start3A_369 = tpu.memref_slice %arg5[%dma_start3A_362, %dma_start3A_368] : memref<16x96xi32, #tpu.memory_space<vmem>> -> memref<1x96xi32, #tpu.memory_space<vmem>>
    %dma_start3A_370 = tpu.memref_squeeze %dma_start3A_369 : memref<1x96xi32, #tpu.memory_space<vmem>> -> memref<96xi32, #tpu.memory_space<vmem>>
    %dma_start3A_371 = arith.constant 0 : i32
    %dma_start3A_372 = arith.constant 0 : i32
    %dma_start3A_373 = tpu.memref_slice %arg2[%dma_start3A_371, %dma_start3A_372] : memref<50000x128xf32, #tpu.memory_space<hbm>> -> memref<50000x128xf32, #tpu.memory_space<hbm>>
    tpu.enqueue_indirect_dma source(%dma_start3A_373 : memref<50000x128xf32, #tpu.memory_space<hbm>>) target(%dma_start3A_367 : memref<96x128xf32, #tpu.memory_space<vmem>>) offsets(%dma_start3A_370 : memref<96xi32, #tpu.memory_space<vmem>>) semaphore(%arg10 : memref<!tpu.dma_semaphore, #tpu.memory_space<semaphore_mem>>)
    %dma_wait3A_374 = arith.constant 12 : i32
    %dma_wait3A_375 = arith.constant 0 : i32
    %dma_wait3A_376 = arith.constant 0 : i32
    %dma_wait3A_377 = arith.constant 0 : i32
    %dma_wait3A_378 = tpu.memref_slice %arg6[%dma_wait3A_375, %dma_wait3A_376, %dma_wait3A_377] : memref<4x96x128xf32, #tpu.memory_space<vmem>> -> memref<1x96x128xf32, #tpu.memory_space<vmem>>
    %dma_wait3A_379 = tpu.memref_squeeze %dma_wait3A_378 : memref<1x96x128xf32, #tpu.memory_space<vmem>> -> memref<96x128xf32, #tpu.memory_space<vmem>>
    %dma_wait3A_380 = arith.constant 0 : i32
    %dma_wait3A_381 = tpu.memref_slice %arg5[%dma_wait3A_374, %dma_wait3A_380] : memref<16x96xi32, #tpu.memory_space<vmem>> -> memref<1x96xi32, #tpu.memory_space<vmem>>
    %dma_wait3A_382 = tpu.memref_squeeze %dma_wait3A_381 : memref<1x96xi32, #tpu.memory_space<vmem>> -> memref<96xi32, #tpu.memory_space<vmem>>
    %dma_wait3A_383 = arith.constant 0 : i32
    %dma_wait3A_384 = arith.constant 0 : i32
    %dma_wait3A_385 = tpu.memref_slice %arg2[%dma_wait3A_383, %dma_wait3A_384] : memref<50000x128xf32, #tpu.memory_space<hbm>> -> memref<50000x128xf32, #tpu.memory_space<hbm>>
    tpu.wait_indirect_dma semaphore(%arg7 : memref<!tpu.dma_semaphore, #tpu.memory_space<semaphore_mem>>) src(%dma_wait3A_385 : memref<50000x128xf32, #tpu.memory_space<hbm>>) dst(%dma_wait3A_379 : memref<96x128xf32, #tpu.memory_space<vmem>>)
    %add3A_386 = arith.constant 1152 : i32
    %add3A_387 = arith.addi %mul3A_2, %add3A_386 : i32
    %run_scoped3A_388 = arith.constant 0 : i32
    "tpu.region"() ({
      %run_scoped3A_434 = tpu.sem_alloc : memref<!tpu.dma_semaphore, #tpu.memory_space<semaphore_mem>>
      %dma_start3A_435 = arith.constant 0 : i32
      %dma_start3A_436 = arith.constant 0 : i32
      %dma_start3A_437 = tpu.memref_slice %arg6[%run_scoped3A_388, %dma_start3A_435, %dma_start3A_436] : memref<4x96x128xf32, #tpu.memory_space<vmem>> -> memref<1x96x128xf32, #tpu.memory_space<vmem>>
      %dma_start3A_438 = tpu.memref_squeeze %dma_start3A_437 : memref<1x96x128xf32, #tpu.memory_space<vmem>> -> memref<96x128xf32, #tpu.memory_space<vmem>>
      %dma_start3A_439 = arith.constant 0 : i32
      %dma_start3A_440 = tpu.memref_slice %arg4[%add3A_387, %dma_start3A_439] : memref<49152x128xf32, #tpu.memory_space<hbm>> -> memref<96x128xf32, #tpu.memory_space<hbm>>
      %dma_start3A_441 = arith.constant 0 : i32
      %dma_start3A_442 = tpu.memref_slice %arg4[%add3A_387, %dma_start3A_441] : memref<49152x128xf32, #tpu.memory_space<hbm>> -> memref<96x128xf32, #tpu.memory_space<hbm>>
      %dma_start3A_443 = arith.constant 0 : i32
      %dma_start3A_444 = arith.constant 0 : i32
      %dma_start3A_445 = tpu.memref_slice %arg6[%run_scoped3A_388, %dma_start3A_443, %dma_start3A_444] : memref<4x96x128xf32, #tpu.memory_space<vmem>> -> memref<1x96x128xf32, #tpu.memory_space<vmem>>
      %dma_start3A_446 = tpu.memref_squeeze %dma_start3A_445 : memref<1x96x128xf32, #tpu.memory_space<vmem>> -> memref<96x128xf32, #tpu.memory_space<vmem>>
      tpu.enqueue_dma source(%dma_start3A_446 : memref<96x128xf32, #tpu.memory_space<vmem>>) target(%dma_start3A_442 : memref<96x128xf32, #tpu.memory_space<hbm>>) target_semaphore(%run_scoped3A_434 : memref<!tpu.dma_semaphore, #tpu.memory_space<semaphore_mem>>)
      %dma_wait3A_447 = arith.constant 0 : i32
      %dma_wait3A_448 = arith.constant 0 : i32
      %dma_wait3A_449 = tpu.memref_slice %arg6[%run_scoped3A_388, %dma_wait3A_447, %dma_wait3A_448] : memref<4x96x128xf32, #tpu.memory_space<vmem>> -> memref<1x96x128xf32, #tpu.memory_space<vmem>>
      %dma_wait3A_450 = tpu.memref_squeeze %dma_wait3A_449 : memref<1x96x128xf32, #tpu.memory_space<vmem>> -> memref<96x128xf32, #tpu.memory_space<vmem>>
      %dma_wait3A_451 = arith.constant 0 : i32
      %dma_wait3A_452 = tpu.memref_slice %arg4[%add3A_387, %dma_wait3A_451] : memref<49152x128xf32, #tpu.memory_space<hbm>> -> memref<96x128xf32, #tpu.memory_space<hbm>>
      %dma_wait3A_453 = arith.constant 0 : i32
      %dma_wait3A_454 = tpu.memref_slice %arg4[%add3A_387, %dma_wait3A_453] : memref<49152x128xf32, #tpu.memory_space<hbm>> -> memref<96x128xf32, #tpu.memory_space<hbm>>
      %dma_wait3A_455 = arith.constant 0 : i32
      %dma_wait3A_456 = arith.constant 0 : i32
      %dma_wait3A_457 = tpu.memref_slice %arg6[%run_scoped3A_388, %dma_wait3A_455, %dma_wait3A_456] : memref<4x96x128xf32, #tpu.memory_space<vmem>> -> memref<1x96x128xf32, #tpu.memory_space<vmem>>
      %dma_wait3A_458 = tpu.memref_squeeze %dma_wait3A_457 : memref<1x96x128xf32, #tpu.memory_space<vmem>> -> memref<96x128xf32, #tpu.memory_space<vmem>>
      tpu.wait_dma2 semaphore(%run_scoped3A_434 : memref<!tpu.dma_semaphore, #tpu.memory_space<semaphore_mem>>) src(%dma_wait3A_458 : memref<96x128xf32, #tpu.memory_space<vmem>>) dst(%dma_wait3A_454 : memref<96x128xf32, #tpu.memory_space<hbm>>)
      tpu.yield
    }) : () -> ()
    %dma_wait3A_389 = arith.constant 13 : i32
    %dma_wait3A_390 = arith.constant 1 : i32
    %dma_wait3A_391 = arith.constant 0 : i32
    %dma_wait3A_392 = arith.constant 0 : i32
    %dma_wait3A_393 = tpu.memref_slice %arg6[%dma_wait3A_390, %dma_wait3A_391, %dma_wait3A_392] : memref<4x96x128xf32, #tpu.memory_space<vmem>> -> memref<1x96x128xf32, #tpu.memory_space<vmem>>
    %dma_wait3A_394 = tpu.memref_squeeze %dma_wait3A_393 : memref<1x96x128xf32, #tpu.memory_space<vmem>> -> memref<96x128xf32, #tpu.memory_space<vmem>>
    %dma_wait3A_395 = arith.constant 0 : i32
    %dma_wait3A_396 = tpu.memref_slice %arg5[%dma_wait3A_389, %dma_wait3A_395] : memref<16x96xi32, #tpu.memory_space<vmem>> -> memref<1x96xi32, #tpu.memory_space<vmem>>
    %dma_wait3A_397 = tpu.memref_squeeze %dma_wait3A_396 : memref<1x96xi32, #tpu.memory_space<vmem>> -> memref<96xi32, #tpu.memory_space<vmem>>
    %dma_wait3A_398 = arith.constant 0 : i32
    %dma_wait3A_399 = arith.constant 0 : i32
    %dma_wait3A_400 = tpu.memref_slice %arg2[%dma_wait3A_398, %dma_wait3A_399] : memref<50000x128xf32, #tpu.memory_space<hbm>> -> memref<50000x128xf32, #tpu.memory_space<hbm>>
    tpu.wait_indirect_dma semaphore(%arg8 : memref<!tpu.dma_semaphore, #tpu.memory_space<semaphore_mem>>) src(%dma_wait3A_400 : memref<50000x128xf32, #tpu.memory_space<hbm>>) dst(%dma_wait3A_394 : memref<96x128xf32, #tpu.memory_space<vmem>>)
    %add3A_401 = arith.constant 1248 : i32
    %add3A_402 = arith.addi %mul3A_2, %add3A_401 : i32
    %run_scoped3A_403 = arith.constant 1 : i32
    "tpu.region"() ({
      %run_scoped3A_434 = tpu.sem_alloc : memref<!tpu.dma_semaphore, #tpu.memory_space<semaphore_mem>>
      %dma_start3A_435 = arith.constant 0 : i32
      %dma_start3A_436 = arith.constant 0 : i32
      %dma_start3A_437 = tpu.memref_slice %arg6[%run_scoped3A_403, %dma_start3A_435, %dma_start3A_436] : memref<4x96x128xf32, #tpu.memory_space<vmem>> -> memref<1x96x128xf32, #tpu.memory_space<vmem>>
      %dma_start3A_438 = tpu.memref_squeeze %dma_start3A_437 : memref<1x96x128xf32, #tpu.memory_space<vmem>> -> memref<96x128xf32, #tpu.memory_space<vmem>>
      %dma_start3A_439 = arith.constant 0 : i32
      %dma_start3A_440 = tpu.memref_slice %arg4[%add3A_402, %dma_start3A_439] : memref<49152x128xf32, #tpu.memory_space<hbm>> -> memref<96x128xf32, #tpu.memory_space<hbm>>
      %dma_start3A_441 = arith.constant 0 : i32
      %dma_start3A_442 = tpu.memref_slice %arg4[%add3A_402, %dma_start3A_441] : memref<49152x128xf32, #tpu.memory_space<hbm>> -> memref<96x128xf32, #tpu.memory_space<hbm>>
      %dma_start3A_443 = arith.constant 0 : i32
      %dma_start3A_444 = arith.constant 0 : i32
      %dma_start3A_445 = tpu.memref_slice %arg6[%run_scoped3A_403, %dma_start3A_443, %dma_start3A_444] : memref<4x96x128xf32, #tpu.memory_space<vmem>> -> memref<1x96x128xf32, #tpu.memory_space<vmem>>
      %dma_start3A_446 = tpu.memref_squeeze %dma_start3A_445 : memref<1x96x128xf32, #tpu.memory_space<vmem>> -> memref<96x128xf32, #tpu.memory_space<vmem>>
      tpu.enqueue_dma source(%dma_start3A_446 : memref<96x128xf32, #tpu.memory_space<vmem>>) target(%dma_start3A_442 : memref<96x128xf32, #tpu.memory_space<hbm>>) target_semaphore(%run_scoped3A_434 : memref<!tpu.dma_semaphore, #tpu.memory_space<semaphore_mem>>)
      %dma_wait3A_447 = arith.constant 0 : i32
      %dma_wait3A_448 = arith.constant 0 : i32
      %dma_wait3A_449 = tpu.memref_slice %arg6[%run_scoped3A_403, %dma_wait3A_447, %dma_wait3A_448] : memref<4x96x128xf32, #tpu.memory_space<vmem>> -> memref<1x96x128xf32, #tpu.memory_space<vmem>>
      %dma_wait3A_450 = tpu.memref_squeeze %dma_wait3A_449 : memref<1x96x128xf32, #tpu.memory_space<vmem>> -> memref<96x128xf32, #tpu.memory_space<vmem>>
      %dma_wait3A_451 = arith.constant 0 : i32
      %dma_wait3A_452 = tpu.memref_slice %arg4[%add3A_402, %dma_wait3A_451] : memref<49152x128xf32, #tpu.memory_space<hbm>> -> memref<96x128xf32, #tpu.memory_space<hbm>>
      %dma_wait3A_453 = arith.constant 0 : i32
      %dma_wait3A_454 = tpu.memref_slice %arg4[%add3A_402, %dma_wait3A_453] : memref<49152x128xf32, #tpu.memory_space<hbm>> -> memref<96x128xf32, #tpu.memory_space<hbm>>
      %dma_wait3A_455 = arith.constant 0 : i32
      %dma_wait3A_456 = arith.constant 0 : i32
      %dma_wait3A_457 = tpu.memref_slice %arg6[%run_scoped3A_403, %dma_wait3A_455, %dma_wait3A_456] : memref<4x96x128xf32, #tpu.memory_space<vmem>> -> memref<1x96x128xf32, #tpu.memory_space<vmem>>
      %dma_wait3A_458 = tpu.memref_squeeze %dma_wait3A_457 : memref<1x96x128xf32, #tpu.memory_space<vmem>> -> memref<96x128xf32, #tpu.memory_space<vmem>>
      tpu.wait_dma2 semaphore(%run_scoped3A_434 : memref<!tpu.dma_semaphore, #tpu.memory_space<semaphore_mem>>) src(%dma_wait3A_458 : memref<96x128xf32, #tpu.memory_space<vmem>>) dst(%dma_wait3A_454 : memref<96x128xf32, #tpu.memory_space<hbm>>)
      tpu.yield
    }) : () -> ()
    %dma_wait3A_404 = arith.constant 14 : i32
    %dma_wait3A_405 = arith.constant 2 : i32
    %dma_wait3A_406 = arith.constant 0 : i32
    %dma_wait3A_407 = arith.constant 0 : i32
    %dma_wait3A_408 = tpu.memref_slice %arg6[%dma_wait3A_405, %dma_wait3A_406, %dma_wait3A_407] : memref<4x96x128xf32, #tpu.memory_space<vmem>> -> memref<1x96x128xf32, #tpu.memory_space<vmem>>
    %dma_wait3A_409 = tpu.memref_squeeze %dma_wait3A_408 : memref<1x96x128xf32, #tpu.memory_space<vmem>> -> memref<96x128xf32, #tpu.memory_space<vmem>>
    %dma_wait3A_410 = arith.constant 0 : i32
    %dma_wait3A_411 = tpu.memref_slice %arg5[%dma_wait3A_404, %dma_wait3A_410] : memref<16x96xi32, #tpu.memory_space<vmem>> -> memref<1x96xi32, #tpu.memory_space<vmem>>
    %dma_wait3A_412 = tpu.memref_squeeze %dma_wait3A_411 : memref<1x96xi32, #tpu.memory_space<vmem>> -> memref<96xi32, #tpu.memory_space<vmem>>
    %dma_wait3A_413 = arith.constant 0 : i32
    %dma_wait3A_414 = arith.constant 0 : i32
    %dma_wait3A_415 = tpu.memref_slice %arg2[%dma_wait3A_413, %dma_wait3A_414] : memref<50000x128xf32, #tpu.memory_space<hbm>> -> memref<50000x128xf32, #tpu.memory_space<hbm>>
    tpu.wait_indirect_dma semaphore(%arg9 : memref<!tpu.dma_semaphore, #tpu.memory_space<semaphore_mem>>) src(%dma_wait3A_415 : memref<50000x128xf32, #tpu.memory_space<hbm>>) dst(%dma_wait3A_409 : memref<96x128xf32, #tpu.memory_space<vmem>>)
    %add3A_416 = arith.constant 1344 : i32
    %add3A_417 = arith.addi %mul3A_2, %add3A_416 : i32
    %run_scoped3A_418 = arith.constant 2 : i32
    "tpu.region"() ({
      %run_scoped3A_434 = tpu.sem_alloc : memref<!tpu.dma_semaphore, #tpu.memory_space<semaphore_mem>>
      %dma_start3A_435 = arith.constant 0 : i32
      %dma_start3A_436 = arith.constant 0 : i32
      %dma_start3A_437 = tpu.memref_slice %arg6[%run_scoped3A_418, %dma_start3A_435, %dma_start3A_436] : memref<4x96x128xf32, #tpu.memory_space<vmem>> -> memref<1x96x128xf32, #tpu.memory_space<vmem>>
      %dma_start3A_438 = tpu.memref_squeeze %dma_start3A_437 : memref<1x96x128xf32, #tpu.memory_space<vmem>> -> memref<96x128xf32, #tpu.memory_space<vmem>>
      %dma_start3A_439 = arith.constant 0 : i32
      %dma_start3A_440 = tpu.memref_slice %arg4[%add3A_417, %dma_start3A_439] : memref<49152x128xf32, #tpu.memory_space<hbm>> -> memref<96x128xf32, #tpu.memory_space<hbm>>
      %dma_start3A_441 = arith.constant 0 : i32
      %dma_start3A_442 = tpu.memref_slice %arg4[%add3A_417, %dma_start3A_441] : memref<49152x128xf32, #tpu.memory_space<hbm>> -> memref<96x128xf32, #tpu.memory_space<hbm>>
      %dma_start3A_443 = arith.constant 0 : i32
      %dma_start3A_444 = arith.constant 0 : i32
      %dma_start3A_445 = tpu.memref_slice %arg6[%run_scoped3A_418, %dma_start3A_443, %dma_start3A_444] : memref<4x96x128xf32, #tpu.memory_space<vmem>> -> memref<1x96x128xf32, #tpu.memory_space<vmem>>
      %dma_start3A_446 = tpu.memref_squeeze %dma_start3A_445 : memref<1x96x128xf32, #tpu.memory_space<vmem>> -> memref<96x128xf32, #tpu.memory_space<vmem>>
      tpu.enqueue_dma source(%dma_start3A_446 : memref<96x128xf32, #tpu.memory_space<vmem>>) target(%dma_start3A_442 : memref<96x128xf32, #tpu.memory_space<hbm>>) target_semaphore(%run_scoped3A_434 : memref<!tpu.dma_semaphore, #tpu.memory_space<semaphore_mem>>)
      %dma_wait3A_447 = arith.constant 0 : i32
      %dma_wait3A_448 = arith.constant 0 : i32
      %dma_wait3A_449 = tpu.memref_slice %arg6[%run_scoped3A_418, %dma_wait3A_447, %dma_wait3A_448] : memref<4x96x128xf32, #tpu.memory_space<vmem>> -> memref<1x96x128xf32, #tpu.memory_space<vmem>>
      %dma_wait3A_450 = tpu.memref_squeeze %dma_wait3A_449 : memref<1x96x128xf32, #tpu.memory_space<vmem>> -> memref<96x128xf32, #tpu.memory_space<vmem>>
      %dma_wait3A_451 = arith.constant 0 : i32
      %dma_wait3A_452 = tpu.memref_slice %arg4[%add3A_417, %dma_wait3A_451] : memref<49152x128xf32, #tpu.memory_space<hbm>> -> memref<96x128xf32, #tpu.memory_space<hbm>>
      %dma_wait3A_453 = arith.constant 0 : i32
      %dma_wait3A_454 = tpu.memref_slice %arg4[%add3A_417, %dma_wait3A_453] : memref<49152x128xf32, #tpu.memory_space<hbm>> -> memref<96x128xf32, #tpu.memory_space<hbm>>
      %dma_wait3A_455 = arith.constant 0 : i32
      %dma_wait3A_456 = arith.constant 0 : i32
      %dma_wait3A_457 = tpu.memref_slice %arg6[%run_scoped3A_418, %dma_wait3A_455, %dma_wait3A_456] : memref<4x96x128xf32, #tpu.memory_space<vmem>> -> memref<1x96x128xf32, #tpu.memory_space<vmem>>
      %dma_wait3A_458 = tpu.memref_squeeze %dma_wait3A_457 : memref<1x96x128xf32, #tpu.memory_space<vmem>> -> memref<96x128xf32, #tpu.memory_space<vmem>>
      tpu.wait_dma2 semaphore(%run_scoped3A_434 : memref<!tpu.dma_semaphore, #tpu.memory_space<semaphore_mem>>) src(%dma_wait3A_458 : memref<96x128xf32, #tpu.memory_space<vmem>>) dst(%dma_wait3A_454 : memref<96x128xf32, #tpu.memory_space<hbm>>)
      tpu.yield
    }) : () -> ()
    %dma_wait3A_419 = arith.constant 15 : i32
    %dma_wait3A_420 = arith.constant 3 : i32
    %dma_wait3A_421 = arith.constant 0 : i32
    %dma_wait3A_422 = arith.constant 0 : i32
    %dma_wait3A_423 = tpu.memref_slice %arg6[%dma_wait3A_420, %dma_wait3A_421, %dma_wait3A_422] : memref<4x96x128xf32, #tpu.memory_space<vmem>> -> memref<1x96x128xf32, #tpu.memory_space<vmem>>
    %dma_wait3A_424 = tpu.memref_squeeze %dma_wait3A_423 : memref<1x96x128xf32, #tpu.memory_space<vmem>> -> memref<96x128xf32, #tpu.memory_space<vmem>>
    %dma_wait3A_425 = arith.constant 0 : i32
    %dma_wait3A_426 = tpu.memref_slice %arg5[%dma_wait3A_419, %dma_wait3A_425] : memref<16x96xi32, #tpu.memory_space<vmem>> -> memref<1x96xi32, #tpu.memory_space<vmem>>
    %dma_wait3A_427 = tpu.memref_squeeze %dma_wait3A_426 : memref<1x96xi32, #tpu.memory_space<vmem>> -> memref<96xi32, #tpu.memory_space<vmem>>
    %dma_wait3A_428 = arith.constant 0 : i32
    %dma_wait3A_429 = arith.constant 0 : i32
    %dma_wait3A_430 = tpu.memref_slice %arg2[%dma_wait3A_428, %dma_wait3A_429] : memref<50000x128xf32, #tpu.memory_space<hbm>> -> memref<50000x128xf32, #tpu.memory_space<hbm>>
    tpu.wait_indirect_dma semaphore(%arg10 : memref<!tpu.dma_semaphore, #tpu.memory_space<semaphore_mem>>) src(%dma_wait3A_430 : memref<50000x128xf32, #tpu.memory_space<hbm>>) dst(%dma_wait3A_424 : memref<96x128xf32, #tpu.memory_space<vmem>>)
    %add3A_431 = arith.constant 1440 : i32
    %add3A_432 = arith.addi %mul3A_2, %add3A_431 : i32
    %run_scoped3A_433 = arith.constant 3 : i32
    "tpu.region"() ({
      %run_scoped3A_434 = tpu.sem_alloc : memref<!tpu.dma_semaphore, #tpu.memory_space<semaphore_mem>>
      %dma_start3A_435 = arith.constant 0 : i32
      %dma_start3A_436 = arith.constant 0 : i32
      %dma_start3A_437 = tpu.memref_slice %arg6[%run_scoped3A_433, %dma_start3A_435, %dma_start3A_436] : memref<4x96x128xf32, #tpu.memory_space<vmem>> -> memref<1x96x128xf32, #tpu.memory_space<vmem>>
      %dma_start3A_438 = tpu.memref_squeeze %dma_start3A_437 : memref<1x96x128xf32, #tpu.memory_space<vmem>> -> memref<96x128xf32, #tpu.memory_space<vmem>>
      %dma_start3A_439 = arith.constant 0 : i32
      %dma_start3A_440 = tpu.memref_slice %arg4[%add3A_432, %dma_start3A_439] : memref<49152x128xf32, #tpu.memory_space<hbm>> -> memref<96x128xf32, #tpu.memory_space<hbm>>
      %dma_start3A_441 = arith.constant 0 : i32
      %dma_start3A_442 = tpu.memref_slice %arg4[%add3A_432, %dma_start3A_441] : memref<49152x128xf32, #tpu.memory_space<hbm>> -> memref<96x128xf32, #tpu.memory_space<hbm>>
      %dma_start3A_443 = arith.constant 0 : i32
      %dma_start3A_444 = arith.constant 0 : i32
      %dma_start3A_445 = tpu.memref_slice %arg6[%run_scoped3A_433, %dma_start3A_443, %dma_start3A_444] : memref<4x96x128xf32, #tpu.memory_space<vmem>> -> memref<1x96x128xf32, #tpu.memory_space<vmem>>
      %dma_start3A_446 = tpu.memref_squeeze %dma_start3A_445 : memref<1x96x128xf32, #tpu.memory_space<vmem>> -> memref<96x128xf32, #tpu.memory_space<vmem>>
      tpu.enqueue_dma source(%dma_start3A_446 : memref<96x128xf32, #tpu.memory_space<vmem>>) target(%dma_start3A_442 : memref<96x128xf32, #tpu.memory_space<hbm>>) target_semaphore(%run_scoped3A_434 : memref<!tpu.dma_semaphore, #tpu.memory_space<semaphore_mem>>)
      %dma_wait3A_447 = arith.constant 0 : i32
      %dma_wait3A_448 = arith.constant 0 : i32
      %dma_wait3A_449 = tpu.memref_slice %arg6[%run_scoped3A_433, %dma_wait3A_447, %dma_wait3A_448] : memref<4x96x128xf32, #tpu.memory_space<vmem>> -> memref<1x96x128xf32, #tpu.memory_space<vmem>>
      %dma_wait3A_450 = tpu.memref_squeeze %dma_wait3A_449 : memref<1x96x128xf32, #tpu.memory_space<vmem>> -> memref<96x128xf32, #tpu.memory_space<vmem>>
      %dma_wait3A_451 = arith.constant 0 : i32
      %dma_wait3A_452 = tpu.memref_slice %arg4[%add3A_432, %dma_wait3A_451] : memref<49152x128xf32, #tpu.memory_space<hbm>> -> memref<96x128xf32, #tpu.memory_space<hbm>>
      %dma_wait3A_453 = arith.constant 0 : i32
      %dma_wait3A_454 = tpu.memref_slice %arg4[%add3A_432, %dma_wait3A_453] : memref<49152x128xf32, #tpu.memory_space<hbm>> -> memref<96x128xf32, #tpu.memory_space<hbm>>
      %dma_wait3A_455 = arith.constant 0 : i32
      %dma_wait3A_456 = arith.constant 0 : i32
      %dma_wait3A_457 = tpu.memref_slice %arg6[%run_scoped3A_433, %dma_wait3A_455, %dma_wait3A_456] : memref<4x96x128xf32, #tpu.memory_space<vmem>> -> memref<1x96x128xf32, #tpu.memory_space<vmem>>
      %dma_wait3A_458 = tpu.memref_squeeze %dma_wait3A_457 : memref<1x96x128xf32, #tpu.memory_space<vmem>> -> memref<96x128xf32, #tpu.memory_space<vmem>>
      tpu.wait_dma2 semaphore(%run_scoped3A_434 : memref<!tpu.dma_semaphore, #tpu.memory_space<semaphore_mem>>) src(%dma_wait3A_458 : memref<96x128xf32, #tpu.memory_space<vmem>>) dst(%dma_wait3A_454 : memref<96x128xf32, #tpu.memory_space<hbm>>)
      tpu.yield
    }) : () -> ()
    return
  }
}

#map = affine_map<(d0, d1) -> (0, 0)>
module attributes {stable_mosaic.version = 14 : i64} {
  func.func @gather_k(%arg0: i32, %arg1: i32, %arg2: memref<3211264x128xf32, #tpu.memory_space<hbm>>, %arg3: memref<512x96xi32, #tpu.memory_space<hbm>>, %arg4: memref<49152x128xf32, #tpu.memory_space<hbm>>, %arg5: memref<16x96xi32, #tpu.memory_space<vmem>>, %arg6: memref<4x96x128xf32, #tpu.memory_space<vmem>>, %arg7: memref<!tpu.dma_semaphore, #tpu.memory_space<semaphore_mem>>, %arg8: memref<!tpu.dma_semaphore, #tpu.memory_space<semaphore_mem>>, %arg9: memref<!tpu.dma_semaphore, #tpu.memory_space<semaphore_mem>>, %arg10: memref<!tpu.dma_semaphore, #tpu.memory_space<semaphore_mem>>) attributes {dimension_semantics = [#tpu.dimension_semantics<core_parallel>, #tpu.dimension_semantics<subcore_parallel>], iteration_bounds = array<i64: 2, 16>, scalar_prefetch = 0 : i64, scratch_operands = 6 : i64, tpu.core_type = #tpu.core_type<sc_vector_subcore>, window_params = [{transform_indices = #map}, {transform_indices = #map}, {transform_indices = #map}]} {
    %mul3A = arith.constant 2 : i32
    %mul3A_0 = arith.muli %arg1, %mul3A : i32
    %add3A = arith.addi %mul3A_0, %arg0 : i32
    %mul3A_1 = arith.constant 1536 : i32
    %mul3A_2 = arith.muli %add3A, %mul3A_1 : i32
    %mul3A_3 = arith.constant 16 : i32
    %mul3A_4 = arith.muli %add3A, %mul3A_3 : i32
    "tpu.region"() ({
      %run_scoped3A_434 = tpu.sem_alloc : memref<!tpu.dma_semaphore, #tpu.memory_space<semaphore_mem>>
      %dma_start3A_435 = arith.constant 0 : i32
      %dma_start3A_436 = tpu.memref_slice %arg3[%mul3A_4, %dma_start3A_435] : memref<512x96xi32, #tpu.memory_space<hbm>> -> memref<16x96xi32, #tpu.memory_space<hbm>>
      %dma_start3A_437 = arith.constant 0 : i32
      %dma_start3A_438 = tpu.memref_slice %arg3[%mul3A_4, %dma_start3A_437] : memref<512x96xi32, #tpu.memory_space<hbm>> -> memref<16x96xi32, #tpu.memory_space<hbm>>
      tpu.enqueue_dma source(%dma_start3A_438 : memref<16x96xi32, #tpu.memory_space<hbm>>) target(%arg5 : memref<16x96xi32, #tpu.memory_space<vmem>>) target_semaphore(%run_scoped3A_434 : memref<!tpu.dma_semaphore, #tpu.memory_space<semaphore_mem>>)
      %dma_wait3A_439 = arith.constant 0 : i32
      %dma_wait3A_440 = tpu.memref_slice %arg3[%mul3A_4, %dma_wait3A_439] : memref<512x96xi32, #tpu.memory_space<hbm>> -> memref<16x96xi32, #tpu.memory_space<hbm>>
      %dma_wait3A_441 = arith.constant 0 : i32
      %dma_wait3A_442 = tpu.memref_slice %arg3[%mul3A_4, %dma_wait3A_441] : memref<512x96xi32, #tpu.memory_space<hbm>> -> memref<16x96xi32, #tpu.memory_space<hbm>>
      tpu.wait_dma2 semaphore(%run_scoped3A_434 : memref<!tpu.dma_semaphore, #tpu.memory_space<semaphore_mem>>) src(%dma_wait3A_442 : memref<16x96xi32, #tpu.memory_space<hbm>>) dst(%arg5 : memref<16x96xi32, #tpu.memory_space<vmem>>)
      tpu.yield
    }) : () -> ()
    %dma_start3A = arith.constant 0 : i32
    %dma_start3A_5 = arith.constant 0 : i32
    %dma_start3A_6 = arith.constant 0 : i32
    %dma_start3A_7 = arith.constant 0 : i32
    %dma_start3A_8 = tpu.memref_slice %arg6[%dma_start3A_5, %dma_start3A_6, %dma_start3A_7] : memref<4x96x128xf32, #tpu.memory_space<vmem>> -> memref<1x96x128xf32, #tpu.memory_space<vmem>>
    %dma_start3A_9 = tpu.memref_squeeze %dma_start3A_8 : memref<1x96x128xf32, #tpu.memory_space<vmem>> -> memref<96x128xf32, #tpu.memory_space<vmem>>
    %dma_start3A_10 = arith.constant 0 : i32
    %dma_start3A_11 = tpu.memref_slice %arg5[%dma_start3A, %dma_start3A_10] : memref<16x96xi32, #tpu.memory_space<vmem>> -> memref<1x96xi32, #tpu.memory_space<vmem>>
    %dma_start3A_12 = tpu.memref_squeeze %dma_start3A_11 : memref<1x96xi32, #tpu.memory_space<vmem>> -> memref<96xi32, #tpu.memory_space<vmem>>
    %dma_start3A_13 = arith.constant 0 : i32
    %dma_start3A_14 = arith.constant 0 : i32
    %dma_start3A_15 = tpu.memref_slice %arg2[%dma_start3A_13, %dma_start3A_14] : memref<3211264x128xf32, #tpu.memory_space<hbm>> -> memref<3211264x128xf32, #tpu.memory_space<hbm>>
    tpu.enqueue_indirect_dma source(%dma_start3A_15 : memref<3211264x128xf32, #tpu.memory_space<hbm>>) target(%dma_start3A_9 : memref<96x128xf32, #tpu.memory_space<vmem>>) offsets(%dma_start3A_12 : memref<96xi32, #tpu.memory_space<vmem>>) semaphore(%arg7 : memref<!tpu.dma_semaphore, #tpu.memory_space<semaphore_mem>>)
    %dma_start3A_16 = arith.constant 1 : i32
    %dma_start3A_17 = arith.constant 1 : i32
    %dma_start3A_18 = arith.constant 0 : i32
    %dma_start3A_19 = arith.constant 0 : i32
    %dma_start3A_20 = tpu.memref_slice %arg6[%dma_start3A_17, %dma_start3A_18, %dma_start3A_19] : memref<4x96x128xf32, #tpu.memory_space<vmem>> -> memref<1x96x128xf32, #tpu.memory_space<vmem>>
    %dma_start3A_21 = tpu.memref_squeeze %dma_start3A_20 : memref<1x96x128xf32, #tpu.memory_space<vmem>> -> memref<96x128xf32, #tpu.memory_space<vmem>>
    %dma_start3A_22 = arith.constant 0 : i32
    %dma_start3A_23 = tpu.memref_slice %arg5[%dma_start3A_16, %dma_start3A_22] : memref<16x96xi32, #tpu.memory_space<vmem>> -> memref<1x96xi32, #tpu.memory_space<vmem>>
    %dma_start3A_24 = tpu.memref_squeeze %dma_start3A_23 : memref<1x96xi32, #tpu.memory_space<vmem>> -> memref<96xi32, #tpu.memory_space<vmem>>
    %dma_start3A_25 = arith.constant 0 : i32
    %dma_start3A_26 = arith.constant 0 : i32
    %dma_start3A_27 = tpu.memref_slice %arg2[%dma_start3A_25, %dma_start3A_26] : memref<3211264x128xf32, #tpu.memory_space<hbm>> -> memref<3211264x128xf32, #tpu.memory_space<hbm>>
    tpu.enqueue_indirect_dma source(%dma_start3A_27 : memref<3211264x128xf32, #tpu.memory_space<hbm>>) target(%dma_start3A_21 : memref<96x128xf32, #tpu.memory_space<vmem>>) offsets(%dma_start3A_24 : memref<96xi32, #tpu.memory_space<vmem>>) semaphore(%arg8 : memref<!tpu.dma_semaphore, #tpu.memory_space<semaphore_mem>>)
    %dma_start3A_28 = arith.constant 2 : i32
    %dma_start3A_29 = arith.constant 2 : i32
    %dma_start3A_30 = arith.constant 0 : i32
    %dma_start3A_31 = arith.constant 0 : i32
    %dma_start3A_32 = tpu.memref_slice %arg6[%dma_start3A_29, %dma_start3A_30, %dma_start3A_31] : memref<4x96x128xf32, #tpu.memory_space<vmem>> -> memref<1x96x128xf32, #tpu.memory_space<vmem>>
    %dma_start3A_33 = tpu.memref_squeeze %dma_start3A_32 : memref<1x96x128xf32, #tpu.memory_space<vmem>> -> memref<96x128xf32, #tpu.memory_space<vmem>>
    %dma_start3A_34 = arith.constant 0 : i32
    %dma_start3A_35 = tpu.memref_slice %arg5[%dma_start3A_28, %dma_start3A_34] : memref<16x96xi32, #tpu.memory_space<vmem>> -> memref<1x96xi32, #tpu.memory_space<vmem>>
    %dma_start3A_36 = tpu.memref_squeeze %dma_start3A_35 : memref<1x96xi32, #tpu.memory_space<vmem>> -> memref<96xi32, #tpu.memory_space<vmem>>
    %dma_start3A_37 = arith.constant 0 : i32
    %dma_start3A_38 = arith.constant 0 : i32
    %dma_start3A_39 = tpu.memref_slice %arg2[%dma_start3A_37, %dma_start3A_38] : memref<3211264x128xf32, #tpu.memory_space<hbm>> -> memref<3211264x128xf32, #tpu.memory_space<hbm>>
    tpu.enqueue_indirect_dma source(%dma_start3A_39 : memref<3211264x128xf32, #tpu.memory_space<hbm>>) target(%dma_start3A_33 : memref<96x128xf32, #tpu.memory_space<vmem>>) offsets(%dma_start3A_36 : memref<96xi32, #tpu.memory_space<vmem>>) semaphore(%arg9 : memref<!tpu.dma_semaphore, #tpu.memory_space<semaphore_mem>>)
    %dma_start3A_40 = arith.constant 3 : i32
    %dma_start3A_41 = arith.constant 3 : i32
    %dma_start3A_42 = arith.constant 0 : i32
    %dma_start3A_43 = arith.constant 0 : i32
    %dma_start3A_44 = tpu.memref_slice %arg6[%dma_start3A_41, %dma_start3A_42, %dma_start3A_43] : memref<4x96x128xf32, #tpu.memory_space<vmem>> -> memref<1x96x128xf32, #tpu.memory_space<vmem>>
    %dma_start3A_45 = tpu.memref_squeeze %dma_start3A_44 : memref<1x96x128xf32, #tpu.memory_space<vmem>> -> memref<96x128xf32, #tpu.memory_space<vmem>>
    %dma_start3A_46 = arith.constant 0 : i32
    %dma_start3A_47 = tpu.memref_slice %arg5[%dma_start3A_40, %dma_start3A_46] : memref<16x96xi32, #tpu.memory_space<vmem>> -> memref<1x96xi32, #tpu.memory_space<vmem>>
    %dma_start3A_48 = tpu.memref_squeeze %dma_start3A_47 : memref<1x96xi32, #tpu.memory_space<vmem>> -> memref<96xi32, #tpu.memory_space<vmem>>
    %dma_start3A_49 = arith.constant 0 : i32
    %dma_start3A_50 = arith.constant 0 : i32
    %dma_start3A_51 = tpu.memref_slice %arg2[%dma_start3A_49, %dma_start3A_50] : memref<3211264x128xf32, #tpu.memory_space<hbm>> -> memref<3211264x128xf32, #tpu.memory_space<hbm>>
    tpu.enqueue_indirect_dma source(%dma_start3A_51 : memref<3211264x128xf32, #tpu.memory_space<hbm>>) target(%dma_start3A_45 : memref<96x128xf32, #tpu.memory_space<vmem>>) offsets(%dma_start3A_48 : memref<96xi32, #tpu.memory_space<vmem>>) semaphore(%arg10 : memref<!tpu.dma_semaphore, #tpu.memory_space<semaphore_mem>>)
    %dma_wait3A = arith.constant 0 : i32
    %dma_wait3A_52 = arith.constant 0 : i32
    %dma_wait3A_53 = arith.constant 0 : i32
    %dma_wait3A_54 = arith.constant 0 : i32
    %dma_wait3A_55 = tpu.memref_slice %arg6[%dma_wait3A_52, %dma_wait3A_53, %dma_wait3A_54] : memref<4x96x128xf32, #tpu.memory_space<vmem>> -> memref<1x96x128xf32, #tpu.memory_space<vmem>>
    %dma_wait3A_56 = tpu.memref_squeeze %dma_wait3A_55 : memref<1x96x128xf32, #tpu.memory_space<vmem>> -> memref<96x128xf32, #tpu.memory_space<vmem>>
    %dma_wait3A_57 = arith.constant 0 : i32
    %dma_wait3A_58 = tpu.memref_slice %arg5[%dma_wait3A, %dma_wait3A_57] : memref<16x96xi32, #tpu.memory_space<vmem>> -> memref<1x96xi32, #tpu.memory_space<vmem>>
    %dma_wait3A_59 = tpu.memref_squeeze %dma_wait3A_58 : memref<1x96xi32, #tpu.memory_space<vmem>> -> memref<96xi32, #tpu.memory_space<vmem>>
    %dma_wait3A_60 = arith.constant 0 : i32
    %dma_wait3A_61 = arith.constant 0 : i32
    %dma_wait3A_62 = tpu.memref_slice %arg2[%dma_wait3A_60, %dma_wait3A_61] : memref<3211264x128xf32, #tpu.memory_space<hbm>> -> memref<3211264x128xf32, #tpu.memory_space<hbm>>
    tpu.wait_indirect_dma semaphore(%arg7 : memref<!tpu.dma_semaphore, #tpu.memory_space<semaphore_mem>>) src(%dma_wait3A_62 : memref<3211264x128xf32, #tpu.memory_space<hbm>>) dst(%dma_wait3A_56 : memref<96x128xf32, #tpu.memory_space<vmem>>)
    %add3A_63 = arith.constant 0 : i32
    %add3A_64 = arith.addi %mul3A_2, %add3A_63 : i32
    %run_scoped3A = arith.constant 0 : i32
    "tpu.region"() ({
      %run_scoped3A_434 = tpu.sem_alloc : memref<!tpu.dma_semaphore, #tpu.memory_space<semaphore_mem>>
      %dma_start3A_435 = arith.constant 0 : i32
      %dma_start3A_436 = arith.constant 0 : i32
      %dma_start3A_437 = tpu.memref_slice %arg6[%run_scoped3A, %dma_start3A_435, %dma_start3A_436] : memref<4x96x128xf32, #tpu.memory_space<vmem>> -> memref<1x96x128xf32, #tpu.memory_space<vmem>>
      %dma_start3A_438 = tpu.memref_squeeze %dma_start3A_437 : memref<1x96x128xf32, #tpu.memory_space<vmem>> -> memref<96x128xf32, #tpu.memory_space<vmem>>
      %dma_start3A_439 = arith.constant 0 : i32
      %dma_start3A_440 = tpu.memref_slice %arg4[%add3A_64, %dma_start3A_439] : memref<49152x128xf32, #tpu.memory_space<hbm>> -> memref<96x128xf32, #tpu.memory_space<hbm>>
      %dma_start3A_441 = arith.constant 0 : i32
      %dma_start3A_442 = tpu.memref_slice %arg4[%add3A_64, %dma_start3A_441] : memref<49152x128xf32, #tpu.memory_space<hbm>> -> memref<96x128xf32, #tpu.memory_space<hbm>>
      %dma_start3A_443 = arith.constant 0 : i32
      %dma_start3A_444 = arith.constant 0 : i32
      %dma_start3A_445 = tpu.memref_slice %arg6[%run_scoped3A, %dma_start3A_443, %dma_start3A_444] : memref<4x96x128xf32, #tpu.memory_space<vmem>> -> memref<1x96x128xf32, #tpu.memory_space<vmem>>
      %dma_start3A_446 = tpu.memref_squeeze %dma_start3A_445 : memref<1x96x128xf32, #tpu.memory_space<vmem>> -> memref<96x128xf32, #tpu.memory_space<vmem>>
      tpu.enqueue_dma source(%dma_start3A_446 : memref<96x128xf32, #tpu.memory_space<vmem>>) target(%dma_start3A_442 : memref<96x128xf32, #tpu.memory_space<hbm>>) target_semaphore(%run_scoped3A_434 : memref<!tpu.dma_semaphore, #tpu.memory_space<semaphore_mem>>)
      %dma_wait3A_447 = arith.constant 0 : i32
      %dma_wait3A_448 = arith.constant 0 : i32
      %dma_wait3A_449 = tpu.memref_slice %arg6[%run_scoped3A, %dma_wait3A_447, %dma_wait3A_448] : memref<4x96x128xf32, #tpu.memory_space<vmem>> -> memref<1x96x128xf32, #tpu.memory_space<vmem>>
      %dma_wait3A_450 = tpu.memref_squeeze %dma_wait3A_449 : memref<1x96x128xf32, #tpu.memory_space<vmem>> -> memref<96x128xf32, #tpu.memory_space<vmem>>
      %dma_wait3A_451 = arith.constant 0 : i32
      %dma_wait3A_452 = tpu.memref_slice %arg4[%add3A_64, %dma_wait3A_451] : memref<49152x128xf32, #tpu.memory_space<hbm>> -> memref<96x128xf32, #tpu.memory_space<hbm>>
      %dma_wait3A_453 = arith.constant 0 : i32
      %dma_wait3A_454 = tpu.memref_slice %arg4[%add3A_64, %dma_wait3A_453] : memref<49152x128xf32, #tpu.memory_space<hbm>> -> memref<96x128xf32, #tpu.memory_space<hbm>>
      %dma_wait3A_455 = arith.constant 0 : i32
      %dma_wait3A_456 = arith.constant 0 : i32
      %dma_wait3A_457 = tpu.memref_slice %arg6[%run_scoped3A, %dma_wait3A_455, %dma_wait3A_456] : memref<4x96x128xf32, #tpu.memory_space<vmem>> -> memref<1x96x128xf32, #tpu.memory_space<vmem>>
      %dma_wait3A_458 = tpu.memref_squeeze %dma_wait3A_457 : memref<1x96x128xf32, #tpu.memory_space<vmem>> -> memref<96x128xf32, #tpu.memory_space<vmem>>
      tpu.wait_dma2 semaphore(%run_scoped3A_434 : memref<!tpu.dma_semaphore, #tpu.memory_space<semaphore_mem>>) src(%dma_wait3A_458 : memref<96x128xf32, #tpu.memory_space<vmem>>) dst(%dma_wait3A_454 : memref<96x128xf32, #tpu.memory_space<hbm>>)
      tpu.yield
    }) : () -> ()
    %dma_start3A_65 = arith.constant 4 : i32
    %dma_start3A_66 = arith.constant 0 : i32
    %dma_start3A_67 = arith.constant 0 : i32
    %dma_start3A_68 = arith.constant 0 : i32
    %dma_start3A_69 = tpu.memref_slice %arg6[%dma_start3A_66, %dma_start3A_67, %dma_start3A_68] : memref<4x96x128xf32, #tpu.memory_space<vmem>> -> memref<1x96x128xf32, #tpu.memory_space<vmem>>
    %dma_start3A_70 = tpu.memref_squeeze %dma_start3A_69 : memref<1x96x128xf32, #tpu.memory_space<vmem>> -> memref<96x128xf32, #tpu.memory_space<vmem>>
    %dma_start3A_71 = arith.constant 0 : i32
    %dma_start3A_72 = tpu.memref_slice %arg5[%dma_start3A_65, %dma_start3A_71] : memref<16x96xi32, #tpu.memory_space<vmem>> -> memref<1x96xi32, #tpu.memory_space<vmem>>
    %dma_start3A_73 = tpu.memref_squeeze %dma_start3A_72 : memref<1x96xi32, #tpu.memory_space<vmem>> -> memref<96xi32, #tpu.memory_space<vmem>>
    %dma_start3A_74 = arith.constant 0 : i32
    %dma_start3A_75 = arith.constant 0 : i32
    %dma_start3A_76 = tpu.memref_slice %arg2[%dma_start3A_74, %dma_start3A_75] : memref<3211264x128xf32, #tpu.memory_space<hbm>> -> memref<3211264x128xf32, #tpu.memory_space<hbm>>
    tpu.enqueue_indirect_dma source(%dma_start3A_76 : memref<3211264x128xf32, #tpu.memory_space<hbm>>) target(%dma_start3A_70 : memref<96x128xf32, #tpu.memory_space<vmem>>) offsets(%dma_start3A_73 : memref<96xi32, #tpu.memory_space<vmem>>) semaphore(%arg7 : memref<!tpu.dma_semaphore, #tpu.memory_space<semaphore_mem>>)
    %dma_wait3A_77 = arith.constant 1 : i32
    %dma_wait3A_78 = arith.constant 1 : i32
    %dma_wait3A_79 = arith.constant 0 : i32
    %dma_wait3A_80 = arith.constant 0 : i32
    %dma_wait3A_81 = tpu.memref_slice %arg6[%dma_wait3A_78, %dma_wait3A_79, %dma_wait3A_80] : memref<4x96x128xf32, #tpu.memory_space<vmem>> -> memref<1x96x128xf32, #tpu.memory_space<vmem>>
    %dma_wait3A_82 = tpu.memref_squeeze %dma_wait3A_81 : memref<1x96x128xf32, #tpu.memory_space<vmem>> -> memref<96x128xf32, #tpu.memory_space<vmem>>
    %dma_wait3A_83 = arith.constant 0 : i32
    %dma_wait3A_84 = tpu.memref_slice %arg5[%dma_wait3A_77, %dma_wait3A_83] : memref<16x96xi32, #tpu.memory_space<vmem>> -> memref<1x96xi32, #tpu.memory_space<vmem>>
    %dma_wait3A_85 = tpu.memref_squeeze %dma_wait3A_84 : memref<1x96xi32, #tpu.memory_space<vmem>> -> memref<96xi32, #tpu.memory_space<vmem>>
    %dma_wait3A_86 = arith.constant 0 : i32
    %dma_wait3A_87 = arith.constant 0 : i32
    %dma_wait3A_88 = tpu.memref_slice %arg2[%dma_wait3A_86, %dma_wait3A_87] : memref<3211264x128xf32, #tpu.memory_space<hbm>> -> memref<3211264x128xf32, #tpu.memory_space<hbm>>
    tpu.wait_indirect_dma semaphore(%arg8 : memref<!tpu.dma_semaphore, #tpu.memory_space<semaphore_mem>>) src(%dma_wait3A_88 : memref<3211264x128xf32, #tpu.memory_space<hbm>>) dst(%dma_wait3A_82 : memref<96x128xf32, #tpu.memory_space<vmem>>)
    %add3A_89 = arith.constant 96 : i32
    %add3A_90 = arith.addi %mul3A_2, %add3A_89 : i32
    %run_scoped3A_91 = arith.constant 1 : i32
    "tpu.region"() ({
      %run_scoped3A_434 = tpu.sem_alloc : memref<!tpu.dma_semaphore, #tpu.memory_space<semaphore_mem>>
      %dma_start3A_435 = arith.constant 0 : i32
      %dma_start3A_436 = arith.constant 0 : i32
      %dma_start3A_437 = tpu.memref_slice %arg6[%run_scoped3A_91, %dma_start3A_435, %dma_start3A_436] : memref<4x96x128xf32, #tpu.memory_space<vmem>> -> memref<1x96x128xf32, #tpu.memory_space<vmem>>
      %dma_start3A_438 = tpu.memref_squeeze %dma_start3A_437 : memref<1x96x128xf32, #tpu.memory_space<vmem>> -> memref<96x128xf32, #tpu.memory_space<vmem>>
      %dma_start3A_439 = arith.constant 0 : i32
      %dma_start3A_440 = tpu.memref_slice %arg4[%add3A_90, %dma_start3A_439] : memref<49152x128xf32, #tpu.memory_space<hbm>> -> memref<96x128xf32, #tpu.memory_space<hbm>>
      %dma_start3A_441 = arith.constant 0 : i32
      %dma_start3A_442 = tpu.memref_slice %arg4[%add3A_90, %dma_start3A_441] : memref<49152x128xf32, #tpu.memory_space<hbm>> -> memref<96x128xf32, #tpu.memory_space<hbm>>
      %dma_start3A_443 = arith.constant 0 : i32
      %dma_start3A_444 = arith.constant 0 : i32
      %dma_start3A_445 = tpu.memref_slice %arg6[%run_scoped3A_91, %dma_start3A_443, %dma_start3A_444] : memref<4x96x128xf32, #tpu.memory_space<vmem>> -> memref<1x96x128xf32, #tpu.memory_space<vmem>>
      %dma_start3A_446 = tpu.memref_squeeze %dma_start3A_445 : memref<1x96x128xf32, #tpu.memory_space<vmem>> -> memref<96x128xf32, #tpu.memory_space<vmem>>
      tpu.enqueue_dma source(%dma_start3A_446 : memref<96x128xf32, #tpu.memory_space<vmem>>) target(%dma_start3A_442 : memref<96x128xf32, #tpu.memory_space<hbm>>) target_semaphore(%run_scoped3A_434 : memref<!tpu.dma_semaphore, #tpu.memory_space<semaphore_mem>>)
      %dma_wait3A_447 = arith.constant 0 : i32
      %dma_wait3A_448 = arith.constant 0 : i32
      %dma_wait3A_449 = tpu.memref_slice %arg6[%run_scoped3A_91, %dma_wait3A_447, %dma_wait3A_448] : memref<4x96x128xf32, #tpu.memory_space<vmem>> -> memref<1x96x128xf32, #tpu.memory_space<vmem>>
      %dma_wait3A_450 = tpu.memref_squeeze %dma_wait3A_449 : memref<1x96x128xf32, #tpu.memory_space<vmem>> -> memref<96x128xf32, #tpu.memory_space<vmem>>
      %dma_wait3A_451 = arith.constant 0 : i32
      %dma_wait3A_452 = tpu.memref_slice %arg4[%add3A_90, %dma_wait3A_451] : memref<49152x128xf32, #tpu.memory_space<hbm>> -> memref<96x128xf32, #tpu.memory_space<hbm>>
      %dma_wait3A_453 = arith.constant 0 : i32
      %dma_wait3A_454 = tpu.memref_slice %arg4[%add3A_90, %dma_wait3A_453] : memref<49152x128xf32, #tpu.memory_space<hbm>> -> memref<96x128xf32, #tpu.memory_space<hbm>>
      %dma_wait3A_455 = arith.constant 0 : i32
      %dma_wait3A_456 = arith.constant 0 : i32
      %dma_wait3A_457 = tpu.memref_slice %arg6[%run_scoped3A_91, %dma_wait3A_455, %dma_wait3A_456] : memref<4x96x128xf32, #tpu.memory_space<vmem>> -> memref<1x96x128xf32, #tpu.memory_space<vmem>>
      %dma_wait3A_458 = tpu.memref_squeeze %dma_wait3A_457 : memref<1x96x128xf32, #tpu.memory_space<vmem>> -> memref<96x128xf32, #tpu.memory_space<vmem>>
      tpu.wait_dma2 semaphore(%run_scoped3A_434 : memref<!tpu.dma_semaphore, #tpu.memory_space<semaphore_mem>>) src(%dma_wait3A_458 : memref<96x128xf32, #tpu.memory_space<vmem>>) dst(%dma_wait3A_454 : memref<96x128xf32, #tpu.memory_space<hbm>>)
      tpu.yield
    }) : () -> ()
    %dma_start3A_92 = arith.constant 5 : i32
    %dma_start3A_93 = arith.constant 1 : i32
    %dma_start3A_94 = arith.constant 0 : i32
    %dma_start3A_95 = arith.constant 0 : i32
    %dma_start3A_96 = tpu.memref_slice %arg6[%dma_start3A_93, %dma_start3A_94, %dma_start3A_95] : memref<4x96x128xf32, #tpu.memory_space<vmem>> -> memref<1x96x128xf32, #tpu.memory_space<vmem>>
    %dma_start3A_97 = tpu.memref_squeeze %dma_start3A_96 : memref<1x96x128xf32, #tpu.memory_space<vmem>> -> memref<96x128xf32, #tpu.memory_space<vmem>>
    %dma_start3A_98 = arith.constant 0 : i32
    %dma_start3A_99 = tpu.memref_slice %arg5[%dma_start3A_92, %dma_start3A_98] : memref<16x96xi32, #tpu.memory_space<vmem>> -> memref<1x96xi32, #tpu.memory_space<vmem>>
    %dma_start3A_100 = tpu.memref_squeeze %dma_start3A_99 : memref<1x96xi32, #tpu.memory_space<vmem>> -> memref<96xi32, #tpu.memory_space<vmem>>
    %dma_start3A_101 = arith.constant 0 : i32
    %dma_start3A_102 = arith.constant 0 : i32
    %dma_start3A_103 = tpu.memref_slice %arg2[%dma_start3A_101, %dma_start3A_102] : memref<3211264x128xf32, #tpu.memory_space<hbm>> -> memref<3211264x128xf32, #tpu.memory_space<hbm>>
    tpu.enqueue_indirect_dma source(%dma_start3A_103 : memref<3211264x128xf32, #tpu.memory_space<hbm>>) target(%dma_start3A_97 : memref<96x128xf32, #tpu.memory_space<vmem>>) offsets(%dma_start3A_100 : memref<96xi32, #tpu.memory_space<vmem>>) semaphore(%arg8 : memref<!tpu.dma_semaphore, #tpu.memory_space<semaphore_mem>>)
    %dma_wait3A_104 = arith.constant 2 : i32
    %dma_wait3A_105 = arith.constant 2 : i32
    %dma_wait3A_106 = arith.constant 0 : i32
    %dma_wait3A_107 = arith.constant 0 : i32
    %dma_wait3A_108 = tpu.memref_slice %arg6[%dma_wait3A_105, %dma_wait3A_106, %dma_wait3A_107] : memref<4x96x128xf32, #tpu.memory_space<vmem>> -> memref<1x96x128xf32, #tpu.memory_space<vmem>>
    %dma_wait3A_109 = tpu.memref_squeeze %dma_wait3A_108 : memref<1x96x128xf32, #tpu.memory_space<vmem>> -> memref<96x128xf32, #tpu.memory_space<vmem>>
    %dma_wait3A_110 = arith.constant 0 : i32
    %dma_wait3A_111 = tpu.memref_slice %arg5[%dma_wait3A_104, %dma_wait3A_110] : memref<16x96xi32, #tpu.memory_space<vmem>> -> memref<1x96xi32, #tpu.memory_space<vmem>>
    %dma_wait3A_112 = tpu.memref_squeeze %dma_wait3A_111 : memref<1x96xi32, #tpu.memory_space<vmem>> -> memref<96xi32, #tpu.memory_space<vmem>>
    %dma_wait3A_113 = arith.constant 0 : i32
    %dma_wait3A_114 = arith.constant 0 : i32
    %dma_wait3A_115 = tpu.memref_slice %arg2[%dma_wait3A_113, %dma_wait3A_114] : memref<3211264x128xf32, #tpu.memory_space<hbm>> -> memref<3211264x128xf32, #tpu.memory_space<hbm>>
    tpu.wait_indirect_dma semaphore(%arg9 : memref<!tpu.dma_semaphore, #tpu.memory_space<semaphore_mem>>) src(%dma_wait3A_115 : memref<3211264x128xf32, #tpu.memory_space<hbm>>) dst(%dma_wait3A_109 : memref<96x128xf32, #tpu.memory_space<vmem>>)
    %add3A_116 = arith.constant 192 : i32
    %add3A_117 = arith.addi %mul3A_2, %add3A_116 : i32
    %run_scoped3A_118 = arith.constant 2 : i32
    "tpu.region"() ({
      %run_scoped3A_434 = tpu.sem_alloc : memref<!tpu.dma_semaphore, #tpu.memory_space<semaphore_mem>>
      %dma_start3A_435 = arith.constant 0 : i32
      %dma_start3A_436 = arith.constant 0 : i32
      %dma_start3A_437 = tpu.memref_slice %arg6[%run_scoped3A_118, %dma_start3A_435, %dma_start3A_436] : memref<4x96x128xf32, #tpu.memory_space<vmem>> -> memref<1x96x128xf32, #tpu.memory_space<vmem>>
      %dma_start3A_438 = tpu.memref_squeeze %dma_start3A_437 : memref<1x96x128xf32, #tpu.memory_space<vmem>> -> memref<96x128xf32, #tpu.memory_space<vmem>>
      %dma_start3A_439 = arith.constant 0 : i32
      %dma_start3A_440 = tpu.memref_slice %arg4[%add3A_117, %dma_start3A_439] : memref<49152x128xf32, #tpu.memory_space<hbm>> -> memref<96x128xf32, #tpu.memory_space<hbm>>
      %dma_start3A_441 = arith.constant 0 : i32
      %dma_start3A_442 = tpu.memref_slice %arg4[%add3A_117, %dma_start3A_441] : memref<49152x128xf32, #tpu.memory_space<hbm>> -> memref<96x128xf32, #tpu.memory_space<hbm>>
      %dma_start3A_443 = arith.constant 0 : i32
      %dma_start3A_444 = arith.constant 0 : i32
      %dma_start3A_445 = tpu.memref_slice %arg6[%run_scoped3A_118, %dma_start3A_443, %dma_start3A_444] : memref<4x96x128xf32, #tpu.memory_space<vmem>> -> memref<1x96x128xf32, #tpu.memory_space<vmem>>
      %dma_start3A_446 = tpu.memref_squeeze %dma_start3A_445 : memref<1x96x128xf32, #tpu.memory_space<vmem>> -> memref<96x128xf32, #tpu.memory_space<vmem>>
      tpu.enqueue_dma source(%dma_start3A_446 : memref<96x128xf32, #tpu.memory_space<vmem>>) target(%dma_start3A_442 : memref<96x128xf32, #tpu.memory_space<hbm>>) target_semaphore(%run_scoped3A_434 : memref<!tpu.dma_semaphore, #tpu.memory_space<semaphore_mem>>)
      %dma_wait3A_447 = arith.constant 0 : i32
      %dma_wait3A_448 = arith.constant 0 : i32
      %dma_wait3A_449 = tpu.memref_slice %arg6[%run_scoped3A_118, %dma_wait3A_447, %dma_wait3A_448] : memref<4x96x128xf32, #tpu.memory_space<vmem>> -> memref<1x96x128xf32, #tpu.memory_space<vmem>>
      %dma_wait3A_450 = tpu.memref_squeeze %dma_wait3A_449 : memref<1x96x128xf32, #tpu.memory_space<vmem>> -> memref<96x128xf32, #tpu.memory_space<vmem>>
      %dma_wait3A_451 = arith.constant 0 : i32
      %dma_wait3A_452 = tpu.memref_slice %arg4[%add3A_117, %dma_wait3A_451] : memref<49152x128xf32, #tpu.memory_space<hbm>> -> memref<96x128xf32, #tpu.memory_space<hbm>>
      %dma_wait3A_453 = arith.constant 0 : i32
      %dma_wait3A_454 = tpu.memref_slice %arg4[%add3A_117, %dma_wait3A_453] : memref<49152x128xf32, #tpu.memory_space<hbm>> -> memref<96x128xf32, #tpu.memory_space<hbm>>
      %dma_wait3A_455 = arith.constant 0 : i32
      %dma_wait3A_456 = arith.constant 0 : i32
      %dma_wait3A_457 = tpu.memref_slice %arg6[%run_scoped3A_118, %dma_wait3A_455, %dma_wait3A_456] : memref<4x96x128xf32, #tpu.memory_space<vmem>> -> memref<1x96x128xf32, #tpu.memory_space<vmem>>
      %dma_wait3A_458 = tpu.memref_squeeze %dma_wait3A_457 : memref<1x96x128xf32, #tpu.memory_space<vmem>> -> memref<96x128xf32, #tpu.memory_space<vmem>>
      tpu.wait_dma2 semaphore(%run_scoped3A_434 : memref<!tpu.dma_semaphore, #tpu.memory_space<semaphore_mem>>) src(%dma_wait3A_458 : memref<96x128xf32, #tpu.memory_space<vmem>>) dst(%dma_wait3A_454 : memref<96x128xf32, #tpu.memory_space<hbm>>)
      tpu.yield
    }) : () -> ()
    %dma_start3A_119 = arith.constant 6 : i32
    %dma_start3A_120 = arith.constant 2 : i32
    %dma_start3A_121 = arith.constant 0 : i32
    %dma_start3A_122 = arith.constant 0 : i32
    %dma_start3A_123 = tpu.memref_slice %arg6[%dma_start3A_120, %dma_start3A_121, %dma_start3A_122] : memref<4x96x128xf32, #tpu.memory_space<vmem>> -> memref<1x96x128xf32, #tpu.memory_space<vmem>>
    %dma_start3A_124 = tpu.memref_squeeze %dma_start3A_123 : memref<1x96x128xf32, #tpu.memory_space<vmem>> -> memref<96x128xf32, #tpu.memory_space<vmem>>
    %dma_start3A_125 = arith.constant 0 : i32
    %dma_start3A_126 = tpu.memref_slice %arg5[%dma_start3A_119, %dma_start3A_125] : memref<16x96xi32, #tpu.memory_space<vmem>> -> memref<1x96xi32, #tpu.memory_space<vmem>>
    %dma_start3A_127 = tpu.memref_squeeze %dma_start3A_126 : memref<1x96xi32, #tpu.memory_space<vmem>> -> memref<96xi32, #tpu.memory_space<vmem>>
    %dma_start3A_128 = arith.constant 0 : i32
    %dma_start3A_129 = arith.constant 0 : i32
    %dma_start3A_130 = tpu.memref_slice %arg2[%dma_start3A_128, %dma_start3A_129] : memref<3211264x128xf32, #tpu.memory_space<hbm>> -> memref<3211264x128xf32, #tpu.memory_space<hbm>>
    tpu.enqueue_indirect_dma source(%dma_start3A_130 : memref<3211264x128xf32, #tpu.memory_space<hbm>>) target(%dma_start3A_124 : memref<96x128xf32, #tpu.memory_space<vmem>>) offsets(%dma_start3A_127 : memref<96xi32, #tpu.memory_space<vmem>>) semaphore(%arg9 : memref<!tpu.dma_semaphore, #tpu.memory_space<semaphore_mem>>)
    %dma_wait3A_131 = arith.constant 3 : i32
    %dma_wait3A_132 = arith.constant 3 : i32
    %dma_wait3A_133 = arith.constant 0 : i32
    %dma_wait3A_134 = arith.constant 0 : i32
    %dma_wait3A_135 = tpu.memref_slice %arg6[%dma_wait3A_132, %dma_wait3A_133, %dma_wait3A_134] : memref<4x96x128xf32, #tpu.memory_space<vmem>> -> memref<1x96x128xf32, #tpu.memory_space<vmem>>
    %dma_wait3A_136 = tpu.memref_squeeze %dma_wait3A_135 : memref<1x96x128xf32, #tpu.memory_space<vmem>> -> memref<96x128xf32, #tpu.memory_space<vmem>>
    %dma_wait3A_137 = arith.constant 0 : i32
    %dma_wait3A_138 = tpu.memref_slice %arg5[%dma_wait3A_131, %dma_wait3A_137] : memref<16x96xi32, #tpu.memory_space<vmem>> -> memref<1x96xi32, #tpu.memory_space<vmem>>
    %dma_wait3A_139 = tpu.memref_squeeze %dma_wait3A_138 : memref<1x96xi32, #tpu.memory_space<vmem>> -> memref<96xi32, #tpu.memory_space<vmem>>
    %dma_wait3A_140 = arith.constant 0 : i32
    %dma_wait3A_141 = arith.constant 0 : i32
    %dma_wait3A_142 = tpu.memref_slice %arg2[%dma_wait3A_140, %dma_wait3A_141] : memref<3211264x128xf32, #tpu.memory_space<hbm>> -> memref<3211264x128xf32, #tpu.memory_space<hbm>>
    tpu.wait_indirect_dma semaphore(%arg10 : memref<!tpu.dma_semaphore, #tpu.memory_space<semaphore_mem>>) src(%dma_wait3A_142 : memref<3211264x128xf32, #tpu.memory_space<hbm>>) dst(%dma_wait3A_136 : memref<96x128xf32, #tpu.memory_space<vmem>>)
    %add3A_143 = arith.constant 288 : i32
    %add3A_144 = arith.addi %mul3A_2, %add3A_143 : i32
    %run_scoped3A_145 = arith.constant 3 : i32
    "tpu.region"() ({
      %run_scoped3A_434 = tpu.sem_alloc : memref<!tpu.dma_semaphore, #tpu.memory_space<semaphore_mem>>
      %dma_start3A_435 = arith.constant 0 : i32
      %dma_start3A_436 = arith.constant 0 : i32
      %dma_start3A_437 = tpu.memref_slice %arg6[%run_scoped3A_145, %dma_start3A_435, %dma_start3A_436] : memref<4x96x128xf32, #tpu.memory_space<vmem>> -> memref<1x96x128xf32, #tpu.memory_space<vmem>>
      %dma_start3A_438 = tpu.memref_squeeze %dma_start3A_437 : memref<1x96x128xf32, #tpu.memory_space<vmem>> -> memref<96x128xf32, #tpu.memory_space<vmem>>
      %dma_start3A_439 = arith.constant 0 : i32
      %dma_start3A_440 = tpu.memref_slice %arg4[%add3A_144, %dma_start3A_439] : memref<49152x128xf32, #tpu.memory_space<hbm>> -> memref<96x128xf32, #tpu.memory_space<hbm>>
      %dma_start3A_441 = arith.constant 0 : i32
      %dma_start3A_442 = tpu.memref_slice %arg4[%add3A_144, %dma_start3A_441] : memref<49152x128xf32, #tpu.memory_space<hbm>> -> memref<96x128xf32, #tpu.memory_space<hbm>>
      %dma_start3A_443 = arith.constant 0 : i32
      %dma_start3A_444 = arith.constant 0 : i32
      %dma_start3A_445 = tpu.memref_slice %arg6[%run_scoped3A_145, %dma_start3A_443, %dma_start3A_444] : memref<4x96x128xf32, #tpu.memory_space<vmem>> -> memref<1x96x128xf32, #tpu.memory_space<vmem>>
      %dma_start3A_446 = tpu.memref_squeeze %dma_start3A_445 : memref<1x96x128xf32, #tpu.memory_space<vmem>> -> memref<96x128xf32, #tpu.memory_space<vmem>>
      tpu.enqueue_dma source(%dma_start3A_446 : memref<96x128xf32, #tpu.memory_space<vmem>>) target(%dma_start3A_442 : memref<96x128xf32, #tpu.memory_space<hbm>>) target_semaphore(%run_scoped3A_434 : memref<!tpu.dma_semaphore, #tpu.memory_space<semaphore_mem>>)
      %dma_wait3A_447 = arith.constant 0 : i32
      %dma_wait3A_448 = arith.constant 0 : i32
      %dma_wait3A_449 = tpu.memref_slice %arg6[%run_scoped3A_145, %dma_wait3A_447, %dma_wait3A_448] : memref<4x96x128xf32, #tpu.memory_space<vmem>> -> memref<1x96x128xf32, #tpu.memory_space<vmem>>
      %dma_wait3A_450 = tpu.memref_squeeze %dma_wait3A_449 : memref<1x96x128xf32, #tpu.memory_space<vmem>> -> memref<96x128xf32, #tpu.memory_space<vmem>>
      %dma_wait3A_451 = arith.constant 0 : i32
      %dma_wait3A_452 = tpu.memref_slice %arg4[%add3A_144, %dma_wait3A_451] : memref<49152x128xf32, #tpu.memory_space<hbm>> -> memref<96x128xf32, #tpu.memory_space<hbm>>
      %dma_wait3A_453 = arith.constant 0 : i32
      %dma_wait3A_454 = tpu.memref_slice %arg4[%add3A_144, %dma_wait3A_453] : memref<49152x128xf32, #tpu.memory_space<hbm>> -> memref<96x128xf32, #tpu.memory_space<hbm>>
      %dma_wait3A_455 = arith.constant 0 : i32
      %dma_wait3A_456 = arith.constant 0 : i32
      %dma_wait3A_457 = tpu.memref_slice %arg6[%run_scoped3A_145, %dma_wait3A_455, %dma_wait3A_456] : memref<4x96x128xf32, #tpu.memory_space<vmem>> -> memref<1x96x128xf32, #tpu.memory_space<vmem>>
      %dma_wait3A_458 = tpu.memref_squeeze %dma_wait3A_457 : memref<1x96x128xf32, #tpu.memory_space<vmem>> -> memref<96x128xf32, #tpu.memory_space<vmem>>
      tpu.wait_dma2 semaphore(%run_scoped3A_434 : memref<!tpu.dma_semaphore, #tpu.memory_space<semaphore_mem>>) src(%dma_wait3A_458 : memref<96x128xf32, #tpu.memory_space<vmem>>) dst(%dma_wait3A_454 : memref<96x128xf32, #tpu.memory_space<hbm>>)
      tpu.yield
    }) : () -> ()
    %dma_start3A_146 = arith.constant 7 : i32
    %dma_start3A_147 = arith.constant 3 : i32
    %dma_start3A_148 = arith.constant 0 : i32
    %dma_start3A_149 = arith.constant 0 : i32
    %dma_start3A_150 = tpu.memref_slice %arg6[%dma_start3A_147, %dma_start3A_148, %dma_start3A_149] : memref<4x96x128xf32, #tpu.memory_space<vmem>> -> memref<1x96x128xf32, #tpu.memory_space<vmem>>
    %dma_start3A_151 = tpu.memref_squeeze %dma_start3A_150 : memref<1x96x128xf32, #tpu.memory_space<vmem>> -> memref<96x128xf32, #tpu.memory_space<vmem>>
    %dma_start3A_152 = arith.constant 0 : i32
    %dma_start3A_153 = tpu.memref_slice %arg5[%dma_start3A_146, %dma_start3A_152] : memref<16x96xi32, #tpu.memory_space<vmem>> -> memref<1x96xi32, #tpu.memory_space<vmem>>
    %dma_start3A_154 = tpu.memref_squeeze %dma_start3A_153 : memref<1x96xi32, #tpu.memory_space<vmem>> -> memref<96xi32, #tpu.memory_space<vmem>>
    %dma_start3A_155 = arith.constant 0 : i32
    %dma_start3A_156 = arith.constant 0 : i32
    %dma_start3A_157 = tpu.memref_slice %arg2[%dma_start3A_155, %dma_start3A_156] : memref<3211264x128xf32, #tpu.memory_space<hbm>> -> memref<3211264x128xf32, #tpu.memory_space<hbm>>
    tpu.enqueue_indirect_dma source(%dma_start3A_157 : memref<3211264x128xf32, #tpu.memory_space<hbm>>) target(%dma_start3A_151 : memref<96x128xf32, #tpu.memory_space<vmem>>) offsets(%dma_start3A_154 : memref<96xi32, #tpu.memory_space<vmem>>) semaphore(%arg10 : memref<!tpu.dma_semaphore, #tpu.memory_space<semaphore_mem>>)
    %dma_wait3A_158 = arith.constant 4 : i32
    %dma_wait3A_159 = arith.constant 0 : i32
    %dma_wait3A_160 = arith.constant 0 : i32
    %dma_wait3A_161 = arith.constant 0 : i32
    %dma_wait3A_162 = tpu.memref_slice %arg6[%dma_wait3A_159, %dma_wait3A_160, %dma_wait3A_161] : memref<4x96x128xf32, #tpu.memory_space<vmem>> -> memref<1x96x128xf32, #tpu.memory_space<vmem>>
    %dma_wait3A_163 = tpu.memref_squeeze %dma_wait3A_162 : memref<1x96x128xf32, #tpu.memory_space<vmem>> -> memref<96x128xf32, #tpu.memory_space<vmem>>
    %dma_wait3A_164 = arith.constant 0 : i32
    %dma_wait3A_165 = tpu.memref_slice %arg5[%dma_wait3A_158, %dma_wait3A_164] : memref<16x96xi32, #tpu.memory_space<vmem>> -> memref<1x96xi32, #tpu.memory_space<vmem>>
    %dma_wait3A_166 = tpu.memref_squeeze %dma_wait3A_165 : memref<1x96xi32, #tpu.memory_space<vmem>> -> memref<96xi32, #tpu.memory_space<vmem>>
    %dma_wait3A_167 = arith.constant 0 : i32
    %dma_wait3A_168 = arith.constant 0 : i32
    %dma_wait3A_169 = tpu.memref_slice %arg2[%dma_wait3A_167, %dma_wait3A_168] : memref<3211264x128xf32, #tpu.memory_space<hbm>> -> memref<3211264x128xf32, #tpu.memory_space<hbm>>
    tpu.wait_indirect_dma semaphore(%arg7 : memref<!tpu.dma_semaphore, #tpu.memory_space<semaphore_mem>>) src(%dma_wait3A_169 : memref<3211264x128xf32, #tpu.memory_space<hbm>>) dst(%dma_wait3A_163 : memref<96x128xf32, #tpu.memory_space<vmem>>)
    %add3A_170 = arith.constant 384 : i32
    %add3A_171 = arith.addi %mul3A_2, %add3A_170 : i32
    %run_scoped3A_172 = arith.constant 0 : i32
    "tpu.region"() ({
      %run_scoped3A_434 = tpu.sem_alloc : memref<!tpu.dma_semaphore, #tpu.memory_space<semaphore_mem>>
      %dma_start3A_435 = arith.constant 0 : i32
      %dma_start3A_436 = arith.constant 0 : i32
      %dma_start3A_437 = tpu.memref_slice %arg6[%run_scoped3A_172, %dma_start3A_435, %dma_start3A_436] : memref<4x96x128xf32, #tpu.memory_space<vmem>> -> memref<1x96x128xf32, #tpu.memory_space<vmem>>
      %dma_start3A_438 = tpu.memref_squeeze %dma_start3A_437 : memref<1x96x128xf32, #tpu.memory_space<vmem>> -> memref<96x128xf32, #tpu.memory_space<vmem>>
      %dma_start3A_439 = arith.constant 0 : i32
      %dma_start3A_440 = tpu.memref_slice %arg4[%add3A_171, %dma_start3A_439] : memref<49152x128xf32, #tpu.memory_space<hbm>> -> memref<96x128xf32, #tpu.memory_space<hbm>>
      %dma_start3A_441 = arith.constant 0 : i32
      %dma_start3A_442 = tpu.memref_slice %arg4[%add3A_171, %dma_start3A_441] : memref<49152x128xf32, #tpu.memory_space<hbm>> -> memref<96x128xf32, #tpu.memory_space<hbm>>
      %dma_start3A_443 = arith.constant 0 : i32
      %dma_start3A_444 = arith.constant 0 : i32
      %dma_start3A_445 = tpu.memref_slice %arg6[%run_scoped3A_172, %dma_start3A_443, %dma_start3A_444] : memref<4x96x128xf32, #tpu.memory_space<vmem>> -> memref<1x96x128xf32, #tpu.memory_space<vmem>>
      %dma_start3A_446 = tpu.memref_squeeze %dma_start3A_445 : memref<1x96x128xf32, #tpu.memory_space<vmem>> -> memref<96x128xf32, #tpu.memory_space<vmem>>
      tpu.enqueue_dma source(%dma_start3A_446 : memref<96x128xf32, #tpu.memory_space<vmem>>) target(%dma_start3A_442 : memref<96x128xf32, #tpu.memory_space<hbm>>) target_semaphore(%run_scoped3A_434 : memref<!tpu.dma_semaphore, #tpu.memory_space<semaphore_mem>>)
      %dma_wait3A_447 = arith.constant 0 : i32
      %dma_wait3A_448 = arith.constant 0 : i32
      %dma_wait3A_449 = tpu.memref_slice %arg6[%run_scoped3A_172, %dma_wait3A_447, %dma_wait3A_448] : memref<4x96x128xf32, #tpu.memory_space<vmem>> -> memref<1x96x128xf32, #tpu.memory_space<vmem>>
      %dma_wait3A_450 = tpu.memref_squeeze %dma_wait3A_449 : memref<1x96x128xf32, #tpu.memory_space<vmem>> -> memref<96x128xf32, #tpu.memory_space<vmem>>
      %dma_wait3A_451 = arith.constant 0 : i32
      %dma_wait3A_452 = tpu.memref_slice %arg4[%add3A_171, %dma_wait3A_451] : memref<49152x128xf32, #tpu.memory_space<hbm>> -> memref<96x128xf32, #tpu.memory_space<hbm>>
      %dma_wait3A_453 = arith.constant 0 : i32
      %dma_wait3A_454 = tpu.memref_slice %arg4[%add3A_171, %dma_wait3A_453] : memref<49152x128xf32, #tpu.memory_space<hbm>> -> memref<96x128xf32, #tpu.memory_space<hbm>>
      %dma_wait3A_455 = arith.constant 0 : i32
      %dma_wait3A_456 = arith.constant 0 : i32
      %dma_wait3A_457 = tpu.memref_slice %arg6[%run_scoped3A_172, %dma_wait3A_455, %dma_wait3A_456] : memref<4x96x128xf32, #tpu.memory_space<vmem>> -> memref<1x96x128xf32, #tpu.memory_space<vmem>>
      %dma_wait3A_458 = tpu.memref_squeeze %dma_wait3A_457 : memref<1x96x128xf32, #tpu.memory_space<vmem>> -> memref<96x128xf32, #tpu.memory_space<vmem>>
      tpu.wait_dma2 semaphore(%run_scoped3A_434 : memref<!tpu.dma_semaphore, #tpu.memory_space<semaphore_mem>>) src(%dma_wait3A_458 : memref<96x128xf32, #tpu.memory_space<vmem>>) dst(%dma_wait3A_454 : memref<96x128xf32, #tpu.memory_space<hbm>>)
      tpu.yield
    }) : () -> ()
    %dma_start3A_173 = arith.constant 8 : i32
    %dma_start3A_174 = arith.constant 0 : i32
    %dma_start3A_175 = arith.constant 0 : i32
    %dma_start3A_176 = arith.constant 0 : i32
    %dma_start3A_177 = tpu.memref_slice %arg6[%dma_start3A_174, %dma_start3A_175, %dma_start3A_176] : memref<4x96x128xf32, #tpu.memory_space<vmem>> -> memref<1x96x128xf32, #tpu.memory_space<vmem>>
    %dma_start3A_178 = tpu.memref_squeeze %dma_start3A_177 : memref<1x96x128xf32, #tpu.memory_space<vmem>> -> memref<96x128xf32, #tpu.memory_space<vmem>>
    %dma_start3A_179 = arith.constant 0 : i32
    %dma_start3A_180 = tpu.memref_slice %arg5[%dma_start3A_173, %dma_start3A_179] : memref<16x96xi32, #tpu.memory_space<vmem>> -> memref<1x96xi32, #tpu.memory_space<vmem>>
    %dma_start3A_181 = tpu.memref_squeeze %dma_start3A_180 : memref<1x96xi32, #tpu.memory_space<vmem>> -> memref<96xi32, #tpu.memory_space<vmem>>
    %dma_start3A_182 = arith.constant 0 : i32
    %dma_start3A_183 = arith.constant 0 : i32
    %dma_start3A_184 = tpu.memref_slice %arg2[%dma_start3A_182, %dma_start3A_183] : memref<3211264x128xf32, #tpu.memory_space<hbm>> -> memref<3211264x128xf32, #tpu.memory_space<hbm>>
    tpu.enqueue_indirect_dma source(%dma_start3A_184 : memref<3211264x128xf32, #tpu.memory_space<hbm>>) target(%dma_start3A_178 : memref<96x128xf32, #tpu.memory_space<vmem>>) offsets(%dma_start3A_181 : memref<96xi32, #tpu.memory_space<vmem>>) semaphore(%arg7 : memref<!tpu.dma_semaphore, #tpu.memory_space<semaphore_mem>>)
    %dma_wait3A_185 = arith.constant 5 : i32
    %dma_wait3A_186 = arith.constant 1 : i32
    %dma_wait3A_187 = arith.constant 0 : i32
    %dma_wait3A_188 = arith.constant 0 : i32
    %dma_wait3A_189 = tpu.memref_slice %arg6[%dma_wait3A_186, %dma_wait3A_187, %dma_wait3A_188] : memref<4x96x128xf32, #tpu.memory_space<vmem>> -> memref<1x96x128xf32, #tpu.memory_space<vmem>>
    %dma_wait3A_190 = tpu.memref_squeeze %dma_wait3A_189 : memref<1x96x128xf32, #tpu.memory_space<vmem>> -> memref<96x128xf32, #tpu.memory_space<vmem>>
    %dma_wait3A_191 = arith.constant 0 : i32
    %dma_wait3A_192 = tpu.memref_slice %arg5[%dma_wait3A_185, %dma_wait3A_191] : memref<16x96xi32, #tpu.memory_space<vmem>> -> memref<1x96xi32, #tpu.memory_space<vmem>>
    %dma_wait3A_193 = tpu.memref_squeeze %dma_wait3A_192 : memref<1x96xi32, #tpu.memory_space<vmem>> -> memref<96xi32, #tpu.memory_space<vmem>>
    %dma_wait3A_194 = arith.constant 0 : i32
    %dma_wait3A_195 = arith.constant 0 : i32
    %dma_wait3A_196 = tpu.memref_slice %arg2[%dma_wait3A_194, %dma_wait3A_195] : memref<3211264x128xf32, #tpu.memory_space<hbm>> -> memref<3211264x128xf32, #tpu.memory_space<hbm>>
    tpu.wait_indirect_dma semaphore(%arg8 : memref<!tpu.dma_semaphore, #tpu.memory_space<semaphore_mem>>) src(%dma_wait3A_196 : memref<3211264x128xf32, #tpu.memory_space<hbm>>) dst(%dma_wait3A_190 : memref<96x128xf32, #tpu.memory_space<vmem>>)
    %add3A_197 = arith.constant 480 : i32
    %add3A_198 = arith.addi %mul3A_2, %add3A_197 : i32
    %run_scoped3A_199 = arith.constant 1 : i32
    "tpu.region"() ({
      %run_scoped3A_434 = tpu.sem_alloc : memref<!tpu.dma_semaphore, #tpu.memory_space<semaphore_mem>>
      %dma_start3A_435 = arith.constant 0 : i32
      %dma_start3A_436 = arith.constant 0 : i32
      %dma_start3A_437 = tpu.memref_slice %arg6[%run_scoped3A_199, %dma_start3A_435, %dma_start3A_436] : memref<4x96x128xf32, #tpu.memory_space<vmem>> -> memref<1x96x128xf32, #tpu.memory_space<vmem>>
      %dma_start3A_438 = tpu.memref_squeeze %dma_start3A_437 : memref<1x96x128xf32, #tpu.memory_space<vmem>> -> memref<96x128xf32, #tpu.memory_space<vmem>>
      %dma_start3A_439 = arith.constant 0 : i32
      %dma_start3A_440 = tpu.memref_slice %arg4[%add3A_198, %dma_start3A_439] : memref<49152x128xf32, #tpu.memory_space<hbm>> -> memref<96x128xf32, #tpu.memory_space<hbm>>
      %dma_start3A_441 = arith.constant 0 : i32
      %dma_start3A_442 = tpu.memref_slice %arg4[%add3A_198, %dma_start3A_441] : memref<49152x128xf32, #tpu.memory_space<hbm>> -> memref<96x128xf32, #tpu.memory_space<hbm>>
      %dma_start3A_443 = arith.constant 0 : i32
      %dma_start3A_444 = arith.constant 0 : i32
      %dma_start3A_445 = tpu.memref_slice %arg6[%run_scoped3A_199, %dma_start3A_443, %dma_start3A_444] : memref<4x96x128xf32, #tpu.memory_space<vmem>> -> memref<1x96x128xf32, #tpu.memory_space<vmem>>
      %dma_start3A_446 = tpu.memref_squeeze %dma_start3A_445 : memref<1x96x128xf32, #tpu.memory_space<vmem>> -> memref<96x128xf32, #tpu.memory_space<vmem>>
      tpu.enqueue_dma source(%dma_start3A_446 : memref<96x128xf32, #tpu.memory_space<vmem>>) target(%dma_start3A_442 : memref<96x128xf32, #tpu.memory_space<hbm>>) target_semaphore(%run_scoped3A_434 : memref<!tpu.dma_semaphore, #tpu.memory_space<semaphore_mem>>)
      %dma_wait3A_447 = arith.constant 0 : i32
      %dma_wait3A_448 = arith.constant 0 : i32
      %dma_wait3A_449 = tpu.memref_slice %arg6[%run_scoped3A_199, %dma_wait3A_447, %dma_wait3A_448] : memref<4x96x128xf32, #tpu.memory_space<vmem>> -> memref<1x96x128xf32, #tpu.memory_space<vmem>>
      %dma_wait3A_450 = tpu.memref_squeeze %dma_wait3A_449 : memref<1x96x128xf32, #tpu.memory_space<vmem>> -> memref<96x128xf32, #tpu.memory_space<vmem>>
      %dma_wait3A_451 = arith.constant 0 : i32
      %dma_wait3A_452 = tpu.memref_slice %arg4[%add3A_198, %dma_wait3A_451] : memref<49152x128xf32, #tpu.memory_space<hbm>> -> memref<96x128xf32, #tpu.memory_space<hbm>>
      %dma_wait3A_453 = arith.constant 0 : i32
      %dma_wait3A_454 = tpu.memref_slice %arg4[%add3A_198, %dma_wait3A_453] : memref<49152x128xf32, #tpu.memory_space<hbm>> -> memref<96x128xf32, #tpu.memory_space<hbm>>
      %dma_wait3A_455 = arith.constant 0 : i32
      %dma_wait3A_456 = arith.constant 0 : i32
      %dma_wait3A_457 = tpu.memref_slice %arg6[%run_scoped3A_199, %dma_wait3A_455, %dma_wait3A_456] : memref<4x96x128xf32, #tpu.memory_space<vmem>> -> memref<1x96x128xf32, #tpu.memory_space<vmem>>
      %dma_wait3A_458 = tpu.memref_squeeze %dma_wait3A_457 : memref<1x96x128xf32, #tpu.memory_space<vmem>> -> memref<96x128xf32, #tpu.memory_space<vmem>>
      tpu.wait_dma2 semaphore(%run_scoped3A_434 : memref<!tpu.dma_semaphore, #tpu.memory_space<semaphore_mem>>) src(%dma_wait3A_458 : memref<96x128xf32, #tpu.memory_space<vmem>>) dst(%dma_wait3A_454 : memref<96x128xf32, #tpu.memory_space<hbm>>)
      tpu.yield
    }) : () -> ()
    %dma_start3A_200 = arith.constant 9 : i32
    %dma_start3A_201 = arith.constant 1 : i32
    %dma_start3A_202 = arith.constant 0 : i32
    %dma_start3A_203 = arith.constant 0 : i32
    %dma_start3A_204 = tpu.memref_slice %arg6[%dma_start3A_201, %dma_start3A_202, %dma_start3A_203] : memref<4x96x128xf32, #tpu.memory_space<vmem>> -> memref<1x96x128xf32, #tpu.memory_space<vmem>>
    %dma_start3A_205 = tpu.memref_squeeze %dma_start3A_204 : memref<1x96x128xf32, #tpu.memory_space<vmem>> -> memref<96x128xf32, #tpu.memory_space<vmem>>
    %dma_start3A_206 = arith.constant 0 : i32
    %dma_start3A_207 = tpu.memref_slice %arg5[%dma_start3A_200, %dma_start3A_206] : memref<16x96xi32, #tpu.memory_space<vmem>> -> memref<1x96xi32, #tpu.memory_space<vmem>>
    %dma_start3A_208 = tpu.memref_squeeze %dma_start3A_207 : memref<1x96xi32, #tpu.memory_space<vmem>> -> memref<96xi32, #tpu.memory_space<vmem>>
    %dma_start3A_209 = arith.constant 0 : i32
    %dma_start3A_210 = arith.constant 0 : i32
    %dma_start3A_211 = tpu.memref_slice %arg2[%dma_start3A_209, %dma_start3A_210] : memref<3211264x128xf32, #tpu.memory_space<hbm>> -> memref<3211264x128xf32, #tpu.memory_space<hbm>>
    tpu.enqueue_indirect_dma source(%dma_start3A_211 : memref<3211264x128xf32, #tpu.memory_space<hbm>>) target(%dma_start3A_205 : memref<96x128xf32, #tpu.memory_space<vmem>>) offsets(%dma_start3A_208 : memref<96xi32, #tpu.memory_space<vmem>>) semaphore(%arg8 : memref<!tpu.dma_semaphore, #tpu.memory_space<semaphore_mem>>)
    %dma_wait3A_212 = arith.constant 6 : i32
    %dma_wait3A_213 = arith.constant 2 : i32
    %dma_wait3A_214 = arith.constant 0 : i32
    %dma_wait3A_215 = arith.constant 0 : i32
    %dma_wait3A_216 = tpu.memref_slice %arg6[%dma_wait3A_213, %dma_wait3A_214, %dma_wait3A_215] : memref<4x96x128xf32, #tpu.memory_space<vmem>> -> memref<1x96x128xf32, #tpu.memory_space<vmem>>
    %dma_wait3A_217 = tpu.memref_squeeze %dma_wait3A_216 : memref<1x96x128xf32, #tpu.memory_space<vmem>> -> memref<96x128xf32, #tpu.memory_space<vmem>>
    %dma_wait3A_218 = arith.constant 0 : i32
    %dma_wait3A_219 = tpu.memref_slice %arg5[%dma_wait3A_212, %dma_wait3A_218] : memref<16x96xi32, #tpu.memory_space<vmem>> -> memref<1x96xi32, #tpu.memory_space<vmem>>
    %dma_wait3A_220 = tpu.memref_squeeze %dma_wait3A_219 : memref<1x96xi32, #tpu.memory_space<vmem>> -> memref<96xi32, #tpu.memory_space<vmem>>
    %dma_wait3A_221 = arith.constant 0 : i32
    %dma_wait3A_222 = arith.constant 0 : i32
    %dma_wait3A_223 = tpu.memref_slice %arg2[%dma_wait3A_221, %dma_wait3A_222] : memref<3211264x128xf32, #tpu.memory_space<hbm>> -> memref<3211264x128xf32, #tpu.memory_space<hbm>>
    tpu.wait_indirect_dma semaphore(%arg9 : memref<!tpu.dma_semaphore, #tpu.memory_space<semaphore_mem>>) src(%dma_wait3A_223 : memref<3211264x128xf32, #tpu.memory_space<hbm>>) dst(%dma_wait3A_217 : memref<96x128xf32, #tpu.memory_space<vmem>>)
    %add3A_224 = arith.constant 576 : i32
    %add3A_225 = arith.addi %mul3A_2, %add3A_224 : i32
    %run_scoped3A_226 = arith.constant 2 : i32
    "tpu.region"() ({
      %run_scoped3A_434 = tpu.sem_alloc : memref<!tpu.dma_semaphore, #tpu.memory_space<semaphore_mem>>
      %dma_start3A_435 = arith.constant 0 : i32
      %dma_start3A_436 = arith.constant 0 : i32
      %dma_start3A_437 = tpu.memref_slice %arg6[%run_scoped3A_226, %dma_start3A_435, %dma_start3A_436] : memref<4x96x128xf32, #tpu.memory_space<vmem>> -> memref<1x96x128xf32, #tpu.memory_space<vmem>>
      %dma_start3A_438 = tpu.memref_squeeze %dma_start3A_437 : memref<1x96x128xf32, #tpu.memory_space<vmem>> -> memref<96x128xf32, #tpu.memory_space<vmem>>
      %dma_start3A_439 = arith.constant 0 : i32
      %dma_start3A_440 = tpu.memref_slice %arg4[%add3A_225, %dma_start3A_439] : memref<49152x128xf32, #tpu.memory_space<hbm>> -> memref<96x128xf32, #tpu.memory_space<hbm>>
      %dma_start3A_441 = arith.constant 0 : i32
      %dma_start3A_442 = tpu.memref_slice %arg4[%add3A_225, %dma_start3A_441] : memref<49152x128xf32, #tpu.memory_space<hbm>> -> memref<96x128xf32, #tpu.memory_space<hbm>>
      %dma_start3A_443 = arith.constant 0 : i32
      %dma_start3A_444 = arith.constant 0 : i32
      %dma_start3A_445 = tpu.memref_slice %arg6[%run_scoped3A_226, %dma_start3A_443, %dma_start3A_444] : memref<4x96x128xf32, #tpu.memory_space<vmem>> -> memref<1x96x128xf32, #tpu.memory_space<vmem>>
      %dma_start3A_446 = tpu.memref_squeeze %dma_start3A_445 : memref<1x96x128xf32, #tpu.memory_space<vmem>> -> memref<96x128xf32, #tpu.memory_space<vmem>>
      tpu.enqueue_dma source(%dma_start3A_446 : memref<96x128xf32, #tpu.memory_space<vmem>>) target(%dma_start3A_442 : memref<96x128xf32, #tpu.memory_space<hbm>>) target_semaphore(%run_scoped3A_434 : memref<!tpu.dma_semaphore, #tpu.memory_space<semaphore_mem>>)
      %dma_wait3A_447 = arith.constant 0 : i32
      %dma_wait3A_448 = arith.constant 0 : i32
      %dma_wait3A_449 = tpu.memref_slice %arg6[%run_scoped3A_226, %dma_wait3A_447, %dma_wait3A_448] : memref<4x96x128xf32, #tpu.memory_space<vmem>> -> memref<1x96x128xf32, #tpu.memory_space<vmem>>
      %dma_wait3A_450 = tpu.memref_squeeze %dma_wait3A_449 : memref<1x96x128xf32, #tpu.memory_space<vmem>> -> memref<96x128xf32, #tpu.memory_space<vmem>>
      %dma_wait3A_451 = arith.constant 0 : i32
      %dma_wait3A_452 = tpu.memref_slice %arg4[%add3A_225, %dma_wait3A_451] : memref<49152x128xf32, #tpu.memory_space<hbm>> -> memref<96x128xf32, #tpu.memory_space<hbm>>
      %dma_wait3A_453 = arith.constant 0 : i32
      %dma_wait3A_454 = tpu.memref_slice %arg4[%add3A_225, %dma_wait3A_453] : memref<49152x128xf32, #tpu.memory_space<hbm>> -> memref<96x128xf32, #tpu.memory_space<hbm>>
      %dma_wait3A_455 = arith.constant 0 : i32
      %dma_wait3A_456 = arith.constant 0 : i32
      %dma_wait3A_457 = tpu.memref_slice %arg6[%run_scoped3A_226, %dma_wait3A_455, %dma_wait3A_456] : memref<4x96x128xf32, #tpu.memory_space<vmem>> -> memref<1x96x128xf32, #tpu.memory_space<vmem>>
      %dma_wait3A_458 = tpu.memref_squeeze %dma_wait3A_457 : memref<1x96x128xf32, #tpu.memory_space<vmem>> -> memref<96x128xf32, #tpu.memory_space<vmem>>
      tpu.wait_dma2 semaphore(%run_scoped3A_434 : memref<!tpu.dma_semaphore, #tpu.memory_space<semaphore_mem>>) src(%dma_wait3A_458 : memref<96x128xf32, #tpu.memory_space<vmem>>) dst(%dma_wait3A_454 : memref<96x128xf32, #tpu.memory_space<hbm>>)
      tpu.yield
    }) : () -> ()
    %dma_start3A_227 = arith.constant 10 : i32
    %dma_start3A_228 = arith.constant 2 : i32
    %dma_start3A_229 = arith.constant 0 : i32
    %dma_start3A_230 = arith.constant 0 : i32
    %dma_start3A_231 = tpu.memref_slice %arg6[%dma_start3A_228, %dma_start3A_229, %dma_start3A_230] : memref<4x96x128xf32, #tpu.memory_space<vmem>> -> memref<1x96x128xf32, #tpu.memory_space<vmem>>
    %dma_start3A_232 = tpu.memref_squeeze %dma_start3A_231 : memref<1x96x128xf32, #tpu.memory_space<vmem>> -> memref<96x128xf32, #tpu.memory_space<vmem>>
    %dma_start3A_233 = arith.constant 0 : i32
    %dma_start3A_234 = tpu.memref_slice %arg5[%dma_start3A_227, %dma_start3A_233] : memref<16x96xi32, #tpu.memory_space<vmem>> -> memref<1x96xi32, #tpu.memory_space<vmem>>
    %dma_start3A_235 = tpu.memref_squeeze %dma_start3A_234 : memref<1x96xi32, #tpu.memory_space<vmem>> -> memref<96xi32, #tpu.memory_space<vmem>>
    %dma_start3A_236 = arith.constant 0 : i32
    %dma_start3A_237 = arith.constant 0 : i32
    %dma_start3A_238 = tpu.memref_slice %arg2[%dma_start3A_236, %dma_start3A_237] : memref<3211264x128xf32, #tpu.memory_space<hbm>> -> memref<3211264x128xf32, #tpu.memory_space<hbm>>
    tpu.enqueue_indirect_dma source(%dma_start3A_238 : memref<3211264x128xf32, #tpu.memory_space<hbm>>) target(%dma_start3A_232 : memref<96x128xf32, #tpu.memory_space<vmem>>) offsets(%dma_start3A_235 : memref<96xi32, #tpu.memory_space<vmem>>) semaphore(%arg9 : memref<!tpu.dma_semaphore, #tpu.memory_space<semaphore_mem>>)
    %dma_wait3A_239 = arith.constant 7 : i32
    %dma_wait3A_240 = arith.constant 3 : i32
    %dma_wait3A_241 = arith.constant 0 : i32
    %dma_wait3A_242 = arith.constant 0 : i32
    %dma_wait3A_243 = tpu.memref_slice %arg6[%dma_wait3A_240, %dma_wait3A_241, %dma_wait3A_242] : memref<4x96x128xf32, #tpu.memory_space<vmem>> -> memref<1x96x128xf32, #tpu.memory_space<vmem>>
    %dma_wait3A_244 = tpu.memref_squeeze %dma_wait3A_243 : memref<1x96x128xf32, #tpu.memory_space<vmem>> -> memref<96x128xf32, #tpu.memory_space<vmem>>
    %dma_wait3A_245 = arith.constant 0 : i32
    %dma_wait3A_246 = tpu.memref_slice %arg5[%dma_wait3A_239, %dma_wait3A_245] : memref<16x96xi32, #tpu.memory_space<vmem>> -> memref<1x96xi32, #tpu.memory_space<vmem>>
    %dma_wait3A_247 = tpu.memref_squeeze %dma_wait3A_246 : memref<1x96xi32, #tpu.memory_space<vmem>> -> memref<96xi32, #tpu.memory_space<vmem>>
    %dma_wait3A_248 = arith.constant 0 : i32
    %dma_wait3A_249 = arith.constant 0 : i32
    %dma_wait3A_250 = tpu.memref_slice %arg2[%dma_wait3A_248, %dma_wait3A_249] : memref<3211264x128xf32, #tpu.memory_space<hbm>> -> memref<3211264x128xf32, #tpu.memory_space<hbm>>
    tpu.wait_indirect_dma semaphore(%arg10 : memref<!tpu.dma_semaphore, #tpu.memory_space<semaphore_mem>>) src(%dma_wait3A_250 : memref<3211264x128xf32, #tpu.memory_space<hbm>>) dst(%dma_wait3A_244 : memref<96x128xf32, #tpu.memory_space<vmem>>)
    %add3A_251 = arith.constant 672 : i32
    %add3A_252 = arith.addi %mul3A_2, %add3A_251 : i32
    %run_scoped3A_253 = arith.constant 3 : i32
    "tpu.region"() ({
      %run_scoped3A_434 = tpu.sem_alloc : memref<!tpu.dma_semaphore, #tpu.memory_space<semaphore_mem>>
      %dma_start3A_435 = arith.constant 0 : i32
      %dma_start3A_436 = arith.constant 0 : i32
      %dma_start3A_437 = tpu.memref_slice %arg6[%run_scoped3A_253, %dma_start3A_435, %dma_start3A_436] : memref<4x96x128xf32, #tpu.memory_space<vmem>> -> memref<1x96x128xf32, #tpu.memory_space<vmem>>
      %dma_start3A_438 = tpu.memref_squeeze %dma_start3A_437 : memref<1x96x128xf32, #tpu.memory_space<vmem>> -> memref<96x128xf32, #tpu.memory_space<vmem>>
      %dma_start3A_439 = arith.constant 0 : i32
      %dma_start3A_440 = tpu.memref_slice %arg4[%add3A_252, %dma_start3A_439] : memref<49152x128xf32, #tpu.memory_space<hbm>> -> memref<96x128xf32, #tpu.memory_space<hbm>>
      %dma_start3A_441 = arith.constant 0 : i32
      %dma_start3A_442 = tpu.memref_slice %arg4[%add3A_252, %dma_start3A_441] : memref<49152x128xf32, #tpu.memory_space<hbm>> -> memref<96x128xf32, #tpu.memory_space<hbm>>
      %dma_start3A_443 = arith.constant 0 : i32
      %dma_start3A_444 = arith.constant 0 : i32
      %dma_start3A_445 = tpu.memref_slice %arg6[%run_scoped3A_253, %dma_start3A_443, %dma_start3A_444] : memref<4x96x128xf32, #tpu.memory_space<vmem>> -> memref<1x96x128xf32, #tpu.memory_space<vmem>>
      %dma_start3A_446 = tpu.memref_squeeze %dma_start3A_445 : memref<1x96x128xf32, #tpu.memory_space<vmem>> -> memref<96x128xf32, #tpu.memory_space<vmem>>
      tpu.enqueue_dma source(%dma_start3A_446 : memref<96x128xf32, #tpu.memory_space<vmem>>) target(%dma_start3A_442 : memref<96x128xf32, #tpu.memory_space<hbm>>) target_semaphore(%run_scoped3A_434 : memref<!tpu.dma_semaphore, #tpu.memory_space<semaphore_mem>>)
      %dma_wait3A_447 = arith.constant 0 : i32
      %dma_wait3A_448 = arith.constant 0 : i32
      %dma_wait3A_449 = tpu.memref_slice %arg6[%run_scoped3A_253, %dma_wait3A_447, %dma_wait3A_448] : memref<4x96x128xf32, #tpu.memory_space<vmem>> -> memref<1x96x128xf32, #tpu.memory_space<vmem>>
      %dma_wait3A_450 = tpu.memref_squeeze %dma_wait3A_449 : memref<1x96x128xf32, #tpu.memory_space<vmem>> -> memref<96x128xf32, #tpu.memory_space<vmem>>
      %dma_wait3A_451 = arith.constant 0 : i32
      %dma_wait3A_452 = tpu.memref_slice %arg4[%add3A_252, %dma_wait3A_451] : memref<49152x128xf32, #tpu.memory_space<hbm>> -> memref<96x128xf32, #tpu.memory_space<hbm>>
      %dma_wait3A_453 = arith.constant 0 : i32
      %dma_wait3A_454 = tpu.memref_slice %arg4[%add3A_252, %dma_wait3A_453] : memref<49152x128xf32, #tpu.memory_space<hbm>> -> memref<96x128xf32, #tpu.memory_space<hbm>>
      %dma_wait3A_455 = arith.constant 0 : i32
      %dma_wait3A_456 = arith.constant 0 : i32
      %dma_wait3A_457 = tpu.memref_slice %arg6[%run_scoped3A_253, %dma_wait3A_455, %dma_wait3A_456] : memref<4x96x128xf32, #tpu.memory_space<vmem>> -> memref<1x96x128xf32, #tpu.memory_space<vmem>>
      %dma_wait3A_458 = tpu.memref_squeeze %dma_wait3A_457 : memref<1x96x128xf32, #tpu.memory_space<vmem>> -> memref<96x128xf32, #tpu.memory_space<vmem>>
      tpu.wait_dma2 semaphore(%run_scoped3A_434 : memref<!tpu.dma_semaphore, #tpu.memory_space<semaphore_mem>>) src(%dma_wait3A_458 : memref<96x128xf32, #tpu.memory_space<vmem>>) dst(%dma_wait3A_454 : memref<96x128xf32, #tpu.memory_space<hbm>>)
      tpu.yield
    }) : () -> ()
    %dma_start3A_254 = arith.constant 11 : i32
    %dma_start3A_255 = arith.constant 3 : i32
    %dma_start3A_256 = arith.constant 0 : i32
    %dma_start3A_257 = arith.constant 0 : i32
    %dma_start3A_258 = tpu.memref_slice %arg6[%dma_start3A_255, %dma_start3A_256, %dma_start3A_257] : memref<4x96x128xf32, #tpu.memory_space<vmem>> -> memref<1x96x128xf32, #tpu.memory_space<vmem>>
    %dma_start3A_259 = tpu.memref_squeeze %dma_start3A_258 : memref<1x96x128xf32, #tpu.memory_space<vmem>> -> memref<96x128xf32, #tpu.memory_space<vmem>>
    %dma_start3A_260 = arith.constant 0 : i32
    %dma_start3A_261 = tpu.memref_slice %arg5[%dma_start3A_254, %dma_start3A_260] : memref<16x96xi32, #tpu.memory_space<vmem>> -> memref<1x96xi32, #tpu.memory_space<vmem>>
    %dma_start3A_262 = tpu.memref_squeeze %dma_start3A_261 : memref<1x96xi32, #tpu.memory_space<vmem>> -> memref<96xi32, #tpu.memory_space<vmem>>
    %dma_start3A_263 = arith.constant 0 : i32
    %dma_start3A_264 = arith.constant 0 : i32
    %dma_start3A_265 = tpu.memref_slice %arg2[%dma_start3A_263, %dma_start3A_264] : memref<3211264x128xf32, #tpu.memory_space<hbm>> -> memref<3211264x128xf32, #tpu.memory_space<hbm>>
    tpu.enqueue_indirect_dma source(%dma_start3A_265 : memref<3211264x128xf32, #tpu.memory_space<hbm>>) target(%dma_start3A_259 : memref<96x128xf32, #tpu.memory_space<vmem>>) offsets(%dma_start3A_262 : memref<96xi32, #tpu.memory_space<vmem>>) semaphore(%arg10 : memref<!tpu.dma_semaphore, #tpu.memory_space<semaphore_mem>>)
    %dma_wait3A_266 = arith.constant 8 : i32
    %dma_wait3A_267 = arith.constant 0 : i32
    %dma_wait3A_268 = arith.constant 0 : i32
    %dma_wait3A_269 = arith.constant 0 : i32
    %dma_wait3A_270 = tpu.memref_slice %arg6[%dma_wait3A_267, %dma_wait3A_268, %dma_wait3A_269] : memref<4x96x128xf32, #tpu.memory_space<vmem>> -> memref<1x96x128xf32, #tpu.memory_space<vmem>>
    %dma_wait3A_271 = tpu.memref_squeeze %dma_wait3A_270 : memref<1x96x128xf32, #tpu.memory_space<vmem>> -> memref<96x128xf32, #tpu.memory_space<vmem>>
    %dma_wait3A_272 = arith.constant 0 : i32
    %dma_wait3A_273 = tpu.memref_slice %arg5[%dma_wait3A_266, %dma_wait3A_272] : memref<16x96xi32, #tpu.memory_space<vmem>> -> memref<1x96xi32, #tpu.memory_space<vmem>>
    %dma_wait3A_274 = tpu.memref_squeeze %dma_wait3A_273 : memref<1x96xi32, #tpu.memory_space<vmem>> -> memref<96xi32, #tpu.memory_space<vmem>>
    %dma_wait3A_275 = arith.constant 0 : i32
    %dma_wait3A_276 = arith.constant 0 : i32
    %dma_wait3A_277 = tpu.memref_slice %arg2[%dma_wait3A_275, %dma_wait3A_276] : memref<3211264x128xf32, #tpu.memory_space<hbm>> -> memref<3211264x128xf32, #tpu.memory_space<hbm>>
    tpu.wait_indirect_dma semaphore(%arg7 : memref<!tpu.dma_semaphore, #tpu.memory_space<semaphore_mem>>) src(%dma_wait3A_277 : memref<3211264x128xf32, #tpu.memory_space<hbm>>) dst(%dma_wait3A_271 : memref<96x128xf32, #tpu.memory_space<vmem>>)
    %add3A_278 = arith.constant 768 : i32
    %add3A_279 = arith.addi %mul3A_2, %add3A_278 : i32
    %run_scoped3A_280 = arith.constant 0 : i32
    "tpu.region"() ({
      %run_scoped3A_434 = tpu.sem_alloc : memref<!tpu.dma_semaphore, #tpu.memory_space<semaphore_mem>>
      %dma_start3A_435 = arith.constant 0 : i32
      %dma_start3A_436 = arith.constant 0 : i32
      %dma_start3A_437 = tpu.memref_slice %arg6[%run_scoped3A_280, %dma_start3A_435, %dma_start3A_436] : memref<4x96x128xf32, #tpu.memory_space<vmem>> -> memref<1x96x128xf32, #tpu.memory_space<vmem>>
      %dma_start3A_438 = tpu.memref_squeeze %dma_start3A_437 : memref<1x96x128xf32, #tpu.memory_space<vmem>> -> memref<96x128xf32, #tpu.memory_space<vmem>>
      %dma_start3A_439 = arith.constant 0 : i32
      %dma_start3A_440 = tpu.memref_slice %arg4[%add3A_279, %dma_start3A_439] : memref<49152x128xf32, #tpu.memory_space<hbm>> -> memref<96x128xf32, #tpu.memory_space<hbm>>
      %dma_start3A_441 = arith.constant 0 : i32
      %dma_start3A_442 = tpu.memref_slice %arg4[%add3A_279, %dma_start3A_441] : memref<49152x128xf32, #tpu.memory_space<hbm>> -> memref<96x128xf32, #tpu.memory_space<hbm>>
      %dma_start3A_443 = arith.constant 0 : i32
      %dma_start3A_444 = arith.constant 0 : i32
      %dma_start3A_445 = tpu.memref_slice %arg6[%run_scoped3A_280, %dma_start3A_443, %dma_start3A_444] : memref<4x96x128xf32, #tpu.memory_space<vmem>> -> memref<1x96x128xf32, #tpu.memory_space<vmem>>
      %dma_start3A_446 = tpu.memref_squeeze %dma_start3A_445 : memref<1x96x128xf32, #tpu.memory_space<vmem>> -> memref<96x128xf32, #tpu.memory_space<vmem>>
      tpu.enqueue_dma source(%dma_start3A_446 : memref<96x128xf32, #tpu.memory_space<vmem>>) target(%dma_start3A_442 : memref<96x128xf32, #tpu.memory_space<hbm>>) target_semaphore(%run_scoped3A_434 : memref<!tpu.dma_semaphore, #tpu.memory_space<semaphore_mem>>)
      %dma_wait3A_447 = arith.constant 0 : i32
      %dma_wait3A_448 = arith.constant 0 : i32
      %dma_wait3A_449 = tpu.memref_slice %arg6[%run_scoped3A_280, %dma_wait3A_447, %dma_wait3A_448] : memref<4x96x128xf32, #tpu.memory_space<vmem>> -> memref<1x96x128xf32, #tpu.memory_space<vmem>>
      %dma_wait3A_450 = tpu.memref_squeeze %dma_wait3A_449 : memref<1x96x128xf32, #tpu.memory_space<vmem>> -> memref<96x128xf32, #tpu.memory_space<vmem>>
      %dma_wait3A_451 = arith.constant 0 : i32
      %dma_wait3A_452 = tpu.memref_slice %arg4[%add3A_279, %dma_wait3A_451] : memref<49152x128xf32, #tpu.memory_space<hbm>> -> memref<96x128xf32, #tpu.memory_space<hbm>>
      %dma_wait3A_453 = arith.constant 0 : i32
      %dma_wait3A_454 = tpu.memref_slice %arg4[%add3A_279, %dma_wait3A_453] : memref<49152x128xf32, #tpu.memory_space<hbm>> -> memref<96x128xf32, #tpu.memory_space<hbm>>
      %dma_wait3A_455 = arith.constant 0 : i32
      %dma_wait3A_456 = arith.constant 0 : i32
      %dma_wait3A_457 = tpu.memref_slice %arg6[%run_scoped3A_280, %dma_wait3A_455, %dma_wait3A_456] : memref<4x96x128xf32, #tpu.memory_space<vmem>> -> memref<1x96x128xf32, #tpu.memory_space<vmem>>
      %dma_wait3A_458 = tpu.memref_squeeze %dma_wait3A_457 : memref<1x96x128xf32, #tpu.memory_space<vmem>> -> memref<96x128xf32, #tpu.memory_space<vmem>>
      tpu.wait_dma2 semaphore(%run_scoped3A_434 : memref<!tpu.dma_semaphore, #tpu.memory_space<semaphore_mem>>) src(%dma_wait3A_458 : memref<96x128xf32, #tpu.memory_space<vmem>>) dst(%dma_wait3A_454 : memref<96x128xf32, #tpu.memory_space<hbm>>)
      tpu.yield
    }) : () -> ()
    %dma_start3A_281 = arith.constant 12 : i32
    %dma_start3A_282 = arith.constant 0 : i32
    %dma_start3A_283 = arith.constant 0 : i32
    %dma_start3A_284 = arith.constant 0 : i32
    %dma_start3A_285 = tpu.memref_slice %arg6[%dma_start3A_282, %dma_start3A_283, %dma_start3A_284] : memref<4x96x128xf32, #tpu.memory_space<vmem>> -> memref<1x96x128xf32, #tpu.memory_space<vmem>>
    %dma_start3A_286 = tpu.memref_squeeze %dma_start3A_285 : memref<1x96x128xf32, #tpu.memory_space<vmem>> -> memref<96x128xf32, #tpu.memory_space<vmem>>
    %dma_start3A_287 = arith.constant 0 : i32
    %dma_start3A_288 = tpu.memref_slice %arg5[%dma_start3A_281, %dma_start3A_287] : memref<16x96xi32, #tpu.memory_space<vmem>> -> memref<1x96xi32, #tpu.memory_space<vmem>>
    %dma_start3A_289 = tpu.memref_squeeze %dma_start3A_288 : memref<1x96xi32, #tpu.memory_space<vmem>> -> memref<96xi32, #tpu.memory_space<vmem>>
    %dma_start3A_290 = arith.constant 0 : i32
    %dma_start3A_291 = arith.constant 0 : i32
    %dma_start3A_292 = tpu.memref_slice %arg2[%dma_start3A_290, %dma_start3A_291] : memref<3211264x128xf32, #tpu.memory_space<hbm>> -> memref<3211264x128xf32, #tpu.memory_space<hbm>>
    tpu.enqueue_indirect_dma source(%dma_start3A_292 : memref<3211264x128xf32, #tpu.memory_space<hbm>>) target(%dma_start3A_286 : memref<96x128xf32, #tpu.memory_space<vmem>>) offsets(%dma_start3A_289 : memref<96xi32, #tpu.memory_space<vmem>>) semaphore(%arg7 : memref<!tpu.dma_semaphore, #tpu.memory_space<semaphore_mem>>)
    %dma_wait3A_293 = arith.constant 9 : i32
    %dma_wait3A_294 = arith.constant 1 : i32
    %dma_wait3A_295 = arith.constant 0 : i32
    %dma_wait3A_296 = arith.constant 0 : i32
    %dma_wait3A_297 = tpu.memref_slice %arg6[%dma_wait3A_294, %dma_wait3A_295, %dma_wait3A_296] : memref<4x96x128xf32, #tpu.memory_space<vmem>> -> memref<1x96x128xf32, #tpu.memory_space<vmem>>
    %dma_wait3A_298 = tpu.memref_squeeze %dma_wait3A_297 : memref<1x96x128xf32, #tpu.memory_space<vmem>> -> memref<96x128xf32, #tpu.memory_space<vmem>>
    %dma_wait3A_299 = arith.constant 0 : i32
    %dma_wait3A_300 = tpu.memref_slice %arg5[%dma_wait3A_293, %dma_wait3A_299] : memref<16x96xi32, #tpu.memory_space<vmem>> -> memref<1x96xi32, #tpu.memory_space<vmem>>
    %dma_wait3A_301 = tpu.memref_squeeze %dma_wait3A_300 : memref<1x96xi32, #tpu.memory_space<vmem>> -> memref<96xi32, #tpu.memory_space<vmem>>
    %dma_wait3A_302 = arith.constant 0 : i32
    %dma_wait3A_303 = arith.constant 0 : i32
    %dma_wait3A_304 = tpu.memref_slice %arg2[%dma_wait3A_302, %dma_wait3A_303] : memref<3211264x128xf32, #tpu.memory_space<hbm>> -> memref<3211264x128xf32, #tpu.memory_space<hbm>>
    tpu.wait_indirect_dma semaphore(%arg8 : memref<!tpu.dma_semaphore, #tpu.memory_space<semaphore_mem>>) src(%dma_wait3A_304 : memref<3211264x128xf32, #tpu.memory_space<hbm>>) dst(%dma_wait3A_298 : memref<96x128xf32, #tpu.memory_space<vmem>>)
    %add3A_305 = arith.constant 864 : i32
    %add3A_306 = arith.addi %mul3A_2, %add3A_305 : i32
    %run_scoped3A_307 = arith.constant 1 : i32
    "tpu.region"() ({
      %run_scoped3A_434 = tpu.sem_alloc : memref<!tpu.dma_semaphore, #tpu.memory_space<semaphore_mem>>
      %dma_start3A_435 = arith.constant 0 : i32
      %dma_start3A_436 = arith.constant 0 : i32
      %dma_start3A_437 = tpu.memref_slice %arg6[%run_scoped3A_307, %dma_start3A_435, %dma_start3A_436] : memref<4x96x128xf32, #tpu.memory_space<vmem>> -> memref<1x96x128xf32, #tpu.memory_space<vmem>>
      %dma_start3A_438 = tpu.memref_squeeze %dma_start3A_437 : memref<1x96x128xf32, #tpu.memory_space<vmem>> -> memref<96x128xf32, #tpu.memory_space<vmem>>
      %dma_start3A_439 = arith.constant 0 : i32
      %dma_start3A_440 = tpu.memref_slice %arg4[%add3A_306, %dma_start3A_439] : memref<49152x128xf32, #tpu.memory_space<hbm>> -> memref<96x128xf32, #tpu.memory_space<hbm>>
      %dma_start3A_441 = arith.constant 0 : i32
      %dma_start3A_442 = tpu.memref_slice %arg4[%add3A_306, %dma_start3A_441] : memref<49152x128xf32, #tpu.memory_space<hbm>> -> memref<96x128xf32, #tpu.memory_space<hbm>>
      %dma_start3A_443 = arith.constant 0 : i32
      %dma_start3A_444 = arith.constant 0 : i32
      %dma_start3A_445 = tpu.memref_slice %arg6[%run_scoped3A_307, %dma_start3A_443, %dma_start3A_444] : memref<4x96x128xf32, #tpu.memory_space<vmem>> -> memref<1x96x128xf32, #tpu.memory_space<vmem>>
      %dma_start3A_446 = tpu.memref_squeeze %dma_start3A_445 : memref<1x96x128xf32, #tpu.memory_space<vmem>> -> memref<96x128xf32, #tpu.memory_space<vmem>>
      tpu.enqueue_dma source(%dma_start3A_446 : memref<96x128xf32, #tpu.memory_space<vmem>>) target(%dma_start3A_442 : memref<96x128xf32, #tpu.memory_space<hbm>>) target_semaphore(%run_scoped3A_434 : memref<!tpu.dma_semaphore, #tpu.memory_space<semaphore_mem>>)
      %dma_wait3A_447 = arith.constant 0 : i32
      %dma_wait3A_448 = arith.constant 0 : i32
      %dma_wait3A_449 = tpu.memref_slice %arg6[%run_scoped3A_307, %dma_wait3A_447, %dma_wait3A_448] : memref<4x96x128xf32, #tpu.memory_space<vmem>> -> memref<1x96x128xf32, #tpu.memory_space<vmem>>
      %dma_wait3A_450 = tpu.memref_squeeze %dma_wait3A_449 : memref<1x96x128xf32, #tpu.memory_space<vmem>> -> memref<96x128xf32, #tpu.memory_space<vmem>>
      %dma_wait3A_451 = arith.constant 0 : i32
      %dma_wait3A_452 = tpu.memref_slice %arg4[%add3A_306, %dma_wait3A_451] : memref<49152x128xf32, #tpu.memory_space<hbm>> -> memref<96x128xf32, #tpu.memory_space<hbm>>
      %dma_wait3A_453 = arith.constant 0 : i32
      %dma_wait3A_454 = tpu.memref_slice %arg4[%add3A_306, %dma_wait3A_453] : memref<49152x128xf32, #tpu.memory_space<hbm>> -> memref<96x128xf32, #tpu.memory_space<hbm>>
      %dma_wait3A_455 = arith.constant 0 : i32
      %dma_wait3A_456 = arith.constant 0 : i32
      %dma_wait3A_457 = tpu.memref_slice %arg6[%run_scoped3A_307, %dma_wait3A_455, %dma_wait3A_456] : memref<4x96x128xf32, #tpu.memory_space<vmem>> -> memref<1x96x128xf32, #tpu.memory_space<vmem>>
      %dma_wait3A_458 = tpu.memref_squeeze %dma_wait3A_457 : memref<1x96x128xf32, #tpu.memory_space<vmem>> -> memref<96x128xf32, #tpu.memory_space<vmem>>
      tpu.wait_dma2 semaphore(%run_scoped3A_434 : memref<!tpu.dma_semaphore, #tpu.memory_space<semaphore_mem>>) src(%dma_wait3A_458 : memref<96x128xf32, #tpu.memory_space<vmem>>) dst(%dma_wait3A_454 : memref<96x128xf32, #tpu.memory_space<hbm>>)
      tpu.yield
    }) : () -> ()
    %dma_start3A_308 = arith.constant 13 : i32
    %dma_start3A_309 = arith.constant 1 : i32
    %dma_start3A_310 = arith.constant 0 : i32
    %dma_start3A_311 = arith.constant 0 : i32
    %dma_start3A_312 = tpu.memref_slice %arg6[%dma_start3A_309, %dma_start3A_310, %dma_start3A_311] : memref<4x96x128xf32, #tpu.memory_space<vmem>> -> memref<1x96x128xf32, #tpu.memory_space<vmem>>
    %dma_start3A_313 = tpu.memref_squeeze %dma_start3A_312 : memref<1x96x128xf32, #tpu.memory_space<vmem>> -> memref<96x128xf32, #tpu.memory_space<vmem>>
    %dma_start3A_314 = arith.constant 0 : i32
    %dma_start3A_315 = tpu.memref_slice %arg5[%dma_start3A_308, %dma_start3A_314] : memref<16x96xi32, #tpu.memory_space<vmem>> -> memref<1x96xi32, #tpu.memory_space<vmem>>
    %dma_start3A_316 = tpu.memref_squeeze %dma_start3A_315 : memref<1x96xi32, #tpu.memory_space<vmem>> -> memref<96xi32, #tpu.memory_space<vmem>>
    %dma_start3A_317 = arith.constant 0 : i32
    %dma_start3A_318 = arith.constant 0 : i32
    %dma_start3A_319 = tpu.memref_slice %arg2[%dma_start3A_317, %dma_start3A_318] : memref<3211264x128xf32, #tpu.memory_space<hbm>> -> memref<3211264x128xf32, #tpu.memory_space<hbm>>
    tpu.enqueue_indirect_dma source(%dma_start3A_319 : memref<3211264x128xf32, #tpu.memory_space<hbm>>) target(%dma_start3A_313 : memref<96x128xf32, #tpu.memory_space<vmem>>) offsets(%dma_start3A_316 : memref<96xi32, #tpu.memory_space<vmem>>) semaphore(%arg8 : memref<!tpu.dma_semaphore, #tpu.memory_space<semaphore_mem>>)
    %dma_wait3A_320 = arith.constant 10 : i32
    %dma_wait3A_321 = arith.constant 2 : i32
    %dma_wait3A_322 = arith.constant 0 : i32
    %dma_wait3A_323 = arith.constant 0 : i32
    %dma_wait3A_324 = tpu.memref_slice %arg6[%dma_wait3A_321, %dma_wait3A_322, %dma_wait3A_323] : memref<4x96x128xf32, #tpu.memory_space<vmem>> -> memref<1x96x128xf32, #tpu.memory_space<vmem>>
    %dma_wait3A_325 = tpu.memref_squeeze %dma_wait3A_324 : memref<1x96x128xf32, #tpu.memory_space<vmem>> -> memref<96x128xf32, #tpu.memory_space<vmem>>
    %dma_wait3A_326 = arith.constant 0 : i32
    %dma_wait3A_327 = tpu.memref_slice %arg5[%dma_wait3A_320, %dma_wait3A_326] : memref<16x96xi32, #tpu.memory_space<vmem>> -> memref<1x96xi32, #tpu.memory_space<vmem>>
    %dma_wait3A_328 = tpu.memref_squeeze %dma_wait3A_327 : memref<1x96xi32, #tpu.memory_space<vmem>> -> memref<96xi32, #tpu.memory_space<vmem>>
    %dma_wait3A_329 = arith.constant 0 : i32
    %dma_wait3A_330 = arith.constant 0 : i32
    %dma_wait3A_331 = tpu.memref_slice %arg2[%dma_wait3A_329, %dma_wait3A_330] : memref<3211264x128xf32, #tpu.memory_space<hbm>> -> memref<3211264x128xf32, #tpu.memory_space<hbm>>
    tpu.wait_indirect_dma semaphore(%arg9 : memref<!tpu.dma_semaphore, #tpu.memory_space<semaphore_mem>>) src(%dma_wait3A_331 : memref<3211264x128xf32, #tpu.memory_space<hbm>>) dst(%dma_wait3A_325 : memref<96x128xf32, #tpu.memory_space<vmem>>)
    %add3A_332 = arith.constant 960 : i32
    %add3A_333 = arith.addi %mul3A_2, %add3A_332 : i32
    %run_scoped3A_334 = arith.constant 2 : i32
    "tpu.region"() ({
      %run_scoped3A_434 = tpu.sem_alloc : memref<!tpu.dma_semaphore, #tpu.memory_space<semaphore_mem>>
      %dma_start3A_435 = arith.constant 0 : i32
      %dma_start3A_436 = arith.constant 0 : i32
      %dma_start3A_437 = tpu.memref_slice %arg6[%run_scoped3A_334, %dma_start3A_435, %dma_start3A_436] : memref<4x96x128xf32, #tpu.memory_space<vmem>> -> memref<1x96x128xf32, #tpu.memory_space<vmem>>
      %dma_start3A_438 = tpu.memref_squeeze %dma_start3A_437 : memref<1x96x128xf32, #tpu.memory_space<vmem>> -> memref<96x128xf32, #tpu.memory_space<vmem>>
      %dma_start3A_439 = arith.constant 0 : i32
      %dma_start3A_440 = tpu.memref_slice %arg4[%add3A_333, %dma_start3A_439] : memref<49152x128xf32, #tpu.memory_space<hbm>> -> memref<96x128xf32, #tpu.memory_space<hbm>>
      %dma_start3A_441 = arith.constant 0 : i32
      %dma_start3A_442 = tpu.memref_slice %arg4[%add3A_333, %dma_start3A_441] : memref<49152x128xf32, #tpu.memory_space<hbm>> -> memref<96x128xf32, #tpu.memory_space<hbm>>
      %dma_start3A_443 = arith.constant 0 : i32
      %dma_start3A_444 = arith.constant 0 : i32
      %dma_start3A_445 = tpu.memref_slice %arg6[%run_scoped3A_334, %dma_start3A_443, %dma_start3A_444] : memref<4x96x128xf32, #tpu.memory_space<vmem>> -> memref<1x96x128xf32, #tpu.memory_space<vmem>>
      %dma_start3A_446 = tpu.memref_squeeze %dma_start3A_445 : memref<1x96x128xf32, #tpu.memory_space<vmem>> -> memref<96x128xf32, #tpu.memory_space<vmem>>
      tpu.enqueue_dma source(%dma_start3A_446 : memref<96x128xf32, #tpu.memory_space<vmem>>) target(%dma_start3A_442 : memref<96x128xf32, #tpu.memory_space<hbm>>) target_semaphore(%run_scoped3A_434 : memref<!tpu.dma_semaphore, #tpu.memory_space<semaphore_mem>>)
      %dma_wait3A_447 = arith.constant 0 : i32
      %dma_wait3A_448 = arith.constant 0 : i32
      %dma_wait3A_449 = tpu.memref_slice %arg6[%run_scoped3A_334, %dma_wait3A_447, %dma_wait3A_448] : memref<4x96x128xf32, #tpu.memory_space<vmem>> -> memref<1x96x128xf32, #tpu.memory_space<vmem>>
      %dma_wait3A_450 = tpu.memref_squeeze %dma_wait3A_449 : memref<1x96x128xf32, #tpu.memory_space<vmem>> -> memref<96x128xf32, #tpu.memory_space<vmem>>
      %dma_wait3A_451 = arith.constant 0 : i32
      %dma_wait3A_452 = tpu.memref_slice %arg4[%add3A_333, %dma_wait3A_451] : memref<49152x128xf32, #tpu.memory_space<hbm>> -> memref<96x128xf32, #tpu.memory_space<hbm>>
      %dma_wait3A_453 = arith.constant 0 : i32
      %dma_wait3A_454 = tpu.memref_slice %arg4[%add3A_333, %dma_wait3A_453] : memref<49152x128xf32, #tpu.memory_space<hbm>> -> memref<96x128xf32, #tpu.memory_space<hbm>>
      %dma_wait3A_455 = arith.constant 0 : i32
      %dma_wait3A_456 = arith.constant 0 : i32
      %dma_wait3A_457 = tpu.memref_slice %arg6[%run_scoped3A_334, %dma_wait3A_455, %dma_wait3A_456] : memref<4x96x128xf32, #tpu.memory_space<vmem>> -> memref<1x96x128xf32, #tpu.memory_space<vmem>>
      %dma_wait3A_458 = tpu.memref_squeeze %dma_wait3A_457 : memref<1x96x128xf32, #tpu.memory_space<vmem>> -> memref<96x128xf32, #tpu.memory_space<vmem>>
      tpu.wait_dma2 semaphore(%run_scoped3A_434 : memref<!tpu.dma_semaphore, #tpu.memory_space<semaphore_mem>>) src(%dma_wait3A_458 : memref<96x128xf32, #tpu.memory_space<vmem>>) dst(%dma_wait3A_454 : memref<96x128xf32, #tpu.memory_space<hbm>>)
      tpu.yield
    }) : () -> ()
    %dma_start3A_335 = arith.constant 14 : i32
    %dma_start3A_336 = arith.constant 2 : i32
    %dma_start3A_337 = arith.constant 0 : i32
    %dma_start3A_338 = arith.constant 0 : i32
    %dma_start3A_339 = tpu.memref_slice %arg6[%dma_start3A_336, %dma_start3A_337, %dma_start3A_338] : memref<4x96x128xf32, #tpu.memory_space<vmem>> -> memref<1x96x128xf32, #tpu.memory_space<vmem>>
    %dma_start3A_340 = tpu.memref_squeeze %dma_start3A_339 : memref<1x96x128xf32, #tpu.memory_space<vmem>> -> memref<96x128xf32, #tpu.memory_space<vmem>>
    %dma_start3A_341 = arith.constant 0 : i32
    %dma_start3A_342 = tpu.memref_slice %arg5[%dma_start3A_335, %dma_start3A_341] : memref<16x96xi32, #tpu.memory_space<vmem>> -> memref<1x96xi32, #tpu.memory_space<vmem>>
    %dma_start3A_343 = tpu.memref_squeeze %dma_start3A_342 : memref<1x96xi32, #tpu.memory_space<vmem>> -> memref<96xi32, #tpu.memory_space<vmem>>
    %dma_start3A_344 = arith.constant 0 : i32
    %dma_start3A_345 = arith.constant 0 : i32
    %dma_start3A_346 = tpu.memref_slice %arg2[%dma_start3A_344, %dma_start3A_345] : memref<3211264x128xf32, #tpu.memory_space<hbm>> -> memref<3211264x128xf32, #tpu.memory_space<hbm>>
    tpu.enqueue_indirect_dma source(%dma_start3A_346 : memref<3211264x128xf32, #tpu.memory_space<hbm>>) target(%dma_start3A_340 : memref<96x128xf32, #tpu.memory_space<vmem>>) offsets(%dma_start3A_343 : memref<96xi32, #tpu.memory_space<vmem>>) semaphore(%arg9 : memref<!tpu.dma_semaphore, #tpu.memory_space<semaphore_mem>>)
    %dma_wait3A_347 = arith.constant 11 : i32
    %dma_wait3A_348 = arith.constant 3 : i32
    %dma_wait3A_349 = arith.constant 0 : i32
    %dma_wait3A_350 = arith.constant 0 : i32
    %dma_wait3A_351 = tpu.memref_slice %arg6[%dma_wait3A_348, %dma_wait3A_349, %dma_wait3A_350] : memref<4x96x128xf32, #tpu.memory_space<vmem>> -> memref<1x96x128xf32, #tpu.memory_space<vmem>>
    %dma_wait3A_352 = tpu.memref_squeeze %dma_wait3A_351 : memref<1x96x128xf32, #tpu.memory_space<vmem>> -> memref<96x128xf32, #tpu.memory_space<vmem>>
    %dma_wait3A_353 = arith.constant 0 : i32
    %dma_wait3A_354 = tpu.memref_slice %arg5[%dma_wait3A_347, %dma_wait3A_353] : memref<16x96xi32, #tpu.memory_space<vmem>> -> memref<1x96xi32, #tpu.memory_space<vmem>>
    %dma_wait3A_355 = tpu.memref_squeeze %dma_wait3A_354 : memref<1x96xi32, #tpu.memory_space<vmem>> -> memref<96xi32, #tpu.memory_space<vmem>>
    %dma_wait3A_356 = arith.constant 0 : i32
    %dma_wait3A_357 = arith.constant 0 : i32
    %dma_wait3A_358 = tpu.memref_slice %arg2[%dma_wait3A_356, %dma_wait3A_357] : memref<3211264x128xf32, #tpu.memory_space<hbm>> -> memref<3211264x128xf32, #tpu.memory_space<hbm>>
    tpu.wait_indirect_dma semaphore(%arg10 : memref<!tpu.dma_semaphore, #tpu.memory_space<semaphore_mem>>) src(%dma_wait3A_358 : memref<3211264x128xf32, #tpu.memory_space<hbm>>) dst(%dma_wait3A_352 : memref<96x128xf32, #tpu.memory_space<vmem>>)
    %add3A_359 = arith.constant 1056 : i32
    %add3A_360 = arith.addi %mul3A_2, %add3A_359 : i32
    %run_scoped3A_361 = arith.constant 3 : i32
    "tpu.region"() ({
      %run_scoped3A_434 = tpu.sem_alloc : memref<!tpu.dma_semaphore, #tpu.memory_space<semaphore_mem>>
      %dma_start3A_435 = arith.constant 0 : i32
      %dma_start3A_436 = arith.constant 0 : i32
      %dma_start3A_437 = tpu.memref_slice %arg6[%run_scoped3A_361, %dma_start3A_435, %dma_start3A_436] : memref<4x96x128xf32, #tpu.memory_space<vmem>> -> memref<1x96x128xf32, #tpu.memory_space<vmem>>
      %dma_start3A_438 = tpu.memref_squeeze %dma_start3A_437 : memref<1x96x128xf32, #tpu.memory_space<vmem>> -> memref<96x128xf32, #tpu.memory_space<vmem>>
      %dma_start3A_439 = arith.constant 0 : i32
      %dma_start3A_440 = tpu.memref_slice %arg4[%add3A_360, %dma_start3A_439] : memref<49152x128xf32, #tpu.memory_space<hbm>> -> memref<96x128xf32, #tpu.memory_space<hbm>>
      %dma_start3A_441 = arith.constant 0 : i32
      %dma_start3A_442 = tpu.memref_slice %arg4[%add3A_360, %dma_start3A_441] : memref<49152x128xf32, #tpu.memory_space<hbm>> -> memref<96x128xf32, #tpu.memory_space<hbm>>
      %dma_start3A_443 = arith.constant 0 : i32
      %dma_start3A_444 = arith.constant 0 : i32
      %dma_start3A_445 = tpu.memref_slice %arg6[%run_scoped3A_361, %dma_start3A_443, %dma_start3A_444] : memref<4x96x128xf32, #tpu.memory_space<vmem>> -> memref<1x96x128xf32, #tpu.memory_space<vmem>>
      %dma_start3A_446 = tpu.memref_squeeze %dma_start3A_445 : memref<1x96x128xf32, #tpu.memory_space<vmem>> -> memref<96x128xf32, #tpu.memory_space<vmem>>
      tpu.enqueue_dma source(%dma_start3A_446 : memref<96x128xf32, #tpu.memory_space<vmem>>) target(%dma_start3A_442 : memref<96x128xf32, #tpu.memory_space<hbm>>) target_semaphore(%run_scoped3A_434 : memref<!tpu.dma_semaphore, #tpu.memory_space<semaphore_mem>>)
      %dma_wait3A_447 = arith.constant 0 : i32
      %dma_wait3A_448 = arith.constant 0 : i32
      %dma_wait3A_449 = tpu.memref_slice %arg6[%run_scoped3A_361, %dma_wait3A_447, %dma_wait3A_448] : memref<4x96x128xf32, #tpu.memory_space<vmem>> -> memref<1x96x128xf32, #tpu.memory_space<vmem>>
      %dma_wait3A_450 = tpu.memref_squeeze %dma_wait3A_449 : memref<1x96x128xf32, #tpu.memory_space<vmem>> -> memref<96x128xf32, #tpu.memory_space<vmem>>
      %dma_wait3A_451 = arith.constant 0 : i32
      %dma_wait3A_452 = tpu.memref_slice %arg4[%add3A_360, %dma_wait3A_451] : memref<49152x128xf32, #tpu.memory_space<hbm>> -> memref<96x128xf32, #tpu.memory_space<hbm>>
      %dma_wait3A_453 = arith.constant 0 : i32
      %dma_wait3A_454 = tpu.memref_slice %arg4[%add3A_360, %dma_wait3A_453] : memref<49152x128xf32, #tpu.memory_space<hbm>> -> memref<96x128xf32, #tpu.memory_space<hbm>>
      %dma_wait3A_455 = arith.constant 0 : i32
      %dma_wait3A_456 = arith.constant 0 : i32
      %dma_wait3A_457 = tpu.memref_slice %arg6[%run_scoped3A_361, %dma_wait3A_455, %dma_wait3A_456] : memref<4x96x128xf32, #tpu.memory_space<vmem>> -> memref<1x96x128xf32, #tpu.memory_space<vmem>>
      %dma_wait3A_458 = tpu.memref_squeeze %dma_wait3A_457 : memref<1x96x128xf32, #tpu.memory_space<vmem>> -> memref<96x128xf32, #tpu.memory_space<vmem>>
      tpu.wait_dma2 semaphore(%run_scoped3A_434 : memref<!tpu.dma_semaphore, #tpu.memory_space<semaphore_mem>>) src(%dma_wait3A_458 : memref<96x128xf32, #tpu.memory_space<vmem>>) dst(%dma_wait3A_454 : memref<96x128xf32, #tpu.memory_space<hbm>>)
      tpu.yield
    }) : () -> ()
    %dma_start3A_362 = arith.constant 15 : i32
    %dma_start3A_363 = arith.constant 3 : i32
    %dma_start3A_364 = arith.constant 0 : i32
    %dma_start3A_365 = arith.constant 0 : i32
    %dma_start3A_366 = tpu.memref_slice %arg6[%dma_start3A_363, %dma_start3A_364, %dma_start3A_365] : memref<4x96x128xf32, #tpu.memory_space<vmem>> -> memref<1x96x128xf32, #tpu.memory_space<vmem>>
    %dma_start3A_367 = tpu.memref_squeeze %dma_start3A_366 : memref<1x96x128xf32, #tpu.memory_space<vmem>> -> memref<96x128xf32, #tpu.memory_space<vmem>>
    %dma_start3A_368 = arith.constant 0 : i32
    %dma_start3A_369 = tpu.memref_slice %arg5[%dma_start3A_362, %dma_start3A_368] : memref<16x96xi32, #tpu.memory_space<vmem>> -> memref<1x96xi32, #tpu.memory_space<vmem>>
    %dma_start3A_370 = tpu.memref_squeeze %dma_start3A_369 : memref<1x96xi32, #tpu.memory_space<vmem>> -> memref<96xi32, #tpu.memory_space<vmem>>
    %dma_start3A_371 = arith.constant 0 : i32
    %dma_start3A_372 = arith.constant 0 : i32
    %dma_start3A_373 = tpu.memref_slice %arg2[%dma_start3A_371, %dma_start3A_372] : memref<3211264x128xf32, #tpu.memory_space<hbm>> -> memref<3211264x128xf32, #tpu.memory_space<hbm>>
    tpu.enqueue_indirect_dma source(%dma_start3A_373 : memref<3211264x128xf32, #tpu.memory_space<hbm>>) target(%dma_start3A_367 : memref<96x128xf32, #tpu.memory_space<vmem>>) offsets(%dma_start3A_370 : memref<96xi32, #tpu.memory_space<vmem>>) semaphore(%arg10 : memref<!tpu.dma_semaphore, #tpu.memory_space<semaphore_mem>>)
    %dma_wait3A_374 = arith.constant 12 : i32
    %dma_wait3A_375 = arith.constant 0 : i32
    %dma_wait3A_376 = arith.constant 0 : i32
    %dma_wait3A_377 = arith.constant 0 : i32
    %dma_wait3A_378 = tpu.memref_slice %arg6[%dma_wait3A_375, %dma_wait3A_376, %dma_wait3A_377] : memref<4x96x128xf32, #tpu.memory_space<vmem>> -> memref<1x96x128xf32, #tpu.memory_space<vmem>>
    %dma_wait3A_379 = tpu.memref_squeeze %dma_wait3A_378 : memref<1x96x128xf32, #tpu.memory_space<vmem>> -> memref<96x128xf32, #tpu.memory_space<vmem>>
    %dma_wait3A_380 = arith.constant 0 : i32
    %dma_wait3A_381 = tpu.memref_slice %arg5[%dma_wait3A_374, %dma_wait3A_380] : memref<16x96xi32, #tpu.memory_space<vmem>> -> memref<1x96xi32, #tpu.memory_space<vmem>>
    %dma_wait3A_382 = tpu.memref_squeeze %dma_wait3A_381 : memref<1x96xi32, #tpu.memory_space<vmem>> -> memref<96xi32, #tpu.memory_space<vmem>>
    %dma_wait3A_383 = arith.constant 0 : i32
    %dma_wait3A_384 = arith.constant 0 : i32
    %dma_wait3A_385 = tpu.memref_slice %arg2[%dma_wait3A_383, %dma_wait3A_384] : memref<3211264x128xf32, #tpu.memory_space<hbm>> -> memref<3211264x128xf32, #tpu.memory_space<hbm>>
    tpu.wait_indirect_dma semaphore(%arg7 : memref<!tpu.dma_semaphore, #tpu.memory_space<semaphore_mem>>) src(%dma_wait3A_385 : memref<3211264x128xf32, #tpu.memory_space<hbm>>) dst(%dma_wait3A_379 : memref<96x128xf32, #tpu.memory_space<vmem>>)
    %add3A_386 = arith.constant 1152 : i32
    %add3A_387 = arith.addi %mul3A_2, %add3A_386 : i32
    %run_scoped3A_388 = arith.constant 0 : i32
    "tpu.region"() ({
      %run_scoped3A_434 = tpu.sem_alloc : memref<!tpu.dma_semaphore, #tpu.memory_space<semaphore_mem>>
      %dma_start3A_435 = arith.constant 0 : i32
      %dma_start3A_436 = arith.constant 0 : i32
      %dma_start3A_437 = tpu.memref_slice %arg6[%run_scoped3A_388, %dma_start3A_435, %dma_start3A_436] : memref<4x96x128xf32, #tpu.memory_space<vmem>> -> memref<1x96x128xf32, #tpu.memory_space<vmem>>
      %dma_start3A_438 = tpu.memref_squeeze %dma_start3A_437 : memref<1x96x128xf32, #tpu.memory_space<vmem>> -> memref<96x128xf32, #tpu.memory_space<vmem>>
      %dma_start3A_439 = arith.constant 0 : i32
      %dma_start3A_440 = tpu.memref_slice %arg4[%add3A_387, %dma_start3A_439] : memref<49152x128xf32, #tpu.memory_space<hbm>> -> memref<96x128xf32, #tpu.memory_space<hbm>>
      %dma_start3A_441 = arith.constant 0 : i32
      %dma_start3A_442 = tpu.memref_slice %arg4[%add3A_387, %dma_start3A_441] : memref<49152x128xf32, #tpu.memory_space<hbm>> -> memref<96x128xf32, #tpu.memory_space<hbm>>
      %dma_start3A_443 = arith.constant 0 : i32
      %dma_start3A_444 = arith.constant 0 : i32
      %dma_start3A_445 = tpu.memref_slice %arg6[%run_scoped3A_388, %dma_start3A_443, %dma_start3A_444] : memref<4x96x128xf32, #tpu.memory_space<vmem>> -> memref<1x96x128xf32, #tpu.memory_space<vmem>>
      %dma_start3A_446 = tpu.memref_squeeze %dma_start3A_445 : memref<1x96x128xf32, #tpu.memory_space<vmem>> -> memref<96x128xf32, #tpu.memory_space<vmem>>
      tpu.enqueue_dma source(%dma_start3A_446 : memref<96x128xf32, #tpu.memory_space<vmem>>) target(%dma_start3A_442 : memref<96x128xf32, #tpu.memory_space<hbm>>) target_semaphore(%run_scoped3A_434 : memref<!tpu.dma_semaphore, #tpu.memory_space<semaphore_mem>>)
      %dma_wait3A_447 = arith.constant 0 : i32
      %dma_wait3A_448 = arith.constant 0 : i32
      %dma_wait3A_449 = tpu.memref_slice %arg6[%run_scoped3A_388, %dma_wait3A_447, %dma_wait3A_448] : memref<4x96x128xf32, #tpu.memory_space<vmem>> -> memref<1x96x128xf32, #tpu.memory_space<vmem>>
      %dma_wait3A_450 = tpu.memref_squeeze %dma_wait3A_449 : memref<1x96x128xf32, #tpu.memory_space<vmem>> -> memref<96x128xf32, #tpu.memory_space<vmem>>
      %dma_wait3A_451 = arith.constant 0 : i32
      %dma_wait3A_452 = tpu.memref_slice %arg4[%add3A_387, %dma_wait3A_451] : memref<49152x128xf32, #tpu.memory_space<hbm>> -> memref<96x128xf32, #tpu.memory_space<hbm>>
      %dma_wait3A_453 = arith.constant 0 : i32
      %dma_wait3A_454 = tpu.memref_slice %arg4[%add3A_387, %dma_wait3A_453] : memref<49152x128xf32, #tpu.memory_space<hbm>> -> memref<96x128xf32, #tpu.memory_space<hbm>>
      %dma_wait3A_455 = arith.constant 0 : i32
      %dma_wait3A_456 = arith.constant 0 : i32
      %dma_wait3A_457 = tpu.memref_slice %arg6[%run_scoped3A_388, %dma_wait3A_455, %dma_wait3A_456] : memref<4x96x128xf32, #tpu.memory_space<vmem>> -> memref<1x96x128xf32, #tpu.memory_space<vmem>>
      %dma_wait3A_458 = tpu.memref_squeeze %dma_wait3A_457 : memref<1x96x128xf32, #tpu.memory_space<vmem>> -> memref<96x128xf32, #tpu.memory_space<vmem>>
      tpu.wait_dma2 semaphore(%run_scoped3A_434 : memref<!tpu.dma_semaphore, #tpu.memory_space<semaphore_mem>>) src(%dma_wait3A_458 : memref<96x128xf32, #tpu.memory_space<vmem>>) dst(%dma_wait3A_454 : memref<96x128xf32, #tpu.memory_space<hbm>>)
      tpu.yield
    }) : () -> ()
    %dma_wait3A_389 = arith.constant 13 : i32
    %dma_wait3A_390 = arith.constant 1 : i32
    %dma_wait3A_391 = arith.constant 0 : i32
    %dma_wait3A_392 = arith.constant 0 : i32
    %dma_wait3A_393 = tpu.memref_slice %arg6[%dma_wait3A_390, %dma_wait3A_391, %dma_wait3A_392] : memref<4x96x128xf32, #tpu.memory_space<vmem>> -> memref<1x96x128xf32, #tpu.memory_space<vmem>>
    %dma_wait3A_394 = tpu.memref_squeeze %dma_wait3A_393 : memref<1x96x128xf32, #tpu.memory_space<vmem>> -> memref<96x128xf32, #tpu.memory_space<vmem>>
    %dma_wait3A_395 = arith.constant 0 : i32
    %dma_wait3A_396 = tpu.memref_slice %arg5[%dma_wait3A_389, %dma_wait3A_395] : memref<16x96xi32, #tpu.memory_space<vmem>> -> memref<1x96xi32, #tpu.memory_space<vmem>>
    %dma_wait3A_397 = tpu.memref_squeeze %dma_wait3A_396 : memref<1x96xi32, #tpu.memory_space<vmem>> -> memref<96xi32, #tpu.memory_space<vmem>>
    %dma_wait3A_398 = arith.constant 0 : i32
    %dma_wait3A_399 = arith.constant 0 : i32
    %dma_wait3A_400 = tpu.memref_slice %arg2[%dma_wait3A_398, %dma_wait3A_399] : memref<3211264x128xf32, #tpu.memory_space<hbm>> -> memref<3211264x128xf32, #tpu.memory_space<hbm>>
    tpu.wait_indirect_dma semaphore(%arg8 : memref<!tpu.dma_semaphore, #tpu.memory_space<semaphore_mem>>) src(%dma_wait3A_400 : memref<3211264x128xf32, #tpu.memory_space<hbm>>) dst(%dma_wait3A_394 : memref<96x128xf32, #tpu.memory_space<vmem>>)
    %add3A_401 = arith.constant 1248 : i32
    %add3A_402 = arith.addi %mul3A_2, %add3A_401 : i32
    %run_scoped3A_403 = arith.constant 1 : i32
    "tpu.region"() ({
      %run_scoped3A_434 = tpu.sem_alloc : memref<!tpu.dma_semaphore, #tpu.memory_space<semaphore_mem>>
      %dma_start3A_435 = arith.constant 0 : i32
      %dma_start3A_436 = arith.constant 0 : i32
      %dma_start3A_437 = tpu.memref_slice %arg6[%run_scoped3A_403, %dma_start3A_435, %dma_start3A_436] : memref<4x96x128xf32, #tpu.memory_space<vmem>> -> memref<1x96x128xf32, #tpu.memory_space<vmem>>
      %dma_start3A_438 = tpu.memref_squeeze %dma_start3A_437 : memref<1x96x128xf32, #tpu.memory_space<vmem>> -> memref<96x128xf32, #tpu.memory_space<vmem>>
      %dma_start3A_439 = arith.constant 0 : i32
      %dma_start3A_440 = tpu.memref_slice %arg4[%add3A_402, %dma_start3A_439] : memref<49152x128xf32, #tpu.memory_space<hbm>> -> memref<96x128xf32, #tpu.memory_space<hbm>>
      %dma_start3A_441 = arith.constant 0 : i32
      %dma_start3A_442 = tpu.memref_slice %arg4[%add3A_402, %dma_start3A_441] : memref<49152x128xf32, #tpu.memory_space<hbm>> -> memref<96x128xf32, #tpu.memory_space<hbm>>
      %dma_start3A_443 = arith.constant 0 : i32
      %dma_start3A_444 = arith.constant 0 : i32
      %dma_start3A_445 = tpu.memref_slice %arg6[%run_scoped3A_403, %dma_start3A_443, %dma_start3A_444] : memref<4x96x128xf32, #tpu.memory_space<vmem>> -> memref<1x96x128xf32, #tpu.memory_space<vmem>>
      %dma_start3A_446 = tpu.memref_squeeze %dma_start3A_445 : memref<1x96x128xf32, #tpu.memory_space<vmem>> -> memref<96x128xf32, #tpu.memory_space<vmem>>
      tpu.enqueue_dma source(%dma_start3A_446 : memref<96x128xf32, #tpu.memory_space<vmem>>) target(%dma_start3A_442 : memref<96x128xf32, #tpu.memory_space<hbm>>) target_semaphore(%run_scoped3A_434 : memref<!tpu.dma_semaphore, #tpu.memory_space<semaphore_mem>>)
      %dma_wait3A_447 = arith.constant 0 : i32
      %dma_wait3A_448 = arith.constant 0 : i32
      %dma_wait3A_449 = tpu.memref_slice %arg6[%run_scoped3A_403, %dma_wait3A_447, %dma_wait3A_448] : memref<4x96x128xf32, #tpu.memory_space<vmem>> -> memref<1x96x128xf32, #tpu.memory_space<vmem>>
      %dma_wait3A_450 = tpu.memref_squeeze %dma_wait3A_449 : memref<1x96x128xf32, #tpu.memory_space<vmem>> -> memref<96x128xf32, #tpu.memory_space<vmem>>
      %dma_wait3A_451 = arith.constant 0 : i32
      %dma_wait3A_452 = tpu.memref_slice %arg4[%add3A_402, %dma_wait3A_451] : memref<49152x128xf32, #tpu.memory_space<hbm>> -> memref<96x128xf32, #tpu.memory_space<hbm>>
      %dma_wait3A_453 = arith.constant 0 : i32
      %dma_wait3A_454 = tpu.memref_slice %arg4[%add3A_402, %dma_wait3A_453] : memref<49152x128xf32, #tpu.memory_space<hbm>> -> memref<96x128xf32, #tpu.memory_space<hbm>>
      %dma_wait3A_455 = arith.constant 0 : i32
      %dma_wait3A_456 = arith.constant 0 : i32
      %dma_wait3A_457 = tpu.memref_slice %arg6[%run_scoped3A_403, %dma_wait3A_455, %dma_wait3A_456] : memref<4x96x128xf32, #tpu.memory_space<vmem>> -> memref<1x96x128xf32, #tpu.memory_space<vmem>>
      %dma_wait3A_458 = tpu.memref_squeeze %dma_wait3A_457 : memref<1x96x128xf32, #tpu.memory_space<vmem>> -> memref<96x128xf32, #tpu.memory_space<vmem>>
      tpu.wait_dma2 semaphore(%run_scoped3A_434 : memref<!tpu.dma_semaphore, #tpu.memory_space<semaphore_mem>>) src(%dma_wait3A_458 : memref<96x128xf32, #tpu.memory_space<vmem>>) dst(%dma_wait3A_454 : memref<96x128xf32, #tpu.memory_space<hbm>>)
      tpu.yield
    }) : () -> ()
    %dma_wait3A_404 = arith.constant 14 : i32
    %dma_wait3A_405 = arith.constant 2 : i32
    %dma_wait3A_406 = arith.constant 0 : i32
    %dma_wait3A_407 = arith.constant 0 : i32
    %dma_wait3A_408 = tpu.memref_slice %arg6[%dma_wait3A_405, %dma_wait3A_406, %dma_wait3A_407] : memref<4x96x128xf32, #tpu.memory_space<vmem>> -> memref<1x96x128xf32, #tpu.memory_space<vmem>>
    %dma_wait3A_409 = tpu.memref_squeeze %dma_wait3A_408 : memref<1x96x128xf32, #tpu.memory_space<vmem>> -> memref<96x128xf32, #tpu.memory_space<vmem>>
    %dma_wait3A_410 = arith.constant 0 : i32
    %dma_wait3A_411 = tpu.memref_slice %arg5[%dma_wait3A_404, %dma_wait3A_410] : memref<16x96xi32, #tpu.memory_space<vmem>> -> memref<1x96xi32, #tpu.memory_space<vmem>>
    %dma_wait3A_412 = tpu.memref_squeeze %dma_wait3A_411 : memref<1x96xi32, #tpu.memory_space<vmem>> -> memref<96xi32, #tpu.memory_space<vmem>>
    %dma_wait3A_413 = arith.constant 0 : i32
    %dma_wait3A_414 = arith.constant 0 : i32
    %dma_wait3A_415 = tpu.memref_slice %arg2[%dma_wait3A_413, %dma_wait3A_414] : memref<3211264x128xf32, #tpu.memory_space<hbm>> -> memref<3211264x128xf32, #tpu.memory_space<hbm>>
    tpu.wait_indirect_dma semaphore(%arg9 : memref<!tpu.dma_semaphore, #tpu.memory_space<semaphore_mem>>) src(%dma_wait3A_415 : memref<3211264x128xf32, #tpu.memory_space<hbm>>) dst(%dma_wait3A_409 : memref<96x128xf32, #tpu.memory_space<vmem>>)
    %add3A_416 = arith.constant 1344 : i32
    %add3A_417 = arith.addi %mul3A_2, %add3A_416 : i32
    %run_scoped3A_418 = arith.constant 2 : i32
    "tpu.region"() ({
      %run_scoped3A_434 = tpu.sem_alloc : memref<!tpu.dma_semaphore, #tpu.memory_space<semaphore_mem>>
      %dma_start3A_435 = arith.constant 0 : i32
      %dma_start3A_436 = arith.constant 0 : i32
      %dma_start3A_437 = tpu.memref_slice %arg6[%run_scoped3A_418, %dma_start3A_435, %dma_start3A_436] : memref<4x96x128xf32, #tpu.memory_space<vmem>> -> memref<1x96x128xf32, #tpu.memory_space<vmem>>
      %dma_start3A_438 = tpu.memref_squeeze %dma_start3A_437 : memref<1x96x128xf32, #tpu.memory_space<vmem>> -> memref<96x128xf32, #tpu.memory_space<vmem>>
      %dma_start3A_439 = arith.constant 0 : i32
      %dma_start3A_440 = tpu.memref_slice %arg4[%add3A_417, %dma_start3A_439] : memref<49152x128xf32, #tpu.memory_space<hbm>> -> memref<96x128xf32, #tpu.memory_space<hbm>>
      %dma_start3A_441 = arith.constant 0 : i32
      %dma_start3A_442 = tpu.memref_slice %arg4[%add3A_417, %dma_start3A_441] : memref<49152x128xf32, #tpu.memory_space<hbm>> -> memref<96x128xf32, #tpu.memory_space<hbm>>
      %dma_start3A_443 = arith.constant 0 : i32
      %dma_start3A_444 = arith.constant 0 : i32
      %dma_start3A_445 = tpu.memref_slice %arg6[%run_scoped3A_418, %dma_start3A_443, %dma_start3A_444] : memref<4x96x128xf32, #tpu.memory_space<vmem>> -> memref<1x96x128xf32, #tpu.memory_space<vmem>>
      %dma_start3A_446 = tpu.memref_squeeze %dma_start3A_445 : memref<1x96x128xf32, #tpu.memory_space<vmem>> -> memref<96x128xf32, #tpu.memory_space<vmem>>
      tpu.enqueue_dma source(%dma_start3A_446 : memref<96x128xf32, #tpu.memory_space<vmem>>) target(%dma_start3A_442 : memref<96x128xf32, #tpu.memory_space<hbm>>) target_semaphore(%run_scoped3A_434 : memref<!tpu.dma_semaphore, #tpu.memory_space<semaphore_mem>>)
      %dma_wait3A_447 = arith.constant 0 : i32
      %dma_wait3A_448 = arith.constant 0 : i32
      %dma_wait3A_449 = tpu.memref_slice %arg6[%run_scoped3A_418, %dma_wait3A_447, %dma_wait3A_448] : memref<4x96x128xf32, #tpu.memory_space<vmem>> -> memref<1x96x128xf32, #tpu.memory_space<vmem>>
      %dma_wait3A_450 = tpu.memref_squeeze %dma_wait3A_449 : memref<1x96x128xf32, #tpu.memory_space<vmem>> -> memref<96x128xf32, #tpu.memory_space<vmem>>
      %dma_wait3A_451 = arith.constant 0 : i32
      %dma_wait3A_452 = tpu.memref_slice %arg4[%add3A_417, %dma_wait3A_451] : memref<49152x128xf32, #tpu.memory_space<hbm>> -> memref<96x128xf32, #tpu.memory_space<hbm>>
      %dma_wait3A_453 = arith.constant 0 : i32
      %dma_wait3A_454 = tpu.memref_slice %arg4[%add3A_417, %dma_wait3A_453] : memref<49152x128xf32, #tpu.memory_space<hbm>> -> memref<96x128xf32, #tpu.memory_space<hbm>>
      %dma_wait3A_455 = arith.constant 0 : i32
      %dma_wait3A_456 = arith.constant 0 : i32
      %dma_wait3A_457 = tpu.memref_slice %arg6[%run_scoped3A_418, %dma_wait3A_455, %dma_wait3A_456] : memref<4x96x128xf32, #tpu.memory_space<vmem>> -> memref<1x96x128xf32, #tpu.memory_space<vmem>>
      %dma_wait3A_458 = tpu.memref_squeeze %dma_wait3A_457 : memref<1x96x128xf32, #tpu.memory_space<vmem>> -> memref<96x128xf32, #tpu.memory_space<vmem>>
      tpu.wait_dma2 semaphore(%run_scoped3A_434 : memref<!tpu.dma_semaphore, #tpu.memory_space<semaphore_mem>>) src(%dma_wait3A_458 : memref<96x128xf32, #tpu.memory_space<vmem>>) dst(%dma_wait3A_454 : memref<96x128xf32, #tpu.memory_space<hbm>>)
      tpu.yield
    }) : () -> ()
    %dma_wait3A_419 = arith.constant 15 : i32
    %dma_wait3A_420 = arith.constant 3 : i32
    %dma_wait3A_421 = arith.constant 0 : i32
    %dma_wait3A_422 = arith.constant 0 : i32
    %dma_wait3A_423 = tpu.memref_slice %arg6[%dma_wait3A_420, %dma_wait3A_421, %dma_wait3A_422] : memref<4x96x128xf32, #tpu.memory_space<vmem>> -> memref<1x96x128xf32, #tpu.memory_space<vmem>>
    %dma_wait3A_424 = tpu.memref_squeeze %dma_wait3A_423 : memref<1x96x128xf32, #tpu.memory_space<vmem>> -> memref<96x128xf32, #tpu.memory_space<vmem>>
    %dma_wait3A_425 = arith.constant 0 : i32
    %dma_wait3A_426 = tpu.memref_slice %arg5[%dma_wait3A_419, %dma_wait3A_425] : memref<16x96xi32, #tpu.memory_space<vmem>> -> memref<1x96xi32, #tpu.memory_space<vmem>>
    %dma_wait3A_427 = tpu.memref_squeeze %dma_wait3A_426 : memref<1x96xi32, #tpu.memory_space<vmem>> -> memref<96xi32, #tpu.memory_space<vmem>>
    %dma_wait3A_428 = arith.constant 0 : i32
    %dma_wait3A_429 = arith.constant 0 : i32
    %dma_wait3A_430 = tpu.memref_slice %arg2[%dma_wait3A_428, %dma_wait3A_429] : memref<3211264x128xf32, #tpu.memory_space<hbm>> -> memref<3211264x128xf32, #tpu.memory_space<hbm>>
    tpu.wait_indirect_dma semaphore(%arg10 : memref<!tpu.dma_semaphore, #tpu.memory_space<semaphore_mem>>) src(%dma_wait3A_430 : memref<3211264x128xf32, #tpu.memory_space<hbm>>) dst(%dma_wait3A_424 : memref<96x128xf32, #tpu.memory_space<vmem>>)
    %add3A_431 = arith.constant 1440 : i32
    %add3A_432 = arith.addi %mul3A_2, %add3A_431 : i32
    %run_scoped3A_433 = arith.constant 3 : i32
    "tpu.region"() ({
      %run_scoped3A_434 = tpu.sem_alloc : memref<!tpu.dma_semaphore, #tpu.memory_space<semaphore_mem>>
      %dma_start3A_435 = arith.constant 0 : i32
      %dma_start3A_436 = arith.constant 0 : i32
      %dma_start3A_437 = tpu.memref_slice %arg6[%run_scoped3A_433, %dma_start3A_435, %dma_start3A_436] : memref<4x96x128xf32, #tpu.memory_space<vmem>> -> memref<1x96x128xf32, #tpu.memory_space<vmem>>
      %dma_start3A_438 = tpu.memref_squeeze %dma_start3A_437 : memref<1x96x128xf32, #tpu.memory_space<vmem>> -> memref<96x128xf32, #tpu.memory_space<vmem>>
      %dma_start3A_439 = arith.constant 0 : i32
      %dma_start3A_440 = tpu.memref_slice %arg4[%add3A_432, %dma_start3A_439] : memref<49152x128xf32, #tpu.memory_space<hbm>> -> memref<96x128xf32, #tpu.memory_space<hbm>>
      %dma_start3A_441 = arith.constant 0 : i32
      %dma_start3A_442 = tpu.memref_slice %arg4[%add3A_432, %dma_start3A_441] : memref<49152x128xf32, #tpu.memory_space<hbm>> -> memref<96x128xf32, #tpu.memory_space<hbm>>
      %dma_start3A_443 = arith.constant 0 : i32
      %dma_start3A_444 = arith.constant 0 : i32
      %dma_start3A_445 = tpu.memref_slice %arg6[%run_scoped3A_433, %dma_start3A_443, %dma_start3A_444] : memref<4x96x128xf32, #tpu.memory_space<vmem>> -> memref<1x96x128xf32, #tpu.memory_space<vmem>>
      %dma_start3A_446 = tpu.memref_squeeze %dma_start3A_445 : memref<1x96x128xf32, #tpu.memory_space<vmem>> -> memref<96x128xf32, #tpu.memory_space<vmem>>
      tpu.enqueue_dma source(%dma_start3A_446 : memref<96x128xf32, #tpu.memory_space<vmem>>) target(%dma_start3A_442 : memref<96x128xf32, #tpu.memory_space<hbm>>) target_semaphore(%run_scoped3A_434 : memref<!tpu.dma_semaphore, #tpu.memory_space<semaphore_mem>>)
      %dma_wait3A_447 = arith.constant 0 : i32
      %dma_wait3A_448 = arith.constant 0 : i32
      %dma_wait3A_449 = tpu.memref_slice %arg6[%run_scoped3A_433, %dma_wait3A_447, %dma_wait3A_448] : memref<4x96x128xf32, #tpu.memory_space<vmem>> -> memref<1x96x128xf32, #tpu.memory_space<vmem>>
      %dma_wait3A_450 = tpu.memref_squeeze %dma_wait3A_449 : memref<1x96x128xf32, #tpu.memory_space<vmem>> -> memref<96x128xf32, #tpu.memory_space<vmem>>
      %dma_wait3A_451 = arith.constant 0 : i32
      %dma_wait3A_452 = tpu.memref_slice %arg4[%add3A_432, %dma_wait3A_451] : memref<49152x128xf32, #tpu.memory_space<hbm>> -> memref<96x128xf32, #tpu.memory_space<hbm>>
      %dma_wait3A_453 = arith.constant 0 : i32
      %dma_wait3A_454 = tpu.memref_slice %arg4[%add3A_432, %dma_wait3A_453] : memref<49152x128xf32, #tpu.memory_space<hbm>> -> memref<96x128xf32, #tpu.memory_space<hbm>>
      %dma_wait3A_455 = arith.constant 0 : i32
      %dma_wait3A_456 = arith.constant 0 : i32
      %dma_wait3A_457 = tpu.memref_slice %arg6[%run_scoped3A_433, %dma_wait3A_455, %dma_wait3A_456] : memref<4x96x128xf32, #tpu.memory_space<vmem>> -> memref<1x96x128xf32, #tpu.memory_space<vmem>>
      %dma_wait3A_458 = tpu.memref_squeeze %dma_wait3A_457 : memref<1x96x128xf32, #tpu.memory_space<vmem>> -> memref<96x128xf32, #tpu.memory_space<vmem>>
      tpu.wait_dma2 semaphore(%run_scoped3A_434 : memref<!tpu.dma_semaphore, #tpu.memory_space<semaphore_mem>>) src(%dma_wait3A_458 : memref<96x128xf32, #tpu.memory_space<vmem>>) dst(%dma_wait3A_454 : memref<96x128xf32, #tpu.memory_space<hbm>>)
      tpu.yield
    }) : () -> ()
    return
  }
}

#map = affine_map<(d0, d1) -> (0, 0)>
module attributes {stable_mosaic.version = 14 : i64} {
  func.func @gather_k(%arg0: i32, %arg1: i32, %arg2: memref<50000x128xf32, #tpu.memory_space<hbm>>, %arg3: memref<256x16xi32, #tpu.memory_space<hbm>>, %arg4: memref<4096x128xf32, #tpu.memory_space<hbm>>, %arg5: memref<8x16xi32, #tpu.memory_space<vmem>>, %arg6: memref<4x16x128xf32, #tpu.memory_space<vmem>>, %arg7: memref<!tpu.dma_semaphore, #tpu.memory_space<semaphore_mem>>, %arg8: memref<!tpu.dma_semaphore, #tpu.memory_space<semaphore_mem>>, %arg9: memref<!tpu.dma_semaphore, #tpu.memory_space<semaphore_mem>>, %arg10: memref<!tpu.dma_semaphore, #tpu.memory_space<semaphore_mem>>) attributes {dimension_semantics = [#tpu.dimension_semantics<core_parallel>, #tpu.dimension_semantics<subcore_parallel>], iteration_bounds = array<i64: 2, 16>, scalar_prefetch = 0 : i64, scratch_operands = 6 : i64, tpu.core_type = #tpu.core_type<sc_vector_subcore>, window_params = [{transform_indices = #map}, {transform_indices = #map}, {transform_indices = #map}]} {
    %mul3A = arith.constant 2 : i32
    %mul3A_0 = arith.muli %arg1, %mul3A : i32
    %add3A = arith.addi %mul3A_0, %arg0 : i32
    %mul3A_1 = arith.constant 128 : i32
    %mul3A_2 = arith.muli %add3A, %mul3A_1 : i32
    %mul3A_3 = arith.constant 8 : i32
    %mul3A_4 = arith.muli %add3A, %mul3A_3 : i32
    "tpu.region"() ({
      %run_scoped3A_218 = tpu.sem_alloc : memref<!tpu.dma_semaphore, #tpu.memory_space<semaphore_mem>>
      %dma_start3A_219 = arith.constant 0 : i32
      %dma_start3A_220 = tpu.memref_slice %arg3[%mul3A_4, %dma_start3A_219] : memref<256x16xi32, #tpu.memory_space<hbm>> -> memref<8x16xi32, #tpu.memory_space<hbm>>
      %dma_start3A_221 = arith.constant 0 : i32
      %dma_start3A_222 = tpu.memref_slice %arg3[%mul3A_4, %dma_start3A_221] : memref<256x16xi32, #tpu.memory_space<hbm>> -> memref<8x16xi32, #tpu.memory_space<hbm>>
      tpu.enqueue_dma source(%dma_start3A_222 : memref<8x16xi32, #tpu.memory_space<hbm>>) target(%arg5 : memref<8x16xi32, #tpu.memory_space<vmem>>) target_semaphore(%run_scoped3A_218 : memref<!tpu.dma_semaphore, #tpu.memory_space<semaphore_mem>>)
      %dma_wait3A_223 = arith.constant 0 : i32
      %dma_wait3A_224 = tpu.memref_slice %arg3[%mul3A_4, %dma_wait3A_223] : memref<256x16xi32, #tpu.memory_space<hbm>> -> memref<8x16xi32, #tpu.memory_space<hbm>>
      %dma_wait3A_225 = arith.constant 0 : i32
      %dma_wait3A_226 = tpu.memref_slice %arg3[%mul3A_4, %dma_wait3A_225] : memref<256x16xi32, #tpu.memory_space<hbm>> -> memref<8x16xi32, #tpu.memory_space<hbm>>
      tpu.wait_dma2 semaphore(%run_scoped3A_218 : memref<!tpu.dma_semaphore, #tpu.memory_space<semaphore_mem>>) src(%dma_wait3A_226 : memref<8x16xi32, #tpu.memory_space<hbm>>) dst(%arg5 : memref<8x16xi32, #tpu.memory_space<vmem>>)
      tpu.yield
    }) : () -> ()
    %dma_start3A = arith.constant 0 : i32
    %dma_start3A_5 = arith.constant 0 : i32
    %dma_start3A_6 = arith.constant 0 : i32
    %dma_start3A_7 = arith.constant 0 : i32
    %dma_start3A_8 = tpu.memref_slice %arg6[%dma_start3A_5, %dma_start3A_6, %dma_start3A_7] : memref<4x16x128xf32, #tpu.memory_space<vmem>> -> memref<1x16x128xf32, #tpu.memory_space<vmem>>
    %dma_start3A_9 = tpu.memref_squeeze %dma_start3A_8 : memref<1x16x128xf32, #tpu.memory_space<vmem>> -> memref<16x128xf32, #tpu.memory_space<vmem>>
    %dma_start3A_10 = arith.constant 0 : i32
    %dma_start3A_11 = tpu.memref_slice %arg5[%dma_start3A, %dma_start3A_10] : memref<8x16xi32, #tpu.memory_space<vmem>> -> memref<1x16xi32, #tpu.memory_space<vmem>>
    %dma_start3A_12 = tpu.memref_squeeze %dma_start3A_11 : memref<1x16xi32, #tpu.memory_space<vmem>> -> memref<16xi32, #tpu.memory_space<vmem>>
    %dma_start3A_13 = arith.constant 0 : i32
    %dma_start3A_14 = arith.constant 0 : i32
    %dma_start3A_15 = tpu.memref_slice %arg2[%dma_start3A_13, %dma_start3A_14] : memref<50000x128xf32, #tpu.memory_space<hbm>> -> memref<50000x128xf32, #tpu.memory_space<hbm>>
    tpu.enqueue_indirect_dma source(%dma_start3A_15 : memref<50000x128xf32, #tpu.memory_space<hbm>>) target(%dma_start3A_9 : memref<16x128xf32, #tpu.memory_space<vmem>>) offsets(%dma_start3A_12 : memref<16xi32, #tpu.memory_space<vmem>>) semaphore(%arg7 : memref<!tpu.dma_semaphore, #tpu.memory_space<semaphore_mem>>)
    %dma_start3A_16 = arith.constant 1 : i32
    %dma_start3A_17 = arith.constant 1 : i32
    %dma_start3A_18 = arith.constant 0 : i32
    %dma_start3A_19 = arith.constant 0 : i32
    %dma_start3A_20 = tpu.memref_slice %arg6[%dma_start3A_17, %dma_start3A_18, %dma_start3A_19] : memref<4x16x128xf32, #tpu.memory_space<vmem>> -> memref<1x16x128xf32, #tpu.memory_space<vmem>>
    %dma_start3A_21 = tpu.memref_squeeze %dma_start3A_20 : memref<1x16x128xf32, #tpu.memory_space<vmem>> -> memref<16x128xf32, #tpu.memory_space<vmem>>
    %dma_start3A_22 = arith.constant 0 : i32
    %dma_start3A_23 = tpu.memref_slice %arg5[%dma_start3A_16, %dma_start3A_22] : memref<8x16xi32, #tpu.memory_space<vmem>> -> memref<1x16xi32, #tpu.memory_space<vmem>>
    %dma_start3A_24 = tpu.memref_squeeze %dma_start3A_23 : memref<1x16xi32, #tpu.memory_space<vmem>> -> memref<16xi32, #tpu.memory_space<vmem>>
    %dma_start3A_25 = arith.constant 0 : i32
    %dma_start3A_26 = arith.constant 0 : i32
    %dma_start3A_27 = tpu.memref_slice %arg2[%dma_start3A_25, %dma_start3A_26] : memref<50000x128xf32, #tpu.memory_space<hbm>> -> memref<50000x128xf32, #tpu.memory_space<hbm>>
    tpu.enqueue_indirect_dma source(%dma_start3A_27 : memref<50000x128xf32, #tpu.memory_space<hbm>>) target(%dma_start3A_21 : memref<16x128xf32, #tpu.memory_space<vmem>>) offsets(%dma_start3A_24 : memref<16xi32, #tpu.memory_space<vmem>>) semaphore(%arg8 : memref<!tpu.dma_semaphore, #tpu.memory_space<semaphore_mem>>)
    %dma_start3A_28 = arith.constant 2 : i32
    %dma_start3A_29 = arith.constant 2 : i32
    %dma_start3A_30 = arith.constant 0 : i32
    %dma_start3A_31 = arith.constant 0 : i32
    %dma_start3A_32 = tpu.memref_slice %arg6[%dma_start3A_29, %dma_start3A_30, %dma_start3A_31] : memref<4x16x128xf32, #tpu.memory_space<vmem>> -> memref<1x16x128xf32, #tpu.memory_space<vmem>>
    %dma_start3A_33 = tpu.memref_squeeze %dma_start3A_32 : memref<1x16x128xf32, #tpu.memory_space<vmem>> -> memref<16x128xf32, #tpu.memory_space<vmem>>
    %dma_start3A_34 = arith.constant 0 : i32
    %dma_start3A_35 = tpu.memref_slice %arg5[%dma_start3A_28, %dma_start3A_34] : memref<8x16xi32, #tpu.memory_space<vmem>> -> memref<1x16xi32, #tpu.memory_space<vmem>>
    %dma_start3A_36 = tpu.memref_squeeze %dma_start3A_35 : memref<1x16xi32, #tpu.memory_space<vmem>> -> memref<16xi32, #tpu.memory_space<vmem>>
    %dma_start3A_37 = arith.constant 0 : i32
    %dma_start3A_38 = arith.constant 0 : i32
    %dma_start3A_39 = tpu.memref_slice %arg2[%dma_start3A_37, %dma_start3A_38] : memref<50000x128xf32, #tpu.memory_space<hbm>> -> memref<50000x128xf32, #tpu.memory_space<hbm>>
    tpu.enqueue_indirect_dma source(%dma_start3A_39 : memref<50000x128xf32, #tpu.memory_space<hbm>>) target(%dma_start3A_33 : memref<16x128xf32, #tpu.memory_space<vmem>>) offsets(%dma_start3A_36 : memref<16xi32, #tpu.memory_space<vmem>>) semaphore(%arg9 : memref<!tpu.dma_semaphore, #tpu.memory_space<semaphore_mem>>)
    %dma_start3A_40 = arith.constant 3 : i32
    %dma_start3A_41 = arith.constant 3 : i32
    %dma_start3A_42 = arith.constant 0 : i32
    %dma_start3A_43 = arith.constant 0 : i32
    %dma_start3A_44 = tpu.memref_slice %arg6[%dma_start3A_41, %dma_start3A_42, %dma_start3A_43] : memref<4x16x128xf32, #tpu.memory_space<vmem>> -> memref<1x16x128xf32, #tpu.memory_space<vmem>>
    %dma_start3A_45 = tpu.memref_squeeze %dma_start3A_44 : memref<1x16x128xf32, #tpu.memory_space<vmem>> -> memref<16x128xf32, #tpu.memory_space<vmem>>
    %dma_start3A_46 = arith.constant 0 : i32
    %dma_start3A_47 = tpu.memref_slice %arg5[%dma_start3A_40, %dma_start3A_46] : memref<8x16xi32, #tpu.memory_space<vmem>> -> memref<1x16xi32, #tpu.memory_space<vmem>>
    %dma_start3A_48 = tpu.memref_squeeze %dma_start3A_47 : memref<1x16xi32, #tpu.memory_space<vmem>> -> memref<16xi32, #tpu.memory_space<vmem>>
    %dma_start3A_49 = arith.constant 0 : i32
    %dma_start3A_50 = arith.constant 0 : i32
    %dma_start3A_51 = tpu.memref_slice %arg2[%dma_start3A_49, %dma_start3A_50] : memref<50000x128xf32, #tpu.memory_space<hbm>> -> memref<50000x128xf32, #tpu.memory_space<hbm>>
    tpu.enqueue_indirect_dma source(%dma_start3A_51 : memref<50000x128xf32, #tpu.memory_space<hbm>>) target(%dma_start3A_45 : memref<16x128xf32, #tpu.memory_space<vmem>>) offsets(%dma_start3A_48 : memref<16xi32, #tpu.memory_space<vmem>>) semaphore(%arg10 : memref<!tpu.dma_semaphore, #tpu.memory_space<semaphore_mem>>)
    %dma_wait3A = arith.constant 0 : i32
    %dma_wait3A_52 = arith.constant 0 : i32
    %dma_wait3A_53 = arith.constant 0 : i32
    %dma_wait3A_54 = arith.constant 0 : i32
    %dma_wait3A_55 = tpu.memref_slice %arg6[%dma_wait3A_52, %dma_wait3A_53, %dma_wait3A_54] : memref<4x16x128xf32, #tpu.memory_space<vmem>> -> memref<1x16x128xf32, #tpu.memory_space<vmem>>
    %dma_wait3A_56 = tpu.memref_squeeze %dma_wait3A_55 : memref<1x16x128xf32, #tpu.memory_space<vmem>> -> memref<16x128xf32, #tpu.memory_space<vmem>>
    %dma_wait3A_57 = arith.constant 0 : i32
    %dma_wait3A_58 = tpu.memref_slice %arg5[%dma_wait3A, %dma_wait3A_57] : memref<8x16xi32, #tpu.memory_space<vmem>> -> memref<1x16xi32, #tpu.memory_space<vmem>>
    %dma_wait3A_59 = tpu.memref_squeeze %dma_wait3A_58 : memref<1x16xi32, #tpu.memory_space<vmem>> -> memref<16xi32, #tpu.memory_space<vmem>>
    %dma_wait3A_60 = arith.constant 0 : i32
    %dma_wait3A_61 = arith.constant 0 : i32
    %dma_wait3A_62 = tpu.memref_slice %arg2[%dma_wait3A_60, %dma_wait3A_61] : memref<50000x128xf32, #tpu.memory_space<hbm>> -> memref<50000x128xf32, #tpu.memory_space<hbm>>
    tpu.wait_indirect_dma semaphore(%arg7 : memref<!tpu.dma_semaphore, #tpu.memory_space<semaphore_mem>>) src(%dma_wait3A_62 : memref<50000x128xf32, #tpu.memory_space<hbm>>) dst(%dma_wait3A_56 : memref<16x128xf32, #tpu.memory_space<vmem>>)
    %add3A_63 = arith.constant 0 : i32
    %add3A_64 = arith.addi %mul3A_2, %add3A_63 : i32
    %run_scoped3A = arith.constant 0 : i32
    "tpu.region"() ({
      %run_scoped3A_218 = tpu.sem_alloc : memref<!tpu.dma_semaphore, #tpu.memory_space<semaphore_mem>>
      %dma_start3A_219 = arith.constant 0 : i32
      %dma_start3A_220 = arith.constant 0 : i32
      %dma_start3A_221 = tpu.memref_slice %arg6[%run_scoped3A, %dma_start3A_219, %dma_start3A_220] : memref<4x16x128xf32, #tpu.memory_space<vmem>> -> memref<1x16x128xf32, #tpu.memory_space<vmem>>
      %dma_start3A_222 = tpu.memref_squeeze %dma_start3A_221 : memref<1x16x128xf32, #tpu.memory_space<vmem>> -> memref<16x128xf32, #tpu.memory_space<vmem>>
      %dma_start3A_223 = arith.constant 0 : i32
      %dma_start3A_224 = tpu.memref_slice %arg4[%add3A_64, %dma_start3A_223] : memref<4096x128xf32, #tpu.memory_space<hbm>> -> memref<16x128xf32, #tpu.memory_space<hbm>>
      %dma_start3A_225 = arith.constant 0 : i32
      %dma_start3A_226 = tpu.memref_slice %arg4[%add3A_64, %dma_start3A_225] : memref<4096x128xf32, #tpu.memory_space<hbm>> -> memref<16x128xf32, #tpu.memory_space<hbm>>
      %dma_start3A_227 = arith.constant 0 : i32
      %dma_start3A_228 = arith.constant 0 : i32
      %dma_start3A_229 = tpu.memref_slice %arg6[%run_scoped3A, %dma_start3A_227, %dma_start3A_228] : memref<4x16x128xf32, #tpu.memory_space<vmem>> -> memref<1x16x128xf32, #tpu.memory_space<vmem>>
      %dma_start3A_230 = tpu.memref_squeeze %dma_start3A_229 : memref<1x16x128xf32, #tpu.memory_space<vmem>> -> memref<16x128xf32, #tpu.memory_space<vmem>>
      tpu.enqueue_dma source(%dma_start3A_230 : memref<16x128xf32, #tpu.memory_space<vmem>>) target(%dma_start3A_226 : memref<16x128xf32, #tpu.memory_space<hbm>>) target_semaphore(%run_scoped3A_218 : memref<!tpu.dma_semaphore, #tpu.memory_space<semaphore_mem>>)
      %dma_wait3A_231 = arith.constant 0 : i32
      %dma_wait3A_232 = arith.constant 0 : i32
      %dma_wait3A_233 = tpu.memref_slice %arg6[%run_scoped3A, %dma_wait3A_231, %dma_wait3A_232] : memref<4x16x128xf32, #tpu.memory_space<vmem>> -> memref<1x16x128xf32, #tpu.memory_space<vmem>>
      %dma_wait3A_234 = tpu.memref_squeeze %dma_wait3A_233 : memref<1x16x128xf32, #tpu.memory_space<vmem>> -> memref<16x128xf32, #tpu.memory_space<vmem>>
      %dma_wait3A_235 = arith.constant 0 : i32
      %dma_wait3A_236 = tpu.memref_slice %arg4[%add3A_64, %dma_wait3A_235] : memref<4096x128xf32, #tpu.memory_space<hbm>> -> memref<16x128xf32, #tpu.memory_space<hbm>>
      %dma_wait3A_237 = arith.constant 0 : i32
      %dma_wait3A_238 = tpu.memref_slice %arg4[%add3A_64, %dma_wait3A_237] : memref<4096x128xf32, #tpu.memory_space<hbm>> -> memref<16x128xf32, #tpu.memory_space<hbm>>
      %dma_wait3A_239 = arith.constant 0 : i32
      %dma_wait3A_240 = arith.constant 0 : i32
      %dma_wait3A_241 = tpu.memref_slice %arg6[%run_scoped3A, %dma_wait3A_239, %dma_wait3A_240] : memref<4x16x128xf32, #tpu.memory_space<vmem>> -> memref<1x16x128xf32, #tpu.memory_space<vmem>>
      %dma_wait3A_242 = tpu.memref_squeeze %dma_wait3A_241 : memref<1x16x128xf32, #tpu.memory_space<vmem>> -> memref<16x128xf32, #tpu.memory_space<vmem>>
      tpu.wait_dma2 semaphore(%run_scoped3A_218 : memref<!tpu.dma_semaphore, #tpu.memory_space<semaphore_mem>>) src(%dma_wait3A_242 : memref<16x128xf32, #tpu.memory_space<vmem>>) dst(%dma_wait3A_238 : memref<16x128xf32, #tpu.memory_space<hbm>>)
      tpu.yield
    }) : () -> ()
    %dma_start3A_65 = arith.constant 4 : i32
    %dma_start3A_66 = arith.constant 0 : i32
    %dma_start3A_67 = arith.constant 0 : i32
    %dma_start3A_68 = arith.constant 0 : i32
    %dma_start3A_69 = tpu.memref_slice %arg6[%dma_start3A_66, %dma_start3A_67, %dma_start3A_68] : memref<4x16x128xf32, #tpu.memory_space<vmem>> -> memref<1x16x128xf32, #tpu.memory_space<vmem>>
    %dma_start3A_70 = tpu.memref_squeeze %dma_start3A_69 : memref<1x16x128xf32, #tpu.memory_space<vmem>> -> memref<16x128xf32, #tpu.memory_space<vmem>>
    %dma_start3A_71 = arith.constant 0 : i32
    %dma_start3A_72 = tpu.memref_slice %arg5[%dma_start3A_65, %dma_start3A_71] : memref<8x16xi32, #tpu.memory_space<vmem>> -> memref<1x16xi32, #tpu.memory_space<vmem>>
    %dma_start3A_73 = tpu.memref_squeeze %dma_start3A_72 : memref<1x16xi32, #tpu.memory_space<vmem>> -> memref<16xi32, #tpu.memory_space<vmem>>
    %dma_start3A_74 = arith.constant 0 : i32
    %dma_start3A_75 = arith.constant 0 : i32
    %dma_start3A_76 = tpu.memref_slice %arg2[%dma_start3A_74, %dma_start3A_75] : memref<50000x128xf32, #tpu.memory_space<hbm>> -> memref<50000x128xf32, #tpu.memory_space<hbm>>
    tpu.enqueue_indirect_dma source(%dma_start3A_76 : memref<50000x128xf32, #tpu.memory_space<hbm>>) target(%dma_start3A_70 : memref<16x128xf32, #tpu.memory_space<vmem>>) offsets(%dma_start3A_73 : memref<16xi32, #tpu.memory_space<vmem>>) semaphore(%arg7 : memref<!tpu.dma_semaphore, #tpu.memory_space<semaphore_mem>>)
    %dma_wait3A_77 = arith.constant 1 : i32
    %dma_wait3A_78 = arith.constant 1 : i32
    %dma_wait3A_79 = arith.constant 0 : i32
    %dma_wait3A_80 = arith.constant 0 : i32
    %dma_wait3A_81 = tpu.memref_slice %arg6[%dma_wait3A_78, %dma_wait3A_79, %dma_wait3A_80] : memref<4x16x128xf32, #tpu.memory_space<vmem>> -> memref<1x16x128xf32, #tpu.memory_space<vmem>>
    %dma_wait3A_82 = tpu.memref_squeeze %dma_wait3A_81 : memref<1x16x128xf32, #tpu.memory_space<vmem>> -> memref<16x128xf32, #tpu.memory_space<vmem>>
    %dma_wait3A_83 = arith.constant 0 : i32
    %dma_wait3A_84 = tpu.memref_slice %arg5[%dma_wait3A_77, %dma_wait3A_83] : memref<8x16xi32, #tpu.memory_space<vmem>> -> memref<1x16xi32, #tpu.memory_space<vmem>>
    %dma_wait3A_85 = tpu.memref_squeeze %dma_wait3A_84 : memref<1x16xi32, #tpu.memory_space<vmem>> -> memref<16xi32, #tpu.memory_space<vmem>>
    %dma_wait3A_86 = arith.constant 0 : i32
    %dma_wait3A_87 = arith.constant 0 : i32
    %dma_wait3A_88 = tpu.memref_slice %arg2[%dma_wait3A_86, %dma_wait3A_87] : memref<50000x128xf32, #tpu.memory_space<hbm>> -> memref<50000x128xf32, #tpu.memory_space<hbm>>
    tpu.wait_indirect_dma semaphore(%arg8 : memref<!tpu.dma_semaphore, #tpu.memory_space<semaphore_mem>>) src(%dma_wait3A_88 : memref<50000x128xf32, #tpu.memory_space<hbm>>) dst(%dma_wait3A_82 : memref<16x128xf32, #tpu.memory_space<vmem>>)
    %add3A_89 = arith.constant 16 : i32
    %add3A_90 = arith.addi %mul3A_2, %add3A_89 : i32
    %run_scoped3A_91 = arith.constant 1 : i32
    "tpu.region"() ({
      %run_scoped3A_218 = tpu.sem_alloc : memref<!tpu.dma_semaphore, #tpu.memory_space<semaphore_mem>>
      %dma_start3A_219 = arith.constant 0 : i32
      %dma_start3A_220 = arith.constant 0 : i32
      %dma_start3A_221 = tpu.memref_slice %arg6[%run_scoped3A_91, %dma_start3A_219, %dma_start3A_220] : memref<4x16x128xf32, #tpu.memory_space<vmem>> -> memref<1x16x128xf32, #tpu.memory_space<vmem>>
      %dma_start3A_222 = tpu.memref_squeeze %dma_start3A_221 : memref<1x16x128xf32, #tpu.memory_space<vmem>> -> memref<16x128xf32, #tpu.memory_space<vmem>>
      %dma_start3A_223 = arith.constant 0 : i32
      %dma_start3A_224 = tpu.memref_slice %arg4[%add3A_90, %dma_start3A_223] : memref<4096x128xf32, #tpu.memory_space<hbm>> -> memref<16x128xf32, #tpu.memory_space<hbm>>
      %dma_start3A_225 = arith.constant 0 : i32
      %dma_start3A_226 = tpu.memref_slice %arg4[%add3A_90, %dma_start3A_225] : memref<4096x128xf32, #tpu.memory_space<hbm>> -> memref<16x128xf32, #tpu.memory_space<hbm>>
      %dma_start3A_227 = arith.constant 0 : i32
      %dma_start3A_228 = arith.constant 0 : i32
      %dma_start3A_229 = tpu.memref_slice %arg6[%run_scoped3A_91, %dma_start3A_227, %dma_start3A_228] : memref<4x16x128xf32, #tpu.memory_space<vmem>> -> memref<1x16x128xf32, #tpu.memory_space<vmem>>
      %dma_start3A_230 = tpu.memref_squeeze %dma_start3A_229 : memref<1x16x128xf32, #tpu.memory_space<vmem>> -> memref<16x128xf32, #tpu.memory_space<vmem>>
      tpu.enqueue_dma source(%dma_start3A_230 : memref<16x128xf32, #tpu.memory_space<vmem>>) target(%dma_start3A_226 : memref<16x128xf32, #tpu.memory_space<hbm>>) target_semaphore(%run_scoped3A_218 : memref<!tpu.dma_semaphore, #tpu.memory_space<semaphore_mem>>)
      %dma_wait3A_231 = arith.constant 0 : i32
      %dma_wait3A_232 = arith.constant 0 : i32
      %dma_wait3A_233 = tpu.memref_slice %arg6[%run_scoped3A_91, %dma_wait3A_231, %dma_wait3A_232] : memref<4x16x128xf32, #tpu.memory_space<vmem>> -> memref<1x16x128xf32, #tpu.memory_space<vmem>>
      %dma_wait3A_234 = tpu.memref_squeeze %dma_wait3A_233 : memref<1x16x128xf32, #tpu.memory_space<vmem>> -> memref<16x128xf32, #tpu.memory_space<vmem>>
      %dma_wait3A_235 = arith.constant 0 : i32
      %dma_wait3A_236 = tpu.memref_slice %arg4[%add3A_90, %dma_wait3A_235] : memref<4096x128xf32, #tpu.memory_space<hbm>> -> memref<16x128xf32, #tpu.memory_space<hbm>>
      %dma_wait3A_237 = arith.constant 0 : i32
      %dma_wait3A_238 = tpu.memref_slice %arg4[%add3A_90, %dma_wait3A_237] : memref<4096x128xf32, #tpu.memory_space<hbm>> -> memref<16x128xf32, #tpu.memory_space<hbm>>
      %dma_wait3A_239 = arith.constant 0 : i32
      %dma_wait3A_240 = arith.constant 0 : i32
      %dma_wait3A_241 = tpu.memref_slice %arg6[%run_scoped3A_91, %dma_wait3A_239, %dma_wait3A_240] : memref<4x16x128xf32, #tpu.memory_space<vmem>> -> memref<1x16x128xf32, #tpu.memory_space<vmem>>
      %dma_wait3A_242 = tpu.memref_squeeze %dma_wait3A_241 : memref<1x16x128xf32, #tpu.memory_space<vmem>> -> memref<16x128xf32, #tpu.memory_space<vmem>>
      tpu.wait_dma2 semaphore(%run_scoped3A_218 : memref<!tpu.dma_semaphore, #tpu.memory_space<semaphore_mem>>) src(%dma_wait3A_242 : memref<16x128xf32, #tpu.memory_space<vmem>>) dst(%dma_wait3A_238 : memref<16x128xf32, #tpu.memory_space<hbm>>)
      tpu.yield
    }) : () -> ()
    %dma_start3A_92 = arith.constant 5 : i32
    %dma_start3A_93 = arith.constant 1 : i32
    %dma_start3A_94 = arith.constant 0 : i32
    %dma_start3A_95 = arith.constant 0 : i32
    %dma_start3A_96 = tpu.memref_slice %arg6[%dma_start3A_93, %dma_start3A_94, %dma_start3A_95] : memref<4x16x128xf32, #tpu.memory_space<vmem>> -> memref<1x16x128xf32, #tpu.memory_space<vmem>>
    %dma_start3A_97 = tpu.memref_squeeze %dma_start3A_96 : memref<1x16x128xf32, #tpu.memory_space<vmem>> -> memref<16x128xf32, #tpu.memory_space<vmem>>
    %dma_start3A_98 = arith.constant 0 : i32
    %dma_start3A_99 = tpu.memref_slice %arg5[%dma_start3A_92, %dma_start3A_98] : memref<8x16xi32, #tpu.memory_space<vmem>> -> memref<1x16xi32, #tpu.memory_space<vmem>>
    %dma_start3A_100 = tpu.memref_squeeze %dma_start3A_99 : memref<1x16xi32, #tpu.memory_space<vmem>> -> memref<16xi32, #tpu.memory_space<vmem>>
    %dma_start3A_101 = arith.constant 0 : i32
    %dma_start3A_102 = arith.constant 0 : i32
    %dma_start3A_103 = tpu.memref_slice %arg2[%dma_start3A_101, %dma_start3A_102] : memref<50000x128xf32, #tpu.memory_space<hbm>> -> memref<50000x128xf32, #tpu.memory_space<hbm>>
    tpu.enqueue_indirect_dma source(%dma_start3A_103 : memref<50000x128xf32, #tpu.memory_space<hbm>>) target(%dma_start3A_97 : memref<16x128xf32, #tpu.memory_space<vmem>>) offsets(%dma_start3A_100 : memref<16xi32, #tpu.memory_space<vmem>>) semaphore(%arg8 : memref<!tpu.dma_semaphore, #tpu.memory_space<semaphore_mem>>)
    %dma_wait3A_104 = arith.constant 2 : i32
    %dma_wait3A_105 = arith.constant 2 : i32
    %dma_wait3A_106 = arith.constant 0 : i32
    %dma_wait3A_107 = arith.constant 0 : i32
    %dma_wait3A_108 = tpu.memref_slice %arg6[%dma_wait3A_105, %dma_wait3A_106, %dma_wait3A_107] : memref<4x16x128xf32, #tpu.memory_space<vmem>> -> memref<1x16x128xf32, #tpu.memory_space<vmem>>
    %dma_wait3A_109 = tpu.memref_squeeze %dma_wait3A_108 : memref<1x16x128xf32, #tpu.memory_space<vmem>> -> memref<16x128xf32, #tpu.memory_space<vmem>>
    %dma_wait3A_110 = arith.constant 0 : i32
    %dma_wait3A_111 = tpu.memref_slice %arg5[%dma_wait3A_104, %dma_wait3A_110] : memref<8x16xi32, #tpu.memory_space<vmem>> -> memref<1x16xi32, #tpu.memory_space<vmem>>
    %dma_wait3A_112 = tpu.memref_squeeze %dma_wait3A_111 : memref<1x16xi32, #tpu.memory_space<vmem>> -> memref<16xi32, #tpu.memory_space<vmem>>
    %dma_wait3A_113 = arith.constant 0 : i32
    %dma_wait3A_114 = arith.constant 0 : i32
    %dma_wait3A_115 = tpu.memref_slice %arg2[%dma_wait3A_113, %dma_wait3A_114] : memref<50000x128xf32, #tpu.memory_space<hbm>> -> memref<50000x128xf32, #tpu.memory_space<hbm>>
    tpu.wait_indirect_dma semaphore(%arg9 : memref<!tpu.dma_semaphore, #tpu.memory_space<semaphore_mem>>) src(%dma_wait3A_115 : memref<50000x128xf32, #tpu.memory_space<hbm>>) dst(%dma_wait3A_109 : memref<16x128xf32, #tpu.memory_space<vmem>>)
    %add3A_116 = arith.constant 32 : i32
    %add3A_117 = arith.addi %mul3A_2, %add3A_116 : i32
    %run_scoped3A_118 = arith.constant 2 : i32
    "tpu.region"() ({
      %run_scoped3A_218 = tpu.sem_alloc : memref<!tpu.dma_semaphore, #tpu.memory_space<semaphore_mem>>
      %dma_start3A_219 = arith.constant 0 : i32
      %dma_start3A_220 = arith.constant 0 : i32
      %dma_start3A_221 = tpu.memref_slice %arg6[%run_scoped3A_118, %dma_start3A_219, %dma_start3A_220] : memref<4x16x128xf32, #tpu.memory_space<vmem>> -> memref<1x16x128xf32, #tpu.memory_space<vmem>>
      %dma_start3A_222 = tpu.memref_squeeze %dma_start3A_221 : memref<1x16x128xf32, #tpu.memory_space<vmem>> -> memref<16x128xf32, #tpu.memory_space<vmem>>
      %dma_start3A_223 = arith.constant 0 : i32
      %dma_start3A_224 = tpu.memref_slice %arg4[%add3A_117, %dma_start3A_223] : memref<4096x128xf32, #tpu.memory_space<hbm>> -> memref<16x128xf32, #tpu.memory_space<hbm>>
      %dma_start3A_225 = arith.constant 0 : i32
      %dma_start3A_226 = tpu.memref_slice %arg4[%add3A_117, %dma_start3A_225] : memref<4096x128xf32, #tpu.memory_space<hbm>> -> memref<16x128xf32, #tpu.memory_space<hbm>>
      %dma_start3A_227 = arith.constant 0 : i32
      %dma_start3A_228 = arith.constant 0 : i32
      %dma_start3A_229 = tpu.memref_slice %arg6[%run_scoped3A_118, %dma_start3A_227, %dma_start3A_228] : memref<4x16x128xf32, #tpu.memory_space<vmem>> -> memref<1x16x128xf32, #tpu.memory_space<vmem>>
      %dma_start3A_230 = tpu.memref_squeeze %dma_start3A_229 : memref<1x16x128xf32, #tpu.memory_space<vmem>> -> memref<16x128xf32, #tpu.memory_space<vmem>>
      tpu.enqueue_dma source(%dma_start3A_230 : memref<16x128xf32, #tpu.memory_space<vmem>>) target(%dma_start3A_226 : memref<16x128xf32, #tpu.memory_space<hbm>>) target_semaphore(%run_scoped3A_218 : memref<!tpu.dma_semaphore, #tpu.memory_space<semaphore_mem>>)
      %dma_wait3A_231 = arith.constant 0 : i32
      %dma_wait3A_232 = arith.constant 0 : i32
      %dma_wait3A_233 = tpu.memref_slice %arg6[%run_scoped3A_118, %dma_wait3A_231, %dma_wait3A_232] : memref<4x16x128xf32, #tpu.memory_space<vmem>> -> memref<1x16x128xf32, #tpu.memory_space<vmem>>
      %dma_wait3A_234 = tpu.memref_squeeze %dma_wait3A_233 : memref<1x16x128xf32, #tpu.memory_space<vmem>> -> memref<16x128xf32, #tpu.memory_space<vmem>>
      %dma_wait3A_235 = arith.constant 0 : i32
      %dma_wait3A_236 = tpu.memref_slice %arg4[%add3A_117, %dma_wait3A_235] : memref<4096x128xf32, #tpu.memory_space<hbm>> -> memref<16x128xf32, #tpu.memory_space<hbm>>
      %dma_wait3A_237 = arith.constant 0 : i32
      %dma_wait3A_238 = tpu.memref_slice %arg4[%add3A_117, %dma_wait3A_237] : memref<4096x128xf32, #tpu.memory_space<hbm>> -> memref<16x128xf32, #tpu.memory_space<hbm>>
      %dma_wait3A_239 = arith.constant 0 : i32
      %dma_wait3A_240 = arith.constant 0 : i32
      %dma_wait3A_241 = tpu.memref_slice %arg6[%run_scoped3A_118, %dma_wait3A_239, %dma_wait3A_240] : memref<4x16x128xf32, #tpu.memory_space<vmem>> -> memref<1x16x128xf32, #tpu.memory_space<vmem>>
      %dma_wait3A_242 = tpu.memref_squeeze %dma_wait3A_241 : memref<1x16x128xf32, #tpu.memory_space<vmem>> -> memref<16x128xf32, #tpu.memory_space<vmem>>
      tpu.wait_dma2 semaphore(%run_scoped3A_218 : memref<!tpu.dma_semaphore, #tpu.memory_space<semaphore_mem>>) src(%dma_wait3A_242 : memref<16x128xf32, #tpu.memory_space<vmem>>) dst(%dma_wait3A_238 : memref<16x128xf32, #tpu.memory_space<hbm>>)
      tpu.yield
    }) : () -> ()
    %dma_start3A_119 = arith.constant 6 : i32
    %dma_start3A_120 = arith.constant 2 : i32
    %dma_start3A_121 = arith.constant 0 : i32
    %dma_start3A_122 = arith.constant 0 : i32
    %dma_start3A_123 = tpu.memref_slice %arg6[%dma_start3A_120, %dma_start3A_121, %dma_start3A_122] : memref<4x16x128xf32, #tpu.memory_space<vmem>> -> memref<1x16x128xf32, #tpu.memory_space<vmem>>
    %dma_start3A_124 = tpu.memref_squeeze %dma_start3A_123 : memref<1x16x128xf32, #tpu.memory_space<vmem>> -> memref<16x128xf32, #tpu.memory_space<vmem>>
    %dma_start3A_125 = arith.constant 0 : i32
    %dma_start3A_126 = tpu.memref_slice %arg5[%dma_start3A_119, %dma_start3A_125] : memref<8x16xi32, #tpu.memory_space<vmem>> -> memref<1x16xi32, #tpu.memory_space<vmem>>
    %dma_start3A_127 = tpu.memref_squeeze %dma_start3A_126 : memref<1x16xi32, #tpu.memory_space<vmem>> -> memref<16xi32, #tpu.memory_space<vmem>>
    %dma_start3A_128 = arith.constant 0 : i32
    %dma_start3A_129 = arith.constant 0 : i32
    %dma_start3A_130 = tpu.memref_slice %arg2[%dma_start3A_128, %dma_start3A_129] : memref<50000x128xf32, #tpu.memory_space<hbm>> -> memref<50000x128xf32, #tpu.memory_space<hbm>>
    tpu.enqueue_indirect_dma source(%dma_start3A_130 : memref<50000x128xf32, #tpu.memory_space<hbm>>) target(%dma_start3A_124 : memref<16x128xf32, #tpu.memory_space<vmem>>) offsets(%dma_start3A_127 : memref<16xi32, #tpu.memory_space<vmem>>) semaphore(%arg9 : memref<!tpu.dma_semaphore, #tpu.memory_space<semaphore_mem>>)
    %dma_wait3A_131 = arith.constant 3 : i32
    %dma_wait3A_132 = arith.constant 3 : i32
    %dma_wait3A_133 = arith.constant 0 : i32
    %dma_wait3A_134 = arith.constant 0 : i32
    %dma_wait3A_135 = tpu.memref_slice %arg6[%dma_wait3A_132, %dma_wait3A_133, %dma_wait3A_134] : memref<4x16x128xf32, #tpu.memory_space<vmem>> -> memref<1x16x128xf32, #tpu.memory_space<vmem>>
    %dma_wait3A_136 = tpu.memref_squeeze %dma_wait3A_135 : memref<1x16x128xf32, #tpu.memory_space<vmem>> -> memref<16x128xf32, #tpu.memory_space<vmem>>
    %dma_wait3A_137 = arith.constant 0 : i32
    %dma_wait3A_138 = tpu.memref_slice %arg5[%dma_wait3A_131, %dma_wait3A_137] : memref<8x16xi32, #tpu.memory_space<vmem>> -> memref<1x16xi32, #tpu.memory_space<vmem>>
    %dma_wait3A_139 = tpu.memref_squeeze %dma_wait3A_138 : memref<1x16xi32, #tpu.memory_space<vmem>> -> memref<16xi32, #tpu.memory_space<vmem>>
    %dma_wait3A_140 = arith.constant 0 : i32
    %dma_wait3A_141 = arith.constant 0 : i32
    %dma_wait3A_142 = tpu.memref_slice %arg2[%dma_wait3A_140, %dma_wait3A_141] : memref<50000x128xf32, #tpu.memory_space<hbm>> -> memref<50000x128xf32, #tpu.memory_space<hbm>>
    tpu.wait_indirect_dma semaphore(%arg10 : memref<!tpu.dma_semaphore, #tpu.memory_space<semaphore_mem>>) src(%dma_wait3A_142 : memref<50000x128xf32, #tpu.memory_space<hbm>>) dst(%dma_wait3A_136 : memref<16x128xf32, #tpu.memory_space<vmem>>)
    %add3A_143 = arith.constant 48 : i32
    %add3A_144 = arith.addi %mul3A_2, %add3A_143 : i32
    %run_scoped3A_145 = arith.constant 3 : i32
    "tpu.region"() ({
      %run_scoped3A_218 = tpu.sem_alloc : memref<!tpu.dma_semaphore, #tpu.memory_space<semaphore_mem>>
      %dma_start3A_219 = arith.constant 0 : i32
      %dma_start3A_220 = arith.constant 0 : i32
      %dma_start3A_221 = tpu.memref_slice %arg6[%run_scoped3A_145, %dma_start3A_219, %dma_start3A_220] : memref<4x16x128xf32, #tpu.memory_space<vmem>> -> memref<1x16x128xf32, #tpu.memory_space<vmem>>
      %dma_start3A_222 = tpu.memref_squeeze %dma_start3A_221 : memref<1x16x128xf32, #tpu.memory_space<vmem>> -> memref<16x128xf32, #tpu.memory_space<vmem>>
      %dma_start3A_223 = arith.constant 0 : i32
      %dma_start3A_224 = tpu.memref_slice %arg4[%add3A_144, %dma_start3A_223] : memref<4096x128xf32, #tpu.memory_space<hbm>> -> memref<16x128xf32, #tpu.memory_space<hbm>>
      %dma_start3A_225 = arith.constant 0 : i32
      %dma_start3A_226 = tpu.memref_slice %arg4[%add3A_144, %dma_start3A_225] : memref<4096x128xf32, #tpu.memory_space<hbm>> -> memref<16x128xf32, #tpu.memory_space<hbm>>
      %dma_start3A_227 = arith.constant 0 : i32
      %dma_start3A_228 = arith.constant 0 : i32
      %dma_start3A_229 = tpu.memref_slice %arg6[%run_scoped3A_145, %dma_start3A_227, %dma_start3A_228] : memref<4x16x128xf32, #tpu.memory_space<vmem>> -> memref<1x16x128xf32, #tpu.memory_space<vmem>>
      %dma_start3A_230 = tpu.memref_squeeze %dma_start3A_229 : memref<1x16x128xf32, #tpu.memory_space<vmem>> -> memref<16x128xf32, #tpu.memory_space<vmem>>
      tpu.enqueue_dma source(%dma_start3A_230 : memref<16x128xf32, #tpu.memory_space<vmem>>) target(%dma_start3A_226 : memref<16x128xf32, #tpu.memory_space<hbm>>) target_semaphore(%run_scoped3A_218 : memref<!tpu.dma_semaphore, #tpu.memory_space<semaphore_mem>>)
      %dma_wait3A_231 = arith.constant 0 : i32
      %dma_wait3A_232 = arith.constant 0 : i32
      %dma_wait3A_233 = tpu.memref_slice %arg6[%run_scoped3A_145, %dma_wait3A_231, %dma_wait3A_232] : memref<4x16x128xf32, #tpu.memory_space<vmem>> -> memref<1x16x128xf32, #tpu.memory_space<vmem>>
      %dma_wait3A_234 = tpu.memref_squeeze %dma_wait3A_233 : memref<1x16x128xf32, #tpu.memory_space<vmem>> -> memref<16x128xf32, #tpu.memory_space<vmem>>
      %dma_wait3A_235 = arith.constant 0 : i32
      %dma_wait3A_236 = tpu.memref_slice %arg4[%add3A_144, %dma_wait3A_235] : memref<4096x128xf32, #tpu.memory_space<hbm>> -> memref<16x128xf32, #tpu.memory_space<hbm>>
      %dma_wait3A_237 = arith.constant 0 : i32
      %dma_wait3A_238 = tpu.memref_slice %arg4[%add3A_144, %dma_wait3A_237] : memref<4096x128xf32, #tpu.memory_space<hbm>> -> memref<16x128xf32, #tpu.memory_space<hbm>>
      %dma_wait3A_239 = arith.constant 0 : i32
      %dma_wait3A_240 = arith.constant 0 : i32
      %dma_wait3A_241 = tpu.memref_slice %arg6[%run_scoped3A_145, %dma_wait3A_239, %dma_wait3A_240] : memref<4x16x128xf32, #tpu.memory_space<vmem>> -> memref<1x16x128xf32, #tpu.memory_space<vmem>>
      %dma_wait3A_242 = tpu.memref_squeeze %dma_wait3A_241 : memref<1x16x128xf32, #tpu.memory_space<vmem>> -> memref<16x128xf32, #tpu.memory_space<vmem>>
      tpu.wait_dma2 semaphore(%run_scoped3A_218 : memref<!tpu.dma_semaphore, #tpu.memory_space<semaphore_mem>>) src(%dma_wait3A_242 : memref<16x128xf32, #tpu.memory_space<vmem>>) dst(%dma_wait3A_238 : memref<16x128xf32, #tpu.memory_space<hbm>>)
      tpu.yield
    }) : () -> ()
    %dma_start3A_146 = arith.constant 7 : i32
    %dma_start3A_147 = arith.constant 3 : i32
    %dma_start3A_148 = arith.constant 0 : i32
    %dma_start3A_149 = arith.constant 0 : i32
    %dma_start3A_150 = tpu.memref_slice %arg6[%dma_start3A_147, %dma_start3A_148, %dma_start3A_149] : memref<4x16x128xf32, #tpu.memory_space<vmem>> -> memref<1x16x128xf32, #tpu.memory_space<vmem>>
    %dma_start3A_151 = tpu.memref_squeeze %dma_start3A_150 : memref<1x16x128xf32, #tpu.memory_space<vmem>> -> memref<16x128xf32, #tpu.memory_space<vmem>>
    %dma_start3A_152 = arith.constant 0 : i32
    %dma_start3A_153 = tpu.memref_slice %arg5[%dma_start3A_146, %dma_start3A_152] : memref<8x16xi32, #tpu.memory_space<vmem>> -> memref<1x16xi32, #tpu.memory_space<vmem>>
    %dma_start3A_154 = tpu.memref_squeeze %dma_start3A_153 : memref<1x16xi32, #tpu.memory_space<vmem>> -> memref<16xi32, #tpu.memory_space<vmem>>
    %dma_start3A_155 = arith.constant 0 : i32
    %dma_start3A_156 = arith.constant 0 : i32
    %dma_start3A_157 = tpu.memref_slice %arg2[%dma_start3A_155, %dma_start3A_156] : memref<50000x128xf32, #tpu.memory_space<hbm>> -> memref<50000x128xf32, #tpu.memory_space<hbm>>
    tpu.enqueue_indirect_dma source(%dma_start3A_157 : memref<50000x128xf32, #tpu.memory_space<hbm>>) target(%dma_start3A_151 : memref<16x128xf32, #tpu.memory_space<vmem>>) offsets(%dma_start3A_154 : memref<16xi32, #tpu.memory_space<vmem>>) semaphore(%arg10 : memref<!tpu.dma_semaphore, #tpu.memory_space<semaphore_mem>>)
    %dma_wait3A_158 = arith.constant 4 : i32
    %dma_wait3A_159 = arith.constant 0 : i32
    %dma_wait3A_160 = arith.constant 0 : i32
    %dma_wait3A_161 = arith.constant 0 : i32
    %dma_wait3A_162 = tpu.memref_slice %arg6[%dma_wait3A_159, %dma_wait3A_160, %dma_wait3A_161] : memref<4x16x128xf32, #tpu.memory_space<vmem>> -> memref<1x16x128xf32, #tpu.memory_space<vmem>>
    %dma_wait3A_163 = tpu.memref_squeeze %dma_wait3A_162 : memref<1x16x128xf32, #tpu.memory_space<vmem>> -> memref<16x128xf32, #tpu.memory_space<vmem>>
    %dma_wait3A_164 = arith.constant 0 : i32
    %dma_wait3A_165 = tpu.memref_slice %arg5[%dma_wait3A_158, %dma_wait3A_164] : memref<8x16xi32, #tpu.memory_space<vmem>> -> memref<1x16xi32, #tpu.memory_space<vmem>>
    %dma_wait3A_166 = tpu.memref_squeeze %dma_wait3A_165 : memref<1x16xi32, #tpu.memory_space<vmem>> -> memref<16xi32, #tpu.memory_space<vmem>>
    %dma_wait3A_167 = arith.constant 0 : i32
    %dma_wait3A_168 = arith.constant 0 : i32
    %dma_wait3A_169 = tpu.memref_slice %arg2[%dma_wait3A_167, %dma_wait3A_168] : memref<50000x128xf32, #tpu.memory_space<hbm>> -> memref<50000x128xf32, #tpu.memory_space<hbm>>
    tpu.wait_indirect_dma semaphore(%arg7 : memref<!tpu.dma_semaphore, #tpu.memory_space<semaphore_mem>>) src(%dma_wait3A_169 : memref<50000x128xf32, #tpu.memory_space<hbm>>) dst(%dma_wait3A_163 : memref<16x128xf32, #tpu.memory_space<vmem>>)
    %add3A_170 = arith.constant 64 : i32
    %add3A_171 = arith.addi %mul3A_2, %add3A_170 : i32
    %run_scoped3A_172 = arith.constant 0 : i32
    "tpu.region"() ({
      %run_scoped3A_218 = tpu.sem_alloc : memref<!tpu.dma_semaphore, #tpu.memory_space<semaphore_mem>>
      %dma_start3A_219 = arith.constant 0 : i32
      %dma_start3A_220 = arith.constant 0 : i32
      %dma_start3A_221 = tpu.memref_slice %arg6[%run_scoped3A_172, %dma_start3A_219, %dma_start3A_220] : memref<4x16x128xf32, #tpu.memory_space<vmem>> -> memref<1x16x128xf32, #tpu.memory_space<vmem>>
      %dma_start3A_222 = tpu.memref_squeeze %dma_start3A_221 : memref<1x16x128xf32, #tpu.memory_space<vmem>> -> memref<16x128xf32, #tpu.memory_space<vmem>>
      %dma_start3A_223 = arith.constant 0 : i32
      %dma_start3A_224 = tpu.memref_slice %arg4[%add3A_171, %dma_start3A_223] : memref<4096x128xf32, #tpu.memory_space<hbm>> -> memref<16x128xf32, #tpu.memory_space<hbm>>
      %dma_start3A_225 = arith.constant 0 : i32
      %dma_start3A_226 = tpu.memref_slice %arg4[%add3A_171, %dma_start3A_225] : memref<4096x128xf32, #tpu.memory_space<hbm>> -> memref<16x128xf32, #tpu.memory_space<hbm>>
      %dma_start3A_227 = arith.constant 0 : i32
      %dma_start3A_228 = arith.constant 0 : i32
      %dma_start3A_229 = tpu.memref_slice %arg6[%run_scoped3A_172, %dma_start3A_227, %dma_start3A_228] : memref<4x16x128xf32, #tpu.memory_space<vmem>> -> memref<1x16x128xf32, #tpu.memory_space<vmem>>
      %dma_start3A_230 = tpu.memref_squeeze %dma_start3A_229 : memref<1x16x128xf32, #tpu.memory_space<vmem>> -> memref<16x128xf32, #tpu.memory_space<vmem>>
      tpu.enqueue_dma source(%dma_start3A_230 : memref<16x128xf32, #tpu.memory_space<vmem>>) target(%dma_start3A_226 : memref<16x128xf32, #tpu.memory_space<hbm>>) target_semaphore(%run_scoped3A_218 : memref<!tpu.dma_semaphore, #tpu.memory_space<semaphore_mem>>)
      %dma_wait3A_231 = arith.constant 0 : i32
      %dma_wait3A_232 = arith.constant 0 : i32
      %dma_wait3A_233 = tpu.memref_slice %arg6[%run_scoped3A_172, %dma_wait3A_231, %dma_wait3A_232] : memref<4x16x128xf32, #tpu.memory_space<vmem>> -> memref<1x16x128xf32, #tpu.memory_space<vmem>>
      %dma_wait3A_234 = tpu.memref_squeeze %dma_wait3A_233 : memref<1x16x128xf32, #tpu.memory_space<vmem>> -> memref<16x128xf32, #tpu.memory_space<vmem>>
      %dma_wait3A_235 = arith.constant 0 : i32
      %dma_wait3A_236 = tpu.memref_slice %arg4[%add3A_171, %dma_wait3A_235] : memref<4096x128xf32, #tpu.memory_space<hbm>> -> memref<16x128xf32, #tpu.memory_space<hbm>>
      %dma_wait3A_237 = arith.constant 0 : i32
      %dma_wait3A_238 = tpu.memref_slice %arg4[%add3A_171, %dma_wait3A_237] : memref<4096x128xf32, #tpu.memory_space<hbm>> -> memref<16x128xf32, #tpu.memory_space<hbm>>
      %dma_wait3A_239 = arith.constant 0 : i32
      %dma_wait3A_240 = arith.constant 0 : i32
      %dma_wait3A_241 = tpu.memref_slice %arg6[%run_scoped3A_172, %dma_wait3A_239, %dma_wait3A_240] : memref<4x16x128xf32, #tpu.memory_space<vmem>> -> memref<1x16x128xf32, #tpu.memory_space<vmem>>
      %dma_wait3A_242 = tpu.memref_squeeze %dma_wait3A_241 : memref<1x16x128xf32, #tpu.memory_space<vmem>> -> memref<16x128xf32, #tpu.memory_space<vmem>>
      tpu.wait_dma2 semaphore(%run_scoped3A_218 : memref<!tpu.dma_semaphore, #tpu.memory_space<semaphore_mem>>) src(%dma_wait3A_242 : memref<16x128xf32, #tpu.memory_space<vmem>>) dst(%dma_wait3A_238 : memref<16x128xf32, #tpu.memory_space<hbm>>)
      tpu.yield
    }) : () -> ()
    %dma_wait3A_173 = arith.constant 5 : i32
    %dma_wait3A_174 = arith.constant 1 : i32
    %dma_wait3A_175 = arith.constant 0 : i32
    %dma_wait3A_176 = arith.constant 0 : i32
    %dma_wait3A_177 = tpu.memref_slice %arg6[%dma_wait3A_174, %dma_wait3A_175, %dma_wait3A_176] : memref<4x16x128xf32, #tpu.memory_space<vmem>> -> memref<1x16x128xf32, #tpu.memory_space<vmem>>
    %dma_wait3A_178 = tpu.memref_squeeze %dma_wait3A_177 : memref<1x16x128xf32, #tpu.memory_space<vmem>> -> memref<16x128xf32, #tpu.memory_space<vmem>>
    %dma_wait3A_179 = arith.constant 0 : i32
    %dma_wait3A_180 = tpu.memref_slice %arg5[%dma_wait3A_173, %dma_wait3A_179] : memref<8x16xi32, #tpu.memory_space<vmem>> -> memref<1x16xi32, #tpu.memory_space<vmem>>
    %dma_wait3A_181 = tpu.memref_squeeze %dma_wait3A_180 : memref<1x16xi32, #tpu.memory_space<vmem>> -> memref<16xi32, #tpu.memory_space<vmem>>
    %dma_wait3A_182 = arith.constant 0 : i32
    %dma_wait3A_183 = arith.constant 0 : i32
    %dma_wait3A_184 = tpu.memref_slice %arg2[%dma_wait3A_182, %dma_wait3A_183] : memref<50000x128xf32, #tpu.memory_space<hbm>> -> memref<50000x128xf32, #tpu.memory_space<hbm>>
    tpu.wait_indirect_dma semaphore(%arg8 : memref<!tpu.dma_semaphore, #tpu.memory_space<semaphore_mem>>) src(%dma_wait3A_184 : memref<50000x128xf32, #tpu.memory_space<hbm>>) dst(%dma_wait3A_178 : memref<16x128xf32, #tpu.memory_space<vmem>>)
    %add3A_185 = arith.constant 80 : i32
    %add3A_186 = arith.addi %mul3A_2, %add3A_185 : i32
    %run_scoped3A_187 = arith.constant 1 : i32
    "tpu.region"() ({
      %run_scoped3A_218 = tpu.sem_alloc : memref<!tpu.dma_semaphore, #tpu.memory_space<semaphore_mem>>
      %dma_start3A_219 = arith.constant 0 : i32
      %dma_start3A_220 = arith.constant 0 : i32
      %dma_start3A_221 = tpu.memref_slice %arg6[%run_scoped3A_187, %dma_start3A_219, %dma_start3A_220] : memref<4x16x128xf32, #tpu.memory_space<vmem>> -> memref<1x16x128xf32, #tpu.memory_space<vmem>>
      %dma_start3A_222 = tpu.memref_squeeze %dma_start3A_221 : memref<1x16x128xf32, #tpu.memory_space<vmem>> -> memref<16x128xf32, #tpu.memory_space<vmem>>
      %dma_start3A_223 = arith.constant 0 : i32
      %dma_start3A_224 = tpu.memref_slice %arg4[%add3A_186, %dma_start3A_223] : memref<4096x128xf32, #tpu.memory_space<hbm>> -> memref<16x128xf32, #tpu.memory_space<hbm>>
      %dma_start3A_225 = arith.constant 0 : i32
      %dma_start3A_226 = tpu.memref_slice %arg4[%add3A_186, %dma_start3A_225] : memref<4096x128xf32, #tpu.memory_space<hbm>> -> memref<16x128xf32, #tpu.memory_space<hbm>>
      %dma_start3A_227 = arith.constant 0 : i32
      %dma_start3A_228 = arith.constant 0 : i32
      %dma_start3A_229 = tpu.memref_slice %arg6[%run_scoped3A_187, %dma_start3A_227, %dma_start3A_228] : memref<4x16x128xf32, #tpu.memory_space<vmem>> -> memref<1x16x128xf32, #tpu.memory_space<vmem>>
      %dma_start3A_230 = tpu.memref_squeeze %dma_start3A_229 : memref<1x16x128xf32, #tpu.memory_space<vmem>> -> memref<16x128xf32, #tpu.memory_space<vmem>>
      tpu.enqueue_dma source(%dma_start3A_230 : memref<16x128xf32, #tpu.memory_space<vmem>>) target(%dma_start3A_226 : memref<16x128xf32, #tpu.memory_space<hbm>>) target_semaphore(%run_scoped3A_218 : memref<!tpu.dma_semaphore, #tpu.memory_space<semaphore_mem>>)
      %dma_wait3A_231 = arith.constant 0 : i32
      %dma_wait3A_232 = arith.constant 0 : i32
      %dma_wait3A_233 = tpu.memref_slice %arg6[%run_scoped3A_187, %dma_wait3A_231, %dma_wait3A_232] : memref<4x16x128xf32, #tpu.memory_space<vmem>> -> memref<1x16x128xf32, #tpu.memory_space<vmem>>
      %dma_wait3A_234 = tpu.memref_squeeze %dma_wait3A_233 : memref<1x16x128xf32, #tpu.memory_space<vmem>> -> memref<16x128xf32, #tpu.memory_space<vmem>>
      %dma_wait3A_235 = arith.constant 0 : i32
      %dma_wait3A_236 = tpu.memref_slice %arg4[%add3A_186, %dma_wait3A_235] : memref<4096x128xf32, #tpu.memory_space<hbm>> -> memref<16x128xf32, #tpu.memory_space<hbm>>
      %dma_wait3A_237 = arith.constant 0 : i32
      %dma_wait3A_238 = tpu.memref_slice %arg4[%add3A_186, %dma_wait3A_237] : memref<4096x128xf32, #tpu.memory_space<hbm>> -> memref<16x128xf32, #tpu.memory_space<hbm>>
      %dma_wait3A_239 = arith.constant 0 : i32
      %dma_wait3A_240 = arith.constant 0 : i32
      %dma_wait3A_241 = tpu.memref_slice %arg6[%run_scoped3A_187, %dma_wait3A_239, %dma_wait3A_240] : memref<4x16x128xf32, #tpu.memory_space<vmem>> -> memref<1x16x128xf32, #tpu.memory_space<vmem>>
      %dma_wait3A_242 = tpu.memref_squeeze %dma_wait3A_241 : memref<1x16x128xf32, #tpu.memory_space<vmem>> -> memref<16x128xf32, #tpu.memory_space<vmem>>
      tpu.wait_dma2 semaphore(%run_scoped3A_218 : memref<!tpu.dma_semaphore, #tpu.memory_space<semaphore_mem>>) src(%dma_wait3A_242 : memref<16x128xf32, #tpu.memory_space<vmem>>) dst(%dma_wait3A_238 : memref<16x128xf32, #tpu.memory_space<hbm>>)
      tpu.yield
    }) : () -> ()
    %dma_wait3A_188 = arith.constant 6 : i32
    %dma_wait3A_189 = arith.constant 2 : i32
    %dma_wait3A_190 = arith.constant 0 : i32
    %dma_wait3A_191 = arith.constant 0 : i32
    %dma_wait3A_192 = tpu.memref_slice %arg6[%dma_wait3A_189, %dma_wait3A_190, %dma_wait3A_191] : memref<4x16x128xf32, #tpu.memory_space<vmem>> -> memref<1x16x128xf32, #tpu.memory_space<vmem>>
    %dma_wait3A_193 = tpu.memref_squeeze %dma_wait3A_192 : memref<1x16x128xf32, #tpu.memory_space<vmem>> -> memref<16x128xf32, #tpu.memory_space<vmem>>
    %dma_wait3A_194 = arith.constant 0 : i32
    %dma_wait3A_195 = tpu.memref_slice %arg5[%dma_wait3A_188, %dma_wait3A_194] : memref<8x16xi32, #tpu.memory_space<vmem>> -> memref<1x16xi32, #tpu.memory_space<vmem>>
    %dma_wait3A_196 = tpu.memref_squeeze %dma_wait3A_195 : memref<1x16xi32, #tpu.memory_space<vmem>> -> memref<16xi32, #tpu.memory_space<vmem>>
    %dma_wait3A_197 = arith.constant 0 : i32
    %dma_wait3A_198 = arith.constant 0 : i32
    %dma_wait3A_199 = tpu.memref_slice %arg2[%dma_wait3A_197, %dma_wait3A_198] : memref<50000x128xf32, #tpu.memory_space<hbm>> -> memref<50000x128xf32, #tpu.memory_space<hbm>>
    tpu.wait_indirect_dma semaphore(%arg9 : memref<!tpu.dma_semaphore, #tpu.memory_space<semaphore_mem>>) src(%dma_wait3A_199 : memref<50000x128xf32, #tpu.memory_space<hbm>>) dst(%dma_wait3A_193 : memref<16x128xf32, #tpu.memory_space<vmem>>)
    %add3A_200 = arith.constant 96 : i32
    %add3A_201 = arith.addi %mul3A_2, %add3A_200 : i32
    %run_scoped3A_202 = arith.constant 2 : i32
    "tpu.region"() ({
      %run_scoped3A_218 = tpu.sem_alloc : memref<!tpu.dma_semaphore, #tpu.memory_space<semaphore_mem>>
      %dma_start3A_219 = arith.constant 0 : i32
      %dma_start3A_220 = arith.constant 0 : i32
      %dma_start3A_221 = tpu.memref_slice %arg6[%run_scoped3A_202, %dma_start3A_219, %dma_start3A_220] : memref<4x16x128xf32, #tpu.memory_space<vmem>> -> memref<1x16x128xf32, #tpu.memory_space<vmem>>
      %dma_start3A_222 = tpu.memref_squeeze %dma_start3A_221 : memref<1x16x128xf32, #tpu.memory_space<vmem>> -> memref<16x128xf32, #tpu.memory_space<vmem>>
      %dma_start3A_223 = arith.constant 0 : i32
      %dma_start3A_224 = tpu.memref_slice %arg4[%add3A_201, %dma_start3A_223] : memref<4096x128xf32, #tpu.memory_space<hbm>> -> memref<16x128xf32, #tpu.memory_space<hbm>>
      %dma_start3A_225 = arith.constant 0 : i32
      %dma_start3A_226 = tpu.memref_slice %arg4[%add3A_201, %dma_start3A_225] : memref<4096x128xf32, #tpu.memory_space<hbm>> -> memref<16x128xf32, #tpu.memory_space<hbm>>
      %dma_start3A_227 = arith.constant 0 : i32
      %dma_start3A_228 = arith.constant 0 : i32
      %dma_start3A_229 = tpu.memref_slice %arg6[%run_scoped3A_202, %dma_start3A_227, %dma_start3A_228] : memref<4x16x128xf32, #tpu.memory_space<vmem>> -> memref<1x16x128xf32, #tpu.memory_space<vmem>>
      %dma_start3A_230 = tpu.memref_squeeze %dma_start3A_229 : memref<1x16x128xf32, #tpu.memory_space<vmem>> -> memref<16x128xf32, #tpu.memory_space<vmem>>
      tpu.enqueue_dma source(%dma_start3A_230 : memref<16x128xf32, #tpu.memory_space<vmem>>) target(%dma_start3A_226 : memref<16x128xf32, #tpu.memory_space<hbm>>) target_semaphore(%run_scoped3A_218 : memref<!tpu.dma_semaphore, #tpu.memory_space<semaphore_mem>>)
      %dma_wait3A_231 = arith.constant 0 : i32
      %dma_wait3A_232 = arith.constant 0 : i32
      %dma_wait3A_233 = tpu.memref_slice %arg6[%run_scoped3A_202, %dma_wait3A_231, %dma_wait3A_232] : memref<4x16x128xf32, #tpu.memory_space<vmem>> -> memref<1x16x128xf32, #tpu.memory_space<vmem>>
      %dma_wait3A_234 = tpu.memref_squeeze %dma_wait3A_233 : memref<1x16x128xf32, #tpu.memory_space<vmem>> -> memref<16x128xf32, #tpu.memory_space<vmem>>
      %dma_wait3A_235 = arith.constant 0 : i32
      %dma_wait3A_236 = tpu.memref_slice %arg4[%add3A_201, %dma_wait3A_235] : memref<4096x128xf32, #tpu.memory_space<hbm>> -> memref<16x128xf32, #tpu.memory_space<hbm>>
      %dma_wait3A_237 = arith.constant 0 : i32
      %dma_wait3A_238 = tpu.memref_slice %arg4[%add3A_201, %dma_wait3A_237] : memref<4096x128xf32, #tpu.memory_space<hbm>> -> memref<16x128xf32, #tpu.memory_space<hbm>>
      %dma_wait3A_239 = arith.constant 0 : i32
      %dma_wait3A_240 = arith.constant 0 : i32
      %dma_wait3A_241 = tpu.memref_slice %arg6[%run_scoped3A_202, %dma_wait3A_239, %dma_wait3A_240] : memref<4x16x128xf32, #tpu.memory_space<vmem>> -> memref<1x16x128xf32, #tpu.memory_space<vmem>>
      %dma_wait3A_242 = tpu.memref_squeeze %dma_wait3A_241 : memref<1x16x128xf32, #tpu.memory_space<vmem>> -> memref<16x128xf32, #tpu.memory_space<vmem>>
      tpu.wait_dma2 semaphore(%run_scoped3A_218 : memref<!tpu.dma_semaphore, #tpu.memory_space<semaphore_mem>>) src(%dma_wait3A_242 : memref<16x128xf32, #tpu.memory_space<vmem>>) dst(%dma_wait3A_238 : memref<16x128xf32, #tpu.memory_space<hbm>>)
      tpu.yield
    }) : () -> ()
    %dma_wait3A_203 = arith.constant 7 : i32
    %dma_wait3A_204 = arith.constant 3 : i32
    %dma_wait3A_205 = arith.constant 0 : i32
    %dma_wait3A_206 = arith.constant 0 : i32
    %dma_wait3A_207 = tpu.memref_slice %arg6[%dma_wait3A_204, %dma_wait3A_205, %dma_wait3A_206] : memref<4x16x128xf32, #tpu.memory_space<vmem>> -> memref<1x16x128xf32, #tpu.memory_space<vmem>>
    %dma_wait3A_208 = tpu.memref_squeeze %dma_wait3A_207 : memref<1x16x128xf32, #tpu.memory_space<vmem>> -> memref<16x128xf32, #tpu.memory_space<vmem>>
    %dma_wait3A_209 = arith.constant 0 : i32
    %dma_wait3A_210 = tpu.memref_slice %arg5[%dma_wait3A_203, %dma_wait3A_209] : memref<8x16xi32, #tpu.memory_space<vmem>> -> memref<1x16xi32, #tpu.memory_space<vmem>>
    %dma_wait3A_211 = tpu.memref_squeeze %dma_wait3A_210 : memref<1x16xi32, #tpu.memory_space<vmem>> -> memref<16xi32, #tpu.memory_space<vmem>>
    %dma_wait3A_212 = arith.constant 0 : i32
    %dma_wait3A_213 = arith.constant 0 : i32
    %dma_wait3A_214 = tpu.memref_slice %arg2[%dma_wait3A_212, %dma_wait3A_213] : memref<50000x128xf32, #tpu.memory_space<hbm>> -> memref<50000x128xf32, #tpu.memory_space<hbm>>
    tpu.wait_indirect_dma semaphore(%arg10 : memref<!tpu.dma_semaphore, #tpu.memory_space<semaphore_mem>>) src(%dma_wait3A_214 : memref<50000x128xf32, #tpu.memory_space<hbm>>) dst(%dma_wait3A_208 : memref<16x128xf32, #tpu.memory_space<vmem>>)
    %add3A_215 = arith.constant 112 : i32
    %add3A_216 = arith.addi %mul3A_2, %add3A_215 : i32
    %run_scoped3A_217 = arith.constant 3 : i32
    "tpu.region"() ({
      %run_scoped3A_218 = tpu.sem_alloc : memref<!tpu.dma_semaphore, #tpu.memory_space<semaphore_mem>>
      %dma_start3A_219 = arith.constant 0 : i32
      %dma_start3A_220 = arith.constant 0 : i32
      %dma_start3A_221 = tpu.memref_slice %arg6[%run_scoped3A_217, %dma_start3A_219, %dma_start3A_220] : memref<4x16x128xf32, #tpu.memory_space<vmem>> -> memref<1x16x128xf32, #tpu.memory_space<vmem>>
      %dma_start3A_222 = tpu.memref_squeeze %dma_start3A_221 : memref<1x16x128xf32, #tpu.memory_space<vmem>> -> memref<16x128xf32, #tpu.memory_space<vmem>>
      %dma_start3A_223 = arith.constant 0 : i32
      %dma_start3A_224 = tpu.memref_slice %arg4[%add3A_216, %dma_start3A_223] : memref<4096x128xf32, #tpu.memory_space<hbm>> -> memref<16x128xf32, #tpu.memory_space<hbm>>
      %dma_start3A_225 = arith.constant 0 : i32
      %dma_start3A_226 = tpu.memref_slice %arg4[%add3A_216, %dma_start3A_225] : memref<4096x128xf32, #tpu.memory_space<hbm>> -> memref<16x128xf32, #tpu.memory_space<hbm>>
      %dma_start3A_227 = arith.constant 0 : i32
      %dma_start3A_228 = arith.constant 0 : i32
      %dma_start3A_229 = tpu.memref_slice %arg6[%run_scoped3A_217, %dma_start3A_227, %dma_start3A_228] : memref<4x16x128xf32, #tpu.memory_space<vmem>> -> memref<1x16x128xf32, #tpu.memory_space<vmem>>
      %dma_start3A_230 = tpu.memref_squeeze %dma_start3A_229 : memref<1x16x128xf32, #tpu.memory_space<vmem>> -> memref<16x128xf32, #tpu.memory_space<vmem>>
      tpu.enqueue_dma source(%dma_start3A_230 : memref<16x128xf32, #tpu.memory_space<vmem>>) target(%dma_start3A_226 : memref<16x128xf32, #tpu.memory_space<hbm>>) target_semaphore(%run_scoped3A_218 : memref<!tpu.dma_semaphore, #tpu.memory_space<semaphore_mem>>)
      %dma_wait3A_231 = arith.constant 0 : i32
      %dma_wait3A_232 = arith.constant 0 : i32
      %dma_wait3A_233 = tpu.memref_slice %arg6[%run_scoped3A_217, %dma_wait3A_231, %dma_wait3A_232] : memref<4x16x128xf32, #tpu.memory_space<vmem>> -> memref<1x16x128xf32, #tpu.memory_space<vmem>>
      %dma_wait3A_234 = tpu.memref_squeeze %dma_wait3A_233 : memref<1x16x128xf32, #tpu.memory_space<vmem>> -> memref<16x128xf32, #tpu.memory_space<vmem>>
      %dma_wait3A_235 = arith.constant 0 : i32
      %dma_wait3A_236 = tpu.memref_slice %arg4[%add3A_216, %dma_wait3A_235] : memref<4096x128xf32, #tpu.memory_space<hbm>> -> memref<16x128xf32, #tpu.memory_space<hbm>>
      %dma_wait3A_237 = arith.constant 0 : i32
      %dma_wait3A_238 = tpu.memref_slice %arg4[%add3A_216, %dma_wait3A_237] : memref<4096x128xf32, #tpu.memory_space<hbm>> -> memref<16x128xf32, #tpu.memory_space<hbm>>
      %dma_wait3A_239 = arith.constant 0 : i32
      %dma_wait3A_240 = arith.constant 0 : i32
      %dma_wait3A_241 = tpu.memref_slice %arg6[%run_scoped3A_217, %dma_wait3A_239, %dma_wait3A_240] : memref<4x16x128xf32, #tpu.memory_space<vmem>> -> memref<1x16x128xf32, #tpu.memory_space<vmem>>
      %dma_wait3A_242 = tpu.memref_squeeze %dma_wait3A_241 : memref<1x16x128xf32, #tpu.memory_space<vmem>> -> memref<16x128xf32, #tpu.memory_space<vmem>>
      tpu.wait_dma2 semaphore(%run_scoped3A_218 : memref<!tpu.dma_semaphore, #tpu.memory_space<semaphore_mem>>) src(%dma_wait3A_242 : memref<16x128xf32, #tpu.memory_space<vmem>>) dst(%dma_wait3A_238 : memref<16x128xf32, #tpu.memory_space<hbm>>)
      tpu.yield
    }) : () -> ()
    return
  }
}

module attributes {stable_mosaic.version = 14 : i64} {
  func.func @_stage_a_body(%arg0: i32, %arg1: i32, %arg2: memref<512x64xbf16, #tpu.memory_space<vmem>>, %arg3: memref<2048x64xbf16, #tpu.memory_space<vmem>>, %arg4: memref<64x128x128xf32, #tpu.memory_space<vmem>>, %arg5: memref<1x16x512xf32, #tpu.memory_space<vmem>>) attributes {dimension_semantics = [#tpu.dimension_semantics<arbitrary>, #tpu.dimension_semantics<arbitrary>], iteration_bounds = array<i64: 8, 49>, scalar_prefetch = 0 : i64, scratch_operands = 0 : i64, tpu.core_type = #tpu.core_type<tc>, window_params = [{transform_indices = @transform_0, window_bounds = array<i64: 512, 64>}, {transform_indices = @transform_1, window_bounds = array<i64: 2048, 64>}, {transform_indices = @transform_2, window_bounds = array<i64: 64, 128, 128>}, {transform_indices = @transform_3, window_bounds = array<i64: 1, 16, 512>}]} {
    %get3A = arith.constant 0 : index
    %get3A_0 = arith.constant 0 : index
    %get3A_1 = vector.load %arg2[%get3A, %get3A_0] : memref<512x64xbf16, #tpu.memory_space<vmem>>, vector<512x64xbf16>
    %get3A_2 = arith.constant 0 : index
    %get3A_3 = arith.constant 0 : index
    %get3A_4 = vector.load %arg3[%get3A_2, %get3A_3] : memref<2048x64xbf16, #tpu.memory_space<vmem>>, vector<2048x64xbf16>
    %dot_general3A = arith.constant dense<0.000000e+00> : vector<512x2048xf32>
    %dot_general3A_5 = tpu.matmul %get3A_1, %get3A_4, %dot_general3A {dimension_numbers = #tpu.dot_dimension_numbers<[1], [1], [0], [0], [0, 0, 1, 0], [], []>, transpose_lhs_hint = false} : vector<512x64xbf16>, vector<2048x64xbf16>, vector<512x2048xf32> -> vector<512x2048xf32>
    %slice3A = vector.extract_strided_slice %dot_general3A_5 {offsets = [0, 0], sizes = [512, 128], strides = [1, 1]} : vector<512x2048xf32> to vector<512x128xf32>
    %reshape3A = vector.shape_cast %slice3A : vector<512x128xf32> to vector<64x8x128xf32>
    %swap3A = arith.constant 0 : index
    %swap3A_6 = arith.constant 0 : index
    %swap3A_7 = arith.constant 0 : index
    %swap3A_8 = vector.load %arg4[%swap3A, %swap3A_6, %swap3A_7] : memref<64x128x128xf32, #tpu.memory_space<vmem>>, vector<64x8x128xf32>
    tpu.vector_store %arg4[%swap3A, %swap3A_6, %swap3A_7], %reshape3A {strides = array<i32>} : memref<64x128x128xf32, #tpu.memory_space<vmem>>, vector<64x8x128xf32>,
    %slice3A_9 = vector.extract_strided_slice %dot_general3A_5 {offsets = [0, 128], sizes = [512, 128], strides = [1, 1]} : vector<512x2048xf32> to vector<512x128xf32>
    %reshape3A_10 = vector.shape_cast %slice3A_9 : vector<512x128xf32> to vector<64x8x128xf32>
    %swap3A_11 = arith.constant 0 : index
    %swap3A_12 = arith.constant 8 : index
    %swap3A_13 = arith.constant 0 : index
    %swap3A_14 = vector.load %arg4[%swap3A_11, %swap3A_12, %swap3A_13] : memref<64x128x128xf32, #tpu.memory_space<vmem>>, vector<64x8x128xf32>
    tpu.vector_store %arg4[%swap3A_11, %swap3A_12, %swap3A_13], %reshape3A_10 {strides = array<i32>} : memref<64x128x128xf32, #tpu.memory_space<vmem>>, vector<64x8x128xf32>,
    %slice3A_15 = vector.extract_strided_slice %dot_general3A_5 {offsets = [0, 256], sizes = [512, 128], strides = [1, 1]} : vector<512x2048xf32> to vector<512x128xf32>
    %reshape3A_16 = vector.shape_cast %slice3A_15 : vector<512x128xf32> to vector<64x8x128xf32>
    %swap3A_17 = arith.constant 0 : index
    %swap3A_18 = arith.constant 16 : index
    %swap3A_19 = arith.constant 0 : index
    %swap3A_20 = vector.load %arg4[%swap3A_17, %swap3A_18, %swap3A_19] : memref<64x128x128xf32, #tpu.memory_space<vmem>>, vector<64x8x128xf32>
    tpu.vector_store %arg4[%swap3A_17, %swap3A_18, %swap3A_19], %reshape3A_16 {strides = array<i32>} : memref<64x128x128xf32, #tpu.memory_space<vmem>>, vector<64x8x128xf32>,
    %slice3A_21 = vector.extract_strided_slice %dot_general3A_5 {offsets = [0, 384], sizes = [512, 128], strides = [1, 1]} : vector<512x2048xf32> to vector<512x128xf32>
    %reshape3A_22 = vector.shape_cast %slice3A_21 : vector<512x128xf32> to vector<64x8x128xf32>
    %swap3A_23 = arith.constant 0 : index
    %swap3A_24 = arith.constant 24 : index
    %swap3A_25 = arith.constant 0 : index
    %swap3A_26 = vector.load %arg4[%swap3A_23, %swap3A_24, %swap3A_25] : memref<64x128x128xf32, #tpu.memory_space<vmem>>, vector<64x8x128xf32>
    tpu.vector_store %arg4[%swap3A_23, %swap3A_24, %swap3A_25], %reshape3A_22 {strides = array<i32>} : memref<64x128x128xf32, #tpu.memory_space<vmem>>, vector<64x8x128xf32>,
    %slice3A_27 = vector.extract_strided_slice %dot_general3A_5 {offsets = [0, 512], sizes = [512, 128], strides = [1, 1]} : vector<512x2048xf32> to vector<512x128xf32>
    %reshape3A_28 = vector.shape_cast %slice3A_27 : vector<512x128xf32> to vector<64x8x128xf32>
    %swap3A_29 = arith.constant 0 : index
    %swap3A_30 = arith.constant 32 : index
    %swap3A_31 = arith.constant 0 : index
    %swap3A_32 = vector.load %arg4[%swap3A_29, %swap3A_30, %swap3A_31] : memref<64x128x128xf32, #tpu.memory_space<vmem>>, vector<64x8x128xf32>
    tpu.vector_store %arg4[%swap3A_29, %swap3A_30, %swap3A_31], %reshape3A_28 {strides = array<i32>} : memref<64x128x128xf32, #tpu.memory_space<vmem>>, vector<64x8x128xf32>,
    %slice3A_33 = vector.extract_strided_slice %dot_general3A_5 {offsets = [0, 640], sizes = [512, 128], strides = [1, 1]} : vector<512x2048xf32> to vector<512x128xf32>
    %reshape3A_34 = vector.shape_cast %slice3A_33 : vector<512x128xf32> to vector<64x8x128xf32>
    %swap3A_35 = arith.constant 0 : index
    %swap3A_36 = arith.constant 40 : index
    %swap3A_37 = arith.constant 0 : index
    %swap3A_38 = vector.load %arg4[%swap3A_35, %swap3A_36, %swap3A_37] : memref<64x128x128xf32, #tpu.memory_space<vmem>>, vector<64x8x128xf32>
    tpu.vector_store %arg4[%swap3A_35, %swap3A_36, %swap3A_37], %reshape3A_34 {strides = array<i32>} : memref<64x128x128xf32, #tpu.memory_space<vmem>>, vector<64x8x128xf32>,
    %slice3A_39 = vector.extract_strided_slice %dot_general3A_5 {offsets = [0, 768], sizes = [512, 128], strides = [1, 1]} : vector<512x2048xf32> to vector<512x128xf32>
    %reshape3A_40 = vector.shape_cast %slice3A_39 : vector<512x128xf32> to vector<64x8x128xf32>
    %swap3A_41 = arith.constant 0 : index
    %swap3A_42 = arith.constant 48 : index
    %swap3A_43 = arith.constant 0 : index
    %swap3A_44 = vector.load %arg4[%swap3A_41, %swap3A_42, %swap3A_43] : memref<64x128x128xf32, #tpu.memory_space<vmem>>, vector<64x8x128xf32>
    tpu.vector_store %arg4[%swap3A_41, %swap3A_42, %swap3A_43], %reshape3A_40 {strides = array<i32>} : memref<64x128x128xf32, #tpu.memory_space<vmem>>, vector<64x8x128xf32>,
    %slice3A_45 = vector.extract_strided_slice %dot_general3A_5 {offsets = [0, 896], sizes = [512, 128], strides = [1, 1]} : vector<512x2048xf32> to vector<512x128xf32>
    %reshape3A_46 = vector.shape_cast %slice3A_45 : vector<512x128xf32> to vector<64x8x128xf32>
    %swap3A_47 = arith.constant 0 : index
    %swap3A_48 = arith.constant 56 : index
    %swap3A_49 = arith.constant 0 : index
    %swap3A_50 = vector.load %arg4[%swap3A_47, %swap3A_48, %swap3A_49] : memref<64x128x128xf32, #tpu.memory_space<vmem>>, vector<64x8x128xf32>
    tpu.vector_store %arg4[%swap3A_47, %swap3A_48, %swap3A_49], %reshape3A_46 {strides = array<i32>} : memref<64x128x128xf32, #tpu.memory_space<vmem>>, vector<64x8x128xf32>,
    %slice3A_51 = vector.extract_strided_slice %dot_general3A_5 {offsets = [0, 1024], sizes = [512, 128], strides = [1, 1]} : vector<512x2048xf32> to vector<512x128xf32>
    %reshape3A_52 = vector.shape_cast %slice3A_51 : vector<512x128xf32> to vector<64x8x128xf32>
    %swap3A_53 = arith.constant 0 : index
    %swap3A_54 = arith.constant 64 : index
    %swap3A_55 = arith.constant 0 : index
    %swap3A_56 = vector.load %arg4[%swap3A_53, %swap3A_54, %swap3A_55] : memref<64x128x128xf32, #tpu.memory_space<vmem>>, vector<64x8x128xf32>
    tpu.vector_store %arg4[%swap3A_53, %swap3A_54, %swap3A_55], %reshape3A_52 {strides = array<i32>} : memref<64x128x128xf32, #tpu.memory_space<vmem>>, vector<64x8x128xf32>,
    %slice3A_57 = vector.extract_strided_slice %dot_general3A_5 {offsets = [0, 1152], sizes = [512, 128], strides = [1, 1]} : vector<512x2048xf32> to vector<512x128xf32>
    %reshape3A_58 = vector.shape_cast %slice3A_57 : vector<512x128xf32> to vector<64x8x128xf32>
    %swap3A_59 = arith.constant 0 : index
    %swap3A_60 = arith.constant 72 : index
    %swap3A_61 = arith.constant 0 : index
    %swap3A_62 = vector.load %arg4[%swap3A_59, %swap3A_60, %swap3A_61] : memref<64x128x128xf32, #tpu.memory_space<vmem>>, vector<64x8x128xf32>
    tpu.vector_store %arg4[%swap3A_59, %swap3A_60, %swap3A_61], %reshape3A_58 {strides = array<i32>} : memref<64x128x128xf32, #tpu.memory_space<vmem>>, vector<64x8x128xf32>,
    %slice3A_63 = vector.extract_strided_slice %dot_general3A_5 {offsets = [0, 1280], sizes = [512, 128], strides = [1, 1]} : vector<512x2048xf32> to vector<512x128xf32>
    %reshape3A_64 = vector.shape_cast %slice3A_63 : vector<512x128xf32> to vector<64x8x128xf32>
    %swap3A_65 = arith.constant 0 : index
    %swap3A_66 = arith.constant 80 : index
    %swap3A_67 = arith.constant 0 : index
    %swap3A_68 = vector.load %arg4[%swap3A_65, %swap3A_66, %swap3A_67] : memref<64x128x128xf32, #tpu.memory_space<vmem>>, vector<64x8x128xf32>
    tpu.vector_store %arg4[%swap3A_65, %swap3A_66, %swap3A_67], %reshape3A_64 {strides = array<i32>} : memref<64x128x128xf32, #tpu.memory_space<vmem>>, vector<64x8x128xf32>,
    %slice3A_69 = vector.extract_strided_slice %dot_general3A_5 {offsets = [0, 1408], sizes = [512, 128], strides = [1, 1]} : vector<512x2048xf32> to vector<512x128xf32>
    %reshape3A_70 = vector.shape_cast %slice3A_69 : vector<512x128xf32> to vector<64x8x128xf32>
    %swap3A_71 = arith.constant 0 : index
    %swap3A_72 = arith.constant 88 : index
    %swap3A_73 = arith.constant 0 : index
    %swap3A_74 = vector.load %arg4[%swap3A_71, %swap3A_72, %swap3A_73] : memref<64x128x128xf32, #tpu.memory_space<vmem>>, vector<64x8x128xf32>
    tpu.vector_store %arg4[%swap3A_71, %swap3A_72, %swap3A_73], %reshape3A_70 {strides = array<i32>} : memref<64x128x128xf32, #tpu.memory_space<vmem>>, vector<64x8x128xf32>,
    %slice3A_75 = vector.extract_strided_slice %dot_general3A_5 {offsets = [0, 1536], sizes = [512, 128], strides = [1, 1]} : vector<512x2048xf32> to vector<512x128xf32>
    %reshape3A_76 = vector.shape_cast %slice3A_75 : vector<512x128xf32> to vector<64x8x128xf32>
    %swap3A_77 = arith.constant 0 : index
    %swap3A_78 = arith.constant 96 : index
    %swap3A_79 = arith.constant 0 : index
    %swap3A_80 = vector.load %arg4[%swap3A_77, %swap3A_78, %swap3A_79] : memref<64x128x128xf32, #tpu.memory_space<vmem>>, vector<64x8x128xf32>
    tpu.vector_store %arg4[%swap3A_77, %swap3A_78, %swap3A_79], %reshape3A_76 {strides = array<i32>} : memref<64x128x128xf32, #tpu.memory_space<vmem>>, vector<64x8x128xf32>,
    %slice3A_81 = vector.extract_strided_slice %dot_general3A_5 {offsets = [0, 1664], sizes = [512, 128], strides = [1, 1]} : vector<512x2048xf32> to vector<512x128xf32>
    %reshape3A_82 = vector.shape_cast %slice3A_81 : vector<512x128xf32> to vector<64x8x128xf32>
    %swap3A_83 = arith.constant 0 : index
    %swap3A_84 = arith.constant 104 : index
    %swap3A_85 = arith.constant 0 : index
    %swap3A_86 = vector.load %arg4[%swap3A_83, %swap3A_84, %swap3A_85] : memref<64x128x128xf32, #tpu.memory_space<vmem>>, vector<64x8x128xf32>
    tpu.vector_store %arg4[%swap3A_83, %swap3A_84, %swap3A_85], %reshape3A_82 {strides = array<i32>} : memref<64x128x128xf32, #tpu.memory_space<vmem>>, vector<64x8x128xf32>,
    %slice3A_87 = vector.extract_strided_slice %dot_general3A_5 {offsets = [0, 1792], sizes = [512, 128], strides = [1, 1]} : vector<512x2048xf32> to vector<512x128xf32>
    %reshape3A_88 = vector.shape_cast %slice3A_87 : vector<512x128xf32> to vector<64x8x128xf32>
    %swap3A_89 = arith.constant 0 : index
    %swap3A_90 = arith.constant 112 : index
    %swap3A_91 = arith.constant 0 : index
    %swap3A_92 = vector.load %arg4[%swap3A_89, %swap3A_90, %swap3A_91] : memref<64x128x128xf32, #tpu.memory_space<vmem>>, vector<64x8x128xf32>
    tpu.vector_store %arg4[%swap3A_89, %swap3A_90, %swap3A_91], %reshape3A_88 {strides = array<i32>} : memref<64x128x128xf32, #tpu.memory_space<vmem>>, vector<64x8x128xf32>,
    %slice3A_93 = vector.extract_strided_slice %dot_general3A_5 {offsets = [0, 1920], sizes = [512, 128], strides = [1, 1]} : vector<512x2048xf32> to vector<512x128xf32>
    %reshape3A_94 = vector.shape_cast %slice3A_93 : vector<512x128xf32> to vector<64x8x128xf32>
    %swap3A_95 = arith.constant 0 : index
    %swap3A_96 = arith.constant 120 : index
    %swap3A_97 = arith.constant 0 : index
    %swap3A_98 = vector.load %arg4[%swap3A_95, %swap3A_96, %swap3A_97] : memref<64x128x128xf32, #tpu.memory_space<vmem>>, vector<64x8x128xf32>
    tpu.vector_store %arg4[%swap3A_95, %swap3A_96, %swap3A_97], %reshape3A_94 {strides = array<i32>} : memref<64x128x128xf32, #tpu.memory_space<vmem>>, vector<64x8x128xf32>,
    %get3A_99 = arith.constant 0 : index
    %get3A_100 = arith.constant 0 : index
    %get3A_101 = vector.load %arg3[%get3A_99, %get3A_100] : memref<2048x64xbf16, #tpu.memory_space<vmem>>, vector<2048x64xbf16>
    %get3A_102 = arith.constant 0 : index
    %get3A_103 = arith.constant 0 : index
    %get3A_104 = vector.load %arg2[%get3A_102, %get3A_103] : memref<512x64xbf16, #tpu.memory_space<vmem>>, vector<512x64xbf16>
    %dot_general3A_105 = arith.constant dense<0.000000e+00> : vector<2048x512xf32>
    %dot_general3A_106 = tpu.matmul %get3A_101, %get3A_104, %dot_general3A_105 {dimension_numbers = #tpu.dot_dimension_numbers<[1], [1], [0], [0], [0, 0, 1, 0], [], []>, transpose_lhs_hint = false} : vector<2048x64xbf16>, vector<512x64xbf16>, vector<2048x512xf32> -> vector<2048x512xf32>
    %reshape3A_107 = vector.shape_cast %dot_general3A_106 : vector<2048x512xf32> to vector<16x128x512xf32>
    %reduce_max3A = arith.constant dense<0xFF800000> : vector<16x512xf32>
    %reduce_max3A_108 = vector.multi_reduction <maximumf>, %reshape3A_107, %reduce_max3A [1] : vector<16x128x512xf32> to vector<16x512xf32>
    %reshape3A_109 = vector.shape_cast %reduce_max3A_108 : vector<16x512xf32> to vector<1x16x512xf32>
    %swap3A_110 = arith.constant 0 : index
    %swap3A_111 = arith.constant 0 : index
    %swap3A_112 = arith.constant 0 : index
    %swap3A_113 = vector.load %arg5[%swap3A_110, %swap3A_111, %swap3A_112] : memref<1x16x512xf32, #tpu.memory_space<vmem>>, vector<1x16x512xf32>
    tpu.vector_store %arg5[%swap3A_110, %swap3A_111, %swap3A_112], %reshape3A_109 {strides = array<i32>} : memref<1x16x512xf32, #tpu.memory_space<vmem>>, vector<1x16x512xf32>,
    return
  }
  func.func @transform_0(%arg0: i32, %arg1: i32) -> (i32, i32) {
    %c0_i32 = arith.constant 0 : i32
    %c0_i32_0 = arith.constant 0 : i32
    return %arg0, %c0_i32 : i32, i32
  }
  func.func @transform_1(%arg0: i32, %arg1: i32) -> (i32, i32) {
    %c0_i32 = arith.constant 0 : i32
    %c0_i32_0 = arith.constant 0 : i32
    return %arg1, %c0_i32 : i32, i32
  }
  func.func @transform_2(%arg0: i32, %arg1: i32) -> (i32, i32, i32) {
    %c0_i32 = arith.constant 0 : i32
    %c0_i32_0 = arith.constant 0 : i32
    return %arg0, %arg1, %c0_i32 : i32, i32, i32
  }
  func.func @transform_3(%arg0: i32, %arg1: i32) -> (i32, i32, i32) {
    %c0_i32 = arith.constant 0 : i32
    %c0_i32_0 = arith.constant 0 : i32
    return %arg1, %c0_i32, %arg0 : i32, i32, i32
  }
}

module attributes {stable_mosaic.version = 14 : i64} {
  func.func @_select_body(%arg0: i32, %arg1: memref<512x896xf32, #tpu.memory_space<vmem>>, %arg2: memref<1x512x12xi32, #tpu.memory_space<vmem>>) attributes {dimension_semantics = [#tpu.dimension_semantics<arbitrary>], iteration_bounds = array<i64: 8>, scalar_prefetch = 0 : i64, scratch_operands = 0 : i64, tpu.core_type = #tpu.core_type<tc>, window_params = [{transform_indices = @transform_0, window_bounds = array<i64: 512, 896>}, {transform_indices = @transform_1, window_bounds = array<i64: 1, 512, 12>}]} {
    %get3A = arith.constant 0 : index
    %get3A_0 = arith.constant 0 : index
    %get3A_1 = vector.load %arg1[%get3A, %get3A_0] : memref<512x896xf32, #tpu.memory_space<vmem>>, vector<512x896xf32>
    %iota3A = tpu.iota {dimensions = array<i32: 1>} : vector<512x896xi32>
    %reduce_max3A = arith.constant dense<0xFF800000> : vector<512xf32>
    %reduce_max3A_2 = vector.multi_reduction <maximumf>, %get3A_1, %reduce_max3A [1] : vector<512x896xf32> to vector<512xf32>
    %broadcast_in_dim3A = vector.shape_cast %reduce_max3A_2 : vector<512xf32> to vector<512x1xf32>
    %eq3A = vector.broadcast %broadcast_in_dim3A : vector<512x1xf32> to vector<512x896xf32>
    %eq3A_3 = arith.cmpf oeq, %get3A_1, %eq3A : vector<512x896xf32>
    %jit3A = arith.constant 1073741824 : i32
    %broadcast_in_dim3A_4 = vector.broadcast %jit3A : i32 to vector<512x896xi32>
    %select_n3A = arith.select %eq3A_3, %iota3A, %broadcast_in_dim3A_4 : vector<512x896xi1>, vector<512x896xi32>
    %reduce_min3A = arith.constant dense<2147483647> : vector<512xi32>
    %reduce_min3A_5 = vector.multi_reduction <minsi>, %select_n3A, %reduce_min3A [1] : vector<512x896xi32> to vector<512xi32>
    %broadcast_in_dim3A_6 = vector.shape_cast %reduce_min3A_5 : vector<512xi32> to vector<512x1xi32>
    %eq3A_7 = vector.broadcast %broadcast_in_dim3A_6 : vector<512x1xi32> to vector<512x896xi32>
    %eq3A_8 = arith.cmpi eq, %iota3A, %eq3A_7 : vector<512x896xi32>
    %jit3A_9 = arith.constant -3.000000e+38 : f32
    %broadcast_in_dim3A_10 = vector.broadcast %jit3A_9 : f32 to vector<512x896xf32>
    %select_n3A_11 = arith.select %eq3A_8, %broadcast_in_dim3A_10, %get3A_1 : vector<512x896xi1>, vector<512x896xf32>
    %reduce_max3A_12 = arith.constant dense<0xFF800000> : vector<512xf32>
    %reduce_max3A_13 = vector.multi_reduction <maximumf>, %select_n3A_11, %reduce_max3A_12 [1] : vector<512x896xf32> to vector<512xf32>
    %broadcast_in_dim3A_14 = vector.shape_cast %reduce_max3A_13 : vector<512xf32> to vector<512x1xf32>
    %eq3A_15 = vector.broadcast %broadcast_in_dim3A_14 : vector<512x1xf32> to vector<512x896xf32>
    %eq3A_16 = arith.cmpf oeq, %select_n3A_11, %eq3A_15 : vector<512x896xf32>
    %jit3A_17 = arith.constant 1073741824 : i32
    %broadcast_in_dim3A_18 = vector.broadcast %jit3A_17 : i32 to vector<512x896xi32>
    %select_n3A_19 = arith.select %eq3A_16, %iota3A, %broadcast_in_dim3A_18 : vector<512x896xi1>, vector<512x896xi32>
    %reduce_min3A_20 = arith.constant dense<2147483647> : vector<512xi32>
    %reduce_min3A_21 = vector.multi_reduction <minsi>, %select_n3A_19, %reduce_min3A_20 [1] : vector<512x896xi32> to vector<512xi32>
    %broadcast_in_dim3A_22 = vector.shape_cast %reduce_min3A_21 : vector<512xi32> to vector<512x1xi32>
    %eq3A_23 = vector.broadcast %broadcast_in_dim3A_22 : vector<512x1xi32> to vector<512x896xi32>
    %eq3A_24 = arith.cmpi eq, %iota3A, %eq3A_23 : vector<512x896xi32>
    %jit3A_25 = arith.constant -3.000000e+38 : f32
    %broadcast_in_dim3A_26 = vector.broadcast %jit3A_25 : f32 to vector<512x896xf32>
    %select_n3A_27 = arith.select %eq3A_24, %broadcast_in_dim3A_26, %select_n3A_11 : vector<512x896xi1>, vector<512x896xf32>
    %reduce_max3A_28 = arith.constant dense<0xFF800000> : vector<512xf32>
    %reduce_max3A_29 = vector.multi_reduction <maximumf>, %select_n3A_27, %reduce_max3A_28 [1] : vector<512x896xf32> to vector<512xf32>
    %broadcast_in_dim3A_30 = vector.shape_cast %reduce_max3A_29 : vector<512xf32> to vector<512x1xf32>
    %eq3A_31 = vector.broadcast %broadcast_in_dim3A_30 : vector<512x1xf32> to vector<512x896xf32>
    %eq3A_32 = arith.cmpf oeq, %select_n3A_27, %eq3A_31 : vector<512x896xf32>
    %jit3A_33 = arith.constant 1073741824 : i32
    %broadcast_in_dim3A_34 = vector.broadcast %jit3A_33 : i32 to vector<512x896xi32>
    %select_n3A_35 = arith.select %eq3A_32, %iota3A, %broadcast_in_dim3A_34 : vector<512x896xi1>, vector<512x896xi32>
    %reduce_min3A_36 = arith.constant dense<2147483647> : vector<512xi32>
    %reduce_min3A_37 = vector.multi_reduction <minsi>, %select_n3A_35, %reduce_min3A_36 [1] : vector<512x896xi32> to vector<512xi32>
    %broadcast_in_dim3A_38 = vector.shape_cast %reduce_min3A_37 : vector<512xi32> to vector<512x1xi32>
    %eq3A_39 = vector.broadcast %broadcast_in_dim3A_38 : vector<512x1xi32> to vector<512x896xi32>
    %eq3A_40 = arith.cmpi eq, %iota3A, %eq3A_39 : vector<512x896xi32>
    %jit3A_41 = arith.constant -3.000000e+38 : f32
    %broadcast_in_dim3A_42 = vector.broadcast %jit3A_41 : f32 to vector<512x896xf32>
    %select_n3A_43 = arith.select %eq3A_40, %broadcast_in_dim3A_42, %select_n3A_27 : vector<512x896xi1>, vector<512x896xf32>
    %reduce_max3A_44 = arith.constant dense<0xFF800000> : vector<512xf32>
    %reduce_max3A_45 = vector.multi_reduction <maximumf>, %select_n3A_43, %reduce_max3A_44 [1] : vector<512x896xf32> to vector<512xf32>
    %broadcast_in_dim3A_46 = vector.shape_cast %reduce_max3A_45 : vector<512xf32> to vector<512x1xf32>
    %eq3A_47 = vector.broadcast %broadcast_in_dim3A_46 : vector<512x1xf32> to vector<512x896xf32>
    %eq3A_48 = arith.cmpf oeq, %select_n3A_43, %eq3A_47 : vector<512x896xf32>
    %jit3A_49 = arith.constant 1073741824 : i32
    %broadcast_in_dim3A_50 = vector.broadcast %jit3A_49 : i32 to vector<512x896xi32>
    %select_n3A_51 = arith.select %eq3A_48, %iota3A, %broadcast_in_dim3A_50 : vector<512x896xi1>, vector<512x896xi32>
    %reduce_min3A_52 = arith.constant dense<2147483647> : vector<512xi32>
    %reduce_min3A_53 = vector.multi_reduction <minsi>, %select_n3A_51, %reduce_min3A_52 [1] : vector<512x896xi32> to vector<512xi32>
    %broadcast_in_dim3A_54 = vector.shape_cast %reduce_min3A_53 : vector<512xi32> to vector<512x1xi32>
    %eq3A_55 = vector.broadcast %broadcast_in_dim3A_54 : vector<512x1xi32> to vector<512x896xi32>
    %eq3A_56 = arith.cmpi eq, %iota3A, %eq3A_55 : vector<512x896xi32>
    %jit3A_57 = arith.constant -3.000000e+38 : f32
    %broadcast_in_dim3A_58 = vector.broadcast %jit3A_57 : f32 to vector<512x896xf32>
    %select_n3A_59 = arith.select %eq3A_56, %broadcast_in_dim3A_58, %select_n3A_43 : vector<512x896xi1>, vector<512x896xf32>
    %reduce_max3A_60 = arith.constant dense<0xFF800000> : vector<512xf32>
    %reduce_max3A_61 = vector.multi_reduction <maximumf>, %select_n3A_59, %reduce_max3A_60 [1] : vector<512x896xf32> to vector<512xf32>
    %broadcast_in_dim3A_62 = vector.shape_cast %reduce_max3A_61 : vector<512xf32> to vector<512x1xf32>
    %eq3A_63 = vector.broadcast %broadcast_in_dim3A_62 : vector<512x1xf32> to vector<512x896xf32>
    %eq3A_64 = arith.cmpf oeq, %select_n3A_59, %eq3A_63 : vector<512x896xf32>
    %jit3A_65 = arith.constant 1073741824 : i32
    %broadcast_in_dim3A_66 = vector.broadcast %jit3A_65 : i32 to vector<512x896xi32>
    %select_n3A_67 = arith.select %eq3A_64, %iota3A, %broadcast_in_dim3A_66 : vector<512x896xi1>, vector<512x896xi32>
    %reduce_min3A_68 = arith.constant dense<2147483647> : vector<512xi32>
    %reduce_min3A_69 = vector.multi_reduction <minsi>, %select_n3A_67, %reduce_min3A_68 [1] : vector<512x896xi32> to vector<512xi32>
    %broadcast_in_dim3A_70 = vector.shape_cast %reduce_min3A_69 : vector<512xi32> to vector<512x1xi32>
    %eq3A_71 = vector.broadcast %broadcast_in_dim3A_70 : vector<512x1xi32> to vector<512x896xi32>
    %eq3A_72 = arith.cmpi eq, %iota3A, %eq3A_71 : vector<512x896xi32>
    %jit3A_73 = arith.constant -3.000000e+38 : f32
    %broadcast_in_dim3A_74 = vector.broadcast %jit3A_73 : f32 to vector<512x896xf32>
    %select_n3A_75 = arith.select %eq3A_72, %broadcast_in_dim3A_74, %select_n3A_59 : vector<512x896xi1>, vector<512x896xf32>
    %reduce_max3A_76 = arith.constant dense<0xFF800000> : vector<512xf32>
    %reduce_max3A_77 = vector.multi_reduction <maximumf>, %select_n3A_75, %reduce_max3A_76 [1] : vector<512x896xf32> to vector<512xf32>
    %broadcast_in_dim3A_78 = vector.shape_cast %reduce_max3A_77 : vector<512xf32> to vector<512x1xf32>
    %eq3A_79 = vector.broadcast %broadcast_in_dim3A_78 : vector<512x1xf32> to vector<512x896xf32>
    %eq3A_80 = arith.cmpf oeq, %select_n3A_75, %eq3A_79 : vector<512x896xf32>
    %jit3A_81 = arith.constant 1073741824 : i32
    %broadcast_in_dim3A_82 = vector.broadcast %jit3A_81 : i32 to vector<512x896xi32>
    %select_n3A_83 = arith.select %eq3A_80, %iota3A, %broadcast_in_dim3A_82 : vector<512x896xi1>, vector<512x896xi32>
    %reduce_min3A_84 = arith.constant dense<2147483647> : vector<512xi32>
    %reduce_min3A_85 = vector.multi_reduction <minsi>, %select_n3A_83, %reduce_min3A_84 [1] : vector<512x896xi32> to vector<512xi32>
    %broadcast_in_dim3A_86 = vector.shape_cast %reduce_min3A_85 : vector<512xi32> to vector<512x1xi32>
    %eq3A_87 = vector.broadcast %broadcast_in_dim3A_86 : vector<512x1xi32> to vector<512x896xi32>
    %eq3A_88 = arith.cmpi eq, %iota3A, %eq3A_87 : vector<512x896xi32>
    %jit3A_89 = arith.constant -3.000000e+38 : f32
    %broadcast_in_dim3A_90 = vector.broadcast %jit3A_89 : f32 to vector<512x896xf32>
    %select_n3A_91 = arith.select %eq3A_88, %broadcast_in_dim3A_90, %select_n3A_75 : vector<512x896xi1>, vector<512x896xf32>
    %reduce_max3A_92 = arith.constant dense<0xFF800000> : vector<512xf32>
    %reduce_max3A_93 = vector.multi_reduction <maximumf>, %select_n3A_91, %reduce_max3A_92 [1] : vector<512x896xf32> to vector<512xf32>
    %broadcast_in_dim3A_94 = vector.shape_cast %reduce_max3A_93 : vector<512xf32> to vector<512x1xf32>
    %eq3A_95 = vector.broadcast %broadcast_in_dim3A_94 : vector<512x1xf32> to vector<512x896xf32>
    %eq3A_96 = arith.cmpf oeq, %select_n3A_91, %eq3A_95 : vector<512x896xf32>
    %jit3A_97 = arith.constant 1073741824 : i32
    %broadcast_in_dim3A_98 = vector.broadcast %jit3A_97 : i32 to vector<512x896xi32>
    %select_n3A_99 = arith.select %eq3A_96, %iota3A, %broadcast_in_dim3A_98 : vector<512x896xi1>, vector<512x896xi32>
    %reduce_min3A_100 = arith.constant dense<2147483647> : vector<512xi32>
    %reduce_min3A_101 = vector.multi_reduction <minsi>, %select_n3A_99, %reduce_min3A_100 [1] : vector<512x896xi32> to vector<512xi32>
    %broadcast_in_dim3A_102 = vector.shape_cast %reduce_min3A_101 : vector<512xi32> to vector<512x1xi32>
    %eq3A_103 = vector.broadcast %broadcast_in_dim3A_102 : vector<512x1xi32> to vector<512x896xi32>
    %eq3A_104 = arith.cmpi eq, %iota3A, %eq3A_103 : vector<512x896xi32>
    %jit3A_105 = arith.constant -3.000000e+38 : f32
    %broadcast_in_dim3A_106 = vector.broadcast %jit3A_105 : f32 to vector<512x896xf32>
    %select_n3A_107 = arith.select %eq3A_104, %broadcast_in_dim3A_106, %select_n3A_91 : vector<512x896xi1>, vector<512x896xf32>
    %reduce_max3A_108 = arith.constant dense<0xFF800000> : vector<512xf32>
    %reduce_max3A_109 = vector.multi_reduction <maximumf>, %select_n3A_107, %reduce_max3A_108 [1] : vector<512x896xf32> to vector<512xf32>
    %broadcast_in_dim3A_110 = vector.shape_cast %reduce_max3A_109 : vector<512xf32> to vector<512x1xf32>
    %eq3A_111 = vector.broadcast %broadcast_in_dim3A_110 : vector<512x1xf32> to vector<512x896xf32>
    %eq3A_112 = arith.cmpf oeq, %select_n3A_107, %eq3A_111 : vector<512x896xf32>
    %jit3A_113 = arith.constant 1073741824 : i32
    %broadcast_in_dim3A_114 = vector.broadcast %jit3A_113 : i32 to vector<512x896xi32>
    %select_n3A_115 = arith.select %eq3A_112, %iota3A, %broadcast_in_dim3A_114 : vector<512x896xi1>, vector<512x896xi32>
    %reduce_min3A_116 = arith.constant dense<2147483647> : vector<512xi32>
    %reduce_min3A_117 = vector.multi_reduction <minsi>, %select_n3A_115, %reduce_min3A_116 [1] : vector<512x896xi32> to vector<512xi32>
    %broadcast_in_dim3A_118 = vector.shape_cast %reduce_min3A_117 : vector<512xi32> to vector<512x1xi32>
    %eq3A_119 = vector.broadcast %broadcast_in_dim3A_118 : vector<512x1xi32> to vector<512x896xi32>
    %eq3A_120 = arith.cmpi eq, %iota3A, %eq3A_119 : vector<512x896xi32>
    %jit3A_121 = arith.constant -3.000000e+38 : f32
    %broadcast_in_dim3A_122 = vector.broadcast %jit3A_121 : f32 to vector<512x896xf32>
    %select_n3A_123 = arith.select %eq3A_120, %broadcast_in_dim3A_122, %select_n3A_107 : vector<512x896xi1>, vector<512x896xf32>
    %reduce_max3A_124 = arith.constant dense<0xFF800000> : vector<512xf32>
    %reduce_max3A_125 = vector.multi_reduction <maximumf>, %select_n3A_123, %reduce_max3A_124 [1] : vector<512x896xf32> to vector<512xf32>
    %broadcast_in_dim3A_126 = vector.shape_cast %reduce_max3A_125 : vector<512xf32> to vector<512x1xf32>
    %eq3A_127 = vector.broadcast %broadcast_in_dim3A_126 : vector<512x1xf32> to vector<512x896xf32>
    %eq3A_128 = arith.cmpf oeq, %select_n3A_123, %eq3A_127 : vector<512x896xf32>
    %jit3A_129 = arith.constant 1073741824 : i32
    %broadcast_in_dim3A_130 = vector.broadcast %jit3A_129 : i32 to vector<512x896xi32>
    %select_n3A_131 = arith.select %eq3A_128, %iota3A, %broadcast_in_dim3A_130 : vector<512x896xi1>, vector<512x896xi32>
    %reduce_min3A_132 = arith.constant dense<2147483647> : vector<512xi32>
    %reduce_min3A_133 = vector.multi_reduction <minsi>, %select_n3A_131, %reduce_min3A_132 [1] : vector<512x896xi32> to vector<512xi32>
    %broadcast_in_dim3A_134 = vector.shape_cast %reduce_min3A_133 : vector<512xi32> to vector<512x1xi32>
    %eq3A_135 = vector.broadcast %broadcast_in_dim3A_134 : vector<512x1xi32> to vector<512x896xi32>
    %eq3A_136 = arith.cmpi eq, %iota3A, %eq3A_135 : vector<512x896xi32>
    %jit3A_137 = arith.constant -3.000000e+38 : f32
    %broadcast_in_dim3A_138 = vector.broadcast %jit3A_137 : f32 to vector<512x896xf32>
    %select_n3A_139 = arith.select %eq3A_136, %broadcast_in_dim3A_138, %select_n3A_123 : vector<512x896xi1>, vector<512x896xf32>
    %reduce_max3A_140 = arith.constant dense<0xFF800000> : vector<512xf32>
    %reduce_max3A_141 = vector.multi_reduction <maximumf>, %select_n3A_139, %reduce_max3A_140 [1] : vector<512x896xf32> to vector<512xf32>
    %broadcast_in_dim3A_142 = vector.shape_cast %reduce_max3A_141 : vector<512xf32> to vector<512x1xf32>
    %eq3A_143 = vector.broadcast %broadcast_in_dim3A_142 : vector<512x1xf32> to vector<512x896xf32>
    %eq3A_144 = arith.cmpf oeq, %select_n3A_139, %eq3A_143 : vector<512x896xf32>
    %jit3A_145 = arith.constant 1073741824 : i32
    %broadcast_in_dim3A_146 = vector.broadcast %jit3A_145 : i32 to vector<512x896xi32>
    %select_n3A_147 = arith.select %eq3A_144, %iota3A, %broadcast_in_dim3A_146 : vector<512x896xi1>, vector<512x896xi32>
    %reduce_min3A_148 = arith.constant dense<2147483647> : vector<512xi32>
    %reduce_min3A_149 = vector.multi_reduction <minsi>, %select_n3A_147, %reduce_min3A_148 [1] : vector<512x896xi32> to vector<512xi32>
    %broadcast_in_dim3A_150 = vector.shape_cast %reduce_min3A_149 : vector<512xi32> to vector<512x1xi32>
    %eq3A_151 = vector.broadcast %broadcast_in_dim3A_150 : vector<512x1xi32> to vector<512x896xi32>
    %eq3A_152 = arith.cmpi eq, %iota3A, %eq3A_151 : vector<512x896xi32>
    %jit3A_153 = arith.constant -3.000000e+38 : f32
    %broadcast_in_dim3A_154 = vector.broadcast %jit3A_153 : f32 to vector<512x896xf32>
    %select_n3A_155 = arith.select %eq3A_152, %broadcast_in_dim3A_154, %select_n3A_139 : vector<512x896xi1>, vector<512x896xf32>
    %reduce_max3A_156 = arith.constant dense<0xFF800000> : vector<512xf32>
    %reduce_max3A_157 = vector.multi_reduction <maximumf>, %select_n3A_155, %reduce_max3A_156 [1] : vector<512x896xf32> to vector<512xf32>
    %broadcast_in_dim3A_158 = vector.shape_cast %reduce_max3A_157 : vector<512xf32> to vector<512x1xf32>
    %eq3A_159 = vector.broadcast %broadcast_in_dim3A_158 : vector<512x1xf32> to vector<512x896xf32>
    %eq3A_160 = arith.cmpf oeq, %select_n3A_155, %eq3A_159 : vector<512x896xf32>
    %jit3A_161 = arith.constant 1073741824 : i32
    %broadcast_in_dim3A_162 = vector.broadcast %jit3A_161 : i32 to vector<512x896xi32>
    %select_n3A_163 = arith.select %eq3A_160, %iota3A, %broadcast_in_dim3A_162 : vector<512x896xi1>, vector<512x896xi32>
    %reduce_min3A_164 = arith.constant dense<2147483647> : vector<512xi32>
    %reduce_min3A_165 = vector.multi_reduction <minsi>, %select_n3A_163, %reduce_min3A_164 [1] : vector<512x896xi32> to vector<512xi32>
    %broadcast_in_dim3A_166 = vector.shape_cast %reduce_min3A_165 : vector<512xi32> to vector<512x1xi32>
    %eq3A_167 = vector.broadcast %broadcast_in_dim3A_166 : vector<512x1xi32> to vector<512x896xi32>
    %eq3A_168 = arith.cmpi eq, %iota3A, %eq3A_167 : vector<512x896xi32>
    %jit3A_169 = arith.constant -3.000000e+38 : f32
    %broadcast_in_dim3A_170 = vector.broadcast %jit3A_169 : f32 to vector<512x896xf32>
    %select_n3A_171 = arith.select %eq3A_168, %broadcast_in_dim3A_170, %select_n3A_155 : vector<512x896xi1>, vector<512x896xf32>
    %reduce_max3A_172 = arith.constant dense<0xFF800000> : vector<512xf32>
    %reduce_max3A_173 = vector.multi_reduction <maximumf>, %select_n3A_171, %reduce_max3A_172 [1] : vector<512x896xf32> to vector<512xf32>
    %broadcast_in_dim3A_174 = vector.shape_cast %reduce_max3A_173 : vector<512xf32> to vector<512x1xf32>
    %eq3A_175 = vector.broadcast %broadcast_in_dim3A_174 : vector<512x1xf32> to vector<512x896xf32>
    %eq3A_176 = arith.cmpf oeq, %select_n3A_171, %eq3A_175 : vector<512x896xf32>
    %jit3A_177 = arith.constant 1073741824 : i32
    %broadcast_in_dim3A_178 = vector.broadcast %jit3A_177 : i32 to vector<512x896xi32>
    %select_n3A_179 = arith.select %eq3A_176, %iota3A, %broadcast_in_dim3A_178 : vector<512x896xi1>, vector<512x896xi32>
    %reduce_min3A_180 = arith.constant dense<2147483647> : vector<512xi32>
    %reduce_min3A_181 = vector.multi_reduction <minsi>, %select_n3A_179, %reduce_min3A_180 [1] : vector<512x896xi32> to vector<512xi32>
    %broadcast_in_dim3A_182 = vector.shape_cast %reduce_min3A_181 : vector<512xi32> to vector<512x1xi32>
    %concatenate3A = tpu.concatenate %broadcast_in_dim3A_6, %broadcast_in_dim3A_22, %broadcast_in_dim3A_38, %broadcast_in_dim3A_54, %broadcast_in_dim3A_70, %broadcast_in_dim3A_86, %broadcast_in_dim3A_102, %broadcast_in_dim3A_118, %broadcast_in_dim3A_134, %broadcast_in_dim3A_150, %broadcast_in_dim3A_166, %broadcast_in_dim3A_182 in 1 : vector<512x1xi32>, vector<512x1xi32>, vector<512x1xi32>, vector<512x1xi32>, vector<512x1xi32>, vector<512x1xi32>, vector<512x1xi32>, vector<512x1xi32>, vector<512x1xi32>, vector<512x1xi32>, vector<512x1xi32>, vector<512x1xi32> -> vector<512x12xi32>
    %mul3A = arith.constant 512 : i32
    %mul3A_183 = arith.muli %arg0, %mul3A : i32
    %iota3A_184 = tpu.iota {dimensions = array<i32: 0>} : vector<512x1xi32>
    %add3A = vector.broadcast %mul3A_183 : i32 to vector<512x1xi32>
    %add3A_185 = arith.addi %add3A, %iota3A_184 : vector<512x1xi32>
    %shift_right_arithmetic3A = arith.constant 3 : i32
    %shift_right_arithmetic3A_186 = vector.broadcast %shift_right_arithmetic3A : i32 to vector<512x1xi32>
    %shift_right_arithmetic3A_187 = arith.shrsi %add3A_185, %shift_right_arithmetic3A_186 : vector<512x1xi32>
    %mul3A_188 = arith.constant 6272 : i32
    %mul3A_189 = vector.broadcast %mul3A_188 : i32 to vector<512x1xi32>
    %mul3A_190 = arith.muli %shift_right_arithmetic3A_187, %mul3A_189 : vector<512x1xi32>
    %mul3A_191 = arith.constant 8 : i32
    %mul3A_192 = vector.broadcast %mul3A_191 : i32 to vector<512x12xi32>
    %mul3A_193 = arith.muli %concatenate3A, %mul3A_192 : vector<512x12xi32>
    %add3A_194 = vector.broadcast %mul3A_190 : vector<512x1xi32> to vector<512x12xi32>
    %add3A_195 = arith.addi %add3A_194, %mul3A_193 : vector<512x12xi32>
    %and3A = arith.constant 7 : i32
    %and3A_196 = vector.broadcast %and3A : i32 to vector<512x1xi32>
    %and3A_197 = arith.andi %add3A_185, %and3A_196 : vector<512x1xi32>
    %add3A_198 = vector.broadcast %and3A_197 : vector<512x1xi32> to vector<512x12xi32>
    %add3A_199 = arith.addi %add3A_195, %add3A_198 : vector<512x12xi32>
    %reshape3A = vector.shape_cast %add3A_199 : vector<512x12xi32> to vector<1x512x12xi32>
    %swap3A = arith.constant 0 : index
    %swap3A_200 = arith.constant 0 : index
    %swap3A_201 = arith.constant 0 : index
    %swap3A_202 = vector.load %arg2[%swap3A, %swap3A_200, %swap3A_201] : memref<1x512x12xi32, #tpu.memory_space<vmem>>, vector<1x512x12xi32>
    tpu.vector_store %arg2[%swap3A, %swap3A_200, %swap3A_201], %reshape3A {strides = array<i32>} : memref<1x512x12xi32, #tpu.memory_space<vmem>>, vector<1x512x12xi32>,
    return
  }
  func.func @transform_0(%arg0: i32) -> (i32, i32) {
    %c0_i32 = arith.constant 0 : i32
    %c0_i32_0 = arith.constant 0 : i32
    return %arg0, %c0_i32 : i32, i32
  }
  func.func @transform_1(%arg0: i32) -> (i32, i32, i32) {
    %c0_i32 = arith.constant 0 : i32
    %c0_i32_0 = arith.constant 0 : i32
    %c0_i32_1 = arith.constant 0 : i32
    return %arg0, %c0_i32, %c0_i32_0 : i32, i32, i32
  }
}

module attributes {stable_mosaic.version = 14 : i64} {
  func.func @_topk_body(%arg0: i32, %arg1: memref<512x1536xf32, #tpu.memory_space<vmem>>, %arg2: memref<1x512x12xi32, #tpu.memory_space<vmem>>, %arg3: memref<1x512x1xi32, #tpu.memory_space<vmem>>, %arg4: memref<1x512x12xi32, #tpu.memory_space<vmem>>, %arg5: memref<1x512x12xf32, #tpu.memory_space<vmem>>) attributes {dimension_semantics = [#tpu.dimension_semantics<arbitrary>], iteration_bounds = array<i64: 8>, scalar_prefetch = 0 : i64, scratch_operands = 0 : i64, tpu.core_type = #tpu.core_type<tc>, window_params = [{transform_indices = @transform_0, window_bounds = array<i64: 512, 1536>}, {transform_indices = @transform_1, window_bounds = array<i64: 1, 512, 12>}, {transform_indices = @transform_2, window_bounds = array<i64: 1, 512, 1>}, {transform_indices = @transform_3, window_bounds = array<i64: 1, 512, 12>}, {transform_indices = @transform_4, window_bounds = array<i64: 1, 512, 12>}]} {
    %get3A = arith.constant 0 : index
    %get3A_0 = arith.constant 0 : index
    %get3A_1 = vector.load %arg1[%get3A, %get3A_0] : memref<512x1536xf32, #tpu.memory_space<vmem>>, vector<512x1536xf32>
    %get3A_2 = arith.constant 0 : index
    %get3A_3 = arith.constant 0 : index
    %get3A_4 = arith.constant 0 : index
    %get3A_5 = vector.load %arg3[%get3A_2, %get3A_3, %get3A_4] : memref<1x512x1xi32, #tpu.memory_space<vmem>>, vector<1x512x1xi32>
    %reshape3A = vector.shape_cast %get3A_5 : vector<1x512x1xi32> to vector<512x1xi32>
    %get3A_6 = arith.constant 0 : index
    %get3A_7 = arith.constant 0 : index
    %get3A_8 = arith.constant 0 : index
    %get3A_9 = vector.load %arg2[%get3A_6, %get3A_7, %get3A_8] : memref<1x512x12xi32, #tpu.memory_space<vmem>>, vector<1x512x12xi32>
    %reshape3A_10 = vector.shape_cast %get3A_9 : vector<1x512x12xi32> to vector<512x12xi32>
    %mul3A = arith.constant 512 : i32
    %mul3A_11 = arith.muli %arg0, %mul3A : i32
    %iota3A = tpu.iota {dimensions = array<i32: 0>} : vector<512x1xi32>
    %add3A = vector.broadcast %mul3A_11 : i32 to vector<512x1xi32>
    %add3A_12 = arith.addi %add3A, %iota3A : vector<512x1xi32>
    %shift_right_arithmetic3A = arith.constant 3 : i32
    %shift_right_arithmetic3A_13 = vector.broadcast %shift_right_arithmetic3A : i32 to vector<512x1xi32>
    %shift_right_arithmetic3A_14 = arith.shrsi %add3A_12, %shift_right_arithmetic3A_13 : vector<512x1xi32>
    %mul3A_15 = arith.constant 6272 : i32
    %mul3A_16 = vector.broadcast %mul3A_15 : i32 to vector<512x1xi32>
    %mul3A_17 = arith.muli %shift_right_arithmetic3A_14, %mul3A_16 : vector<512x1xi32>
    %sub3A = vector.broadcast %mul3A_17 : vector<512x1xi32> to vector<512x12xi32>
    %sub3A_18 = arith.subi %reshape3A_10, %sub3A : vector<512x12xi32>
    %and3A = arith.constant 7 : i32
    %and3A_19 = vector.broadcast %and3A : i32 to vector<512x1xi32>
    %and3A_20 = arith.andi %add3A_12, %and3A_19 : vector<512x1xi32>
    %sub3A_21 = vector.broadcast %and3A_20 : vector<512x1xi32> to vector<512x12xi32>
    %sub3A_22 = arith.subi %sub3A_18, %sub3A_21 : vector<512x12xi32>
    %shift_right_arithmetic3A_23 = arith.constant 3 : i32
    %shift_right_arithmetic3A_24 = vector.broadcast %shift_right_arithmetic3A_23 : i32 to vector<512x12xi32>
    %shift_right_arithmetic3A_25 = arith.shrsi %sub3A_22, %shift_right_arithmetic3A_24 : vector<512x12xi32>
    %mul3A_26 = arith.constant 128 : i32
    %mul3A_27 = vector.broadcast %mul3A_26 : i32 to vector<512x12xi32>
    %mul3A_28 = arith.muli %shift_right_arithmetic3A_25, %mul3A_27 : vector<512x12xi32>
    %reshape3A_29 = vector.shape_cast %mul3A_28 : vector<512x12xi32> to vector<512x12x1xi32>
    %broadcast_in_dim3A = vector.shape_cast %reshape3A_29 : vector<512x12x1xi32> to vector<512x12x1xi32>
    %broadcast_in_dim3A_30 = vector.broadcast %broadcast_in_dim3A : vector<512x12x1xi32> to vector<512x12x128xi32>
    %iota3A_31 = tpu.iota {dimensions = array<i32: 1>} : vector<512x1536xi32>
    %reshape3A_32 = vector.shape_cast %broadcast_in_dim3A_30 : vector<512x12x128xi32> to vector<512x1536xi32>
    %jit3A = arith.constant 128 : i32
    %eq3A = arith.constant 0 : i32
    %eq3A_33 = arith.cmpi eq, %jit3A, %eq3A : i32
    %jit3A_34 = arith.constant 1 : i32
    %select_n3A = arith.select %eq3A_33, %jit3A_34, %jit3A : i32
    %rem3A = vector.broadcast %select_n3A : i32 to vector<512x1536xi32>
    %rem3A_35 = arith.remsi %iota3A_31, %rem3A : vector<512x1536xi32>
    %ne3A = arith.constant 0 : i32
    %ne3A_36 = vector.broadcast %ne3A : i32 to vector<512x1536xi32>
    %ne3A_37 = arith.cmpi ne, %rem3A_35, %ne3A_36 : vector<512x1536xi32>
    %lt3A = arith.constant 0 : i32
    %lt3A_38 = vector.broadcast %lt3A : i32 to vector<512x1536xi32>
    %lt3A_39 = arith.cmpi slt, %rem3A_35, %lt3A_38 : vector<512x1536xi32>
    %lt3A_40 = arith.constant 0 : i32
    %lt3A_41 = arith.cmpi slt, %select_n3A, %lt3A_40 : i32
    %ne3A_42 = vector.broadcast %lt3A_41 : i1 to vector<512x1536xi1>
    %ne3A_43 = vector.broadcast %ne3A_42 : vector<512x1536xi1> to vector<512x1536xi1>
    %ne3A_44 = arith.xori %lt3A_39, %ne3A_43 : vector<512x1536xi1>
    %and3A_45 = arith.andi %ne3A_44, %ne3A_37 : vector<512x1536xi1>
    %add3A_46 = vector.broadcast %select_n3A : i32 to vector<512x1536xi32>
    %add3A_47 = arith.addi %rem3A_35, %add3A_46 : vector<512x1536xi32>
    %select_n3A_48 = arith.select %and3A_45, %add3A_47, %rem3A_35 : vector<512x1536xi1>, vector<512x1536xi32>
    %add3A_49 = arith.addi %reshape3A_32, %select_n3A_48 : vector<512x1536xi32>
    %eq3A_50 = vector.broadcast %reshape3A : vector<512x1xi32> to vector<512x1536xi32>
    %eq3A_51 = arith.cmpi eq, %add3A_49, %eq3A_50 : vector<512x1536xi32>
    %ge3A = arith.constant 100000 : i32
    %ge3A_52 = vector.broadcast %ge3A : i32 to vector<512x1536xi32>
    %ge3A_53 = arith.cmpi sge, %add3A_49, %ge3A_52 : vector<512x1536xi32>
    %or3A = arith.ori %eq3A_51, %ge3A_53 : vector<512x1536xi1>
    %jit3A_54 = arith.constant -3.000000e+38 : f32
    %broadcast_in_dim3A_55 = vector.broadcast %jit3A_54 : f32 to vector<512x1536xf32>
    %select_n3A_56 = arith.select %or3A, %broadcast_in_dim3A_55, %get3A_1 : vector<512x1536xi1>, vector<512x1536xf32>
    %reduce_max3A = arith.constant dense<0xFF800000> : vector<512xf32>
    %reduce_max3A_57 = vector.multi_reduction <maximumf>, %select_n3A_56, %reduce_max3A [1] : vector<512x1536xf32> to vector<512xf32>
    %broadcast_in_dim3A_58 = vector.shape_cast %reduce_max3A_57 : vector<512xf32> to vector<512x1xf32>
    %eq3A_59 = vector.broadcast %broadcast_in_dim3A_58 : vector<512x1xf32> to vector<512x1536xf32>
    %eq3A_60 = arith.cmpf oeq, %select_n3A_56, %eq3A_59 : vector<512x1536xf32>
    %jit3A_61 = arith.constant 1073741824 : i32
    %broadcast_in_dim3A_62 = vector.broadcast %jit3A_61 : i32 to vector<512x1536xi32>
    %select_n3A_63 = arith.select %eq3A_60, %iota3A_31, %broadcast_in_dim3A_62 : vector<512x1536xi1>, vector<512x1536xi32>
    %reduce_min3A = arith.constant dense<2147483647> : vector<512xi32>
    %reduce_min3A_64 = vector.multi_reduction <minsi>, %select_n3A_63, %reduce_min3A [1] : vector<512x1536xi32> to vector<512xi32>
    %broadcast_in_dim3A_65 = vector.shape_cast %reduce_min3A_64 : vector<512xi32> to vector<512x1xi32>
    %eq3A_66 = vector.broadcast %broadcast_in_dim3A_65 : vector<512x1xi32> to vector<512x1536xi32>
    %eq3A_67 = arith.cmpi eq, %iota3A_31, %eq3A_66 : vector<512x1536xi32>
    %jit3A_68 = arith.constant 1073741824 : i32
    %broadcast_in_dim3A_69 = vector.broadcast %jit3A_68 : i32 to vector<512x1536xi32>
    %select_n3A_70 = arith.select %eq3A_67, %add3A_49, %broadcast_in_dim3A_69 : vector<512x1536xi1>, vector<512x1536xi32>
    %reduce_min3A_71 = arith.constant dense<2147483647> : vector<512xi32>
    %reduce_min3A_72 = vector.multi_reduction <minsi>, %select_n3A_70, %reduce_min3A_71 [1] : vector<512x1536xi32> to vector<512xi32>
    %broadcast_in_dim3A_73 = vector.shape_cast %reduce_min3A_72 : vector<512xi32> to vector<512x1xi32>
    %eq3A_74 = vector.broadcast %broadcast_in_dim3A_65 : vector<512x1xi32> to vector<512x1536xi32>
    %eq3A_75 = arith.cmpi eq, %iota3A_31, %eq3A_74 : vector<512x1536xi32>
    %jit3A_76 = arith.constant -3.000000e+38 : f32
    %broadcast_in_dim3A_77 = vector.broadcast %jit3A_76 : f32 to vector<512x1536xf32>
    %select_n3A_78 = arith.select %eq3A_75, %broadcast_in_dim3A_77, %select_n3A_56 : vector<512x1536xi1>, vector<512x1536xf32>
    %reduce_max3A_79 = arith.constant dense<0xFF800000> : vector<512xf32>
    %reduce_max3A_80 = vector.multi_reduction <maximumf>, %select_n3A_78, %reduce_max3A_79 [1] : vector<512x1536xf32> to vector<512xf32>
    %broadcast_in_dim3A_81 = vector.shape_cast %reduce_max3A_80 : vector<512xf32> to vector<512x1xf32>
    %eq3A_82 = vector.broadcast %broadcast_in_dim3A_81 : vector<512x1xf32> to vector<512x1536xf32>
    %eq3A_83 = arith.cmpf oeq, %select_n3A_78, %eq3A_82 : vector<512x1536xf32>
    %jit3A_84 = arith.constant 1073741824 : i32
    %broadcast_in_dim3A_85 = vector.broadcast %jit3A_84 : i32 to vector<512x1536xi32>
    %select_n3A_86 = arith.select %eq3A_83, %iota3A_31, %broadcast_in_dim3A_85 : vector<512x1536xi1>, vector<512x1536xi32>
    %reduce_min3A_87 = arith.constant dense<2147483647> : vector<512xi32>
    %reduce_min3A_88 = vector.multi_reduction <minsi>, %select_n3A_86, %reduce_min3A_87 [1] : vector<512x1536xi32> to vector<512xi32>
    %broadcast_in_dim3A_89 = vector.shape_cast %reduce_min3A_88 : vector<512xi32> to vector<512x1xi32>
    %eq3A_90 = vector.broadcast %broadcast_in_dim3A_89 : vector<512x1xi32> to vector<512x1536xi32>
    %eq3A_91 = arith.cmpi eq, %iota3A_31, %eq3A_90 : vector<512x1536xi32>
    %jit3A_92 = arith.constant 1073741824 : i32
    %broadcast_in_dim3A_93 = vector.broadcast %jit3A_92 : i32 to vector<512x1536xi32>
    %select_n3A_94 = arith.select %eq3A_91, %add3A_49, %broadcast_in_dim3A_93 : vector<512x1536xi1>, vector<512x1536xi32>
    %reduce_min3A_95 = arith.constant dense<2147483647> : vector<512xi32>
    %reduce_min3A_96 = vector.multi_reduction <minsi>, %select_n3A_94, %reduce_min3A_95 [1] : vector<512x1536xi32> to vector<512xi32>
    %broadcast_in_dim3A_97 = vector.shape_cast %reduce_min3A_96 : vector<512xi32> to vector<512x1xi32>
    %eq3A_98 = vector.broadcast %broadcast_in_dim3A_89 : vector<512x1xi32> to vector<512x1536xi32>
    %eq3A_99 = arith.cmpi eq, %iota3A_31, %eq3A_98 : vector<512x1536xi32>
    %jit3A_100 = arith.constant -3.000000e+38 : f32
    %broadcast_in_dim3A_101 = vector.broadcast %jit3A_100 : f32 to vector<512x1536xf32>
    %select_n3A_102 = arith.select %eq3A_99, %broadcast_in_dim3A_101, %select_n3A_78 : vector<512x1536xi1>, vector<512x1536xf32>
    %reduce_max3A_103 = arith.constant dense<0xFF800000> : vector<512xf32>
    %reduce_max3A_104 = vector.multi_reduction <maximumf>, %select_n3A_102, %reduce_max3A_103 [1] : vector<512x1536xf32> to vector<512xf32>
    %broadcast_in_dim3A_105 = vector.shape_cast %reduce_max3A_104 : vector<512xf32> to vector<512x1xf32>
    %eq3A_106 = vector.broadcast %broadcast_in_dim3A_105 : vector<512x1xf32> to vector<512x1536xf32>
    %eq3A_107 = arith.cmpf oeq, %select_n3A_102, %eq3A_106 : vector<512x1536xf32>
    %jit3A_108 = arith.constant 1073741824 : i32
    %broadcast_in_dim3A_109 = vector.broadcast %jit3A_108 : i32 to vector<512x1536xi32>
    %select_n3A_110 = arith.select %eq3A_107, %iota3A_31, %broadcast_in_dim3A_109 : vector<512x1536xi1>, vector<512x1536xi32>
    %reduce_min3A_111 = arith.constant dense<2147483647> : vector<512xi32>
    %reduce_min3A_112 = vector.multi_reduction <minsi>, %select_n3A_110, %reduce_min3A_111 [1] : vector<512x1536xi32> to vector<512xi32>
    %broadcast_in_dim3A_113 = vector.shape_cast %reduce_min3A_112 : vector<512xi32> to vector<512x1xi32>
    %eq3A_114 = vector.broadcast %broadcast_in_dim3A_113 : vector<512x1xi32> to vector<512x1536xi32>
    %eq3A_115 = arith.cmpi eq, %iota3A_31, %eq3A_114 : vector<512x1536xi32>
    %jit3A_116 = arith.constant 1073741824 : i32
    %broadcast_in_dim3A_117 = vector.broadcast %jit3A_116 : i32 to vector<512x1536xi32>
    %select_n3A_118 = arith.select %eq3A_115, %add3A_49, %broadcast_in_dim3A_117 : vector<512x1536xi1>, vector<512x1536xi32>
    %reduce_min3A_119 = arith.constant dense<2147483647> : vector<512xi32>
    %reduce_min3A_120 = vector.multi_reduction <minsi>, %select_n3A_118, %reduce_min3A_119 [1] : vector<512x1536xi32> to vector<512xi32>
    %broadcast_in_dim3A_121 = vector.shape_cast %reduce_min3A_120 : vector<512xi32> to vector<512x1xi32>
    %eq3A_122 = vector.broadcast %broadcast_in_dim3A_113 : vector<512x1xi32> to vector<512x1536xi32>
    %eq3A_123 = arith.cmpi eq, %iota3A_31, %eq3A_122 : vector<512x1536xi32>
    %jit3A_124 = arith.constant -3.000000e+38 : f32
    %broadcast_in_dim3A_125 = vector.broadcast %jit3A_124 : f32 to vector<512x1536xf32>
    %select_n3A_126 = arith.select %eq3A_123, %broadcast_in_dim3A_125, %select_n3A_102 : vector<512x1536xi1>, vector<512x1536xf32>
    %reduce_max3A_127 = arith.constant dense<0xFF800000> : vector<512xf32>
    %reduce_max3A_128 = vector.multi_reduction <maximumf>, %select_n3A_126, %reduce_max3A_127 [1] : vector<512x1536xf32> to vector<512xf32>
    %broadcast_in_dim3A_129 = vector.shape_cast %reduce_max3A_128 : vector<512xf32> to vector<512x1xf32>
    %eq3A_130 = vector.broadcast %broadcast_in_dim3A_129 : vector<512x1xf32> to vector<512x1536xf32>
    %eq3A_131 = arith.cmpf oeq, %select_n3A_126, %eq3A_130 : vector<512x1536xf32>
    %jit3A_132 = arith.constant 1073741824 : i32
    %broadcast_in_dim3A_133 = vector.broadcast %jit3A_132 : i32 to vector<512x1536xi32>
    %select_n3A_134 = arith.select %eq3A_131, %iota3A_31, %broadcast_in_dim3A_133 : vector<512x1536xi1>, vector<512x1536xi32>
    %reduce_min3A_135 = arith.constant dense<2147483647> : vector<512xi32>
    %reduce_min3A_136 = vector.multi_reduction <minsi>, %select_n3A_134, %reduce_min3A_135 [1] : vector<512x1536xi32> to vector<512xi32>
    %broadcast_in_dim3A_137 = vector.shape_cast %reduce_min3A_136 : vector<512xi32> to vector<512x1xi32>
    %eq3A_138 = vector.broadcast %broadcast_in_dim3A_137 : vector<512x1xi32> to vector<512x1536xi32>
    %eq3A_139 = arith.cmpi eq, %iota3A_31, %eq3A_138 : vector<512x1536xi32>
    %jit3A_140 = arith.constant 1073741824 : i32
    %broadcast_in_dim3A_141 = vector.broadcast %jit3A_140 : i32 to vector<512x1536xi32>
    %select_n3A_142 = arith.select %eq3A_139, %add3A_49, %broadcast_in_dim3A_141 : vector<512x1536xi1>, vector<512x1536xi32>
    %reduce_min3A_143 = arith.constant dense<2147483647> : vector<512xi32>
    %reduce_min3A_144 = vector.multi_reduction <minsi>, %select_n3A_142, %reduce_min3A_143 [1] : vector<512x1536xi32> to vector<512xi32>
    %broadcast_in_dim3A_145 = vector.shape_cast %reduce_min3A_144 : vector<512xi32> to vector<512x1xi32>
    %eq3A_146 = vector.broadcast %broadcast_in_dim3A_137 : vector<512x1xi32> to vector<512x1536xi32>
    %eq3A_147 = arith.cmpi eq, %iota3A_31, %eq3A_146 : vector<512x1536xi32>
    %jit3A_148 = arith.constant -3.000000e+38 : f32
    %broadcast_in_dim3A_149 = vector.broadcast %jit3A_148 : f32 to vector<512x1536xf32>
    %select_n3A_150 = arith.select %eq3A_147, %broadcast_in_dim3A_149, %select_n3A_126 : vector<512x1536xi1>, vector<512x1536xf32>
    %reduce_max3A_151 = arith.constant dense<0xFF800000> : vector<512xf32>
    %reduce_max3A_152 = vector.multi_reduction <maximumf>, %select_n3A_150, %reduce_max3A_151 [1] : vector<512x1536xf32> to vector<512xf32>
    %broadcast_in_dim3A_153 = vector.shape_cast %reduce_max3A_152 : vector<512xf32> to vector<512x1xf32>
    %eq3A_154 = vector.broadcast %broadcast_in_dim3A_153 : vector<512x1xf32> to vector<512x1536xf32>
    %eq3A_155 = arith.cmpf oeq, %select_n3A_150, %eq3A_154 : vector<512x1536xf32>
    %jit3A_156 = arith.constant 1073741824 : i32
    %broadcast_in_dim3A_157 = vector.broadcast %jit3A_156 : i32 to vector<512x1536xi32>
    %select_n3A_158 = arith.select %eq3A_155, %iota3A_31, %broadcast_in_dim3A_157 : vector<512x1536xi1>, vector<512x1536xi32>
    %reduce_min3A_159 = arith.constant dense<2147483647> : vector<512xi32>
    %reduce_min3A_160 = vector.multi_reduction <minsi>, %select_n3A_158, %reduce_min3A_159 [1] : vector<512x1536xi32> to vector<512xi32>
    %broadcast_in_dim3A_161 = vector.shape_cast %reduce_min3A_160 : vector<512xi32> to vector<512x1xi32>
    %eq3A_162 = vector.broadcast %broadcast_in_dim3A_161 : vector<512x1xi32> to vector<512x1536xi32>
    %eq3A_163 = arith.cmpi eq, %iota3A_31, %eq3A_162 : vector<512x1536xi32>
    %jit3A_164 = arith.constant 1073741824 : i32
    %broadcast_in_dim3A_165 = vector.broadcast %jit3A_164 : i32 to vector<512x1536xi32>
    %select_n3A_166 = arith.select %eq3A_163, %add3A_49, %broadcast_in_dim3A_165 : vector<512x1536xi1>, vector<512x1536xi32>
    %reduce_min3A_167 = arith.constant dense<2147483647> : vector<512xi32>
    %reduce_min3A_168 = vector.multi_reduction <minsi>, %select_n3A_166, %reduce_min3A_167 [1] : vector<512x1536xi32> to vector<512xi32>
    %broadcast_in_dim3A_169 = vector.shape_cast %reduce_min3A_168 : vector<512xi32> to vector<512x1xi32>
    %eq3A_170 = vector.broadcast %broadcast_in_dim3A_161 : vector<512x1xi32> to vector<512x1536xi32>
    %eq3A_171 = arith.cmpi eq, %iota3A_31, %eq3A_170 : vector<512x1536xi32>
    %jit3A_172 = arith.constant -3.000000e+38 : f32
    %broadcast_in_dim3A_173 = vector.broadcast %jit3A_172 : f32 to vector<512x1536xf32>
    %select_n3A_174 = arith.select %eq3A_171, %broadcast_in_dim3A_173, %select_n3A_150 : vector<512x1536xi1>, vector<512x1536xf32>
    %reduce_max3A_175 = arith.constant dense<0xFF800000> : vector<512xf32>
    %reduce_max3A_176 = vector.multi_reduction <maximumf>, %select_n3A_174, %reduce_max3A_175 [1] : vector<512x1536xf32> to vector<512xf32>
    %broadcast_in_dim3A_177 = vector.shape_cast %reduce_max3A_176 : vector<512xf32> to vector<512x1xf32>
    %eq3A_178 = vector.broadcast %broadcast_in_dim3A_177 : vector<512x1xf32> to vector<512x1536xf32>
    %eq3A_179 = arith.cmpf oeq, %select_n3A_174, %eq3A_178 : vector<512x1536xf32>
    %jit3A_180 = arith.constant 1073741824 : i32
    %broadcast_in_dim3A_181 = vector.broadcast %jit3A_180 : i32 to vector<512x1536xi32>
    %select_n3A_182 = arith.select %eq3A_179, %iota3A_31, %broadcast_in_dim3A_181 : vector<512x1536xi1>, vector<512x1536xi32>
    %reduce_min3A_183 = arith.constant dense<2147483647> : vector<512xi32>
    %reduce_min3A_184 = vector.multi_reduction <minsi>, %select_n3A_182, %reduce_min3A_183 [1] : vector<512x1536xi32> to vector<512xi32>
    %broadcast_in_dim3A_185 = vector.shape_cast %reduce_min3A_184 : vector<512xi32> to vector<512x1xi32>
    %eq3A_186 = vector.broadcast %broadcast_in_dim3A_185 : vector<512x1xi32> to vector<512x1536xi32>
    %eq3A_187 = arith.cmpi eq, %iota3A_31, %eq3A_186 : vector<512x1536xi32>
    %jit3A_188 = arith.constant 1073741824 : i32
    %broadcast_in_dim3A_189 = vector.broadcast %jit3A_188 : i32 to vector<512x1536xi32>
    %select_n3A_190 = arith.select %eq3A_187, %add3A_49, %broadcast_in_dim3A_189 : vector<512x1536xi1>, vector<512x1536xi32>
    %reduce_min3A_191 = arith.constant dense<2147483647> : vector<512xi32>
    %reduce_min3A_192 = vector.multi_reduction <minsi>, %select_n3A_190, %reduce_min3A_191 [1] : vector<512x1536xi32> to vector<512xi32>
    %broadcast_in_dim3A_193 = vector.shape_cast %reduce_min3A_192 : vector<512xi32> to vector<512x1xi32>
    %eq3A_194 = vector.broadcast %broadcast_in_dim3A_185 : vector<512x1xi32> to vector<512x1536xi32>
    %eq3A_195 = arith.cmpi eq, %iota3A_31, %eq3A_194 : vector<512x1536xi32>
    %jit3A_196 = arith.constant -3.000000e+38 : f32
    %broadcast_in_dim3A_197 = vector.broadcast %jit3A_196 : f32 to vector<512x1536xf32>
    %select_n3A_198 = arith.select %eq3A_195, %broadcast_in_dim3A_197, %select_n3A_174 : vector<512x1536xi1>, vector<512x1536xf32>
    %reduce_max3A_199 = arith.constant dense<0xFF800000> : vector<512xf32>
    %reduce_max3A_200 = vector.multi_reduction <maximumf>, %select_n3A_198, %reduce_max3A_199 [1] : vector<512x1536xf32> to vector<512xf32>
    %broadcast_in_dim3A_201 = vector.shape_cast %reduce_max3A_200 : vector<512xf32> to vector<512x1xf32>
    %eq3A_202 = vector.broadcast %broadcast_in_dim3A_201 : vector<512x1xf32> to vector<512x1536xf32>
    %eq3A_203 = arith.cmpf oeq, %select_n3A_198, %eq3A_202 : vector<512x1536xf32>
    %jit3A_204 = arith.constant 1073741824 : i32
    %broadcast_in_dim3A_205 = vector.broadcast %jit3A_204 : i32 to vector<512x1536xi32>
    %select_n3A_206 = arith.select %eq3A_203, %iota3A_31, %broadcast_in_dim3A_205 : vector<512x1536xi1>, vector<512x1536xi32>
    %reduce_min3A_207 = arith.constant dense<2147483647> : vector<512xi32>
    %reduce_min3A_208 = vector.multi_reduction <minsi>, %select_n3A_206, %reduce_min3A_207 [1] : vector<512x1536xi32> to vector<512xi32>
    %broadcast_in_dim3A_209 = vector.shape_cast %reduce_min3A_208 : vector<512xi32> to vector<512x1xi32>
    %eq3A_210 = vector.broadcast %broadcast_in_dim3A_209 : vector<512x1xi32> to vector<512x1536xi32>
    %eq3A_211 = arith.cmpi eq, %iota3A_31, %eq3A_210 : vector<512x1536xi32>
    %jit3A_212 = arith.constant 1073741824 : i32
    %broadcast_in_dim3A_213 = vector.broadcast %jit3A_212 : i32 to vector<512x1536xi32>
    %select_n3A_214 = arith.select %eq3A_211, %add3A_49, %broadcast_in_dim3A_213 : vector<512x1536xi1>, vector<512x1536xi32>
    %reduce_min3A_215 = arith.constant dense<2147483647> : vector<512xi32>
    %reduce_min3A_216 = vector.multi_reduction <minsi>, %select_n3A_214, %reduce_min3A_215 [1] : vector<512x1536xi32> to vector<512xi32>
    %broadcast_in_dim3A_217 = vector.shape_cast %reduce_min3A_216 : vector<512xi32> to vector<512x1xi32>
    %eq3A_218 = vector.broadcast %broadcast_in_dim3A_209 : vector<512x1xi32> to vector<512x1536xi32>
    %eq3A_219 = arith.cmpi eq, %iota3A_31, %eq3A_218 : vector<512x1536xi32>
    %jit3A_220 = arith.constant -3.000000e+38 : f32
    %broadcast_in_dim3A_221 = vector.broadcast %jit3A_220 : f32 to vector<512x1536xf32>
    %select_n3A_222 = arith.select %eq3A_219, %broadcast_in_dim3A_221, %select_n3A_198 : vector<512x1536xi1>, vector<512x1536xf32>
    %reduce_max3A_223 = arith.constant dense<0xFF800000> : vector<512xf32>
    %reduce_max3A_224 = vector.multi_reduction <maximumf>, %select_n3A_222, %reduce_max3A_223 [1] : vector<512x1536xf32> to vector<512xf32>
    %broadcast_in_dim3A_225 = vector.shape_cast %reduce_max3A_224 : vector<512xf32> to vector<512x1xf32>
    %eq3A_226 = vector.broadcast %broadcast_in_dim3A_225 : vector<512x1xf32> to vector<512x1536xf32>
    %eq3A_227 = arith.cmpf oeq, %select_n3A_222, %eq3A_226 : vector<512x1536xf32>
    %jit3A_228 = arith.constant 1073741824 : i32
    %broadcast_in_dim3A_229 = vector.broadcast %jit3A_228 : i32 to vector<512x1536xi32>
    %select_n3A_230 = arith.select %eq3A_227, %iota3A_31, %broadcast_in_dim3A_229 : vector<512x1536xi1>, vector<512x1536xi32>
    %reduce_min3A_231 = arith.constant dense<2147483647> : vector<512xi32>
    %reduce_min3A_232 = vector.multi_reduction <minsi>, %select_n3A_230, %reduce_min3A_231 [1] : vector<512x1536xi32> to vector<512xi32>
    %broadcast_in_dim3A_233 = vector.shape_cast %reduce_min3A_232 : vector<512xi32> to vector<512x1xi32>
    %eq3A_234 = vector.broadcast %broadcast_in_dim3A_233 : vector<512x1xi32> to vector<512x1536xi32>
    %eq3A_235 = arith.cmpi eq, %iota3A_31, %eq3A_234 : vector<512x1536xi32>
    %jit3A_236 = arith.constant 1073741824 : i32
    %broadcast_in_dim3A_237 = vector.broadcast %jit3A_236 : i32 to vector<512x1536xi32>
    %select_n3A_238 = arith.select %eq3A_235, %add3A_49, %broadcast_in_dim3A_237 : vector<512x1536xi1>, vector<512x1536xi32>
    %reduce_min3A_239 = arith.constant dense<2147483647> : vector<512xi32>
    %reduce_min3A_240 = vector.multi_reduction <minsi>, %select_n3A_238, %reduce_min3A_239 [1] : vector<512x1536xi32> to vector<512xi32>
    %broadcast_in_dim3A_241 = vector.shape_cast %reduce_min3A_240 : vector<512xi32> to vector<512x1xi32>
    %eq3A_242 = vector.broadcast %broadcast_in_dim3A_233 : vector<512x1xi32> to vector<512x1536xi32>
    %eq3A_243 = arith.cmpi eq, %iota3A_31, %eq3A_242 : vector<512x1536xi32>
    %jit3A_244 = arith.constant -3.000000e+38 : f32
    %broadcast_in_dim3A_245 = vector.broadcast %jit3A_244 : f32 to vector<512x1536xf32>
    %select_n3A_246 = arith.select %eq3A_243, %broadcast_in_dim3A_245, %select_n3A_222 : vector<512x1536xi1>, vector<512x1536xf32>
    %reduce_max3A_247 = arith.constant dense<0xFF800000> : vector<512xf32>
    %reduce_max3A_248 = vector.multi_reduction <maximumf>, %select_n3A_246, %reduce_max3A_247 [1] : vector<512x1536xf32> to vector<512xf32>
    %broadcast_in_dim3A_249 = vector.shape_cast %reduce_max3A_248 : vector<512xf32> to vector<512x1xf32>
    %eq3A_250 = vector.broadcast %broadcast_in_dim3A_249 : vector<512x1xf32> to vector<512x1536xf32>
    %eq3A_251 = arith.cmpf oeq, %select_n3A_246, %eq3A_250 : vector<512x1536xf32>
    %jit3A_252 = arith.constant 1073741824 : i32
    %broadcast_in_dim3A_253 = vector.broadcast %jit3A_252 : i32 to vector<512x1536xi32>
    %select_n3A_254 = arith.select %eq3A_251, %iota3A_31, %broadcast_in_dim3A_253 : vector<512x1536xi1>, vector<512x1536xi32>
    %reduce_min3A_255 = arith.constant dense<2147483647> : vector<512xi32>
    %reduce_min3A_256 = vector.multi_reduction <minsi>, %select_n3A_254, %reduce_min3A_255 [1] : vector<512x1536xi32> to vector<512xi32>
    %broadcast_in_dim3A_257 = vector.shape_cast %reduce_min3A_256 : vector<512xi32> to vector<512x1xi32>
    %eq3A_258 = vector.broadcast %broadcast_in_dim3A_257 : vector<512x1xi32> to vector<512x1536xi32>
    %eq3A_259 = arith.cmpi eq, %iota3A_31, %eq3A_258 : vector<512x1536xi32>
    %jit3A_260 = arith.constant 1073741824 : i32
    %broadcast_in_dim3A_261 = vector.broadcast %jit3A_260 : i32 to vector<512x1536xi32>
    %select_n3A_262 = arith.select %eq3A_259, %add3A_49, %broadcast_in_dim3A_261 : vector<512x1536xi1>, vector<512x1536xi32>
    %reduce_min3A_263 = arith.constant dense<2147483647> : vector<512xi32>
    %reduce_min3A_264 = vector.multi_reduction <minsi>, %select_n3A_262, %reduce_min3A_263 [1] : vector<512x1536xi32> to vector<512xi32>
    %broadcast_in_dim3A_265 = vector.shape_cast %reduce_min3A_264 : vector<512xi32> to vector<512x1xi32>
    %eq3A_266 = vector.broadcast %broadcast_in_dim3A_257 : vector<512x1xi32> to vector<512x1536xi32>
    %eq3A_267 = arith.cmpi eq, %iota3A_31, %eq3A_266 : vector<512x1536xi32>
    %jit3A_268 = arith.constant -3.000000e+38 : f32
    %broadcast_in_dim3A_269 = vector.broadcast %jit3A_268 : f32 to vector<512x1536xf32>
    %select_n3A_270 = arith.select %eq3A_267, %broadcast_in_dim3A_269, %select_n3A_246 : vector<512x1536xi1>, vector<512x1536xf32>
    %reduce_max3A_271 = arith.constant dense<0xFF800000> : vector<512xf32>
    %reduce_max3A_272 = vector.multi_reduction <maximumf>, %select_n3A_270, %reduce_max3A_271 [1] : vector<512x1536xf32> to vector<512xf32>
    %broadcast_in_dim3A_273 = vector.shape_cast %reduce_max3A_272 : vector<512xf32> to vector<512x1xf32>
    %eq3A_274 = vector.broadcast %broadcast_in_dim3A_273 : vector<512x1xf32> to vector<512x1536xf32>
    %eq3A_275 = arith.cmpf oeq, %select_n3A_270, %eq3A_274 : vector<512x1536xf32>
    %jit3A_276 = arith.constant 1073741824 : i32
    %broadcast_in_dim3A_277 = vector.broadcast %jit3A_276 : i32 to vector<512x1536xi32>
    %select_n3A_278 = arith.select %eq3A_275, %iota3A_31, %broadcast_in_dim3A_277 : vector<512x1536xi1>, vector<512x1536xi32>
    %reduce_min3A_279 = arith.constant dense<2147483647> : vector<512xi32>
    %reduce_min3A_280 = vector.multi_reduction <minsi>, %select_n3A_278, %reduce_min3A_279 [1] : vector<512x1536xi32> to vector<512xi32>
    %broadcast_in_dim3A_281 = vector.shape_cast %reduce_min3A_280 : vector<512xi32> to vector<512x1xi32>
    %eq3A_282 = vector.broadcast %broadcast_in_dim3A_281 : vector<512x1xi32> to vector<512x1536xi32>
    %eq3A_283 = arith.cmpi eq, %iota3A_31, %eq3A_282 : vector<512x1536xi32>
    %jit3A_284 = arith.constant 1073741824 : i32
    %broadcast_in_dim3A_285 = vector.broadcast %jit3A_284 : i32 to vector<512x1536xi32>
    %select_n3A_286 = arith.select %eq3A_283, %add3A_49, %broadcast_in_dim3A_285 : vector<512x1536xi1>, vector<512x1536xi32>
    %reduce_min3A_287 = arith.constant dense<2147483647> : vector<512xi32>
    %reduce_min3A_288 = vector.multi_reduction <minsi>, %select_n3A_286, %reduce_min3A_287 [1] : vector<512x1536xi32> to vector<512xi32>
    %broadcast_in_dim3A_289 = vector.shape_cast %reduce_min3A_288 : vector<512xi32> to vector<512x1xi32>
    %concatenate3A = tpu.concatenate %broadcast_in_dim3A_58, %broadcast_in_dim3A_81, %broadcast_in_dim3A_105, %broadcast_in_dim3A_129, %broadcast_in_dim3A_153, %broadcast_in_dim3A_177, %broadcast_in_dim3A_201, %broadcast_in_dim3A_225, %broadcast_in_dim3A_249, %broadcast_in_dim3A_273 in 1 : vector<512x1xf32>, vector<512x1xf32>, vector<512x1xf32>, vector<512x1xf32>, vector<512x1xf32>, vector<512x1xf32>, vector<512x1xf32>, vector<512x1xf32>, vector<512x1xf32>, vector<512x1xf32> -> vector<512x10xf32>
    %concatenate3A_290 = tpu.concatenate %broadcast_in_dim3A_73, %broadcast_in_dim3A_97, %broadcast_in_dim3A_121, %broadcast_in_dim3A_145, %broadcast_in_dim3A_169, %broadcast_in_dim3A_193, %broadcast_in_dim3A_217, %broadcast_in_dim3A_241, %broadcast_in_dim3A_265, %broadcast_in_dim3A_289 in 1 : vector<512x1xi32>, vector<512x1xi32>, vector<512x1xi32>, vector<512x1xi32>, vector<512x1xi32>, vector<512x1xi32>, vector<512x1xi32>, vector<512x1xi32>, vector<512x1xi32>, vector<512x1xi32> -> vector<512x10xi32>
    %reduce_sum3A = arith.constant dense<0.000000e+00> : vector<512xf32>
    %reduce_sum3A_291 = vector.multi_reduction <add>, %concatenate3A, %reduce_sum3A [1] : vector<512x10xf32> to vector<512xf32>
    %broadcast_in_dim3A_292 = vector.shape_cast %reduce_sum3A_291 : vector<512xf32> to vector<512x1xf32>
    %gt3A = arith.constant 0.000000e+00 : f32
    %gt3A_293 = vector.broadcast %gt3A : f32 to vector<512x1xf32>
    %gt3A_294 = arith.cmpf ogt, %broadcast_in_dim3A_292, %gt3A_293 : vector<512x1xf32>
    %jit3A_295 = arith.constant 1.000000e+00 : f32
    %broadcast_in_dim3A_296 = vector.broadcast %jit3A_295 : f32 to vector<512x1xf32>
    %select_n3A_297 = arith.select %gt3A_294, %broadcast_in_dim3A_292, %broadcast_in_dim3A_296 : vector<512x1xi1>, vector<512x1xf32>
    %gt3A_298 = arith.constant 0.000000e+00 : f32
    %gt3A_299 = vector.broadcast %gt3A_298 : f32 to vector<512x1xf32>
    %gt3A_300 = arith.cmpf ogt, %broadcast_in_dim3A_292, %gt3A_299 : vector<512x1xf32>
    %div3A = vector.broadcast %select_n3A_297 : vector<512x1xf32> to vector<512x10xf32>
    %div3A_301 = arith.divf %concatenate3A, %div3A : vector<512x10xf32>
    %broadcast_in_dim3A_302 = vector.shape_cast %gt3A_300 : vector<512x1xi1> to vector<512x1xi1>
    %broadcast_in_dim3A_303 = vector.broadcast %broadcast_in_dim3A_302 : vector<512x1xi1> to vector<512x10xi1>
    %select_n3A_304 = arith.select %broadcast_in_dim3A_303, %div3A_301, %concatenate3A : vector<512x10xi1>, vector<512x10xf32>
    %broadcast_in_dim3A_305 = arith.constant 0.000000e+00 : f32
    %broadcast_in_dim3A_306 = vector.broadcast %broadcast_in_dim3A_305 : f32 to vector<512x2xf32>
    %broadcast_in_dim3A_307 = arith.constant 0 : i32
    %broadcast_in_dim3A_308 = vector.broadcast %broadcast_in_dim3A_307 : i32 to vector<512x2xi32>
    %concatenate3A_309 = tpu.concatenate %concatenate3A_290, %broadcast_in_dim3A_308 in 1 : vector<512x10xi32>, vector<512x2xi32> -> vector<512x12xi32>
    %concatenate3A_310 = tpu.concatenate %select_n3A_304, %broadcast_in_dim3A_306 in 1 : vector<512x10xf32>, vector<512x2xf32> -> vector<512x12xf32>
    %reshape3A_311 = vector.shape_cast %concatenate3A_309 : vector<512x12xi32> to vector<1x512x12xi32>
    %swap3A = arith.constant 0 : index
    %swap3A_312 = arith.constant 0 : index
    %swap3A_313 = arith.constant 0 : index
    %swap3A_314 = vector.load %arg4[%swap3A, %swap3A_312, %swap3A_313] : memref<1x512x12xi32, #tpu.memory_space<vmem>>, vector<1x512x12xi32>
    tpu.vector_store %arg4[%swap3A, %swap3A_312, %swap3A_313], %reshape3A_311 {strides = array<i32>} : memref<1x512x12xi32, #tpu.memory_space<vmem>>, vector<1x512x12xi32>,
    %reshape3A_315 = vector.shape_cast %concatenate3A_310 : vector<512x12xf32> to vector<1x512x12xf32>
    %swap3A_316 = arith.constant 0 : index
    %swap3A_317 = arith.constant 0 : index
    %swap3A_318 = arith.constant 0 : index
    %swap3A_319 = vector.load %arg5[%swap3A_316, %swap3A_317, %swap3A_318] : memref<1x512x12xf32, #tpu.memory_space<vmem>>, vector<1x512x12xf32>
    tpu.vector_store %arg5[%swap3A_316, %swap3A_317, %swap3A_318], %reshape3A_315 {strides = array<i32>} : memref<1x512x12xf32, #tpu.memory_space<vmem>>, vector<1x512x12xf32>,
    return
  }
  func.func @transform_0(%arg0: i32) -> (i32, i32) {
    %c0_i32 = arith.constant 0 : i32
    %c0_i32_0 = arith.constant 0 : i32
    return %arg0, %c0_i32 : i32, i32
  }
  func.func @transform_1(%arg0: i32) -> (i32, i32, i32) {
    %c0_i32 = arith.constant 0 : i32
    %c0_i32_0 = arith.constant 0 : i32
    %c0_i32_1 = arith.constant 0 : i32
    return %arg0, %c0_i32, %c0_i32_0 : i32, i32, i32
  }
  func.func @transform_2(%arg0: i32) -> (i32, i32, i32) {
    %c0_i32 = arith.constant 0 : i32
    %c0_i32_0 = arith.constant 0 : i32
    %c0_i32_1 = arith.constant 0 : i32
    return %arg0, %c0_i32, %c0_i32_0 : i32, i32, i32
  }
  func.func @transform_3(%arg0: i32) -> (i32, i32, i32) {
    %c0_i32 = arith.constant 0 : i32
    %c0_i32_0 = arith.constant 0 : i32
    %c0_i32_1 = arith.constant 0 : i32
    return %arg0, %c0_i32, %c0_i32_0 : i32, i32, i32
  }
  func.func @transform_4(%arg0: i32) -> (i32, i32, i32) {
    %c0_i32 = arith.constant 0 : i32
    %c0_i32_0 = arith.constant 0 : i32
    %c0_i32_1 = arith.constant 0 : i32
    return %arg0, %c0_i32, %c0_i32_0 : i32, i32, i32
  }
}

module attributes {stable_mosaic.version = 14 : i64} {
  func.func @_blend_body(%arg0: i32, %arg1: memref<512x64xf32, #tpu.memory_space<vmem>>, %arg2: memref<1x512x12xf32, #tpu.memory_space<vmem>>, %arg3: memref<512x1536xf32, #tpu.memory_space<vmem>>, %arg4: memref<1x512x12xi32, #tpu.memory_space<vmem>>, %arg5: memref<512x64xf32, #tpu.memory_space<vmem>>) attributes {dimension_semantics = [#tpu.dimension_semantics<arbitrary>], iteration_bounds = array<i64: 8>, scalar_prefetch = 0 : i64, scratch_operands = 0 : i64, tpu.core_type = #tpu.core_type<tc>, window_params = [{transform_indices = @transform_0, window_bounds = array<i64: 512, 64>}, {transform_indices = @transform_1, window_bounds = array<i64: 1, 512, 12>}, {transform_indices = @transform_2, window_bounds = array<i64: 512, 1536>}, {transform_indices = @transform_3, window_bounds = array<i64: 1, 512, 12>}, {transform_indices = @transform_4, window_bounds = array<i64: 512, 64>}]} {
    %get3A = arith.constant 0 : index
    %get3A_0 = arith.constant 0 : index
    %get3A_1 = arith.constant 0 : index
    %get3A_2 = vector.load %arg2[%get3A, %get3A_0, %get3A_1] : memref<1x512x12xf32, #tpu.memory_space<vmem>>, vector<1x512x12xf32>
    %reshape3A = vector.shape_cast %get3A_2 : vector<1x512x12xf32> to vector<512x12xf32>
    %get3A_3 = arith.constant 0 : index
    %get3A_4 = arith.constant 0 : index
    %get3A_5 = arith.constant 0 : index
    %get3A_6 = vector.load %arg4[%get3A_3, %get3A_4, %get3A_5] : memref<1x512x12xi32, #tpu.memory_space<vmem>>, vector<1x512x12xi32>
    %reshape3A_7 = vector.shape_cast %get3A_6 : vector<1x512x12xi32> to vector<512x12xi32>
    %get3A_8 = arith.constant 0 : index
    %get3A_9 = arith.constant 0 : index
    %get3A_10 = vector.load %arg3[%get3A_8, %get3A_9] : memref<512x1536xf32, #tpu.memory_space<vmem>>, vector<512x1536xf32>
    %slice3A = vector.extract_strided_slice %get3A_10 {offsets = [0, 0], sizes = [512, 64], strides = [1, 1]} : vector<512x1536xf32> to vector<512x64xf32>
    %slice3A_11 = vector.extract_strided_slice %get3A_10 {offsets = [0, 64], sizes = [512, 64], strides = [1, 1]} : vector<512x1536xf32> to vector<512x64xf32>
    %slice3A_12 = vector.extract_strided_slice %reshape3A_7 {offsets = [0, 0], sizes = [512, 1], strides = [1, 1]} : vector<512x12xi32> to vector<512x1xi32>
    %and3A = arith.constant 1 : i32
    %and3A_13 = vector.broadcast %and3A : i32 to vector<512x1xi32>
    %and3A_14 = arith.andi %slice3A_12, %and3A_13 : vector<512x1xi32>
    %eq3A = arith.constant 1 : i32
    %eq3A_15 = vector.broadcast %eq3A : i32 to vector<512x1xi32>
    %eq3A_16 = arith.cmpi eq, %and3A_14, %eq3A_15 : vector<512x1xi32>
    %broadcast_in_dim3A = vector.shape_cast %eq3A_16 : vector<512x1xi1> to vector<512x1xi1>
    %broadcast_in_dim3A_17 = vector.broadcast %broadcast_in_dim3A : vector<512x1xi1> to vector<512x64xi1>
    %select_n3A = arith.select %broadcast_in_dim3A_17, %slice3A_11, %slice3A : vector<512x64xi1>, vector<512x64xf32>
    %slice3A_18 = vector.extract_strided_slice %reshape3A {offsets = [0, 0], sizes = [512, 1], strides = [1, 1]} : vector<512x12xf32> to vector<512x1xf32>
    %mul3A = vector.broadcast %slice3A_18 : vector<512x1xf32> to vector<512x64xf32>
    %mul3A_19 = arith.mulf %mul3A, %select_n3A : vector<512x64xf32>
    %slice3A_20 = vector.extract_strided_slice %get3A_10 {offsets = [0, 128], sizes = [512, 64], strides = [1, 1]} : vector<512x1536xf32> to vector<512x64xf32>
    %slice3A_21 = vector.extract_strided_slice %get3A_10 {offsets = [0, 192], sizes = [512, 64], strides = [1, 1]} : vector<512x1536xf32> to vector<512x64xf32>
    %slice3A_22 = vector.extract_strided_slice %reshape3A_7 {offsets = [0, 1], sizes = [512, 1], strides = [1, 1]} : vector<512x12xi32> to vector<512x1xi32>
    %and3A_23 = arith.constant 1 : i32
    %and3A_24 = vector.broadcast %and3A_23 : i32 to vector<512x1xi32>
    %and3A_25 = arith.andi %slice3A_22, %and3A_24 : vector<512x1xi32>
    %eq3A_26 = arith.constant 1 : i32
    %eq3A_27 = vector.broadcast %eq3A_26 : i32 to vector<512x1xi32>
    %eq3A_28 = arith.cmpi eq, %and3A_25, %eq3A_27 : vector<512x1xi32>
    %broadcast_in_dim3A_29 = vector.shape_cast %eq3A_28 : vector<512x1xi1> to vector<512x1xi1>
    %broadcast_in_dim3A_30 = vector.broadcast %broadcast_in_dim3A_29 : vector<512x1xi1> to vector<512x64xi1>
    %select_n3A_31 = arith.select %broadcast_in_dim3A_30, %slice3A_21, %slice3A_20 : vector<512x64xi1>, vector<512x64xf32>
    %slice3A_32 = vector.extract_strided_slice %reshape3A {offsets = [0, 1], sizes = [512, 1], strides = [1, 1]} : vector<512x12xf32> to vector<512x1xf32>
    %mul3A_33 = vector.broadcast %slice3A_32 : vector<512x1xf32> to vector<512x64xf32>
    %mul3A_34 = arith.mulf %mul3A_33, %select_n3A_31 : vector<512x64xf32>
    %add3A = arith.addf %mul3A_19, %mul3A_34 : vector<512x64xf32>
    %slice3A_35 = vector.extract_strided_slice %get3A_10 {offsets = [0, 256], sizes = [512, 64], strides = [1, 1]} : vector<512x1536xf32> to vector<512x64xf32>
    %slice3A_36 = vector.extract_strided_slice %get3A_10 {offsets = [0, 320], sizes = [512, 64], strides = [1, 1]} : vector<512x1536xf32> to vector<512x64xf32>
    %slice3A_37 = vector.extract_strided_slice %reshape3A_7 {offsets = [0, 2], sizes = [512, 1], strides = [1, 1]} : vector<512x12xi32> to vector<512x1xi32>
    %and3A_38 = arith.constant 1 : i32
    %and3A_39 = vector.broadcast %and3A_38 : i32 to vector<512x1xi32>
    %and3A_40 = arith.andi %slice3A_37, %and3A_39 : vector<512x1xi32>
    %eq3A_41 = arith.constant 1 : i32
    %eq3A_42 = vector.broadcast %eq3A_41 : i32 to vector<512x1xi32>
    %eq3A_43 = arith.cmpi eq, %and3A_40, %eq3A_42 : vector<512x1xi32>
    %broadcast_in_dim3A_44 = vector.shape_cast %eq3A_43 : vector<512x1xi1> to vector<512x1xi1>
    %broadcast_in_dim3A_45 = vector.broadcast %broadcast_in_dim3A_44 : vector<512x1xi1> to vector<512x64xi1>
    %select_n3A_46 = arith.select %broadcast_in_dim3A_45, %slice3A_36, %slice3A_35 : vector<512x64xi1>, vector<512x64xf32>
    %slice3A_47 = vector.extract_strided_slice %reshape3A {offsets = [0, 2], sizes = [512, 1], strides = [1, 1]} : vector<512x12xf32> to vector<512x1xf32>
    %mul3A_48 = vector.broadcast %slice3A_47 : vector<512x1xf32> to vector<512x64xf32>
    %mul3A_49 = arith.mulf %mul3A_48, %select_n3A_46 : vector<512x64xf32>
    %add3A_50 = arith.addf %add3A, %mul3A_49 : vector<512x64xf32>
    %slice3A_51 = vector.extract_strided_slice %get3A_10 {offsets = [0, 384], sizes = [512, 64], strides = [1, 1]} : vector<512x1536xf32> to vector<512x64xf32>
    %slice3A_52 = vector.extract_strided_slice %get3A_10 {offsets = [0, 448], sizes = [512, 64], strides = [1, 1]} : vector<512x1536xf32> to vector<512x64xf32>
    %slice3A_53 = vector.extract_strided_slice %reshape3A_7 {offsets = [0, 3], sizes = [512, 1], strides = [1, 1]} : vector<512x12xi32> to vector<512x1xi32>
    %and3A_54 = arith.constant 1 : i32
    %and3A_55 = vector.broadcast %and3A_54 : i32 to vector<512x1xi32>
    %and3A_56 = arith.andi %slice3A_53, %and3A_55 : vector<512x1xi32>
    %eq3A_57 = arith.constant 1 : i32
    %eq3A_58 = vector.broadcast %eq3A_57 : i32 to vector<512x1xi32>
    %eq3A_59 = arith.cmpi eq, %and3A_56, %eq3A_58 : vector<512x1xi32>
    %broadcast_in_dim3A_60 = vector.shape_cast %eq3A_59 : vector<512x1xi1> to vector<512x1xi1>
    %broadcast_in_dim3A_61 = vector.broadcast %broadcast_in_dim3A_60 : vector<512x1xi1> to vector<512x64xi1>
    %select_n3A_62 = arith.select %broadcast_in_dim3A_61, %slice3A_52, %slice3A_51 : vector<512x64xi1>, vector<512x64xf32>
    %slice3A_63 = vector.extract_strided_slice %reshape3A {offsets = [0, 3], sizes = [512, 1], strides = [1, 1]} : vector<512x12xf32> to vector<512x1xf32>
    %mul3A_64 = vector.broadcast %slice3A_63 : vector<512x1xf32> to vector<512x64xf32>
    %mul3A_65 = arith.mulf %mul3A_64, %select_n3A_62 : vector<512x64xf32>
    %add3A_66 = arith.addf %add3A_50, %mul3A_65 : vector<512x64xf32>
    %slice3A_67 = vector.extract_strided_slice %get3A_10 {offsets = [0, 512], sizes = [512, 64], strides = [1, 1]} : vector<512x1536xf32> to vector<512x64xf32>
    %slice3A_68 = vector.extract_strided_slice %get3A_10 {offsets = [0, 576], sizes = [512, 64], strides = [1, 1]} : vector<512x1536xf32> to vector<512x64xf32>
    %slice3A_69 = vector.extract_strided_slice %reshape3A_7 {offsets = [0, 4], sizes = [512, 1], strides = [1, 1]} : vector<512x12xi32> to vector<512x1xi32>
    %and3A_70 = arith.constant 1 : i32
    %and3A_71 = vector.broadcast %and3A_70 : i32 to vector<512x1xi32>
    %and3A_72 = arith.andi %slice3A_69, %and3A_71 : vector<512x1xi32>
    %eq3A_73 = arith.constant 1 : i32
    %eq3A_74 = vector.broadcast %eq3A_73 : i32 to vector<512x1xi32>
    %eq3A_75 = arith.cmpi eq, %and3A_72, %eq3A_74 : vector<512x1xi32>
    %broadcast_in_dim3A_76 = vector.shape_cast %eq3A_75 : vector<512x1xi1> to vector<512x1xi1>
    %broadcast_in_dim3A_77 = vector.broadcast %broadcast_in_dim3A_76 : vector<512x1xi1> to vector<512x64xi1>
    %select_n3A_78 = arith.select %broadcast_in_dim3A_77, %slice3A_68, %slice3A_67 : vector<512x64xi1>, vector<512x64xf32>
    %slice3A_79 = vector.extract_strided_slice %reshape3A {offsets = [0, 4], sizes = [512, 1], strides = [1, 1]} : vector<512x12xf32> to vector<512x1xf32>
    %mul3A_80 = vector.broadcast %slice3A_79 : vector<512x1xf32> to vector<512x64xf32>
    %mul3A_81 = arith.mulf %mul3A_80, %select_n3A_78 : vector<512x64xf32>
    %add3A_82 = arith.addf %add3A_66, %mul3A_81 : vector<512x64xf32>
    %slice3A_83 = vector.extract_strided_slice %get3A_10 {offsets = [0, 640], sizes = [512, 64], strides = [1, 1]} : vector<512x1536xf32> to vector<512x64xf32>
    %slice3A_84 = vector.extract_strided_slice %get3A_10 {offsets = [0, 704], sizes = [512, 64], strides = [1, 1]} : vector<512x1536xf32> to vector<512x64xf32>
    %slice3A_85 = vector.extract_strided_slice %reshape3A_7 {offsets = [0, 5], sizes = [512, 1], strides = [1, 1]} : vector<512x12xi32> to vector<512x1xi32>
    %and3A_86 = arith.constant 1 : i32
    %and3A_87 = vector.broadcast %and3A_86 : i32 to vector<512x1xi32>
    %and3A_88 = arith.andi %slice3A_85, %and3A_87 : vector<512x1xi32>
    %eq3A_89 = arith.constant 1 : i32
    %eq3A_90 = vector.broadcast %eq3A_89 : i32 to vector<512x1xi32>
    %eq3A_91 = arith.cmpi eq, %and3A_88, %eq3A_90 : vector<512x1xi32>
    %broadcast_in_dim3A_92 = vector.shape_cast %eq3A_91 : vector<512x1xi1> to vector<512x1xi1>
    %broadcast_in_dim3A_93 = vector.broadcast %broadcast_in_dim3A_92 : vector<512x1xi1> to vector<512x64xi1>
    %select_n3A_94 = arith.select %broadcast_in_dim3A_93, %slice3A_84, %slice3A_83 : vector<512x64xi1>, vector<512x64xf32>
    %slice3A_95 = vector.extract_strided_slice %reshape3A {offsets = [0, 5], sizes = [512, 1], strides = [1, 1]} : vector<512x12xf32> to vector<512x1xf32>
    %mul3A_96 = vector.broadcast %slice3A_95 : vector<512x1xf32> to vector<512x64xf32>
    %mul3A_97 = arith.mulf %mul3A_96, %select_n3A_94 : vector<512x64xf32>
    %add3A_98 = arith.addf %add3A_82, %mul3A_97 : vector<512x64xf32>
    %slice3A_99 = vector.extract_strided_slice %get3A_10 {offsets = [0, 768], sizes = [512, 64], strides = [1, 1]} : vector<512x1536xf32> to vector<512x64xf32>
    %slice3A_100 = vector.extract_strided_slice %get3A_10 {offsets = [0, 832], sizes = [512, 64], strides = [1, 1]} : vector<512x1536xf32> to vector<512x64xf32>
    %slice3A_101 = vector.extract_strided_slice %reshape3A_7 {offsets = [0, 6], sizes = [512, 1], strides = [1, 1]} : vector<512x12xi32> to vector<512x1xi32>
    %and3A_102 = arith.constant 1 : i32
    %and3A_103 = vector.broadcast %and3A_102 : i32 to vector<512x1xi32>
    %and3A_104 = arith.andi %slice3A_101, %and3A_103 : vector<512x1xi32>
    %eq3A_105 = arith.constant 1 : i32
    %eq3A_106 = vector.broadcast %eq3A_105 : i32 to vector<512x1xi32>
    %eq3A_107 = arith.cmpi eq, %and3A_104, %eq3A_106 : vector<512x1xi32>
    %broadcast_in_dim3A_108 = vector.shape_cast %eq3A_107 : vector<512x1xi1> to vector<512x1xi1>
    %broadcast_in_dim3A_109 = vector.broadcast %broadcast_in_dim3A_108 : vector<512x1xi1> to vector<512x64xi1>
    %select_n3A_110 = arith.select %broadcast_in_dim3A_109, %slice3A_100, %slice3A_99 : vector<512x64xi1>, vector<512x64xf32>
    %slice3A_111 = vector.extract_strided_slice %reshape3A {offsets = [0, 6], sizes = [512, 1], strides = [1, 1]} : vector<512x12xf32> to vector<512x1xf32>
    %mul3A_112 = vector.broadcast %slice3A_111 : vector<512x1xf32> to vector<512x64xf32>
    %mul3A_113 = arith.mulf %mul3A_112, %select_n3A_110 : vector<512x64xf32>
    %add3A_114 = arith.addf %add3A_98, %mul3A_113 : vector<512x64xf32>
    %slice3A_115 = vector.extract_strided_slice %get3A_10 {offsets = [0, 896], sizes = [512, 64], strides = [1, 1]} : vector<512x1536xf32> to vector<512x64xf32>
    %slice3A_116 = vector.extract_strided_slice %get3A_10 {offsets = [0, 960], sizes = [512, 64], strides = [1, 1]} : vector<512x1536xf32> to vector<512x64xf32>
    %slice3A_117 = vector.extract_strided_slice %reshape3A_7 {offsets = [0, 7], sizes = [512, 1], strides = [1, 1]} : vector<512x12xi32> to vector<512x1xi32>
    %and3A_118 = arith.constant 1 : i32
    %and3A_119 = vector.broadcast %and3A_118 : i32 to vector<512x1xi32>
    %and3A_120 = arith.andi %slice3A_117, %and3A_119 : vector<512x1xi32>
    %eq3A_121 = arith.constant 1 : i32
    %eq3A_122 = vector.broadcast %eq3A_121 : i32 to vector<512x1xi32>
    %eq3A_123 = arith.cmpi eq, %and3A_120, %eq3A_122 : vector<512x1xi32>
    %broadcast_in_dim3A_124 = vector.shape_cast %eq3A_123 : vector<512x1xi1> to vector<512x1xi1>
    %broadcast_in_dim3A_125 = vector.broadcast %broadcast_in_dim3A_124 : vector<512x1xi1> to vector<512x64xi1>
    %select_n3A_126 = arith.select %broadcast_in_dim3A_125, %slice3A_116, %slice3A_115 : vector<512x64xi1>, vector<512x64xf32>
    %slice3A_127 = vector.extract_strided_slice %reshape3A {offsets = [0, 7], sizes = [512, 1], strides = [1, 1]} : vector<512x12xf32> to vector<512x1xf32>
    %mul3A_128 = vector.broadcast %slice3A_127 : vector<512x1xf32> to vector<512x64xf32>
    %mul3A_129 = arith.mulf %mul3A_128, %select_n3A_126 : vector<512x64xf32>
    %add3A_130 = arith.addf %add3A_114, %mul3A_129 : vector<512x64xf32>
    %slice3A_131 = vector.extract_strided_slice %get3A_10 {offsets = [0, 1024], sizes = [512, 64], strides = [1, 1]} : vector<512x1536xf32> to vector<512x64xf32>
    %slice3A_132 = vector.extract_strided_slice %get3A_10 {offsets = [0, 1088], sizes = [512, 64], strides = [1, 1]} : vector<512x1536xf32> to vector<512x64xf32>
    %slice3A_133 = vector.extract_strided_slice %reshape3A_7 {offsets = [0, 8], sizes = [512, 1], strides = [1, 1]} : vector<512x12xi32> to vector<512x1xi32>
    %and3A_134 = arith.constant 1 : i32
    %and3A_135 = vector.broadcast %and3A_134 : i32 to vector<512x1xi32>
    %and3A_136 = arith.andi %slice3A_133, %and3A_135 : vector<512x1xi32>
    %eq3A_137 = arith.constant 1 : i32
    %eq3A_138 = vector.broadcast %eq3A_137 : i32 to vector<512x1xi32>
    %eq3A_139 = arith.cmpi eq, %and3A_136, %eq3A_138 : vector<512x1xi32>
    %broadcast_in_dim3A_140 = vector.shape_cast %eq3A_139 : vector<512x1xi1> to vector<512x1xi1>
    %broadcast_in_dim3A_141 = vector.broadcast %broadcast_in_dim3A_140 : vector<512x1xi1> to vector<512x64xi1>
    %select_n3A_142 = arith.select %broadcast_in_dim3A_141, %slice3A_132, %slice3A_131 : vector<512x64xi1>, vector<512x64xf32>
    %slice3A_143 = vector.extract_strided_slice %reshape3A {offsets = [0, 8], sizes = [512, 1], strides = [1, 1]} : vector<512x12xf32> to vector<512x1xf32>
    %mul3A_144 = vector.broadcast %slice3A_143 : vector<512x1xf32> to vector<512x64xf32>
    %mul3A_145 = arith.mulf %mul3A_144, %select_n3A_142 : vector<512x64xf32>
    %add3A_146 = arith.addf %add3A_130, %mul3A_145 : vector<512x64xf32>
    %slice3A_147 = vector.extract_strided_slice %get3A_10 {offsets = [0, 1152], sizes = [512, 64], strides = [1, 1]} : vector<512x1536xf32> to vector<512x64xf32>
    %slice3A_148 = vector.extract_strided_slice %get3A_10 {offsets = [0, 1216], sizes = [512, 64], strides = [1, 1]} : vector<512x1536xf32> to vector<512x64xf32>
    %slice3A_149 = vector.extract_strided_slice %reshape3A_7 {offsets = [0, 9], sizes = [512, 1], strides = [1, 1]} : vector<512x12xi32> to vector<512x1xi32>
    %and3A_150 = arith.constant 1 : i32
    %and3A_151 = vector.broadcast %and3A_150 : i32 to vector<512x1xi32>
    %and3A_152 = arith.andi %slice3A_149, %and3A_151 : vector<512x1xi32>
    %eq3A_153 = arith.constant 1 : i32
    %eq3A_154 = vector.broadcast %eq3A_153 : i32 to vector<512x1xi32>
    %eq3A_155 = arith.cmpi eq, %and3A_152, %eq3A_154 : vector<512x1xi32>
    %broadcast_in_dim3A_156 = vector.shape_cast %eq3A_155 : vector<512x1xi1> to vector<512x1xi1>
    %broadcast_in_dim3A_157 = vector.broadcast %broadcast_in_dim3A_156 : vector<512x1xi1> to vector<512x64xi1>
    %select_n3A_158 = arith.select %broadcast_in_dim3A_157, %slice3A_148, %slice3A_147 : vector<512x64xi1>, vector<512x64xf32>
    %slice3A_159 = vector.extract_strided_slice %reshape3A {offsets = [0, 9], sizes = [512, 1], strides = [1, 1]} : vector<512x12xf32> to vector<512x1xf32>
    %mul3A_160 = vector.broadcast %slice3A_159 : vector<512x1xf32> to vector<512x64xf32>
    %mul3A_161 = arith.mulf %mul3A_160, %select_n3A_158 : vector<512x64xf32>
    %add3A_162 = arith.addf %add3A_146, %mul3A_161 : vector<512x64xf32>
    %slice3A_163 = vector.extract_strided_slice %get3A_10 {offsets = [0, 1280], sizes = [512, 64], strides = [1, 1]} : vector<512x1536xf32> to vector<512x64xf32>
    %slice3A_164 = vector.extract_strided_slice %get3A_10 {offsets = [0, 1344], sizes = [512, 64], strides = [1, 1]} : vector<512x1536xf32> to vector<512x64xf32>
    %slice3A_165 = vector.extract_strided_slice %reshape3A_7 {offsets = [0, 10], sizes = [512, 1], strides = [1, 1]} : vector<512x12xi32> to vector<512x1xi32>
    %and3A_166 = arith.constant 1 : i32
    %and3A_167 = vector.broadcast %and3A_166 : i32 to vector<512x1xi32>
    %and3A_168 = arith.andi %slice3A_165, %and3A_167 : vector<512x1xi32>
    %eq3A_169 = arith.constant 1 : i32
    %eq3A_170 = vector.broadcast %eq3A_169 : i32 to vector<512x1xi32>
    %eq3A_171 = arith.cmpi eq, %and3A_168, %eq3A_170 : vector<512x1xi32>
    %broadcast_in_dim3A_172 = vector.shape_cast %eq3A_171 : vector<512x1xi1> to vector<512x1xi1>
    %broadcast_in_dim3A_173 = vector.broadcast %broadcast_in_dim3A_172 : vector<512x1xi1> to vector<512x64xi1>
    %select_n3A_174 = arith.select %broadcast_in_dim3A_173, %slice3A_164, %slice3A_163 : vector<512x64xi1>, vector<512x64xf32>
    %slice3A_175 = vector.extract_strided_slice %reshape3A {offsets = [0, 10], sizes = [512, 1], strides = [1, 1]} : vector<512x12xf32> to vector<512x1xf32>
    %mul3A_176 = vector.broadcast %slice3A_175 : vector<512x1xf32> to vector<512x64xf32>
    %mul3A_177 = arith.mulf %mul3A_176, %select_n3A_174 : vector<512x64xf32>
    %add3A_178 = arith.addf %add3A_162, %mul3A_177 : vector<512x64xf32>
    %slice3A_179 = vector.extract_strided_slice %get3A_10 {offsets = [0, 1408], sizes = [512, 64], strides = [1, 1]} : vector<512x1536xf32> to vector<512x64xf32>
    %slice3A_180 = vector.extract_strided_slice %get3A_10 {offsets = [0, 1472], sizes = [512, 64], strides = [1, 1]} : vector<512x1536xf32> to vector<512x64xf32>
    %slice3A_181 = vector.extract_strided_slice %reshape3A_7 {offsets = [0, 11], sizes = [512, 1], strides = [1, 1]} : vector<512x12xi32> to vector<512x1xi32>
    %and3A_182 = arith.constant 1 : i32
    %and3A_183 = vector.broadcast %and3A_182 : i32 to vector<512x1xi32>
    %and3A_184 = arith.andi %slice3A_181, %and3A_183 : vector<512x1xi32>
    %eq3A_185 = arith.constant 1 : i32
    %eq3A_186 = vector.broadcast %eq3A_185 : i32 to vector<512x1xi32>
    %eq3A_187 = arith.cmpi eq, %and3A_184, %eq3A_186 : vector<512x1xi32>
    %broadcast_in_dim3A_188 = vector.shape_cast %eq3A_187 : vector<512x1xi1> to vector<512x1xi1>
    %broadcast_in_dim3A_189 = vector.broadcast %broadcast_in_dim3A_188 : vector<512x1xi1> to vector<512x64xi1>
    %select_n3A_190 = arith.select %broadcast_in_dim3A_189, %slice3A_180, %slice3A_179 : vector<512x64xi1>, vector<512x64xf32>
    %slice3A_191 = vector.extract_strided_slice %reshape3A {offsets = [0, 11], sizes = [512, 1], strides = [1, 1]} : vector<512x12xf32> to vector<512x1xf32>
    %mul3A_192 = vector.broadcast %slice3A_191 : vector<512x1xf32> to vector<512x64xf32>
    %mul3A_193 = arith.mulf %mul3A_192, %select_n3A_190 : vector<512x64xf32>
    %add3A_194 = arith.addf %add3A_178, %mul3A_193 : vector<512x64xf32>
    %get3A_195 = arith.constant 0 : index
    %get3A_196 = arith.constant 0 : index
    %get3A_197 = vector.load %arg1[%get3A_195, %get3A_196] : memref<512x64xf32, #tpu.memory_space<vmem>>, vector<512x64xf32>
    %mul3A_198 = arith.constant 0.699999988 : f32
    %mul3A_199 = vector.broadcast %mul3A_198 : f32 to vector<512x64xf32>
    %mul3A_200 = arith.mulf %mul3A_199, %get3A_197 : vector<512x64xf32>
    %mul3A_201 = arith.constant 3.000000e-01 : f32
    %mul3A_202 = vector.broadcast %mul3A_201 : f32 to vector<512x64xf32>
    %mul3A_203 = arith.mulf %mul3A_202, %add3A_194 : vector<512x64xf32>
    %add3A_204 = arith.addf %mul3A_200, %mul3A_203 : vector<512x64xf32>
    %swap3A = arith.constant 0 : index
    %swap3A_205 = arith.constant 0 : index
    %swap3A_206 = vector.load %arg5[%swap3A, %swap3A_205] : memref<512x64xf32, #tpu.memory_space<vmem>>, vector<512x64xf32>
    tpu.vector_store %arg5[%swap3A, %swap3A_205], %add3A_204 {strides = array<i32>} : memref<512x64xf32, #tpu.memory_space<vmem>>, vector<512x64xf32>,
    return
  }
  func.func @transform_0(%arg0: i32) -> (i32, i32) {
    %c0_i32 = arith.constant 0 : i32
    %c0_i32_0 = arith.constant 0 : i32
    return %arg0, %c0_i32 : i32, i32
  }
  func.func @transform_1(%arg0: i32) -> (i32, i32, i32) {
    %c0_i32 = arith.constant 0 : i32
    %c0_i32_0 = arith.constant 0 : i32
    %c0_i32_1 = arith.constant 0 : i32
    return %arg0, %c0_i32, %c0_i32_0 : i32, i32, i32
  }
  func.func @transform_2(%arg0: i32) -> (i32, i32) {
    %c0_i32 = arith.constant 0 : i32
    %c0_i32_0 = arith.constant 0 : i32
    return %arg0, %c0_i32 : i32, i32
  }
  func.func @transform_3(%arg0: i32) -> (i32, i32, i32) {
    %c0_i32 = arith.constant 0 : i32
    %c0_i32_0 = arith.constant 0 : i32
    %c0_i32_1 = arith.constant 0 : i32
    return %arg0, %c0_i32, %c0_i32_0 : i32, i32, i32
  }
  func.func @transform_4(%arg0: i32) -> (i32, i32) {
    %c0_i32 = arith.constant 0 : i32
    %c0_i32_0 = arith.constant 0 : i32
    return %arg0, %c0_i32 : i32, i32
  }
}

</mosaic_0001>

<sc_bundles>
// kernel: kernel.12.cloned.1.call-start
scs
__scs_entry_jumppad:
0x0: {  	(pc) =	sbr.rel $0x88, $3  }
0x1: {  	(tag) =	ssettag $0x0;
	lr =	simm.s32 $0x1  }
0x2: {  	[smem:$0x3F9F] =	sst lr;
	_ =	strace $0xD0000000  }
0x3: {  	_ = 	snop  }
0x4: {  	_ = 	snop  }
0x5: {  	_ = 	snop  }
0x6: {  	_ = 	snop  }
0x7: {  	_ = 	snop  }
__scs_overlays_trampoline_lowered:
0x8: {  	[smem:$0x3FAE] =	sst s0  }
0x9: {  	[smem:$0x3FAF] =	sst s1  }
0xa: {  	[smem:$0x3FB0] =	sst s2  }
0xb: {  	[smem:$0x3FB1] =	sst s3  }
0xc: {  	[smem:$0x3FB2] =	sst s4  }
0xd: {  	[smem:$0x3FB3] =	sst s5  }
0xe: {  	[smem:$0x3FB4] =	sst s6  }
0xf: {  	[smem:$0x3FB5] =	sst s7  }
0x10: {  	[smem:$0x3FB6] =	sst s8  }
0x11: {  	[smem:$0x3FB7] =	sst s9;
	s0 =	simm.s32 @!p0 $0x0  }
0x12: {  	s1 =	sld [smem:$0x3F9D];
	s0 =	simm.s32 @p0 $0x1  }
0x13: {  	[smem:$0x3FB8] =	sst s0;
	s0 =	simm.s32 @!p1 $0x0  }
0x14: {  	s2 =	sld [smem:$0x3F9C];
	s0 =	simm.s32 @p1 $0x1  }
0x15: {  	[smem:$0x3FB9] =	sst s0;
	s0 =	simm.s32 @!p2 $0x0  }
0x16: {  	s3 =	sld [smem:$0x3FDB];
	s0 =	simm.s32 @p2 $0x1  }
0x17: {  	s4 =	simm.s32 $0x1BF5;
	[smem:$0x3FBB] =	sst s0  }
0x18: {  	s0 =	sld [smem:$0x3F9E];
	_ =	swait.ge [sflag:s4], $0x0  }
0x19: {  	s7 =	sld [smem:$0x3F9F]  }
0x1a: {  	s8 =	sadd.s32 $0xFFFFE003, lr  }
0x1b: {  	s9 =	sadd.s32 $0xFFFFFEF7, lr;
	s5 =	simm.s32 $0xFFFFFFFF;
	p2 =	slt.u32 s8, $0xFFFFF086  }
0x1c: {  	p1 =	slt.u32 s9, $0xF7A;
	s5 =	simm.s32 @!p2 $0x0  }
0x1d: {  	s5 =	simm.s32 @p1 $0x1;
	p0 =	seq.s32 s7, s2  }
0x1e: {  	s7 =	smul.u32 @!p0 $0xF7A, s2;
	p2 =	seq.s32 @!p0 s5, $0x0  }
0x1f: {  	s9 =	smul.u32 $0xF7A, s1;
	s8 =	simm.s32 @!p0 $0x1BF5;
	p2 =	por !p2, p0  }
0x20: {  	[sflag:s8] =	ssyncset.s32 @!p0 $0xFFFFF086;
	s6 =	sadd.s32 @!p0 s3, s7;
	s7 =	simm.s32 @!p0 $0x108  }
0x21: {  	s3 =	sadd.s32 s3, s9;
	s6 =	sadd.s32 @!p0 $0x88, s6;
	s7 =	simm.s32 @p2 $0x1082  }
0x22: {  	[simem:s7], [sflag:s8] =	dma.local @!p0 [hbm:s6], $0xF7A  }
0x23: {  	s9 =	sor.u32 $0xD0000000, s2;
	s6 =	simm.s32 $0x108;
	_ =	swait.ge @!p0 [sflag:s8], $0x0  }
0x24: {  	s3 =	sadd.s32 $0x88, s3;
	s6 =	simm.s32 @!p1 $0x1082;
	[sflag:s4] =	ssyncset.s32 $0xFFFFF086  }
0x25: {  	[simem:s6], [sflag:s4] =	dma.local [hbm:s3], $0xF7A  }
0x26: {  	[smem:$0x3F9F] =	sst s1;
	(tag) =	ssettag s2;
	_ =	strace s9  }
0x27: {  	s1 =	sld [smem:$0x3FAF]  }
0x28: {  	s2 =	sld [smem:$0x3FB0]  }
0x29: {  	s4 =	sld [smem:$0x3FB2]  }
0x2a: {  	p0 =	seq.s32 s5, $0x0;
	s5 =	sld [smem:$0x3FB3]  }
0x2b: {  	s6 =	sld [smem:$0x3FB4]  }
0x2c: {  	s7 =	sld [smem:$0x3FB5]  }
0x2d: {  	s3 =	simm.s32 $0x108;
	s8 =	sld [smem:$0x3FB6]  }
0x2e: {  	s3 =	simm.s32 @!p0 $0x1082;
	s9 =	sld [smem:$0x3FB7]  }
0x2f: {  	lr =	sadd.s32 s0, s3;
	s0 =	sld [smem:$0x3FAE]  }
0x30: {  	s3 =	sld [smem:$0x3FB1]  }
0x31: {  	[smem:$0x3FBA] =	sst s10  }
0x32: {  	s10 =	sld [smem:$0x3FB8];
	_ =	sdelay $0x3  }
0x33: {  	p0 =	seq.s32 s10, $0x1;
	s10 =	sld [smem:$0x3FBA];
	_ =	sdelay $0x3  }
0x34: {  	[smem:$0x3FBA] =	sst s10  }
0x35: {  	s10 =	sld [smem:$0x3FB9];
	_ =	sdelay $0x3  }
0x36: {  	p1 =	seq.s32 s10, $0x1;
	s10 =	sld [smem:$0x3FBA];
	_ =	sdelay $0x3  }
0x37: {  	[smem:$0x3FBA] =	sst s10  }
0x38: {  	s10 =	sld [smem:$0x3FBB]  }
0x39: {  	_ = 	snop;
	(pc) =	sbr.ind lr, $3  }
0x3a: {  	_ = 	snop  }
0x3b: {  	_ = 	snop  }
0x3c: {  	p2 =	seq.s32 s10, $0x1;
	s10 =	sld [smem:$0x3FBA]  }
0x3d: {  	_ =	shalt  }
0x3e: {  	_ =	shalt  }
0x3f: {  	_ =	shalt  }
0x40: {  	_ =	shalt  }
0x41: {  	_ =	shalt  }
0x42: {  	_ =	shalt  }
0x43: {  	_ =	shalt  }
0x44: {  	_ =	shalt  }
0x45: {  	_ =	shalt  }
0x46: {  	_ =	shalt  }
0x47: {  	_ =	shalt  }
0x48: {  	_ =	shalt  }
0x49: {  	_ =	shalt  }
0x4a: {  	_ =	shalt  }
0x4b: {  	_ =	shalt  }
0x4c: {  	_ =	shalt  }
0x4d: {  	_ =	shalt  }
0x4e: {  	_ =	shalt  }
0x4f: {  	_ =	shalt  }
0x50: {  	_ =	shalt  }
0x51: {  	_ =	shalt  }
0x52: {  	_ =	shalt  }
0x53: {  	_ =	shalt  }
0x54: {  	_ =	shalt  }
0x55: {  	_ =	shalt  }
0x56: {  	_ =	shalt  }
0x57: {  	_ =	shalt  }
0x58: {  	_ =	shalt  }
0x59: {  	_ =	shalt  }
0x5a: {  	_ =	shalt  }
0x5b: {  	_ =	shalt  }
0x5c: {  	_ =	shalt  }
0x5d: {  	_ =	shalt  }
0x5e: {  	_ =	shalt  }
0x5f: {  	_ =	shalt  }
0x60: {  	_ =	shalt  }
0x61: {  	_ =	shalt  }
0x62: {  	_ =	shalt  }
0x63: {  	_ =	shalt  }
0x64: {  	_ =	shalt  }
0x65: {  	_ =	shalt  }
0x66: {  	_ =	shalt  }
0x67: {  	_ =	shalt  }
0x68: {  	_ =	shalt  }
0x69: {  	_ =	shalt  }
0x6a: {  	_ =	shalt  }
0x6b: {  	_ =	shalt  }
0x6c: {  	_ =	shalt  }
0x6d: {  	_ =	shalt  }
0x6e: {  	_ =	shalt  }
0x6f: {  	_ =	shalt  }
0x70: {  	_ =	shalt  }
0x71: {  	_ =	shalt  }
0x72: {  	_ =	shalt  }
0x73: {  	_ =	shalt  }
0x74: {  	_ =	shalt  }
0x75: {  	_ =	shalt  }
0x76: {  	_ =	shalt  }
0x77: {  	_ =	shalt  }
0x78: {  	_ =	shalt  }
0x79: {  	_ =	shalt  }
0x7a: {  	_ =	shalt  }
0x7b: {  	_ =	shalt  }
0x7c: {  	_ =	shalt  }
0x7d: {  	_ =	shalt  }
0x7e: {  	_ =	shalt  }
0x7f: {  	_ =	shalt  }
0x80: {  	_ =	shalt  }
0x81: {  	_ =	shalt  }
0x82: {  	_ =	shalt  }
0x83: {  	_ =	shalt  }
0x84: {  	_ =	shalt  }
0x85: {  	_ =	shalt  }
0x86: {  	_ =	shalt  }
0x87: {  	_ =	shalt  }
.Lfunc_end0:
.L_simem_size_0:
called_computation.1_lowered:
.L_overlay_start_0:
0x88: {  	s2 =	sld [smem:$0x3FD9]  }
0x89: {  	s3 =	sld [smem:$0x3FFE];
	_ =	sdelay $0x1  }
0x8a: {  	s1 =	srdreg.scid  }
0x8b: {  	s0 =	sand.u32 $0x1, s1  }
0x8c: {  	s17 =	sshll.u32 s0, $0xA;
	s2 =	sadd.s32 s3, s2  }
0x8d: {  	s2 =	sadd.s32 s2, s17  }
0x8e: {  	[smem:$0x3FC6] =	sst s2  }
0x8f: {  	_ = 	snop  }
0x90: {  	s2 =	sld [smem:$0x3FD0];
	(tm) =	ssettm $0x1  }
0x91: {  	s18 =	sld [smem:$0x3FFB];
	_ =	sdelay $0x3  }
0x92: {  	_ =	strace s18  }
0x93: {  	s3 =	sld [smem:$0x3FFC];
	_ =	sdelay $0x3  }
0x94: {  	_ =	strace s3  }
0x95: {  	s3 =	sld [smem:$0x3FFD];
	_ =	sdelay $0x3  }
0x96: {  	_ =	strace s3  }
0x97: {  	_ =	strace $0x8FFFFFFF  }
0x98: {  	s19 =	sld [smem:$0x3FDB];
	_ =	sdelay $0x1  }
0x99: {  	s4 =	simm.s32 $_scs_section_size  }
0x9a: {  	s5 =	simm.s32 $_size__tile_overlayer_lowered;
	s6 =	simm.s32 $_tile_overlayer_lowered  }
0x9b: {  	s22 =	simm.s32 $0x1BFF;
	s21 =	sshll.u32 s6, $0x1;
	s3 =	sadd.s32 s4, s19  }
0x9c: {  	s7 =	simm.s32 $0x0;
	s20 =	sshll.u32 s5, $0x1;
	s5 =	sadd.s32 s21, s3  }
0x9d: {  	[timem:s7], [sflag:s22] =	dma.local [hbm:s5], s20  }
0x9e: {  	_ =	swait.ge [sflag:s22], s20  }
0x9f: {  	s4 =	ssub.s32 $0x0, s20;
	[sflag:s22] =	ssyncset.done $0x0  }
0xa0: {  	[sflag:s22] =	ssyncadd.s32 s4;
	_ =	sdelay $0x1  }
0xa1: {  	s23 =	simm.s32 $0x1B8B  }
0xa2: {  	_ =	swait.ge [sflag:s23], $0x1  }
0xa3: {  	[sflag:s23] =	ssyncset.done $0x0  }
0xa4: {  	s25 =	simm.s32 $0x1B8E;
	s24 =	sld [smem:$0x3FFE];
	[sflag:s23] =	ssyncadd.s32 $0xFFFFFFFF  }
0xa5: {  	s26 =	simm.s32 $execute0_lowered;
	[smem:$0x3FD2] =	sst s25  }
0xa6: {  	s5 =	sshll.u32 s26, $0x1;
	_ =	strace $0x80000049;
	[dreg:$0x1] =	wrdreg $0xFFFFFFFF  }
0xa7: {  	s28 =	simm.s32 $_size_execute0_lowered;
	s3 =	sadd.s32 s3, s5;
	[dreg:$0x0] =	wrdreg $0x0  }
0xa8: {  	s5 =	sshll.u32 s28, $0x1;
	[dreg:$0x2] =	wrdreg s3  }
0xa9: {  	[dreg:$0x3] =	wrdreg s5  }
0xaa: {  	[dreg:$0x4] =	wrdreg $0xC0  }
0xab: {  	_ =	task [dreg:s7], $0x5FFFF  }
0xac: {  	[dreg:$0x1] =	wrdreg $0xFFFFFFFF  }
0xad: {  	[dreg:$0x0] =	wrdreg $0x60  }
0xae: {  	[dreg:$0x2] =	wrdreg s24  }
0xaf: {  	[dreg:$0x3] =	wrdreg s2  }
0xb0: {  	[dreg:$0x4] =	wrdreg $0x9  }
0xb1: {  	_ =	task.clear_ibuf [dreg:s7], $0x5FFFF;
	_ =	strace $0x90000049  }
0xb2: {  	s29 =	simm.s32 $0x9;
	_ =	strace $0x8000004B  }
0xb3: {  	_ =	swait.ge [sflag:s29], $0x1  }
0xb4: {  	[sflag:s29] =	ssyncadd.s32 $0xFFFFFFFF  }
0xb5: {  	_ =	strace $0x9000004B  }
0xb6: {  	_ =	sfence  }
0xb7: {  	s30 =	sld [smem:$0x0];
	_ =	sdelay $0x2  }
0xb8: {  	s31 =	sshll.u32 s1, $0xD;
	s1 =	sshrl.u32 s1, $0x2  }
0xb9: {  	s3 =	sand.u32 $0x4000, s31;
	s1 =	sadd.s32 s1, s30  }
0xba: {  	s0 =	sor.u32 s3, s0;
	s1 =	sshll.u32 s1, $0x11  }
0xbb: {  	s0 =	sor.u32 s1, s0  }
0xbc: {  	s0 =	sadd.s32 $0x8F2B, s0  }
0xbd: {  	[sflag:s0] =	ssyncadd.remote.s32 $0x1  }
0xbe: {  	_ =	sfence.sel $0xFFFF  }
0xbf: {  	[dreg:$0x0] =	wrdreg $0xFFFFFFFF;
	(pc) =	sbr.abs _section_cstart, $3  }
0xc0: {  	[dreg:$0x1] =	wrdreg $0xFFFFFFFF  }
0xc1: {  	_ =	task.clear_ibuf [dreg:s7], $0x2FFFF;
	_ =	strace $0x9FFFFFFF  }
0xc2: {  	(tm) =	ssettm $0x7FFFFFFF  }
0xc3: {  	_ =	shalt  }
tec
execute0_lowered:
.L_overlay_start_1:
0x0: {  	(tag) =	ssettag $0x1  }
0x1: {  	s0 =	srdreg.scid;
	s1 =	rddreg [dreg:$0x0]  }
0x2: {  	s2 =	stileid.u32;
	s3 =	rddreg [dreg:$0x1];
	s29 =	simm.s32 $0x80  }
0x3: {  	s9 =	simm.s32 $0x3800;
	s30 =	simm.s32 $0x100;
	s31 =	simm.s32 $0x180  }
0x4: {  	s28 =	simm.s32 $0x200;
	s10 =	simm.s32 $0x3;
	s8 =	simm.s32 $0x4  }
0x5: {  	s0 =	sand.u32 $0x1, s0;
	s2 =	sshll.u32 s2, $0x1;
	s6 =	sadd.s32 $0x3800, s1  }
0x6: {  	s4 =	sor.u32 s0, s2;
	s2 =	simm.s32 $0x0;
	s0 =	ssub.s32 $0x2, s0  }
0x7: {  	s5 =	smul.u32 $0x6000, s4;
	[smem:$0x7FF] =	sst s2;
	s7 =	sshll.u32 s4, $0x8  }
0x8: {  	s25 =	sshrl.u32 s0, $0x1;
	_ =	strace $0x8000004A;
	s3 =	sadd.s32 s3, s7  }
0x9: {  	s7 =	sadd.s32 $0x24D800, s1;
	s0 =	ssub.s32 s0, s25;
	s20 =	sadd.s32 s6, s5  }
0xa: {  	[dreg:$0x3] =	wrdreg s3;
	s0 =	smax.u32 s0, $0x1;
	s11 =	sadd.s32 $0x600, s20  }
0xb: {  	p1 =	sne.s32 s0, $0x1;
	s1 =	sadd.s32 $0xFFFFFFFF, s0;
	s0 =	rddreg [dreg:$0x3]  }
0xc: {  	s4 =	smul.u32 $0x30000, s4;
	s12 =	sadd.s32 $0xC00, s20;
	[dreg:$0x4] =	wrdreg s11  }
0xd: {  	p0 =	por $0x0, $0x0;
	s13 =	sadd.s32 $0x1200, s20;
	[dreg:$0x5] =	wrdreg s12  }
0xe: {  	s4 =	sshrl.u32 s4, $0x3;
	s14 =	sadd.s32 $0x1800, s20;
	[dreg:$0x6] =	wrdreg s13  }
0xf: {  	s15 =	sadd.s32 $0x1E00, s20;
	s4 =	sadd.s32 s6, s4;
	[dreg:$0x7] =	wrdreg s14  }
0x10: {  	s25 =	simm.s32 $0x300;
	[dreg:$0x8] =	wrdreg s15;
	s16 =	sadd.s32 $0x2400, s4  }
0x11: {  	s3 =	simm.s32 $0x5;
	s17 =	sadd.s32 $0x2A00, s4;
	[dreg:$0x9] =	wrdreg s16  }
0x12: {  	s5 =	simm.s32 $0x9800;
	s18 =	sadd.s32 $0x3000, s4;
	[dreg:$0xa] =	wrdreg s17  }
0x13: {  	s6 =	simm.s32 $0x6800;
	s19 =	sadd.s32 $0x3600, s4;
	[dreg:$0xb] =	wrdreg s18  }
0x14: {  	s21 =	sadd.s32 $0x3C00, s4;
	s22 =	sadd.s32 $0x4200, s4;
	[dreg:$0xc] =	wrdreg s19  }
0x15: {  	s23 =	sadd.s32 $0x4800, s4;
	s24 =	sadd.s32 $0x4E00, s4;
	[dreg:$0xd] =	wrdreg s21  }
0x16: {  	s26 =	sadd.s32 $0x5400, s4;
	s4 =	sadd.s32 $0x5A00, s4;
	[dreg:$0xe] =	wrdreg s22  }
0x17: {  	s13 =	simm.s32 $0x60;
	s11 =	simm.s32 $0x800;
	[dreg:$0xf] =	wrdreg s23  }
.Ltmp0:
0x18: {  	s14 =	simm.s32 $0x1;
	[dreg:$0x10] =	wrdreg s24;
	(pc) =	sbr.rel @!p1 .LBB2_3-.Ltmp0, $4  }
0x19: {  	s12 =	simm.s32 $0x2;
	s15 =	simm.s32 $0x780;
	[dreg:$0x11] =	wrdreg s26  }
0x1a: {  	s26 =	simm.s32 $0x280;
	s24 =	simm.s32 $0x380;
	s23 =	simm.s32 $0x400  }
0x1b: {  	s22 =	simm.s32 $0x480;
	s21 =	simm.s32 $0x500;
	s19 =	simm.s32 $0x580  }
0x1c: {  	s18 =	simm.s32 $0x600;
	s17 =	simm.s32 $0x680;
	s16 =	simm.s32 $0x700  }
0x1d: {  	[tilespmem:s2], [sflag:$0x5] =	stream.linear.gather [hbm4b:s0+s2], $0x800, $0x38;
	[tilespmem:$0xC800] =	vst v63  }
0x1e: {  	_ =	swait.ge [sflag:s3], $0x800  }
0x1f: {  	[sflag:s3] =	ssyncset.done $0x0  }
0x20: {  	[sflag:s3] =	ssyncadd.s32 $0xFFFFF800  }
0x21: {  	[tilespmem:s11], [sflag:$0x1] =	stream.indirect.gather [hbm4b:s7+s13], $0x80, s2, s13, $0xb8;
	[tilespmem:$0xC800] =	vst v63  }
0x22: {  	_ = 	snop  }
0x23: {  	[tilespmem:s9], [sflag:$0x2] =	stream.indirect.gather [hbm4b:s7+s13], $0x80, s29, s13, $0xb8;
	[tilespmem:$0xC800] =	vst v63  }
0x24: {  	_ = 	snop  }
0x25: {  	[tilespmem:s6], [sflag:$0x3] =	stream.indirect.gather [hbm4b:s7+s13], $0x80, s30, s13, $0xb8;
	[tilespmem:$0xC800] =	vst v63  }
0x26: {  	_ = 	snop  }
0x27: {  	[tilespmem:s5], [sflag:$0x4] =	stream.indirect.gather [hbm4b:s7+s13], $0x80, s31, s13, $0xb8;
	[tilespmem:$0xC800] =	vst v63  }
0x28: {  	_ =	swait.ge [sflag:s14], $0x3000  }
0x29: {  	[sflag:s14] =	ssyncset.done $0x0  }
0x2a: {  	[sflag:s14] =	ssyncadd.s32 $0xFFFFD000  }
0x2b: {  	[hbm4b:s20+s2] =	stream.linear.scatter [tilespmem:s11], [sflag:$0x5], $0x3000, $0x38;
	[tilespmem:$0xC800] =	vst v63  }
0x2c: {  	_ =	swait.ge [sflag:s3], $0x3000  }
0x2d: {  	[sflag:s3] =	ssyncset.done $0x0  }
0x2e: {  	[sflag:s3] =	ssyncadd.s32 $0xFFFFD000  }
0x2f: {  	[tilespmem:s11], [sflag:$0x1] =	stream.indirect.gather [hbm4b:s7+s13], $0x80, s28, s13, $0xb8;
	[tilespmem:$0xC800] =	vst v63  }
0x30: {  	_ =	swait.ge [sflag:s12], $0x3000  }
0x31: {  	[sflag:s12] =	ssyncset.done $0x0  }
0x32: {  	s0 =	rddreg [dreg:$0x4];
	[sflag:s12] =	ssyncadd.s32 $0xFFFFD000  }
0x33: {  	[hbm4b:s0+s2] =	stream.linear.scatter [tilespmem:s9], [sflag:$0x5], $0x3000, $0x38;
	[tilespmem:$0xC800] =	vst v63  }
0x34: {  	_ =	swait.ge [sflag:s3], $0x3000  }
0x35: {  	[sflag:s3] =	ssyncset.done $0x0  }
0x36: {  	[sflag:s3] =	ssyncadd.s32 $0xFFFFD000  }
0x37: {  	[tilespmem:s9], [sflag:$0x2] =	stream.indirect.gather [hbm4b:s7+s13], $0x80, s26, s13, $0xb8;
	[tilespmem:$0xC800] =	vst v63  }
0x38: {  	_ =	swait.ge [sflag:s10], $0x3000  }
0x39: {  	[sflag:s10] =	ssyncset.done $0x0  }
0x3a: {  	s0 =	rddreg [dreg:$0x5];
	[sflag:s10] =	ssyncadd.s32 $0xFFFFD000  }
0x3b: {  	[hbm4b:s0+s2] =	stream.linear.scatter [tilespmem:s6], [sflag:$0x5], $0x3000, $0x38;
	[tilespmem:$0xC800] =	vst v63  }
0x3c: {  	_ =	swait.ge [sflag:s3], $0x3000  }
0x3d: {  	[sflag:s3] =	ssyncset.done $0x0  }
0x3e: {  	[sflag:s3] =	ssyncadd.s32 $0xFFFFD000  }
0x3f: {  	[tilespmem:s6], [sflag:$0x3] =	stream.indirect.gather [hbm4b:s7+s13], $0x80, s25, s13, $0xb8;
	[tilespmem:$0xC800] =	vst v63  }
0x40: {  	_ =	swait.ge [sflag:s8], $0x3000  }
0x41: {  	[sflag:s8] =	ssyncset.done $0x0  }
0x42: {  	s0 =	rddreg [dreg:$0x6];
	[sflag:s8] =	ssyncadd.s32 $0xFFFFD000  }
0x43: {  	[hbm4b:s0+s2] =	stream.linear.scatter [tilespmem:s5], [sflag:$0x5], $0x3000, $0x38;
	[tilespmem:$0xC800] =	vst v63  }
0x44: {  	_ =	swait.ge [sflag:s3], $0x3000  }
0x45: {  	[sflag:s3] =	ssyncset.done $0x0  }
0x46: {  	[sflag:s3] =	ssyncadd.s32 $0xFFFFD000  }
0x47: {  	[tilespmem:s5], [sflag:$0x4] =	stream.indirect.gather [hbm4b:s7+s13], $0x80, s24, s13, $0xb8;
	[tilespmem:$0xC800] =	vst v63  }
0x48: {  	_ =	swait.ge [sflag:s14], $0x3000  }
0x49: {  	[sflag:s14] =	ssyncset.done $0x0  }
0x4a: {  	s0 =	rddreg [dreg:$0x7];
	[sflag:s14] =	ssyncadd.s32 $0xFFFFD000  }
0x4b: {  	[hbm4b:s0+s2] =	stream.linear.scatter [tilespmem:s11], [sflag:$0x5], $0x3000, $0x38;
	[tilespmem:$0xC800] =	vst v63  }
0x4c: {  	_ =	swait.ge [sflag:s3], $0x3000  }
0x4d: {  	[sflag:s3] =	ssyncset.done $0x0  }
0x4e: {  	[sflag:s3] =	ssyncadd.s32 $0xFFFFD000  }
0x4f: {  	[tilespmem:s11], [sflag:$0x1] =	stream.indirect.gather [hbm4b:s7+s13], $0x80, s23, s13, $0xb8;
	[tilespmem:$0xC800] =	vst v63  }
0x50: {  	_ =	swait.ge [sflag:s12], $0x3000  }
0x51: {  	[sflag:s12] =	ssyncset.done $0x0  }
0x52: {  	s0 =	rddreg [dreg:$0x8];
	[sflag:s12] =	ssyncadd.s32 $0xFFFFD000  }
0x53: {  	[hbm4b:s0+s2] =	stream.linear.scatter [tilespmem:s9], [sflag:$0x5], $0x3000, $0x38;
	[tilespmem:$0xC800] =	vst v63  }
0x54: {  	_ =	swait.ge [sflag:s3], $0x3000  }
0x55: {  	[sflag:s3] =	ssyncset.done $0x0  }
0x56: {  	[sflag:s3] =	ssyncadd.s32 $0xFFFFD000  }
0x57: {  	[tilespmem:s9], [sflag:$0x2] =	stream.indirect.gather [hbm4b:s7+s13], $0x80, s22, s13, $0xb8;
	[tilespmem:$0xC800] =	vst v63  }
0x58: {  	_ =	swait.ge [sflag:s10], $0x3000  }
0x59: {  	[sflag:s10] =	ssyncset.done $0x0  }
0x5a: {  	s0 =	rddreg [dreg:$0x9];
	[sflag:s10] =	ssyncadd.s32 $0xFFFFD000  }
0x5b: {  	[hbm4b:s0+s2] =	stream.linear.scatter [tilespmem:s6], [sflag:$0x5], $0x3000, $0x38;
	[tilespmem:$0xC800] =	vst v63  }
0x5c: {  	_ =	swait.ge [sflag:s3], $0x3000  }
0x5d: {  	[sflag:s3] =	ssyncset.done $0x0  }
0x5e: {  	[sflag:s3] =	ssyncadd.s32 $0xFFFFD000  }
0x5f: {  	[tilespmem:s6], [sflag:$0x3] =	stream.indirect.gather [hbm4b:s7+s13], $0x80, s21, s13, $0xb8;
	[tilespmem:$0xC800] =	vst v63  }
0x60: {  	_ =	swait.ge [sflag:s8], $0x3000  }
0x61: {  	[sflag:s8] =	ssyncset.done $0x0  }
0x62: {  	s0 =	rddreg [dreg:$0xa];
	[sflag:s8] =	ssyncadd.s32 $0xFFFFD000  }
0x63: {  	[hbm4b:s0+s2] =	stream.linear.scatter [tilespmem:s5], [sflag:$0x5], $0x3000, $0x38;
	[tilespmem:$0xC800] =	vst v63  }
0x64: {  	_ =	swait.ge [sflag:s3], $0x3000  }
0x65: {  	[sflag:s3] =	ssyncset.done $0x0  }
0x66: {  	[sflag:s3] =	ssyncadd.s32 $0xFFFFD000  }
0x67: {  	[tilespmem:s5], [sflag:$0x4] =	stream.indirect.gather [hbm4b:s7+s13], $0x80, s19, s13, $0xb8;
	[tilespmem:$0xC800] =	vst v63  }
0x68: {  	_ =	swait.ge [sflag:s14], $0x3000  }
0x69: {  	[sflag:s14] =	ssyncset.done $0x0  }
0x6a: {  	s0 =	rddreg [dreg:$0xb];
	[sflag:s14] =	ssyncadd.s32 $0xFFFFD000  }
0x6b: {  	[hbm4b:s0+s2] =	stream.linear.scatter [tilespmem:s11], [sflag:$0x5], $0x3000, $0x38;
	[tilespmem:$0xC800] =	vst v63  }
0x6c: {  	_ =	swait.ge [sflag:s3], $0x3000  }
0x6d: {  	[sflag:s3] =	ssyncset.done $0x0  }
0x6e: {  	[sflag:s3] =	ssyncadd.s32 $0xFFFFD000  }
0x6f: {  	[tilespmem:s11], [sflag:$0x1] =	stream.indirect.gather [hbm4b:s7+s13], $0x80, s18, s13, $0xb8;
	[tilespmem:$0xC800] =	vst v63  }
0x70: {  	_ =	swait.ge [sflag:s12], $0x3000  }
0x71: {  	[sflag:s12] =	ssyncset.done $0x0  }
0x72: {  	s0 =	rddreg [dreg:$0xc];
	[sflag:s12] =	ssyncadd.s32 $0xFFFFD000  }
0x73: {  	[hbm4b:s0+s2] =	stream.linear.scatter [tilespmem:s9], [sflag:$0x5], $0x3000, $0x38;
	[tilespmem:$0xC800] =	vst v63  }
0x74: {  	_ =	swait.ge [sflag:s3], $0x3000  }
0x75: {  	[sflag:s3] =	ssyncset.done $0x0  }
0x76: {  	[sflag:s3] =	ssyncadd.s32 $0xFFFFD000  }
0x77: {  	[tilespmem:s9], [sflag:$0x2] =	stream.indirect.gather [hbm4b:s7+s13], $0x80, s17, s13, $0xb8;
	[tilespmem:$0xC800] =	vst v63  }
0x78: {  	_ =	swait.ge [sflag:s10], $0x3000  }
0x79: {  	[sflag:s10] =	ssyncset.done $0x0  }
0x7a: {  	s0 =	rddreg [dreg:$0xd];
	[sflag:s10] =	ssyncadd.s32 $0xFFFFD000  }
0x7b: {  	[hbm4b:s0+s2] =	stream.linear.scatter [tilespmem:s6], [sflag:$0x5], $0x3000, $0x38;
	[tilespmem:$0xC800] =	vst v63  }
0x7c: {  	_ =	swait.ge [sflag:s3], $0x3000  }
0x7d: {  	[sflag:s3] =	ssyncset.done $0x0  }
0x7e: {  	[sflag:s3] =	ssyncadd.s32 $0xFFFFD000  }
0x7f: {  	[tilespmem:s6], [sflag:$0x3] =	stream.indirect.gather [hbm4b:s7+s13], $0x80, s16, s13, $0xb8;
	[tilespmem:$0xC800] =	vst v63  }
0x80: {  	_ =	swait.ge [sflag:s8], $0x3000  }
0x81: {  	[sflag:s8] =	ssyncset.done $0x0  }
0x82: {  	s0 =	rddreg [dreg:$0xe];
	[sflag:s8] =	ssyncadd.s32 $0xFFFFD000  }
0x83: {  	[hbm4b:s0+s2] =	stream.linear.scatter [tilespmem:s5], [sflag:$0x5], $0x3000, $0x38;
	[tilespmem:$0xC800] =	vst v63  }
0x84: {  	_ =	swait.ge [sflag:s3], $0x3000  }
0x85: {  	[sflag:s3] =	ssyncset.done $0x0  }
0x86: {  	[sflag:s3] =	ssyncadd.s32 $0xFFFFD000  }
0x87: {  	[tilespmem:s5], [sflag:$0x4] =	stream.indirect.gather [hbm4b:s7+s13], $0x80, s15, s13, $0xb8;
	[tilespmem:$0xC800] =	vst v63  }
0x88: {  	_ =	swait.ge [sflag:s14], $0x3000  }
0x89: {  	[sflag:s14] =	ssyncset.done $0x0  }
0x8a: {  	s0 =	rddreg [dreg:$0xf];
	[sflag:s14] =	ssyncadd.s32 $0xFFFFD000  }
0x8b: {  	[hbm4b:s0+s2] =	stream.linear.scatter [tilespmem:s11], [sflag:$0x5], $0x3000, $0x38;
	[tilespmem:$0xC800] =	vst v63  }
0x8c: {  	_ =	swait.ge [sflag:s3], $0x3000  }
0x8d: {  	[sflag:s3] =	ssyncset.done $0x0  }
0x8e: {  	[sflag:s3] =	ssyncadd.s32 $0xFFFFD000  }
0x8f: {  	_ =	swait.ge [sflag:s12], $0x3000  }
0x90: {  	[sflag:s12] =	ssyncset.done $0x0  }
0x91: {  	s0 =	rddreg [dreg:$0x10];
	[sflag:s12] =	ssyncadd.s32 $0xFFFFD000  }
0x92: {  	[hbm4b:s0+s2] =	stream.linear.scatter [tilespmem:s9], [sflag:$0x5], $0x3000, $0x38;
	[tilespmem:$0xC800] =	vst v63  }
0x93: {  	_ =	swait.ge [sflag:s3], $0x3000  }
0x94: {  	[sflag:s3] =	ssyncset.done $0x0  }
0x95: {  	[sflag:s3] =	ssyncadd.s32 $0xFFFFD000  }
0x96: {  	_ =	swait.ge [sflag:s10], $0x3000  }
0x97: {  	[sflag:s10] =	ssyncset.done $0x0  }
0x98: {  	s0 =	rddreg [dreg:$0x11];
	[sflag:s10] =	ssyncadd.s32 $0xFFFFD000  }
0x99: {  	[hbm4b:s0+s2] =	stream.linear.scatter [tilespmem:s6], [sflag:$0x5], $0x3000, $0x38;
	[tilespmem:$0xC800] =	vst v63  }
0x9a: {  	_ =	swait.ge [sflag:s3], $0x3000  }
0x9b: {  	[sflag:s3] =	ssyncset.done $0x0  }
0x9c: {  	[sflag:s3] =	ssyncadd.s32 $0xFFFFD000  }
0x9d: {  	p1 =	sne.s32 s1, $0x1;
	_ =	swait.ge [sflag:s8], $0x3000  }
.Ltmp1:
0x9e: {  	[sflag:s8] =	ssyncset.done $0x0;
	(pc) =	sbr.rel @!p1 .LBB2_3-.Ltmp1, $4  }
0x9f: {  	[sflag:s8] =	ssyncadd.s32 $0xFFFFD000  }
0xa0: {  	[hbm4b:s4+s2] =	stream.linear.scatter [tilespmem:s5], [sflag:$0x5], $0x3000, $0x38;
	[tilespmem:$0xC800] =	vst v63  }
0xa1: {  	s1 =	sadd.s32 $0xFFFFFFFF, s1;
	_ =	swait.ge [sflag:s3], $0x3000  }
0xa2: {  	p0 =	por $0x1, $0x1;
	s0 =	rddreg [dreg:$0x3];
	[sflag:s3] =	ssyncset.done $0x0  }
.LBB2_2:
0xa3: {  	[sflag:s3] =	ssyncadd.s32 $0xFFFFD000  }
0xa4: {  	[tilespmem:s2], [sflag:$0x5] =	stream.linear.gather [hbm4b:s0+s2], $0x800, $0x38;
	[tilespmem:$0xC800] =	vst v63  }
0xa5: {  	_ =	swait.ge [sflag:s3], $0x800  }
0xa6: {  	[sflag:s3] =	ssyncset.done $0x0  }
0xa7: {  	[sflag:s3] =	ssyncadd.s32 $0xFFFFF800  }
0xa8: {  	[tilespmem:s11], [sflag:$0x1] =	stream.indirect.gather [hbm4b:s7+s13], $0x80, s2, s13, $0xb8;
	[tilespmem:$0xC800] =	vst v63  }
0xa9: {  	_ = 	snop  }
0xaa: {  	[tilespmem:s9], [sflag:$0x2] =	stream.indirect.gather [hbm4b:s7+s13], $0x80, s29, s13, $0xb8;
	[tilespmem:$0xC800] =	vst v63  }
0xab: {  	_ = 	snop  }
0xac: {  	[tilespmem:s6], [sflag:$0x3] =	stream.indirect.gather [hbm4b:s7+s13], $0x80, s30, s13, $0xb8;
	[tilespmem:$0xC800] =	vst v63  }
0xad: {  	_ = 	snop  }
0xae: {  	[tilespmem:s5], [sflag:$0x4] =	stream.indirect.gather [hbm4b:s7+s13], $0x80, s31, s13, $0xb8;
	[tilespmem:$0xC800] =	vst v63  }
0xaf: {  	_ =	swait.ge [sflag:s14], $0x3000  }
0xb0: {  	[sflag:s14] =	ssyncset.done $0x0  }
0xb1: {  	[sflag:s14] =	ssyncadd.s32 $0xFFFFD000  }
0xb2: {  	[hbm4b:s20+s2] =	stream.linear.scatter [tilespmem:s11], [sflag:$0x5], $0x3000, $0x38;
	[tilespmem:$0xC800] =	vst v63  }
0xb3: {  	_ =	swait.ge [sflag:s3], $0x3000  }
0xb4: {  	[sflag:s3] =	ssyncset.done $0x0  }
0xb5: {  	[sflag:s3] =	ssyncadd.s32 $0xFFFFD000  }
0xb6: {  	[tilespmem:s11], [sflag:$0x1] =	stream.indirect.gather [hbm4b:s7+s13], $0x80, s28, s13, $0xb8;
	[tilespmem:$0xC800] =	vst v63  }
0xb7: {  	_ =	swait.ge [sflag:s12], $0x3000  }
0xb8: {  	[sflag:s12] =	ssyncset.done $0x0  }
0xb9: {  	s0 =	rddreg [dreg:$0x4];
	[sflag:s12] =	ssyncadd.s32 $0xFFFFD000  }
0xba: {  	[hbm4b:s0+s2] =	stream.linear.scatter [tilespmem:s9], [sflag:$0x5], $0x3000, $0x38;
	[tilespmem:$0xC800] =	vst v63  }
0xbb: {  	_ =	swait.ge [sflag:s3], $0x3000  }
0xbc: {  	[sflag:s3] =	ssyncset.done $0x0  }
0xbd: {  	[sflag:s3] =	ssyncadd.s32 $0xFFFFD000  }
0xbe: {  	[tilespmem:s9], [sflag:$0x2] =	stream.indirect.gather [hbm4b:s7+s13], $0x80, s26, s13, $0xb8;
	[tilespmem:$0xC800] =	vst v63  }
0xbf: {  	_ =	swait.ge [sflag:s10], $0x3000  }
0xc0: {  	[sflag:s10] =	ssyncset.done $0x0  }
0xc1: {  	s0 =	rddreg [dreg:$0x5];
	[sflag:s10] =	ssyncadd.s32 $0xFFFFD000  }
0xc2: {  	[hbm4b:s0+s2] =	stream.linear.scatter [tilespmem:s6], [sflag:$0x5], $0x3000, $0x38;
	[tilespmem:$0xC800] =	vst v63  }
0xc3: {  	_ =	swait.ge [sflag:s3], $0x3000  }
0xc4: {  	[sflag:s3] =	ssyncset.done $0x0  }
0xc5: {  	[sflag:s3] =	ssyncadd.s32 $0xFFFFD000  }
0xc6: {  	[tilespmem:s6], [sflag:$0x3] =	stream.indirect.gather [hbm4b:s7+s13], $0x80, s25, s13, $0xb8;
	[tilespmem:$0xC800] =	vst v63  }
0xc7: {  	_ =	swait.ge [sflag:s8], $0x3000  }
0xc8: {  	[sflag:s8] =	ssyncset.done $0x0  }
0xc9: {  	s0 =	rddreg [dreg:$0x6];
	[sflag:s8] =	ssyncadd.s32 $0xFFFFD000  }
0xca: {  	[hbm4b:s0+s2] =	stream.linear.scatter [tilespmem:s5], [sflag:$0x5], $0x3000, $0x38;
	[tilespmem:$0xC800] =	vst v63  }
0xcb: {  	_ =	swait.ge [sflag:s3], $0x3000  }
0xcc: {  	[sflag:s3] =	ssyncset.done $0x0  }
0xcd: {  	[sflag:s3] =	ssyncadd.s32 $0xFFFFD000  }
0xce: {  	[tilespmem:s5], [sflag:$0x4] =	stream.indirect.gather [hbm4b:s7+s13], $0x80, s24, s13, $0xb8;
	[tilespmem:$0xC800] =	vst v63  }
0xcf: {  	_ =	swait.ge [sflag:s14], $0x3000  }
0xd0: {  	[sflag:s14] =	ssyncset.done $0x0  }
0xd1: {  	s0 =	rddreg [dreg:$0x7];
	[sflag:s14] =	ssyncadd.s32 $0xFFFFD000  }
0xd2: {  	[hbm4b:s0+s2] =	stream.linear.scatter [tilespmem:s11], [sflag:$0x5], $0x3000, $0x38;
	[tilespmem:$0xC800] =	vst v63  }
0xd3: {  	_ =	swait.ge [sflag:s3], $0x3000  }
0xd4: {  	[sflag:s3] =	ssyncset.done $0x0  }
0xd5: {  	[sflag:s3] =	ssyncadd.s32 $0xFFFFD000  }
0xd6: {  	[tilespmem:s11], [sflag:$0x1] =	stream.indirect.gather [hbm4b:s7+s13], $0x80, s23, s13, $0xb8;
	[tilespmem:$0xC800] =	vst v63  }
0xd7: {  	_ =	swait.ge [sflag:s12], $0x3000  }
0xd8: {  	[sflag:s12] =	ssyncset.done $0x0  }
0xd9: {  	s0 =	rddreg [dreg:$0x8];
	[sflag:s12] =	ssyncadd.s32 $0xFFFFD000  }
0xda: {  	[hbm4b:s0+s2] =	stream.linear.scatter [tilespmem:s9], [sflag:$0x5], $0x3000, $0x38;
	[tilespmem:$0xC800] =	vst v63  }
0xdb: {  	_ =	swait.ge [sflag:s3], $0x3000  }
0xdc: {  	[sflag:s3] =	ssyncset.done $0x0  }
0xdd: {  	[sflag:s3] =	ssyncadd.s32 $0xFFFFD000  }
0xde: {  	[tilespmem:s9], [sflag:$0x2] =	stream.indirect.gather [hbm4b:s7+s13], $0x80, s22, s13, $0xb8;
	[tilespmem:$0xC800] =	vst v63  }
0xdf: {  	_ =	swait.ge [sflag:s10], $0x3000  }
0xe0: {  	[sflag:s10] =	ssyncset.done $0x0  }
0xe1: {  	s0 =	rddreg [dreg:$0x9];
	[sflag:s10] =	ssyncadd.s32 $0xFFFFD000  }
0xe2: {  	[hbm4b:s0+s2] =	stream.linear.scatter [tilespmem:s6], [sflag:$0x5], $0x3000, $0x38;
	[tilespmem:$0xC800] =	vst v63  }
0xe3: {  	_ =	swait.ge [sflag:s3], $0x3000  }
0xe4: {  	[sflag:s3] =	ssyncset.done $0x0  }
0xe5: {  	[sflag:s3] =	ssyncadd.s32 $0xFFFFD000  }
0xe6: {  	[tilespmem:s6], [sflag:$0x3] =	stream.indirect.gather [hbm4b:s7+s13], $0x80, s21, s13, $0xb8;
	[tilespmem:$0xC800] =	vst v63  }
0xe7: {  	_ =	swait.ge [sflag:s8], $0x3000  }
0xe8: {  	[sflag:s8] =	ssyncset.done $0x0  }
0xe9: {  	s0 =	rddreg [dreg:$0xa];
	[sflag:s8] =	ssyncadd.s32 $0xFFFFD000  }
0xea: {  	[hbm4b:s0+s2] =	stream.linear.scatter [tilespmem:s5], [sflag:$0x5], $0x3000, $0x38;
	[tilespmem:$0xC800] =	vst v63  }
0xeb: {  	_ =	swait.ge [sflag:s3], $0x3000  }
0xec: {  	[sflag:s3] =	ssyncset.done $0x0  }
0xed: {  	[sflag:s3] =	ssyncadd.s32 $0xFFFFD000  }
0xee: {  	[tilespmem:s5], [sflag:$0x4] =	stream.indirect.gather [hbm4b:s7+s13], $0x80, s19, s13, $0xb8;
	[tilespmem:$0xC800] =	vst v63  }
0xef: {  	_ =	swait.ge [sflag:s14], $0x3000  }
0xf0: {  	[sflag:s14] =	ssyncset.done $0x0  }
0xf1: {  	s0 =	rddreg [dreg:$0xb];
	[sflag:s14] =	ssyncadd.s32 $0xFFFFD000  }
0xf2: {  	[hbm4b:s0+s2] =	stream.linear.scatter [tilespmem:s11], [sflag:$0x5], $0x3000, $0x38;
	[tilespmem:$0xC800] =	vst v63  }
0xf3: {  	_ =	swait.ge [sflag:s3], $0x3000  }
0xf4: {  	[sflag:s3] =	ssyncset.done $0x0  }
0xf5: {  	[sflag:s3] =	ssyncadd.s32 $0xFFFFD000  }
0xf6: {  	[tilespmem:s11], [sflag:$0x1] =	stream.indirect.gather [hbm4b:s7+s13], $0x80, s18, s13, $0xb8;
	[tilespmem:$0xC800] =	vst v63  }
0xf7: {  	_ =	swait.ge [sflag:s12], $0x3000  }
0xf8: {  	[sflag:s12] =	ssyncset.done $0x0  }
0xf9: {  	s0 =	rddreg [dreg:$0xc];
	[sflag:s12] =	ssyncadd.s32 $0xFFFFD000  }
0xfa: {  	[hbm4b:s0+s2] =	stream.linear.scatter [tilespmem:s9], [sflag:$0x5], $0x3000, $0x38;
	[tilespmem:$0xC800] =	vst v63  }
0xfb: {  	_ =	swait.ge [sflag:s3], $0x3000  }
0xfc: {  	[sflag:s3] =	ssyncset.done $0x0  }
0xfd: {  	[sflag:s3] =	ssyncadd.s32 $0xFFFFD000  }
0xfe: {  	[tilespmem:s9], [sflag:$0x2] =	stream.indirect.gather [hbm4b:s7+s13], $0x80, s17, s13, $0xb8;
	[tilespmem:$0xC800] =	vst v63  }
0xff: {  	_ =	swait.ge [sflag:s10], $0x3000  }
0x100: {  	[sflag:s10] =	ssyncset.done $0x0  }
0x101: {  	s0 =	rddreg [dreg:$0xd];
	[sflag:s10] =	ssyncadd.s32 $0xFFFFD000  }
0x102: {  	[hbm4b:s0+s2] =	stream.linear.scatter [tilespmem:s6], [sflag:$0x5], $0x3000, $0x38;
	[tilespmem:$0xC800] =	vst v63  }
0x103: {  	_ =	swait.ge [sflag:s3], $0x3000  }
0x104: {  	[sflag:s3] =	ssyncset.done $0x0  }
0x105: {  	[sflag:s3] =	ssyncadd.s32 $0xFFFFD000  }
0x106: {  	[tilespmem:s6], [sflag:$0x3] =	stream.indirect.gather [hbm4b:s7+s13], $0x80, s16, s13, $0xb8;
	[tilespmem:$0xC800] =	vst v63  }
0x107: {  	_ =	swait.ge [sflag:s8], $0x3000  }
0x108: {  	[sflag:s8] =	ssyncset.done $0x0  }
0x109: {  	s0 =	rddreg [dreg:$0xe];
	[sflag:s8] =	ssyncadd.s32 $0xFFFFD000  }
0x10a: {  	[hbm4b:s0+s2] =	stream.linear.scatter [tilespmem:s5], [sflag:$0x5], $0x3000, $0x38;
	[tilespmem:$0xC800] =	vst v63  }
0x10b: {  	_ =	swait.ge [sflag:s3], $0x3000  }
0x10c: {  	[sflag:s3] =	ssyncset.done $0x0  }
0x10d: {  	[sflag:s3] =	ssyncadd.s32 $0xFFFFD000  }
0x10e: {  	[tilespmem:s5], [sflag:$0x4] =	stream.indirect.gather [hbm4b:s7+s13], $0x80, s15, s13, $0xb8;
	[tilespmem:$0xC800] =	vst v63  }
0x10f: {  	_ =	swait.ge [sflag:s14], $0x3000  }
0x110: {  	[sflag:s14] =	ssyncset.done $0x0  }
0x111: {  	s0 =	rddreg [dreg:$0xf];
	[sflag:s14] =	ssyncadd.s32 $0xFFFFD000  }
0x112: {  	[hbm4b:s0+s2] =	stream.linear.scatter [tilespmem:s11], [sflag:$0x5], $0x3000, $0x38;
	[tilespmem:$0xC800] =	vst v63  }
0x113: {  	_ =	swait.ge [sflag:s3], $0x3000  }
0x114: {  	[sflag:s3] =	ssyncset.done $0x0  }
0x115: {  	[sflag:s3] =	ssyncadd.s32 $0xFFFFD000  }
0x116: {  	_ =	swait.ge [sflag:s12], $0x3000  }
0x117: {  	[sflag:s12] =	ssyncset.done $0x0  }
0x118: {  	s0 =	rddreg [dreg:$0x10];
	[sflag:s12] =	ssyncadd.s32 $0xFFFFD000  }
0x119: {  	[hbm4b:s0+s2] =	stream.linear.scatter [tilespmem:s9], [sflag:$0x5], $0x3000, $0x38;
	[tilespmem:$0xC800] =	vst v63  }
0x11a: {  	_ =	swait.ge [sflag:s3], $0x3000  }
0x11b: {  	[sflag:s3] =	ssyncset.done $0x0  }
0x11c: {  	[sflag:s3] =	ssyncadd.s32 $0xFFFFD000  }
0x11d: {  	_ =	swait.ge [sflag:s10], $0x3000  }
0x11e: {  	[sflag:s10] =	ssyncset.done $0x0  }
0x11f: {  	s0 =	rddreg [dreg:$0x11];
	[sflag:s10] =	ssyncadd.s32 $0xFFFFD000  }
0x120: {  	[hbm4b:s0+s2] =	stream.linear.scatter [tilespmem:s6], [sflag:$0x5], $0x3000, $0x38;
	[tilespmem:$0xC800] =	vst v63  }
0x121: {  	_ =	swait.ge [sflag:s3], $0x3000  }
0x122: {  	[sflag:s3] =	ssyncset.done $0x0  }
0x123: {  	[sflag:s3] =	ssyncadd.s32 $0xFFFFD000  }
0x124: {  	p1 =	sne.s32 s1, $0x1;
	_ =	swait.ge [sflag:s8], $0x3000  }
.Ltmp2:
0x125: {  	[sflag:s8] =	ssyncset.done $0x0;
	(pc) =	sbr.rel @p1 .LBB2_2-.Ltmp2, $4  }
0x126: {  	[sflag:s8] =	ssyncadd.s32 $0xFFFFD000  }
0x127: {  	[hbm4b:s4+s2] =	stream.linear.scatter [tilespmem:s5], [sflag:$0x5], $0x3000, $0x38;
	[tilespmem:$0xC800] =	vst v63  }
0x128: {  	_ =	swait.ge [sflag:s3], $0x3000  }
0x129: {  	s1 =	sadd.s32 $0xFFFFFFFF, s1;
	s0 =	rddreg [dreg:$0x3];
	[sflag:s3] =	ssyncset.done $0x0  }
.LBB2_3:
0x12a: {  	[sflag:s3] =	ssyncadd.s32 @p0 $0xFFFFD000  }
0x12b: {  	[tilespmem:s2], [sflag:$0x5] =	stream.linear.gather [hbm4b:s0+s2], $0x800, $0x38;
	[tilespmem:$0xC800] =	vst v63  }
0x12c: {  	_ =	swait.ge [sflag:s3], $0x800  }
0x12d: {  	[sflag:s3] =	ssyncset.done $0x0  }
0x12e: {  	[sflag:s3] =	ssyncadd.s32 $0xFFFFF800  }
0x12f: {  	[tilespmem:s11], [sflag:$0x1] =	stream.indirect.gather [hbm4b:s7+s13], $0x80, s2, s13, $0xb8;
	[tilespmem:$0xC800] =	vst v63  }
0x130: {  	_ = 	snop  }
0x131: {  	[tilespmem:s9], [sflag:$0x2] =	stream.indirect.gather [hbm4b:s7+s13], $0x80, s29, s13, $0xb8;
	[tilespmem:$0xC800] =	vst v63  }
0x132: {  	_ = 	snop  }
0x133: {  	[tilespmem:s6], [sflag:$0x3] =	stream.indirect.gather [hbm4b:s7+s13], $0x80, s30, s13, $0xb8;
	[tilespmem:$0xC800] =	vst v63  }
0x134: {  	_ = 	snop  }
0x135: {  	[tilespmem:s5], [sflag:$0x4] =	stream.indirect.gather [hbm4b:s7+s13], $0x80, s31, s13, $0xb8;
	[tilespmem:$0xC800] =	vst v63  }
0x136: {  	_ =	swait.ge [sflag:s14], $0x3000  }
0x137: {  	[sflag:s14] =	ssyncset.done $0x0  }
0x138: {  	[sflag:s14] =	ssyncadd.s32 $0xFFFFD000  }
0x139: {  	[hbm4b:s20+s2] =	stream.linear.scatter [tilespmem:s11], [sflag:$0x5], $0x3000, $0x38;
	[tilespmem:$0xC800] =	vst v63  }
0x13a: {  	_ =	swait.ge [sflag:s3], $0x3000  }
0x13b: {  	[sflag:s3] =	ssyncset.done $0x0  }
0x13c: {  	[sflag:s3] =	ssyncadd.s32 $0xFFFFD000  }
0x13d: {  	[tilespmem:s11], [sflag:$0x1] =	stream.indirect.gather [hbm4b:s7+s13], $0x80, s28, s13, $0xb8;
	[tilespmem:$0xC800] =	vst v63  }
0x13e: {  	_ =	swait.ge [sflag:s12], $0x3000  }
0x13f: {  	[sflag:s12] =	ssyncset.done $0x0  }
0x140: {  	s28 =	rddreg [dreg:$0x4];
	[sflag:s12] =	ssyncadd.s32 $0xFFFFD000  }
0x141: {  	[hbm4b:s28+s2] =	stream.linear.scatter [tilespmem:s9], [sflag:$0x5], $0x3000, $0x38;
	[tilespmem:$0xC800] =	vst v63  }
0x142: {  	_ =	swait.ge [sflag:s3], $0x3000  }
0x143: {  	[sflag:s3] =	ssyncset.done $0x0  }
0x144: {  	[sflag:s3] =	ssyncadd.s32 $0xFFFFD000  }
0x145: {  	[tilespmem:s9], [sflag:$0x2] =	stream.indirect.gather [hbm4b:s7+s13], $0x80, s26, s13, $0xb8;
	[tilespmem:$0xC800] =	vst v63  }
0x146: {  	_ =	swait.ge [sflag:s10], $0x3000  }
0x147: {  	[sflag:s10] =	ssyncset.done $0x0  }
0x148: {  	s29 =	rddreg [dreg:$0x5];
	[sflag:s10] =	ssyncadd.s32 $0xFFFFD000  }
0x149: {  	[hbm4b:s29+s2] =	stream.linear.scatter [tilespmem:s6], [sflag:$0x5], $0x3000, $0x38;
	[tilespmem:$0xC800] =	vst v63  }
0x14a: {  	_ =	swait.ge [sflag:s3], $0x3000  }
0x14b: {  	[sflag:s3] =	ssyncset.done $0x0  }
0x14c: {  	[sflag:s3] =	ssyncadd.s32 $0xFFFFD000  }
0x14d: {  	[tilespmem:s6], [sflag:$0x3] =	stream.indirect.gather [hbm4b:s7+s13], $0x80, s25, s13, $0xb8;
	[tilespmem:$0xC800] =	vst v63  }
0x14e: {  	_ =	swait.ge [sflag:s8], $0x3000  }
0x14f: {  	[sflag:s8] =	ssyncset.done $0x0  }
0x150: {  	s30 =	rddreg [dreg:$0x6];
	[sflag:s8] =	ssyncadd.s32 $0xFFFFD000  }
0x151: {  	[hbm4b:s30+s2] =	stream.linear.scatter [tilespmem:s5], [sflag:$0x5], $0x3000, $0x38;
	[tilespmem:$0xC800] =	vst v63  }
0x152: {  	_ =	swait.ge [sflag:s3], $0x3000  }
0x153: {  	[sflag:s3] =	ssyncset.done $0x0  }
0x154: {  	[sflag:s3] =	ssyncadd.s32 $0xFFFFD000  }
0x155: {  	[tilespmem:s5], [sflag:$0x4] =	stream.indirect.gather [hbm4b:s7+s13], $0x80, s24, s13, $0xb8;
	[tilespmem:$0xC800] =	vst v63  }
0x156: {  	_ =	swait.ge [sflag:s14], $0x3000  }
0x157: {  	[sflag:s14] =	ssyncset.done $0x0  }
0x158: {  	s31 =	rddreg [dreg:$0x7];
	[sflag:s14] =	ssyncadd.s32 $0xFFFFD000  }
0x159: {  	[hbm4b:s31+s2] =	stream.linear.scatter [tilespmem:s11], [sflag:$0x5], $0x3000, $0x38;
	[tilespmem:$0xC800] =	vst v63  }
0x15a: {  	_ =	swait.ge [sflag:s3], $0x3000  }
0x15b: {  	[sflag:s3] =	ssyncset.done $0x0  }
0x15c: {  	[sflag:s3] =	ssyncadd.s32 $0xFFFFD000  }
0x15d: {  	[tilespmem:s11], [sflag:$0x1] =	stream.indirect.gather [hbm4b:s7+s13], $0x80, s23, s13, $0xb8;
	[tilespmem:$0xC800] =	vst v63  }
0x15e: {  	_ =	swait.ge [sflag:s12], $0x3000  }
0x15f: {  	[sflag:s12] =	ssyncset.done $0x0  }
0x160: {  	s1 =	rddreg [dreg:$0x8];
	[sflag:s12] =	ssyncadd.s32 $0xFFFFD000  }
0x161: {  	[hbm4b:s1+s2] =	stream.linear.scatter [tilespmem:s9], [sflag:$0x5], $0x3000, $0x38;
	[tilespmem:$0xC800] =	vst v63  }
0x162: {  	_ =	swait.ge [sflag:s3], $0x3000  }
0x163: {  	[sflag:s3] =	ssyncset.done $0x0  }
0x164: {  	[sflag:s3] =	ssyncadd.s32 $0xFFFFD000  }
0x165: {  	[tilespmem:s9], [sflag:$0x2] =	stream.indirect.gather [hbm4b:s7+s13], $0x80, s22, s13, $0xb8;
	[tilespmem:$0xC800] =	vst v63  }
0x166: {  	_ =	swait.ge [sflag:s10], $0x3000  }
0x167: {  	[sflag:s10] =	ssyncset.done $0x0  }
0x168: {  	s20 =	rddreg [dreg:$0x9];
	[sflag:s10] =	ssyncadd.s32 $0xFFFFD000  }
0x169: {  	[hbm4b:s20+s2] =	stream.linear.scatter [tilespmem:s6], [sflag:$0x5], $0x3000, $0x38;
	[tilespmem:$0xC800] =	vst v63  }
0x16a: {  	_ =	swait.ge [sflag:s3], $0x3000  }
0x16b: {  	[sflag:s3] =	ssyncset.done $0x0  }
0x16c: {  	[sflag:s3] =	ssyncadd.s32 $0xFFFFD000  }
0x16d: {  	[tilespmem:s6], [sflag:$0x3] =	stream.indirect.gather [hbm4b:s7+s13], $0x80, s21, s13, $0xb8;
	[tilespmem:$0xC800] =	vst v63  }
0x16e: {  	_ =	swait.ge [sflag:s8], $0x3000  }
0x16f: {  	[sflag:s8] =	ssyncset.done $0x0  }
0x170: {  	s22 =	rddreg [dreg:$0xa];
	[sflag:s8] =	ssyncadd.s32 $0xFFFFD000  }
0x171: {  	[hbm4b:s22+s2] =	stream.linear.scatter [tilespmem:s5], [sflag:$0x5], $0x3000, $0x38;
	[tilespmem:$0xC800] =	vst v63  }
0x172: {  	_ =	swait.ge [sflag:s3], $0x3000  }
0x173: {  	[sflag:s3] =	ssyncset.done $0x0  }
0x174: {  	[sflag:s3] =	ssyncadd.s32 $0xFFFFD000  }
0x175: {  	[tilespmem:s5], [sflag:$0x4] =	stream.indirect.gather [hbm4b:s7+s13], $0x80, s19, s13, $0xb8;
	[tilespmem:$0xC800] =	vst v63  }
0x176: {  	_ =	swait.ge [sflag:s14], $0x3000  }
0x177: {  	[sflag:s14] =	ssyncset.done $0x0  }
0x178: {  	s23 =	rddreg [dreg:$0xb];
	[sflag:s14] =	ssyncadd.s32 $0xFFFFD000  }
0x179: {  	[hbm4b:s23+s2] =	stream.linear.scatter [tilespmem:s11], [sflag:$0x5], $0x3000, $0x38;
	[tilespmem:$0xC800] =	vst v63  }
0x17a: {  	_ =	swait.ge [sflag:s3], $0x3000  }
0x17b: {  	[sflag:s3] =	ssyncset.done $0x0  }
0x17c: {  	[sflag:s3] =	ssyncadd.s32 $0xFFFFD000  }
0x17d: {  	[tilespmem:s11], [sflag:$0x1] =	stream.indirect.gather [hbm4b:s7+s13], $0x80, s18, s13, $0xb8;
	[tilespmem:$0xC800] =	vst v63  }
0x17e: {  	_ =	swait.ge [sflag:s12], $0x3000  }
0x17f: {  	[sflag:s12] =	ssyncset.done $0x0  }
0x180: {  	s24 =	rddreg [dreg:$0xc];
	[sflag:s12] =	ssyncadd.s32 $0xFFFFD000  }
0x181: {  	[hbm4b:s24+s2] =	stream.linear.scatter [tilespmem:s9], [sflag:$0x5], $0x3000, $0x38;
	[tilespmem:$0xC800] =	vst v63  }
0x182: {  	_ =	swait.ge [sflag:s3], $0x3000  }
0x183: {  	[sflag:s3] =	ssyncset.done $0x0  }
0x184: {  	[sflag:s3] =	ssyncadd.s32 $0xFFFFD000  }
0x185: {  	[tilespmem:s9], [sflag:$0x2] =	stream.indirect.gather [hbm4b:s7+s13], $0x80, s17, s13, $0xb8;
	[tilespmem:$0xC800] =	vst v63  }
0x186: {  	_ =	swait.ge [sflag:s10], $0x3000  }
0x187: {  	[sflag:s10] =	ssyncset.done $0x0  }
0x188: {  	s25 =	rddreg [dreg:$0xd];
	[sflag:s10] =	ssyncadd.s32 $0xFFFFD000  }
0x189: {  	[hbm4b:s25+s2] =	stream.linear.scatter [tilespmem:s6], [sflag:$0x5], $0x3000, $0x38;
	[tilespmem:$0xC800] =	vst v63  }
0x18a: {  	_ =	swait.ge [sflag:s3], $0x3000  }
0x18b: {  	[sflag:s3] =	ssyncset.done $0x0  }
0x18c: {  	[sflag:s3] =	ssyncadd.s32 $0xFFFFD000  }
0x18d: {  	[tilespmem:s6], [sflag:$0x3] =	stream.indirect.gather [hbm4b:s7+s13], $0x80, s16, s13, $0xb8;
	[tilespmem:$0xC800] =	vst v63  }
0x18e: {  	_ =	swait.ge [sflag:s8], $0x3000  }
0x18f: {  	[sflag:s8] =	ssyncset.done $0x0  }
0x190: {  	s26 =	rddreg [dreg:$0xe];
	[sflag:s8] =	ssyncadd.s32 $0xFFFFD000  }
0x191: {  	[hbm4b:s26+s2] =	stream.linear.scatter [tilespmem:s5], [sflag:$0x5], $0x3000, $0x38;
	[tilespmem:$0xC800] =	vst v63  }
0x192: {  	_ =	swait.ge [sflag:s3], $0x3000  }
0x193: {  	[sflag:s3] =	ssyncset.done $0x0  }
0x194: {  	[sflag:s3] =	ssyncadd.s32 $0xFFFFD000  }
0x195: {  	[tilespmem:s5], [sflag:$0x4] =	stream.indirect.gather [hbm4b:s7+s13], $0x80, s15, s13, $0xb8;
	[tilespmem:$0xC800] =	vst v63  }
0x196: {  	_ =	swait.ge [sflag:s14], $0x3000  }
0x197: {  	[sflag:s14] =	ssyncset.done $0x0  }
0x198: {  	s28 =	rddreg [dreg:$0xf];
	[sflag:s14] =	ssyncadd.s32 $0xFFFFD000  }
0x199: {  	[hbm4b:s28+s2] =	stream.linear.scatter [tilespmem:s11], [sflag:$0x5], $0x3000, $0x38;
	[tilespmem:$0xC800] =	vst v63  }
0x19a: {  	_ =	swait.ge [sflag:s3], $0x3000  }
0x19b: {  	[sflag:s3] =	ssyncset.done $0x0  }
0x19c: {  	[sflag:s3] =	ssyncadd.s32 $0xFFFFD000  }
0x19d: {  	_ =	swait.ge [sflag:s12], $0x3000  }
0x19e: {  	[sflag:s12] =	ssyncset.done $0x0  }
0x19f: {  	s29 =	rddreg [dreg:$0x10];
	[sflag:s12] =	ssyncadd.s32 $0xFFFFD000  }
0x1a0: {  	[hbm4b:s29+s2] =	stream.linear.scatter [tilespmem:s9], [sflag:$0x5], $0x3000, $0x38;
	[tilespmem:$0xC800] =	vst v63  }
0x1a1: {  	_ =	swait.ge [sflag:s3], $0x3000  }
0x1a2: {  	[sflag:s3] =	ssyncset.done $0x0  }
0x1a3: {  	[sflag:s3] =	ssyncadd.s32 $0xFFFFD000  }
0x1a4: {  	_ =	swait.ge [sflag:s10], $0x3000  }
0x1a5: {  	[sflag:s10] =	ssyncset.done $0x0  }
0x1a6: {  	s30 =	rddreg [dreg:$0x11];
	[sflag:s10] =	ssyncadd.s32 $0xFFFFD000  }
0x1a7: {  	[hbm4b:s30+s2] =	stream.linear.scatter [tilespmem:s6], [sflag:$0x5], $0x3000, $0x38;
	[tilespmem:$0xC800] =	vst v63  }
0x1a8: {  	_ =	swait.ge [sflag:s3], $0x3000  }
0x1a9: {  	[sflag:s3] =	ssyncset.done $0x0  }
0x1aa: {  	[sflag:s3] =	ssyncadd.s32 $0xFFFFD000  }
0x1ab: {  	_ =	swait.ge [sflag:s8], $0x3000  }
0x1ac: {  	[sflag:s8] =	ssyncset.done $0x0  }
0x1ad: {  	[sflag:s8] =	ssyncadd.s32 $0xFFFFD000  }
0x1ae: {  	[hbm4b:s4+s2] =	stream.linear.scatter [tilespmem:s5], [sflag:$0x5], $0x3000, $0x38;
	[tilespmem:$0xC800] =	vst v63  }
0x1af: {  	_ =	swait.ge [sflag:s3], $0x3000  }
0x1b0: {  	[sflag:s3] =	ssyncset.done $0x0  }
0x1b1: {  	[sflag:s3] =	ssyncadd.s32 $0xFFFFD000  }
0x1b2: {  	_ =	sfence.sel $0x180000  }
0x1b3: {  	[bflag:$0x0] =	sbarrier.arrive $0xFFFF  }
0x1b4: {  	_ =	strace $0x9000004A  }
0x1b5: {  	s31 =	stileid.u32;
	[bflag:$0x2] =	sbarrier.arrive $0xFFFF  }
0x1b6: {  	p0 =	sne.s32 s31, $0x0;
	s0 =	rddreg [dreg:$0x2]  }
0x1b7: {  	s0 =	sadd.s32 @!p0 $0x100000, s0  }
0x1b8: {  	[sflag:s0] =	ssyncadd.tile.s32 @!p0 $0x1;
	_ =	shalt  }
.Lfunc_end2:
_tile_overlayer_lowered:
.L_overlay_start_2:
0x1b9: {  	(tag) =	ssettag $0x2  }
0x1ba: {  	s0 =	rddreg [dreg:$0x0];
	s2 =	stileid.u32  }
0x1bb: {  	s1 =	rddreg [dreg:$0x1];
	p0 =	sne.s32 s2, $0x0  }
0x1bc: {  	s3 =	rddreg [dreg:$0x2];
	[bflag:$0x3] =	sbarrier.arrive $0xFFFF;
	s2 =	simm.s32 @!p0 $0x1C05  }
0x1bd: {  	[timem:s3], [sflag:s2] =	dma.local @!p0 [hbm:s0], s1  }
0x1be: {  	s0 =	simm.s32 @!p0 $0x5  }
0x1bf: {  	_ =	swait.ge @!p0 [sflag:s0], s1  }
0x1c0: {  	s1 =	ssub.s32 @!p0 $0x0, s1;
	[sflag:s0] =	ssyncset.done @!p0 $0x0  }
0x1c1: {  	[sflag:s0] =	ssyncadd.s32 @!p0 s1  }
0x1c2: {  	[bflag:$0x3] =	sbarrier.arrive $0xFFFF  }
0x1c3: {  	_ =	shalt  }

// kernel: kernel.15.cloned.1.call-start
scs
__scs_entry_jumppad:
0x0: {  	(pc) =	sbr.rel $0x88, $3  }
0x1: {  	(tag) =	ssettag $0x0;
	lr =	simm.s32 $0x1  }
0x2: {  	[smem:$0x3F9F] =	sst lr;
	_ =	strace $0xD0000000  }
0x3: {  	_ = 	snop  }
0x4: {  	_ = 	snop  }
0x5: {  	_ = 	snop  }
0x6: {  	_ = 	snop  }
0x7: {  	_ = 	snop  }
__scs_overlays_trampoline_lowered:
0x8: {  	[smem:$0x3FAE] =	sst s0  }
0x9: {  	[smem:$0x3FAF] =	sst s1  }
0xa: {  	[smem:$0x3FB0] =	sst s2  }
0xb: {  	[smem:$0x3FB1] =	sst s3  }
0xc: {  	[smem:$0x3FB2] =	sst s4  }
0xd: {  	[smem:$0x3FB3] =	sst s5  }
0xe: {  	[smem:$0x3FB4] =	sst s6  }
0xf: {  	[smem:$0x3FB5] =	sst s7  }
0x10: {  	[smem:$0x3FB6] =	sst s8  }
0x11: {  	[smem:$0x3FB7] =	sst s9;
	s0 =	simm.s32 @!p0 $0x0  }
0x12: {  	s1 =	sld [smem:$0x3F9D];
	s0 =	simm.s32 @p0 $0x1  }
0x13: {  	[smem:$0x3FB8] =	sst s0;
	s0 =	simm.s32 @!p1 $0x0  }
0x14: {  	s2 =	sld [smem:$0x3F9C];
	s0 =	simm.s32 @p1 $0x1  }
0x15: {  	[smem:$0x3FB9] =	sst s0;
	s0 =	simm.s32 @!p2 $0x0  }
0x16: {  	s3 =	sld [smem:$0x3FDB];
	s0 =	simm.s32 @p2 $0x1  }
0x17: {  	s4 =	simm.s32 $0x1BF5;
	[smem:$0x3FBB] =	sst s0  }
0x18: {  	s0 =	sld [smem:$0x3F9E];
	_ =	swait.ge [sflag:s4], $0x0  }
0x19: {  	s7 =	sld [smem:$0x3F9F]  }
0x1a: {  	s8 =	sadd.s32 $0xFFFFE003, lr  }
0x1b: {  	s9 =	sadd.s32 $0xFFFFFEF7, lr;
	s5 =	simm.s32 $0xFFFFFFFF;
	p2 =	slt.u32 s8, $0xFFFFF086  }
0x1c: {  	p1 =	slt.u32 s9, $0xF7A;
	s5 =	simm.s32 @!p2 $0x0  }
0x1d: {  	s5 =	simm.s32 @p1 $0x1;
	p0 =	seq.s32 s7, s2  }
0x1e: {  	s7 =	smul.u32 @!p0 $0xF7A, s2;
	p2 =	seq.s32 @!p0 s5, $0x0  }
0x1f: {  	s9 =	smul.u32 $0xF7A, s1;
	s8 =	simm.s32 @!p0 $0x1BF5;
	p2 =	por !p2, p0  }
0x20: {  	[sflag:s8] =	ssyncset.s32 @!p0 $0xFFFFF086;
	s6 =	sadd.s32 @!p0 s3, s7;
	s7 =	simm.s32 @!p0 $0x108  }
0x21: {  	s3 =	sadd.s32 s3, s9;
	s6 =	sadd.s32 @!p0 $0x88, s6;
	s7 =	simm.s32 @p2 $0x1082  }
0x22: {  	[simem:s7], [sflag:s8] =	dma.local @!p0 [hbm:s6], $0xF7A  }
0x23: {  	s9 =	sor.u32 $0xD0000000, s2;
	s6 =	simm.s32 $0x108;
	_ =	swait.ge @!p0 [sflag:s8], $0x0  }
0x24: {  	s3 =	sadd.s32 $0x88, s3;
	s6 =	simm.s32 @!p1 $0x1082;
	[sflag:s4] =	ssyncset.s32 $0xFFFFF086  }
0x25: {  	[simem:s6], [sflag:s4] =	dma.local [hbm:s3], $0xF7A  }
0x26: {  	[smem:$0x3F9F] =	sst s1;
	(tag) =	ssettag s2;
	_ =	strace s9  }
0x27: {  	s1 =	sld [smem:$0x3FAF]  }
0x28: {  	s2 =	sld [smem:$0x3FB0]  }
0x29: {  	s4 =	sld [smem:$0x3FB2]  }
0x2a: {  	p0 =	seq.s32 s5, $0x0;
	s5 =	sld [smem:$0x3FB3]  }
0x2b: {  	s6 =	sld [smem:$0x3FB4]  }
0x2c: {  	s7 =	sld [smem:$0x3FB5]  }
0x2d: {  	s3 =	simm.s32 $0x108;
	s8 =	sld [smem:$0x3FB6]  }
0x2e: {  	s3 =	simm.s32 @!p0 $0x1082;
	s9 =	sld [smem:$0x3FB7]  }
0x2f: {  	lr =	sadd.s32 s0, s3;
	s0 =	sld [smem:$0x3FAE]  }
0x30: {  	s3 =	sld [smem:$0x3FB1]  }
0x31: {  	[smem:$0x3FBA] =	sst s10  }
0x32: {  	s10 =	sld [smem:$0x3FB8];
	_ =	sdelay $0x3  }
0x33: {  	p0 =	seq.s32 s10, $0x1;
	s10 =	sld [smem:$0x3FBA];
	_ =	sdelay $0x3  }
0x34: {  	[smem:$0x3FBA] =	sst s10  }
0x35: {  	s10 =	sld [smem:$0x3FB9];
	_ =	sdelay $0x3  }
0x36: {  	p1 =	seq.s32 s10, $0x1;
	s10 =	sld [smem:$0x3FBA];
	_ =	sdelay $0x3  }
0x37: {  	[smem:$0x3FBA] =	sst s10  }
0x38: {  	s10 =	sld [smem:$0x3FBB]  }
0x39: {  	_ = 	snop;
	(pc) =	sbr.ind lr, $3  }
0x3a: {  	_ = 	snop  }
0x3b: {  	_ = 	snop  }
0x3c: {  	p2 =	seq.s32 s10, $0x1;
	s10 =	sld [smem:$0x3FBA]  }
0x3d: {  	_ =	shalt  }
0x3e: {  	_ =	shalt  }
0x3f: {  	_ =	shalt  }
0x40: {  	_ =	shalt  }
0x41: {  	_ =	shalt  }
0x42: {  	_ =	shalt  }
0x43: {  	_ =	shalt  }
0x44: {  	_ =	shalt  }
0x45: {  	_ =	shalt  }
0x46: {  	_ =	shalt  }
0x47: {  	_ =	shalt  }
0x48: {  	_ =	shalt  }
0x49: {  	_ =	shalt  }
0x4a: {  	_ =	shalt  }
0x4b: {  	_ =	shalt  }
0x4c: {  	_ =	shalt  }
0x4d: {  	_ =	shalt  }
0x4e: {  	_ =	shalt  }
0x4f: {  	_ =	shalt  }
0x50: {  	_ =	shalt  }
0x51: {  	_ =	shalt  }
0x52: {  	_ =	shalt  }
0x53: {  	_ =	shalt  }
0x54: {  	_ =	shalt  }
0x55: {  	_ =	shalt  }
0x56: {  	_ =	shalt  }
0x57: {  	_ =	shalt  }
0x58: {  	_ =	shalt  }
0x59: {  	_ =	shalt  }
0x5a: {  	_ =	shalt  }
0x5b: {  	_ =	shalt  }
0x5c: {  	_ =	shalt  }
0x5d: {  	_ =	shalt  }
0x5e: {  	_ =	shalt  }
0x5f: {  	_ =	shalt  }
0x60: {  	_ =	shalt  }
0x61: {  	_ =	shalt  }
0x62: {  	_ =	shalt  }
0x63: {  	_ =	shalt  }
0x64: {  	_ =	shalt  }
0x65: {  	_ =	shalt  }
0x66: {  	_ =	shalt  }
0x67: {  	_ =	shalt  }
0x68: {  	_ =	shalt  }
0x69: {  	_ =	shalt  }
0x6a: {  	_ =	shalt  }
0x6b: {  	_ =	shalt  }
0x6c: {  	_ =	shalt  }
0x6d: {  	_ =	shalt  }
0x6e: {  	_ =	shalt  }
0x6f: {  	_ =	shalt  }
0x70: {  	_ =	shalt  }
0x71: {  	_ =	shalt  }
0x72: {  	_ =	shalt  }
0x73: {  	_ =	shalt  }
0x74: {  	_ =	shalt  }
0x75: {  	_ =	shalt  }
0x76: {  	_ =	shalt  }
0x77: {  	_ =	shalt  }
0x78: {  	_ =	shalt  }
0x79: {  	_ =	shalt  }
0x7a: {  	_ =	shalt  }
0x7b: {  	_ =	shalt  }
0x7c: {  	_ =	shalt  }
0x7d: {  	_ =	shalt  }
0x7e: {  	_ =	shalt  }
0x7f: {  	_ =	shalt  }
0x80: {  	_ =	shalt  }
0x81: {  	_ =	shalt  }
0x82: {  	_ =	shalt  }
0x83: {  	_ =	shalt  }
0x84: {  	_ =	shalt  }
0x85: {  	_ =	shalt  }
0x86: {  	_ =	shalt  }
0x87: {  	_ =	shalt  }
.Lfunc_end0:
.L_simem_size_0:
called_computation.2_lowered:
.L_overlay_start_0:
0x88: {  	s2 =	sld [smem:$0x3FD9]  }
0x89: {  	s3 =	sld [smem:$0x3FFE];
	_ =	sdelay $0x1  }
0x8a: {  	s1 =	srdreg.scid  }
0x8b: {  	s0 =	sand.u32 $0x1, s1  }
0x8c: {  	s17 =	sshll.u32 s0, $0xA;
	s2 =	sadd.s32 s3, s2  }
0x8d: {  	s2 =	sadd.s32 s2, s17  }
0x8e: {  	[smem:$0x3FC6] =	sst s2  }
0x8f: {  	_ = 	snop  }
0x90: {  	s2 =	sld [smem:$0x3FD0];
	(tm) =	ssettm $0x1  }
0x91: {  	s18 =	sld [smem:$0x3FFB];
	_ =	sdelay $0x3  }
0x92: {  	_ =	strace s18  }
0x93: {  	s3 =	sld [smem:$0x3FFC];
	_ =	sdelay $0x3  }
0x94: {  	_ =	strace s3  }
0x95: {  	s3 =	sld [smem:$0x3FFD];
	_ =	sdelay $0x3  }
0x96: {  	_ =	strace s3  }
0x97: {  	_ =	strace $0x8FFFFFFF  }
0x98: {  	s19 =	sld [smem:$0x3FDB];
	_ =	sdelay $0x1  }
0x99: {  	s4 =	simm.s32 $_scs_section_size  }
0x9a: {  	s5 =	simm.s32 $_size__tile_overlayer_lowered;
	s6 =	simm.s32 $_tile_overlayer_lowered  }
0x9b: {  	s22 =	simm.s32 $0x1BFF;
	s21 =	sshll.u32 s6, $0x1;
	s3 =	sadd.s32 s4, s19  }
0x9c: {  	s7 =	simm.s32 $0x0;
	s20 =	sshll.u32 s5, $0x1;
	s5 =	sadd.s32 s21, s3  }
0x9d: {  	[timem:s7], [sflag:s22] =	dma.local [hbm:s5], s20  }
0x9e: {  	_ =	swait.ge [sflag:s22], s20  }
0x9f: {  	s4 =	ssub.s32 $0x0, s20;
	[sflag:s22] =	ssyncset.done $0x0  }
0xa0: {  	[sflag:s22] =	ssyncadd.s32 s4;
	_ =	sdelay $0x1  }
0xa1: {  	s23 =	simm.s32 $0x1B8B  }
0xa2: {  	_ =	swait.ge [sflag:s23], $0x1  }
0xa3: {  	[sflag:s23] =	ssyncset.done $0x0  }
0xa4: {  	s25 =	simm.s32 $0x1B8E;
	s24 =	sld [smem:$0x3FFE];
	[sflag:s23] =	ssyncadd.s32 $0xFFFFFFFF  }
0xa5: {  	s26 =	simm.s32 $execute0_lowered;
	[smem:$0x3FD2] =	sst s25  }
0xa6: {  	s5 =	sshll.u32 s26, $0x1;
	_ =	strace $0x8000004C;
	[dreg:$0x1] =	wrdreg $0xFFFFFFFF  }
0xa7: {  	s28 =	simm.s32 $_size_execute0_lowered;
	s3 =	sadd.s32 s3, s5;
	[dreg:$0x0] =	wrdreg $0x0  }
0xa8: {  	s5 =	sshll.u32 s28, $0x1;
	[dreg:$0x2] =	wrdreg s3  }
0xa9: {  	[dreg:$0x3] =	wrdreg s5  }
0xaa: {  	[dreg:$0x4] =	wrdreg $0xC0  }
0xab: {  	_ =	task [dreg:s7], $0x5FFFF  }
0xac: {  	[dreg:$0x1] =	wrdreg $0xFFFFFFFF  }
0xad: {  	[dreg:$0x0] =	wrdreg $0x60  }
0xae: {  	[dreg:$0x2] =	wrdreg s24  }
0xaf: {  	[dreg:$0x3] =	wrdreg s2  }
0xb0: {  	[dreg:$0x4] =	wrdreg $0x9  }
0xb1: {  	_ =	task.clear_ibuf [dreg:s7], $0x5FFFF;
	_ =	strace $0x9000004C  }
0xb2: {  	s29 =	simm.s32 $0x9;
	_ =	strace $0x8000004E  }
0xb3: {  	_ =	swait.ge [sflag:s29], $0x1  }
0xb4: {  	[sflag:s29] =	ssyncadd.s32 $0xFFFFFFFF  }
0xb5: {  	_ =	strace $0x9000004E  }
0xb6: {  	_ =	sfence  }
0xb7: {  	s30 =	sld [smem:$0x0];
	_ =	sdelay $0x2  }
0xb8: {  	s31 =	sshll.u32 s1, $0xD;
	s1 =	sshrl.u32 s1, $0x2  }
0xb9: {  	s3 =	sand.u32 $0x4000, s31;
	s1 =	sadd.s32 s1, s30  }
0xba: {  	s0 =	sor.u32 s3, s0;
	s1 =	sshll.u32 s1, $0x11  }
0xbb: {  	s0 =	sor.u32 s1, s0  }
0xbc: {  	s0 =	sadd.s32 $0x8F2B, s0  }
0xbd: {  	[sflag:s0] =	ssyncadd.remote.s32 $0x1  }
0xbe: {  	_ =	sfence.sel $0xFFFF  }
0xbf: {  	[dreg:$0x0] =	wrdreg $0xFFFFFFFF;
	(pc) =	sbr.abs _section_cstart, $3  }
0xc0: {  	[dreg:$0x1] =	wrdreg $0xFFFFFFFF  }
0xc1: {  	_ =	task.clear_ibuf [dreg:s7], $0x2FFFF;
	_ =	strace $0x9FFFFFFF  }
0xc2: {  	(tm) =	ssettm $0x7FFFFFFF  }
0xc3: {  	_ =	shalt  }
tec
execute0_lowered:
.L_overlay_start_1:
0x0: {  	(tag) =	ssettag $0x1  }
0x1: {  	s0 =	srdreg.scid;
	s1 =	rddreg [dreg:$0x0]  }
0x2: {  	s2 =	stileid.u32;
	s3 =	rddreg [dreg:$0x1];
	s29 =	simm.s32 $0x80  }
0x3: {  	s9 =	simm.s32 $0x3800;
	s30 =	simm.s32 $0x100;
	s31 =	simm.s32 $0x180  }
0x4: {  	s28 =	simm.s32 $0x200;
	s10 =	simm.s32 $0x3;
	s8 =	simm.s32 $0x4  }
0x5: {  	s0 =	sand.u32 $0x1, s0;
	s2 =	sshll.u32 s2, $0x1;
	s6 =	sadd.s32 $0x3800, s1  }
0x6: {  	s4 =	sor.u32 s0, s2;
	s2 =	simm.s32 $0x0;
	s0 =	ssub.s32 $0x2, s0  }
0x7: {  	s5 =	smul.u32 $0x6000, s4;
	[smem:$0x7FF] =	sst s2;
	s7 =	sshll.u32 s4, $0x8  }
0x8: {  	s25 =	sshrl.u32 s0, $0x1;
	_ =	strace $0x8000004D;
	s3 =	sadd.s32 s3, s7  }
0x9: {  	s7 =	sadd.s32 $0x18A200, s1;
	s0 =	ssub.s32 s0, s25;
	s20 =	sadd.s32 s6, s5  }
0xa: {  	[dreg:$0x3] =	wrdreg s3;
	s0 =	smax.u32 s0, $0x1;
	s11 =	sadd.s32 $0x600, s20  }
0xb: {  	p1 =	sne.s32 s0, $0x1;
	s1 =	sadd.s32 $0xFFFFFFFF, s0;
	s0 =	rddreg [dreg:$0x3]  }
0xc: {  	s4 =	smul.u32 $0x30000, s4;
	s12 =	sadd.s32 $0xC00, s20;
	[dreg:$0x4] =	wrdreg s11  }
0xd: {  	p0 =	por $0x0, $0x0;
	s13 =	sadd.s32 $0x1200, s20;
	[dreg:$0x5] =	wrdreg s12  }
0xe: {  	s4 =	sshrl.u32 s4, $0x3;
	s14 =	sadd.s32 $0x1800, s20;
	[dreg:$0x6] =	wrdreg s13  }
0xf: {  	s15 =	sadd.s32 $0x1E00, s20;
	s4 =	sadd.s32 s6, s4;
	[dreg:$0x7] =	wrdreg s14  }
0x10: {  	s25 =	simm.s32 $0x300;
	[dreg:$0x8] =	wrdreg s15;
	s16 =	sadd.s32 $0x2400, s4  }
0x11: {  	s3 =	simm.s32 $0x5;
	s17 =	sadd.s32 $0x2A00, s4;
	[dreg:$0x9] =	wrdreg s16  }
0x12: {  	s5 =	simm.s32 $0x9800;
	s18 =	sadd.s32 $0x3000, s4;
	[dreg:$0xa] =	wrdreg s17  }
0x13: {  	s6 =	simm.s32 $0x6800;
	s19 =	sadd.s32 $0x3600, s4;
	[dreg:$0xb] =	wrdreg s18  }
0x14: {  	s21 =	sadd.s32 $0x3C00, s4;
	s22 =	sadd.s32 $0x4200, s4;
	[dreg:$0xc] =	wrdreg s19  }
0x15: {  	s23 =	sadd.s32 $0x4800, s4;
	s24 =	sadd.s32 $0x4E00, s4;
	[dreg:$0xd] =	wrdreg s21  }
0x16: {  	s26 =	sadd.s32 $0x5400, s4;
	s4 =	sadd.s32 $0x5A00, s4;
	[dreg:$0xe] =	wrdreg s22  }
0x17: {  	s13 =	simm.s32 $0x60;
	s11 =	simm.s32 $0x800;
	[dreg:$0xf] =	wrdreg s23  }
.Ltmp0:
0x18: {  	s14 =	simm.s32 $0x1;
	[dreg:$0x10] =	wrdreg s24;
	(pc) =	sbr.rel @!p1 .LBB2_3-.Ltmp0, $4  }
0x19: {  	s12 =	simm.s32 $0x2;
	s15 =	simm.s32 $0x780;
	[dreg:$0x11] =	wrdreg s26  }
0x1a: {  	s26 =	simm.s32 $0x280;
	s24 =	simm.s32 $0x380;
	s23 =	simm.s32 $0x400  }
0x1b: {  	s22 =	simm.s32 $0x480;
	s21 =	simm.s32 $0x500;
	s19 =	simm.s32 $0x580  }
0x1c: {  	s18 =	simm.s32 $0x600;
	s17 =	simm.s32 $0x680;
	s16 =	simm.s32 $0x700  }
0x1d: {  	[tilespmem:s2], [sflag:$0x5] =	stream.linear.gather [hbm4b:s0+s2], $0x800, $0x38;
	[tilespmem:$0xC800] =	vst v63  }
0x1e: {  	_ =	swait.ge [sflag:s3], $0x800  }
0x1f: {  	[sflag:s3] =	ssyncset.done $0x0  }
0x20: {  	[sflag:s3] =	ssyncadd.s32 $0xFFFFF800  }
0x21: {  	[tilespmem:s11], [sflag:$0x1] =	stream.indirect.gather [hbm4b:s7+s13], $0x80, s2, s13, $0xb8;
	[tilespmem:$0xC800] =	vst v63  }
0x22: {  	_ = 	snop  }
0x23: {  	[tilespmem:s9], [sflag:$0x2] =	stream.indirect.gather [hbm4b:s7+s13], $0x80, s29, s13, $0xb8;
	[tilespmem:$0xC800] =	vst v63  }
0x24: {  	_ = 	snop  }
0x25: {  	[tilespmem:s6], [sflag:$0x3] =	stream.indirect.gather [hbm4b:s7+s13], $0x80, s30, s13, $0xb8;
	[tilespmem:$0xC800] =	vst v63  }
0x26: {  	_ = 	snop  }
0x27: {  	[tilespmem:s5], [sflag:$0x4] =	stream.indirect.gather [hbm4b:s7+s13], $0x80, s31, s13, $0xb8;
	[tilespmem:$0xC800] =	vst v63  }
0x28: {  	_ =	swait.ge [sflag:s14], $0x3000  }
0x29: {  	[sflag:s14] =	ssyncset.done $0x0  }
0x2a: {  	[sflag:s14] =	ssyncadd.s32 $0xFFFFD000  }
0x2b: {  	[hbm4b:s20+s2] =	stream.linear.scatter [tilespmem:s11], [sflag:$0x5], $0x3000, $0x38;
	[tilespmem:$0xC800] =	vst v63  }
0x2c: {  	_ =	swait.ge [sflag:s3], $0x3000  }
0x2d: {  	[sflag:s3] =	ssyncset.done $0x0  }
0x2e: {  	[sflag:s3] =	ssyncadd.s32 $0xFFFFD000  }
0x2f: {  	[tilespmem:s11], [sflag:$0x1] =	stream.indirect.gather [hbm4b:s7+s13], $0x80, s28, s13, $0xb8;
	[tilespmem:$0xC800] =	vst v63  }
0x30: {  	_ =	swait.ge [sflag:s12], $0x3000  }
0x31: {  	[sflag:s12] =	ssyncset.done $0x0  }
0x32: {  	s0 =	rddreg [dreg:$0x4];
	[sflag:s12] =	ssyncadd.s32 $0xFFFFD000  }
0x33: {  	[hbm4b:s0+s2] =	stream.linear.scatter [tilespmem:s9], [sflag:$0x5], $0x3000, $0x38;
	[tilespmem:$0xC800] =	vst v63  }
0x34: {  	_ =	swait.ge [sflag:s3], $0x3000  }
0x35: {  	[sflag:s3] =	ssyncset.done $0x0  }
0x36: {  	[sflag:s3] =	ssyncadd.s32 $0xFFFFD000  }
0x37: {  	[tilespmem:s9], [sflag:$0x2] =	stream.indirect.gather [hbm4b:s7+s13], $0x80, s26, s13, $0xb8;
	[tilespmem:$0xC800] =	vst v63  }
0x38: {  	_ =	swait.ge [sflag:s10], $0x3000  }
0x39: {  	[sflag:s10] =	ssyncset.done $0x0  }
0x3a: {  	s0 =	rddreg [dreg:$0x5];
	[sflag:s10] =	ssyncadd.s32 $0xFFFFD000  }
0x3b: {  	[hbm4b:s0+s2] =	stream.linear.scatter [tilespmem:s6], [sflag:$0x5], $0x3000, $0x38;
	[tilespmem:$0xC800] =	vst v63  }
0x3c: {  	_ =	swait.ge [sflag:s3], $0x3000  }
0x3d: {  	[sflag:s3] =	ssyncset.done $0x0  }
0x3e: {  	[sflag:s3] =	ssyncadd.s32 $0xFFFFD000  }
0x3f: {  	[tilespmem:s6], [sflag:$0x3] =	stream.indirect.gather [hbm4b:s7+s13], $0x80, s25, s13, $0xb8;
	[tilespmem:$0xC800] =	vst v63  }
0x40: {  	_ =	swait.ge [sflag:s8], $0x3000  }
0x41: {  	[sflag:s8] =	ssyncset.done $0x0  }
0x42: {  	s0 =	rddreg [dreg:$0x6];
	[sflag:s8] =	ssyncadd.s32 $0xFFFFD000  }
0x43: {  	[hbm4b:s0+s2] =	stream.linear.scatter [tilespmem:s5], [sflag:$0x5], $0x3000, $0x38;
	[tilespmem:$0xC800] =	vst v63  }
0x44: {  	_ =	swait.ge [sflag:s3], $0x3000  }
0x45: {  	[sflag:s3] =	ssyncset.done $0x0  }
0x46: {  	[sflag:s3] =	ssyncadd.s32 $0xFFFFD000  }
0x47: {  	[tilespmem:s5], [sflag:$0x4] =	stream.indirect.gather [hbm4b:s7+s13], $0x80, s24, s13, $0xb8;
	[tilespmem:$0xC800] =	vst v63  }
0x48: {  	_ =	swait.ge [sflag:s14], $0x3000  }
0x49: {  	[sflag:s14] =	ssyncset.done $0x0  }
0x4a: {  	s0 =	rddreg [dreg:$0x7];
	[sflag:s14] =	ssyncadd.s32 $0xFFFFD000  }
0x4b: {  	[hbm4b:s0+s2] =	stream.linear.scatter [tilespmem:s11], [sflag:$0x5], $0x3000, $0x38;
	[tilespmem:$0xC800] =	vst v63  }
0x4c: {  	_ =	swait.ge [sflag:s3], $0x3000  }
0x4d: {  	[sflag:s3] =	ssyncset.done $0x0  }
0x4e: {  	[sflag:s3] =	ssyncadd.s32 $0xFFFFD000  }
0x4f: {  	[tilespmem:s11], [sflag:$0x1] =	stream.indirect.gather [hbm4b:s7+s13], $0x80, s23, s13, $0xb8;
	[tilespmem:$0xC800] =	vst v63  }
0x50: {  	_ =	swait.ge [sflag:s12], $0x3000  }
0x51: {  	[sflag:s12] =	ssyncset.done $0x0  }
0x52: {  	s0 =	rddreg [dreg:$0x8];
	[sflag:s12] =	ssyncadd.s32 $0xFFFFD000  }
0x53: {  	[hbm4b:s0+s2] =	stream.linear.scatter [tilespmem:s9], [sflag:$0x5], $0x3000, $0x38;
	[tilespmem:$0xC800] =	vst v63  }
0x54: {  	_ =	swait.ge [sflag:s3], $0x3000  }
0x55: {  	[sflag:s3] =	ssyncset.done $0x0  }
0x56: {  	[sflag:s3] =	ssyncadd.s32 $0xFFFFD000  }
0x57: {  	[tilespmem:s9], [sflag:$0x2] =	stream.indirect.gather [hbm4b:s7+s13], $0x80, s22, s13, $0xb8;
	[tilespmem:$0xC800] =	vst v63  }
0x58: {  	_ =	swait.ge [sflag:s10], $0x3000  }
0x59: {  	[sflag:s10] =	ssyncset.done $0x0  }
0x5a: {  	s0 =	rddreg [dreg:$0x9];
	[sflag:s10] =	ssyncadd.s32 $0xFFFFD000  }
0x5b: {  	[hbm4b:s0+s2] =	stream.linear.scatter [tilespmem:s6], [sflag:$0x5], $0x3000, $0x38;
	[tilespmem:$0xC800] =	vst v63  }
0x5c: {  	_ =	swait.ge [sflag:s3], $0x3000  }
0x5d: {  	[sflag:s3] =	ssyncset.done $0x0  }
0x5e: {  	[sflag:s3] =	ssyncadd.s32 $0xFFFFD000  }
0x5f: {  	[tilespmem:s6], [sflag:$0x3] =	stream.indirect.gather [hbm4b:s7+s13], $0x80, s21, s13, $0xb8;
	[tilespmem:$0xC800] =	vst v63  }
0x60: {  	_ =	swait.ge [sflag:s8], $0x3000  }
0x61: {  	[sflag:s8] =	ssyncset.done $0x0  }
0x62: {  	s0 =	rddreg [dreg:$0xa];
	[sflag:s8] =	ssyncadd.s32 $0xFFFFD000  }
0x63: {  	[hbm4b:s0+s2] =	stream.linear.scatter [tilespmem:s5], [sflag:$0x5], $0x3000, $0x38;
	[tilespmem:$0xC800] =	vst v63  }
0x64: {  	_ =	swait.ge [sflag:s3], $0x3000  }
0x65: {  	[sflag:s3] =	ssyncset.done $0x0  }
0x66: {  	[sflag:s3] =	ssyncadd.s32 $0xFFFFD000  }
0x67: {  	[tilespmem:s5], [sflag:$0x4] =	stream.indirect.gather [hbm4b:s7+s13], $0x80, s19, s13, $0xb8;
	[tilespmem:$0xC800] =	vst v63  }
0x68: {  	_ =	swait.ge [sflag:s14], $0x3000  }
0x69: {  	[sflag:s14] =	ssyncset.done $0x0  }
0x6a: {  	s0 =	rddreg [dreg:$0xb];
	[sflag:s14] =	ssyncadd.s32 $0xFFFFD000  }
0x6b: {  	[hbm4b:s0+s2] =	stream.linear.scatter [tilespmem:s11], [sflag:$0x5], $0x3000, $0x38;
	[tilespmem:$0xC800] =	vst v63  }
0x6c: {  	_ =	swait.ge [sflag:s3], $0x3000  }
0x6d: {  	[sflag:s3] =	ssyncset.done $0x0  }
0x6e: {  	[sflag:s3] =	ssyncadd.s32 $0xFFFFD000  }
0x6f: {  	[tilespmem:s11], [sflag:$0x1] =	stream.indirect.gather [hbm4b:s7+s13], $0x80, s18, s13, $0xb8;
	[tilespmem:$0xC800] =	vst v63  }
0x70: {  	_ =	swait.ge [sflag:s12], $0x3000  }
0x71: {  	[sflag:s12] =	ssyncset.done $0x0  }
0x72: {  	s0 =	rddreg [dreg:$0xc];
	[sflag:s12] =	ssyncadd.s32 $0xFFFFD000  }
0x73: {  	[hbm4b:s0+s2] =	stream.linear.scatter [tilespmem:s9], [sflag:$0x5], $0x3000, $0x38;
	[tilespmem:$0xC800] =	vst v63  }
0x74: {  	_ =	swait.ge [sflag:s3], $0x3000  }
0x75: {  	[sflag:s3] =	ssyncset.done $0x0  }
0x76: {  	[sflag:s3] =	ssyncadd.s32 $0xFFFFD000  }
0x77: {  	[tilespmem:s9], [sflag:$0x2] =	stream.indirect.gather [hbm4b:s7+s13], $0x80, s17, s13, $0xb8;
	[tilespmem:$0xC800] =	vst v63  }
0x78: {  	_ =	swait.ge [sflag:s10], $0x3000  }
0x79: {  	[sflag:s10] =	ssyncset.done $0x0  }
0x7a: {  	s0 =	rddreg [dreg:$0xd];
	[sflag:s10] =	ssyncadd.s32 $0xFFFFD000  }
0x7b: {  	[hbm4b:s0+s2] =	stream.linear.scatter [tilespmem:s6], [sflag:$0x5], $0x3000, $0x38;
	[tilespmem:$0xC800] =	vst v63  }
0x7c: {  	_ =	swait.ge [sflag:s3], $0x3000  }
0x7d: {  	[sflag:s3] =	ssyncset.done $0x0  }
0x7e: {  	[sflag:s3] =	ssyncadd.s32 $0xFFFFD000  }
0x7f: {  	[tilespmem:s6], [sflag:$0x3] =	stream.indirect.gather [hbm4b:s7+s13], $0x80, s16, s13, $0xb8;
	[tilespmem:$0xC800] =	vst v63  }
0x80: {  	_ =	swait.ge [sflag:s8], $0x3000  }
0x81: {  	[sflag:s8] =	ssyncset.done $0x0  }
0x82: {  	s0 =	rddreg [dreg:$0xe];
	[sflag:s8] =	ssyncadd.s32 $0xFFFFD000  }
0x83: {  	[hbm4b:s0+s2] =	stream.linear.scatter [tilespmem:s5], [sflag:$0x5], $0x3000, $0x38;
	[tilespmem:$0xC800] =	vst v63  }
0x84: {  	_ =	swait.ge [sflag:s3], $0x3000  }
0x85: {  	[sflag:s3] =	ssyncset.done $0x0  }
0x86: {  	[sflag:s3] =	ssyncadd.s32 $0xFFFFD000  }
0x87: {  	[tilespmem:s5], [sflag:$0x4] =	stream.indirect.gather [hbm4b:s7+s13], $0x80, s15, s13, $0xb8;
	[tilespmem:$0xC800] =	vst v63  }
0x88: {  	_ =	swait.ge [sflag:s14], $0x3000  }
0x89: {  	[sflag:s14] =	ssyncset.done $0x0  }
0x8a: {  	s0 =	rddreg [dreg:$0xf];
	[sflag:s14] =	ssyncadd.s32 $0xFFFFD000  }
0x8b: {  	[hbm4b:s0+s2] =	stream.linear.scatter [tilespmem:s11], [sflag:$0x5], $0x3000, $0x38;
	[tilespmem:$0xC800] =	vst v63  }
0x8c: {  	_ =	swait.ge [sflag:s3], $0x3000  }
0x8d: {  	[sflag:s3] =	ssyncset.done $0x0  }
0x8e: {  	[sflag:s3] =	ssyncadd.s32 $0xFFFFD000  }
0x8f: {  	_ =	swait.ge [sflag:s12], $0x3000  }
0x90: {  	[sflag:s12] =	ssyncset.done $0x0  }
0x91: {  	s0 =	rddreg [dreg:$0x10];
	[sflag:s12] =	ssyncadd.s32 $0xFFFFD000  }
0x92: {  	[hbm4b:s0+s2] =	stream.linear.scatter [tilespmem:s9], [sflag:$0x5], $0x3000, $0x38;
	[tilespmem:$0xC800] =	vst v63  }
0x93: {  	_ =	swait.ge [sflag:s3], $0x3000  }
0x94: {  	[sflag:s3] =	ssyncset.done $0x0  }
0x95: {  	[sflag:s3] =	ssyncadd.s32 $0xFFFFD000  }
0x96: {  	_ =	swait.ge [sflag:s10], $0x3000  }
0x97: {  	[sflag:s10] =	ssyncset.done $0x0  }
0x98: {  	s0 =	rddreg [dreg:$0x11];
	[sflag:s10] =	ssyncadd.s32 $0xFFFFD000  }
0x99: {  	[hbm4b:s0+s2] =	stream.linear.scatter [tilespmem:s6], [sflag:$0x5], $0x3000, $0x38;
	[tilespmem:$0xC800] =	vst v63  }
0x9a: {  	_ =	swait.ge [sflag:s3], $0x3000  }
0x9b: {  	[sflag:s3] =	ssyncset.done $0x0  }
0x9c: {  	[sflag:s3] =	ssyncadd.s32 $0xFFFFD000  }
0x9d: {  	p1 =	sne.s32 s1, $0x1;
	_ =	swait.ge [sflag:s8], $0x3000  }
.Ltmp1:
0x9e: {  	[sflag:s8] =	ssyncset.done $0x0;
	(pc) =	sbr.rel @!p1 .LBB2_3-.Ltmp1, $4  }
0x9f: {  	[sflag:s8] =	ssyncadd.s32 $0xFFFFD000  }
0xa0: {  	[hbm4b:s4+s2] =	stream.linear.scatter [tilespmem:s5], [sflag:$0x5], $0x3000, $0x38;
	[tilespmem:$0xC800] =	vst v63  }
0xa1: {  	s1 =	sadd.s32 $0xFFFFFFFF, s1;
	_ =	swait.ge [sflag:s3], $0x3000  }
0xa2: {  	p0 =	por $0x1, $0x1;
	s0 =	rddreg [dreg:$0x3];
	[sflag:s3] =	ssyncset.done $0x0  }
.LBB2_2:
0xa3: {  	[sflag:s3] =	ssyncadd.s32 $0xFFFFD000  }
0xa4: {  	[tilespmem:s2], [sflag:$0x5] =	stream.linear.gather [hbm4b:s0+s2], $0x800, $0x38;
	[tilespmem:$0xC800] =	vst v63  }
0xa5: {  	_ =	swait.ge [sflag:s3], $0x800  }
0xa6: {  	[sflag:s3] =	ssyncset.done $0x0  }
0xa7: {  	[sflag:s3] =	ssyncadd.s32 $0xFFFFF800  }
0xa8: {  	[tilespmem:s11], [sflag:$0x1] =	stream.indirect.gather [hbm4b:s7+s13], $0x80, s2, s13, $0xb8;
	[tilespmem:$0xC800] =	vst v63  }
0xa9: {  	_ = 	snop  }
0xaa: {  	[tilespmem:s9], [sflag:$0x2] =	stream.indirect.gather [hbm4b:s7+s13], $0x80, s29, s13, $0xb8;
	[tilespmem:$0xC800] =	vst v63  }
0xab: {  	_ = 	snop  }
0xac: {  	[tilespmem:s6], [sflag:$0x3] =	stream.indirect.gather [hbm4b:s7+s13], $0x80, s30, s13, $0xb8;
	[tilespmem:$0xC800] =	vst v63  }
0xad: {  	_ = 	snop  }
0xae: {  	[tilespmem:s5], [sflag:$0x4] =	stream.indirect.gather [hbm4b:s7+s13], $0x80, s31, s13, $0xb8;
	[tilespmem:$0xC800] =	vst v63  }
0xaf: {  	_ =	swait.ge [sflag:s14], $0x3000  }
0xb0: {  	[sflag:s14] =	ssyncset.done $0x0  }
0xb1: {  	[sflag:s14] =	ssyncadd.s32 $0xFFFFD000  }
0xb2: {  	[hbm4b:s20+s2] =	stream.linear.scatter [tilespmem:s11], [sflag:$0x5], $0x3000, $0x38;
	[tilespmem:$0xC800] =	vst v63  }
0xb3: {  	_ =	swait.ge [sflag:s3], $0x3000  }
0xb4: {  	[sflag:s3] =	ssyncset.done $0x0  }
0xb5: {  	[sflag:s3] =	ssyncadd.s32 $0xFFFFD000  }
0xb6: {  	[tilespmem:s11], [sflag:$0x1] =	stream.indirect.gather [hbm4b:s7+s13], $0x80, s28, s13, $0xb8;
	[tilespmem:$0xC800] =	vst v63  }
0xb7: {  	_ =	swait.ge [sflag:s12], $0x3000  }
0xb8: {  	[sflag:s12] =	ssyncset.done $0x0  }
0xb9: {  	s0 =	rddreg [dreg:$0x4];
	[sflag:s12] =	ssyncadd.s32 $0xFFFFD000  }
0xba: {  	[hbm4b:s0+s2] =	stream.linear.scatter [tilespmem:s9], [sflag:$0x5], $0x3000, $0x38;
	[tilespmem:$0xC800] =	vst v63  }
0xbb: {  	_ =	swait.ge [sflag:s3], $0x3000  }
0xbc: {  	[sflag:s3] =	ssyncset.done $0x0  }
0xbd: {  	[sflag:s3] =	ssyncadd.s32 $0xFFFFD000  }
0xbe: {  	[tilespmem:s9], [sflag:$0x2] =	stream.indirect.gather [hbm4b:s7+s13], $0x80, s26, s13, $0xb8;
	[tilespmem:$0xC800] =	vst v63  }
0xbf: {  	_ =	swait.ge [sflag:s10], $0x3000  }
0xc0: {  	[sflag:s10] =	ssyncset.done $0x0  }
0xc1: {  	s0 =	rddreg [dreg:$0x5];
	[sflag:s10] =	ssyncadd.s32 $0xFFFFD000  }
0xc2: {  	[hbm4b:s0+s2] =	stream.linear.scatter [tilespmem:s6], [sflag:$0x5], $0x3000, $0x38;
	[tilespmem:$0xC800] =	vst v63  }
0xc3: {  	_ =	swait.ge [sflag:s3], $0x3000  }
0xc4: {  	[sflag:s3] =	ssyncset.done $0x0  }
0xc5: {  	[sflag:s3] =	ssyncadd.s32 $0xFFFFD000  }
0xc6: {  	[tilespmem:s6], [sflag:$0x3] =	stream.indirect.gather [hbm4b:s7+s13], $0x80, s25, s13, $0xb8;
	[tilespmem:$0xC800] =	vst v63  }
0xc7: {  	_ =	swait.ge [sflag:s8], $0x3000  }
0xc8: {  	[sflag:s8] =	ssyncset.done $0x0  }
0xc9: {  	s0 =	rddreg [dreg:$0x6];
	[sflag:s8] =	ssyncadd.s32 $0xFFFFD000  }
0xca: {  	[hbm4b:s0+s2] =	stream.linear.scatter [tilespmem:s5], [sflag:$0x5], $0x3000, $0x38;
	[tilespmem:$0xC800] =	vst v63  }
0xcb: {  	_ =	swait.ge [sflag:s3], $0x3000  }
0xcc: {  	[sflag:s3] =	ssyncset.done $0x0  }
0xcd: {  	[sflag:s3] =	ssyncadd.s32 $0xFFFFD000  }
0xce: {  	[tilespmem:s5], [sflag:$0x4] =	stream.indirect.gather [hbm4b:s7+s13], $0x80, s24, s13, $0xb8;
	[tilespmem:$0xC800] =	vst v63  }
0xcf: {  	_ =	swait.ge [sflag:s14], $0x3000  }
0xd0: {  	[sflag:s14] =	ssyncset.done $0x0  }
0xd1: {  	s0 =	rddreg [dreg:$0x7];
	[sflag:s14] =	ssyncadd.s32 $0xFFFFD000  }
0xd2: {  	[hbm4b:s0+s2] =	stream.linear.scatter [tilespmem:s11], [sflag:$0x5], $0x3000, $0x38;
	[tilespmem:$0xC800] =	vst v63  }
0xd3: {  	_ =	swait.ge [sflag:s3], $0x3000  }
0xd4: {  	[sflag:s3] =	ssyncset.done $0x0  }
0xd5: {  	[sflag:s3] =	ssyncadd.s32 $0xFFFFD000  }
0xd6: {  	[tilespmem:s11], [sflag:$0x1] =	stream.indirect.gather [hbm4b:s7+s13], $0x80, s23, s13, $0xb8;
	[tilespmem:$0xC800] =	vst v63  }
0xd7: {  	_ =	swait.ge [sflag:s12], $0x3000  }
0xd8: {  	[sflag:s12] =	ssyncset.done $0x0  }
0xd9: {  	s0 =	rddreg [dreg:$0x8];
	[sflag:s12] =	ssyncadd.s32 $0xFFFFD000  }
0xda: {  	[hbm4b:s0+s2] =	stream.linear.scatter [tilespmem:s9], [sflag:$0x5], $0x3000, $0x38;
	[tilespmem:$0xC800] =	vst v63  }
0xdb: {  	_ =	swait.ge [sflag:s3], $0x3000  }
0xdc: {  	[sflag:s3] =	ssyncset.done $0x0  }
0xdd: {  	[sflag:s3] =	ssyncadd.s32 $0xFFFFD000  }
0xde: {  	[tilespmem:s9], [sflag:$0x2] =	stream.indirect.gather [hbm4b:s7+s13], $0x80, s22, s13, $0xb8;
	[tilespmem:$0xC800] =	vst v63  }
0xdf: {  	_ =	swait.ge [sflag:s10], $0x3000  }
0xe0: {  	[sflag:s10] =	ssyncset.done $0x0  }
0xe1: {  	s0 =	rddreg [dreg:$0x9];
	[sflag:s10] =	ssyncadd.s32 $0xFFFFD000  }
0xe2: {  	[hbm4b:s0+s2] =	stream.linear.scatter [tilespmem:s6], [sflag:$0x5], $0x3000, $0x38;
	[tilespmem:$0xC800] =	vst v63  }
0xe3: {  	_ =	swait.ge [sflag:s3], $0x3000  }
0xe4: {  	[sflag:s3] =	ssyncset.done $0x0  }
0xe5: {  	[sflag:s3] =	ssyncadd.s32 $0xFFFFD000  }
0xe6: {  	[tilespmem:s6], [sflag:$0x3] =	stream.indirect.gather [hbm4b:s7+s13], $0x80, s21, s13, $0xb8;
	[tilespmem:$0xC800] =	vst v63  }
0xe7: {  	_ =	swait.ge [sflag:s8], $0x3000  }
0xe8: {  	[sflag:s8] =	ssyncset.done $0x0  }
0xe9: {  	s0 =	rddreg [dreg:$0xa];
	[sflag:s8] =	ssyncadd.s32 $0xFFFFD000  }
0xea: {  	[hbm4b:s0+s2] =	stream.linear.scatter [tilespmem:s5], [sflag:$0x5], $0x3000, $0x38;
	[tilespmem:$0xC800] =	vst v63  }
0xeb: {  	_ =	swait.ge [sflag:s3], $0x3000  }
0xec: {  	[sflag:s3] =	ssyncset.done $0x0  }
0xed: {  	[sflag:s3] =	ssyncadd.s32 $0xFFFFD000  }
0xee: {  	[tilespmem:s5], [sflag:$0x4] =	stream.indirect.gather [hbm4b:s7+s13], $0x80, s19, s13, $0xb8;
	[tilespmem:$0xC800] =	vst v63  }
0xef: {  	_ =	swait.ge [sflag:s14], $0x3000  }
0xf0: {  	[sflag:s14] =	ssyncset.done $0x0  }
0xf1: {  	s0 =	rddreg [dreg:$0xb];
	[sflag:s14] =	ssyncadd.s32 $0xFFFFD000  }
0xf2: {  	[hbm4b:s0+s2] =	stream.linear.scatter [tilespmem:s11], [sflag:$0x5], $0x3000, $0x38;
	[tilespmem:$0xC800] =	vst v63  }
0xf3: {  	_ =	swait.ge [sflag:s3], $0x3000  }
0xf4: {  	[sflag:s3] =	ssyncset.done $0x0  }
0xf5: {  	[sflag:s3] =	ssyncadd.s32 $0xFFFFD000  }
0xf6: {  	[tilespmem:s11], [sflag:$0x1] =	stream.indirect.gather [hbm4b:s7+s13], $0x80, s18, s13, $0xb8;
	[tilespmem:$0xC800] =	vst v63  }
0xf7: {  	_ =	swait.ge [sflag:s12], $0x3000  }
0xf8: {  	[sflag:s12] =	ssyncset.done $0x0  }
0xf9: {  	s0 =	rddreg [dreg:$0xc];
	[sflag:s12] =	ssyncadd.s32 $0xFFFFD000  }
0xfa: {  	[hbm4b:s0+s2] =	stream.linear.scatter [tilespmem:s9], [sflag:$0x5], $0x3000, $0x38;
	[tilespmem:$0xC800] =	vst v63  }
0xfb: {  	_ =	swait.ge [sflag:s3], $0x3000  }
0xfc: {  	[sflag:s3] =	ssyncset.done $0x0  }
0xfd: {  	[sflag:s3] =	ssyncadd.s32 $0xFFFFD000  }
0xfe: {  	[tilespmem:s9], [sflag:$0x2] =	stream.indirect.gather [hbm4b:s7+s13], $0x80, s17, s13, $0xb8;
	[tilespmem:$0xC800] =	vst v63  }
0xff: {  	_ =	swait.ge [sflag:s10], $0x3000  }
0x100: {  	[sflag:s10] =	ssyncset.done $0x0  }
0x101: {  	s0 =	rddreg [dreg:$0xd];
	[sflag:s10] =	ssyncadd.s32 $0xFFFFD000  }
0x102: {  	[hbm4b:s0+s2] =	stream.linear.scatter [tilespmem:s6], [sflag:$0x5], $0x3000, $0x38;
	[tilespmem:$0xC800] =	vst v63  }
0x103: {  	_ =	swait.ge [sflag:s3], $0x3000  }
0x104: {  	[sflag:s3] =	ssyncset.done $0x0  }
0x105: {  	[sflag:s3] =	ssyncadd.s32 $0xFFFFD000  }
0x106: {  	[tilespmem:s6], [sflag:$0x3] =	stream.indirect.gather [hbm4b:s7+s13], $0x80, s16, s13, $0xb8;
	[tilespmem:$0xC800] =	vst v63  }
0x107: {  	_ =	swait.ge [sflag:s8], $0x3000  }
0x108: {  	[sflag:s8] =	ssyncset.done $0x0  }
0x109: {  	s0 =	rddreg [dreg:$0xe];
	[sflag:s8] =	ssyncadd.s32 $0xFFFFD000  }
0x10a: {  	[hbm4b:s0+s2] =	stream.linear.scatter [tilespmem:s5], [sflag:$0x5], $0x3000, $0x38;
	[tilespmem:$0xC800] =	vst v63  }
0x10b: {  	_ =	swait.ge [sflag:s3], $0x3000  }
0x10c: {  	[sflag:s3] =	ssyncset.done $0x0  }
0x10d: {  	[sflag:s3] =	ssyncadd.s32 $0xFFFFD000  }
0x10e: {  	[tilespmem:s5], [sflag:$0x4] =	stream.indirect.gather [hbm4b:s7+s13], $0x80, s15, s13, $0xb8;
	[tilespmem:$0xC800] =	vst v63  }
0x10f: {  	_ =	swait.ge [sflag:s14], $0x3000  }
0x110: {  	[sflag:s14] =	ssyncset.done $0x0  }
0x111: {  	s0 =	rddreg [dreg:$0xf];
	[sflag:s14] =	ssyncadd.s32 $0xFFFFD000  }
0x112: {  	[hbm4b:s0+s2] =	stream.linear.scatter [tilespmem:s11], [sflag:$0x5], $0x3000, $0x38;
	[tilespmem:$0xC800] =	vst v63  }
0x113: {  	_ =	swait.ge [sflag:s3], $0x3000  }
0x114: {  	[sflag:s3] =	ssyncset.done $0x0  }
0x115: {  	[sflag:s3] =	ssyncadd.s32 $0xFFFFD000  }
0x116: {  	_ =	swait.ge [sflag:s12], $0x3000  }
0x117: {  	[sflag:s12] =	ssyncset.done $0x0  }
0x118: {  	s0 =	rddreg [dreg:$0x10];
	[sflag:s12] =	ssyncadd.s32 $0xFFFFD000  }
0x119: {  	[hbm4b:s0+s2] =	stream.linear.scatter [tilespmem:s9], [sflag:$0x5], $0x3000, $0x38;
	[tilespmem:$0xC800] =	vst v63  }
0x11a: {  	_ =	swait.ge [sflag:s3], $0x3000  }
0x11b: {  	[sflag:s3] =	ssyncset.done $0x0  }
0x11c: {  	[sflag:s3] =	ssyncadd.s32 $0xFFFFD000  }
0x11d: {  	_ =	swait.ge [sflag:s10], $0x3000  }
0x11e: {  	[sflag:s10] =	ssyncset.done $0x0  }
0x11f: {  	s0 =	rddreg [dreg:$0x11];
	[sflag:s10] =	ssyncadd.s32 $0xFFFFD000  }
0x120: {  	[hbm4b:s0+s2] =	stream.linear.scatter [tilespmem:s6], [sflag:$0x5], $0x3000, $0x38;
	[tilespmem:$0xC800] =	vst v63  }
0x121: {  	_ =	swait.ge [sflag:s3], $0x3000  }
0x122: {  	[sflag:s3] =	ssyncset.done $0x0  }
0x123: {  	[sflag:s3] =	ssyncadd.s32 $0xFFFFD000  }
0x124: {  	p1 =	sne.s32 s1, $0x1;
	_ =	swait.ge [sflag:s8], $0x3000  }
.Ltmp2:
0x125: {  	[sflag:s8] =	ssyncset.done $0x0;
	(pc) =	sbr.rel @p1 .LBB2_2-.Ltmp2, $4  }
0x126: {  	[sflag:s8] =	ssyncadd.s32 $0xFFFFD000  }
0x127: {  	[hbm4b:s4+s2] =	stream.linear.scatter [tilespmem:s5], [sflag:$0x5], $0x3000, $0x38;
	[tilespmem:$0xC800] =	vst v63  }
0x128: {  	_ =	swait.ge [sflag:s3], $0x3000  }
0x129: {  	s1 =	sadd.s32 $0xFFFFFFFF, s1;
	s0 =	rddreg [dreg:$0x3];
	[sflag:s3] =	ssyncset.done $0x0  }
.LBB2_3:
0x12a: {  	[sflag:s3] =	ssyncadd.s32 @p0 $0xFFFFD000  }
0x12b: {  	[tilespmem:s2], [sflag:$0x5] =	stream.linear.gather [hbm4b:s0+s2], $0x800, $0x38;
	[tilespmem:$0xC800] =	vst v63  }
0x12c: {  	_ =	swait.ge [sflag:s3], $0x800  }
0x12d: {  	[sflag:s3] =	ssyncset.done $0x0  }
0x12e: {  	[sflag:s3] =	ssyncadd.s32 $0xFFFFF800  }
0x12f: {  	[tilespmem:s11], [sflag:$0x1] =	stream.indirect.gather [hbm4b:s7+s13], $0x80, s2, s13, $0xb8;
	[tilespmem:$0xC800] =	vst v63  }
0x130: {  	_ = 	snop  }
0x131: {  	[tilespmem:s9], [sflag:$0x2] =	stream.indirect.gather [hbm4b:s7+s13], $0x80, s29, s13, $0xb8;
	[tilespmem:$0xC800] =	vst v63  }
0x132: {  	_ = 	snop  }
0x133: {  	[tilespmem:s6], [sflag:$0x3] =	stream.indirect.gather [hbm4b:s7+s13], $0x80, s30, s13, $0xb8;
	[tilespmem:$0xC800] =	vst v63  }
0x134: {  	_ = 	snop  }
0x135: {  	[tilespmem:s5], [sflag:$0x4] =	stream.indirect.gather [hbm4b:s7+s13], $0x80, s31, s13, $0xb8;
	[tilespmem:$0xC800] =	vst v63  }
0x136: {  	_ =	swait.ge [sflag:s14], $0x3000  }
0x137: {  	[sflag:s14] =	ssyncset.done $0x0  }
0x138: {  	[sflag:s14] =	ssyncadd.s32 $0xFFFFD000  }
0x139: {  	[hbm4b:s20+s2] =	stream.linear.scatter [tilespmem:s11], [sflag:$0x5], $0x3000, $0x38;
	[tilespmem:$0xC800] =	vst v63  }
0x13a: {  	_ =	swait.ge [sflag:s3], $0x3000  }
0x13b: {  	[sflag:s3] =	ssyncset.done $0x0  }
0x13c: {  	[sflag:s3] =	ssyncadd.s32 $0xFFFFD000  }
0x13d: {  	[tilespmem:s11], [sflag:$0x1] =	stream.indirect.gather [hbm4b:s7+s13], $0x80, s28, s13, $0xb8;
	[tilespmem:$0xC800] =	vst v63  }
0x13e: {  	_ =	swait.ge [sflag:s12], $0x3000  }
0x13f: {  	[sflag:s12] =	ssyncset.done $0x0  }
0x140: {  	s28 =	rddreg [dreg:$0x4];
	[sflag:s12] =	ssyncadd.s32 $0xFFFFD000  }
0x141: {  	[hbm4b:s28+s2] =	stream.linear.scatter [tilespmem:s9], [sflag:$0x5], $0x3000, $0x38;
	[tilespmem:$0xC800] =	vst v63  }
0x142: {  	_ =	swait.ge [sflag:s3], $0x3000  }
0x143: {  	[sflag:s3] =	ssyncset.done $0x0  }
0x144: {  	[sflag:s3] =	ssyncadd.s32 $0xFFFFD000  }
0x145: {  	[tilespmem:s9], [sflag:$0x2] =	stream.indirect.gather [hbm4b:s7+s13], $0x80, s26, s13, $0xb8;
	[tilespmem:$0xC800] =	vst v63  }
0x146: {  	_ =	swait.ge [sflag:s10], $0x3000  }
0x147: {  	[sflag:s10] =	ssyncset.done $0x0  }
0x148: {  	s29 =	rddreg [dreg:$0x5];
	[sflag:s10] =	ssyncadd.s32 $0xFFFFD000  }
0x149: {  	[hbm4b:s29+s2] =	stream.linear.scatter [tilespmem:s6], [sflag:$0x5], $0x3000, $0x38;
	[tilespmem:$0xC800] =	vst v63  }
0x14a: {  	_ =	swait.ge [sflag:s3], $0x3000  }
0x14b: {  	[sflag:s3] =	ssyncset.done $0x0  }
0x14c: {  	[sflag:s3] =	ssyncadd.s32 $0xFFFFD000  }
0x14d: {  	[tilespmem:s6], [sflag:$0x3] =	stream.indirect.gather [hbm4b:s7+s13], $0x80, s25, s13, $0xb8;
	[tilespmem:$0xC800] =	vst v63  }
0x14e: {  	_ =	swait.ge [sflag:s8], $0x3000  }
0x14f: {  	[sflag:s8] =	ssyncset.done $0x0  }
0x150: {  	s30 =	rddreg [dreg:$0x6];
	[sflag:s8] =	ssyncadd.s32 $0xFFFFD000  }
0x151: {  	[hbm4b:s30+s2] =	stream.linear.scatter [tilespmem:s5], [sflag:$0x5], $0x3000, $0x38;
	[tilespmem:$0xC800] =	vst v63  }
0x152: {  	_ =	swait.ge [sflag:s3], $0x3000  }
0x153: {  	[sflag:s3] =	ssyncset.done $0x0  }
0x154: {  	[sflag:s3] =	ssyncadd.s32 $0xFFFFD000  }
0x155: {  	[tilespmem:s5], [sflag:$0x4] =	stream.indirect.gather [hbm4b:s7+s13], $0x80, s24, s13, $0xb8;
	[tilespmem:$0xC800] =	vst v63  }
0x156: {  	_ =	swait.ge [sflag:s14], $0x3000  }
0x157: {  	[sflag:s14] =	ssyncset.done $0x0  }
0x158: {  	s31 =	rddreg [dreg:$0x7];
	[sflag:s14] =	ssyncadd.s32 $0xFFFFD000  }
0x159: {  	[hbm4b:s31+s2] =	stream.linear.scatter [tilespmem:s11], [sflag:$0x5], $0x3000, $0x38;
	[tilespmem:$0xC800] =	vst v63  }
0x15a: {  	_ =	swait.ge [sflag:s3], $0x3000  }
0x15b: {  	[sflag:s3] =	ssyncset.done $0x0  }
0x15c: {  	[sflag:s3] =	ssyncadd.s32 $0xFFFFD000  }
0x15d: {  	[tilespmem:s11], [sflag:$0x1] =	stream.indirect.gather [hbm4b:s7+s13], $0x80, s23, s13, $0xb8;
	[tilespmem:$0xC800] =	vst v63  }
0x15e: {  	_ =	swait.ge [sflag:s12], $0x3000  }
0x15f: {  	[sflag:s12] =	ssyncset.done $0x0  }
0x160: {  	s1 =	rddreg [dreg:$0x8];
	[sflag:s12] =	ssyncadd.s32 $0xFFFFD000  }
0x161: {  	[hbm4b:s1+s2] =	stream.linear.scatter [tilespmem:s9], [sflag:$0x5], $0x3000, $0x38;
	[tilespmem:$0xC800] =	vst v63  }
0x162: {  	_ =	swait.ge [sflag:s3], $0x3000  }
0x163: {  	[sflag:s3] =	ssyncset.done $0x0  }
0x164: {  	[sflag:s3] =	ssyncadd.s32 $0xFFFFD000  }
0x165: {  	[tilespmem:s9], [sflag:$0x2] =	stream.indirect.gather [hbm4b:s7+s13], $0x80, s22, s13, $0xb8;
	[tilespmem:$0xC800] =	vst v63  }
0x166: {  	_ =	swait.ge [sflag:s10], $0x3000  }
0x167: {  	[sflag:s10] =	ssyncset.done $0x0  }
0x168: {  	s20 =	rddreg [dreg:$0x9];
	[sflag:s10] =	ssyncadd.s32 $0xFFFFD000  }
0x169: {  	[hbm4b:s20+s2] =	stream.linear.scatter [tilespmem:s6], [sflag:$0x5], $0x3000, $0x38;
	[tilespmem:$0xC800] =	vst v63  }
0x16a: {  	_ =	swait.ge [sflag:s3], $0x3000  }
0x16b: {  	[sflag:s3] =	ssyncset.done $0x0  }
0x16c: {  	[sflag:s3] =	ssyncadd.s32 $0xFFFFD000  }
0x16d: {  	[tilespmem:s6], [sflag:$0x3] =	stream.indirect.gather [hbm4b:s7+s13], $0x80, s21, s13, $0xb8;
	[tilespmem:$0xC800] =	vst v63  }
0x16e: {  	_ =	swait.ge [sflag:s8], $0x3000  }
0x16f: {  	[sflag:s8] =	ssyncset.done $0x0  }
0x170: {  	s22 =	rddreg [dreg:$0xa];
	[sflag:s8] =	ssyncadd.s32 $0xFFFFD000  }
0x171: {  	[hbm4b:s22+s2] =	stream.linear.scatter [tilespmem:s5], [sflag:$0x5], $0x3000, $0x38;
	[tilespmem:$0xC800] =	vst v63  }
0x172: {  	_ =	swait.ge [sflag:s3], $0x3000  }
0x173: {  	[sflag:s3] =	ssyncset.done $0x0  }
0x174: {  	[sflag:s3] =	ssyncadd.s32 $0xFFFFD000  }
0x175: {  	[tilespmem:s5], [sflag:$0x4] =	stream.indirect.gather [hbm4b:s7+s13], $0x80, s19, s13, $0xb8;
	[tilespmem:$0xC800] =	vst v63  }
0x176: {  	_ =	swait.ge [sflag:s14], $0x3000  }
0x177: {  	[sflag:s14] =	ssyncset.done $0x0  }
0x178: {  	s23 =	rddreg [dreg:$0xb];
	[sflag:s14] =	ssyncadd.s32 $0xFFFFD000  }
0x179: {  	[hbm4b:s23+s2] =	stream.linear.scatter [tilespmem:s11], [sflag:$0x5], $0x3000, $0x38;
	[tilespmem:$0xC800] =	vst v63  }
0x17a: {  	_ =	swait.ge [sflag:s3], $0x3000  }
0x17b: {  	[sflag:s3] =	ssyncset.done $0x0  }
0x17c: {  	[sflag:s3] =	ssyncadd.s32 $0xFFFFD000  }
0x17d: {  	[tilespmem:s11], [sflag:$0x1] =	stream.indirect.gather [hbm4b:s7+s13], $0x80, s18, s13, $0xb8;
	[tilespmem:$0xC800] =	vst v63  }
0x17e: {  	_ =	swait.ge [sflag:s12], $0x3000  }
0x17f: {  	[sflag:s12] =	ssyncset.done $0x0  }
0x180: {  	s24 =	rddreg [dreg:$0xc];
	[sflag:s12] =	ssyncadd.s32 $0xFFFFD000  }
0x181: {  	[hbm4b:s24+s2] =	stream.linear.scatter [tilespmem:s9], [sflag:$0x5], $0x3000, $0x38;
	[tilespmem:$0xC800] =	vst v63  }
0x182: {  	_ =	swait.ge [sflag:s3], $0x3000  }
0x183: {  	[sflag:s3] =	ssyncset.done $0x0  }
0x184: {  	[sflag:s3] =	ssyncadd.s32 $0xFFFFD000  }
0x185: {  	[tilespmem:s9], [sflag:$0x2] =	stream.indirect.gather [hbm4b:s7+s13], $0x80, s17, s13, $0xb8;
	[tilespmem:$0xC800] =	vst v63  }
0x186: {  	_ =	swait.ge [sflag:s10], $0x3000  }
0x187: {  	[sflag:s10] =	ssyncset.done $0x0  }
0x188: {  	s25 =	rddreg [dreg:$0xd];
	[sflag:s10] =	ssyncadd.s32 $0xFFFFD000  }
0x189: {  	[hbm4b:s25+s2] =	stream.linear.scatter [tilespmem:s6], [sflag:$0x5], $0x3000, $0x38;
	[tilespmem:$0xC800] =	vst v63  }
0x18a: {  	_ =	swait.ge [sflag:s3], $0x3000  }
0x18b: {  	[sflag:s3] =	ssyncset.done $0x0  }
0x18c: {  	[sflag:s3] =	ssyncadd.s32 $0xFFFFD000  }
0x18d: {  	[tilespmem:s6], [sflag:$0x3] =	stream.indirect.gather [hbm4b:s7+s13], $0x80, s16, s13, $0xb8;
	[tilespmem:$0xC800] =	vst v63  }
0x18e: {  	_ =	swait.ge [sflag:s8], $0x3000  }
0x18f: {  	[sflag:s8] =	ssyncset.done $0x0  }
0x190: {  	s26 =	rddreg [dreg:$0xe];
	[sflag:s8] =	ssyncadd.s32 $0xFFFFD000  }
0x191: {  	[hbm4b:s26+s2] =	stream.linear.scatter [tilespmem:s5], [sflag:$0x5], $0x3000, $0x38;
	[tilespmem:$0xC800] =	vst v63  }
0x192: {  	_ =	swait.ge [sflag:s3], $0x3000  }
0x193: {  	[sflag:s3] =	ssyncset.done $0x0  }
0x194: {  	[sflag:s3] =	ssyncadd.s32 $0xFFFFD000  }
0x195: {  	[tilespmem:s5], [sflag:$0x4] =	stream.indirect.gather [hbm4b:s7+s13], $0x80, s15, s13, $0xb8;
	[tilespmem:$0xC800] =	vst v63  }
0x196: {  	_ =	swait.ge [sflag:s14], $0x3000  }
0x197: {  	[sflag:s14] =	ssyncset.done $0x0  }
0x198: {  	s28 =	rddreg [dreg:$0xf];
	[sflag:s14] =	ssyncadd.s32 $0xFFFFD000  }
0x199: {  	[hbm4b:s28+s2] =	stream.linear.scatter [tilespmem:s11], [sflag:$0x5], $0x3000, $0x38;
	[tilespmem:$0xC800] =	vst v63  }
0x19a: {  	_ =	swait.ge [sflag:s3], $0x3000  }
0x19b: {  	[sflag:s3] =	ssyncset.done $0x0  }
0x19c: {  	[sflag:s3] =	ssyncadd.s32 $0xFFFFD000  }
0x19d: {  	_ =	swait.ge [sflag:s12], $0x3000  }
0x19e: {  	[sflag:s12] =	ssyncset.done $0x0  }
0x19f: {  	s29 =	rddreg [dreg:$0x10];
	[sflag:s12] =	ssyncadd.s32 $0xFFFFD000  }
0x1a0: {  	[hbm4b:s29+s2] =	stream.linear.scatter [tilespmem:s9], [sflag:$0x5], $0x3000, $0x38;
	[tilespmem:$0xC800] =	vst v63  }
0x1a1: {  	_ =	swait.ge [sflag:s3], $0x3000  }
0x1a2: {  	[sflag:s3] =	ssyncset.done $0x0  }
0x1a3: {  	[sflag:s3] =	ssyncadd.s32 $0xFFFFD000  }
0x1a4: {  	_ =	swait.ge [sflag:s10], $0x3000  }
0x1a5: {  	[sflag:s10] =	ssyncset.done $0x0  }
0x1a6: {  	s30 =	rddreg [dreg:$0x11];
	[sflag:s10] =	ssyncadd.s32 $0xFFFFD000  }
0x1a7: {  	[hbm4b:s30+s2] =	stream.linear.scatter [tilespmem:s6], [sflag:$0x5], $0x3000, $0x38;
	[tilespmem:$0xC800] =	vst v63  }
0x1a8: {  	_ =	swait.ge [sflag:s3], $0x3000  }
0x1a9: {  	[sflag:s3] =	ssyncset.done $0x0  }
0x1aa: {  	[sflag:s3] =	ssyncadd.s32 $0xFFFFD000  }
0x1ab: {  	_ =	swait.ge [sflag:s8], $0x3000  }
0x1ac: {  	[sflag:s8] =	ssyncset.done $0x0  }
0x1ad: {  	[sflag:s8] =	ssyncadd.s32 $0xFFFFD000  }
0x1ae: {  	[hbm4b:s4+s2] =	stream.linear.scatter [tilespmem:s5], [sflag:$0x5], $0x3000, $0x38;
	[tilespmem:$0xC800] =	vst v63  }
0x1af: {  	_ =	swait.ge [sflag:s3], $0x3000  }
0x1b0: {  	[sflag:s3] =	ssyncset.done $0x0  }
0x1b1: {  	[sflag:s3] =	ssyncadd.s32 $0xFFFFD000  }
0x1b2: {  	_ =	sfence.sel $0x180000  }
0x1b3: {  	[bflag:$0x0] =	sbarrier.arrive $0xFFFF  }
0x1b4: {  	_ =	strace $0x9000004D  }
0x1b5: {  	s31 =	stileid.u32;
	[bflag:$0x2] =	sbarrier.arrive $0xFFFF  }
0x1b6: {  	p0 =	sne.s32 s31, $0x0;
	s0 =	rddreg [dreg:$0x2]  }
0x1b7: {  	s0 =	sadd.s32 @!p0 $0x100000, s0  }
0x1b8: {  	[sflag:s0] =	ssyncadd.tile.s32 @!p0 $0x1;
	_ =	shalt  }
.Lfunc_end2:
_tile_overlayer_lowered:
.L_overlay_start_2:
0x1b9: {  	(tag) =	ssettag $0x2  }
0x1ba: {  	s0 =	rddreg [dreg:$0x0];
	s2 =	stileid.u32  }
0x1bb: {  	s1 =	rddreg [dreg:$0x1];
	p0 =	sne.s32 s2, $0x0  }
0x1bc: {  	s3 =	rddreg [dreg:$0x2];
	[bflag:$0x3] =	sbarrier.arrive $0xFFFF;
	s2 =	simm.s32 @!p0 $0x1C05  }
0x1bd: {  	[timem:s3], [sflag:s2] =	dma.local @!p0 [hbm:s0], s1  }
0x1be: {  	s0 =	simm.s32 @!p0 $0x5  }
0x1bf: {  	_ =	swait.ge @!p0 [sflag:s0], s1  }
0x1c0: {  	s1 =	ssub.s32 @!p0 $0x0, s1;
	[sflag:s0] =	ssyncset.done @!p0 $0x0  }
0x1c1: {  	[sflag:s0] =	ssyncadd.s32 @!p0 s1  }
0x1c2: {  	[bflag:$0x3] =	sbarrier.arrive $0xFFFF  }
0x1c3: {  	_ =	shalt  }

// kernel: kernel.9.cloned.1.call-start
scs
__scs_entry_jumppad:
0x0: {  	(pc) =	sbr.rel $0x88, $3  }
0x1: {  	(tag) =	ssettag $0x0;
	lr =	simm.s32 $0x1  }
0x2: {  	[smem:$0x3F9F] =	sst lr;
	_ =	strace $0xD0000000  }
0x3: {  	_ = 	snop  }
0x4: {  	_ = 	snop  }
0x5: {  	_ = 	snop  }
0x6: {  	_ = 	snop  }
0x7: {  	_ = 	snop  }
__scs_overlays_trampoline_lowered:
0x8: {  	[smem:$0x3FAE] =	sst s0  }
0x9: {  	[smem:$0x3FAF] =	sst s1  }
0xa: {  	[smem:$0x3FB0] =	sst s2  }
0xb: {  	[smem:$0x3FB1] =	sst s3  }
0xc: {  	[smem:$0x3FB2] =	sst s4  }
0xd: {  	[smem:$0x3FB3] =	sst s5  }
0xe: {  	[smem:$0x3FB4] =	sst s6  }
0xf: {  	[smem:$0x3FB5] =	sst s7  }
0x10: {  	[smem:$0x3FB6] =	sst s8  }
0x11: {  	[smem:$0x3FB7] =	sst s9;
	s0 =	simm.s32 @!p0 $0x0  }
0x12: {  	s1 =	sld [smem:$0x3F9D];
	s0 =	simm.s32 @p0 $0x1  }
0x13: {  	[smem:$0x3FB8] =	sst s0;
	s0 =	simm.s32 @!p1 $0x0  }
0x14: {  	s2 =	sld [smem:$0x3F9C];
	s0 =	simm.s32 @p1 $0x1  }
0x15: {  	[smem:$0x3FB9] =	sst s0;
	s0 =	simm.s32 @!p2 $0x0  }
0x16: {  	s3 =	sld [smem:$0x3FDB];
	s0 =	simm.s32 @p2 $0x1  }
0x17: {  	s4 =	simm.s32 $0x1BF5;
	[smem:$0x3FBB] =	sst s0  }
0x18: {  	s0 =	sld [smem:$0x3F9E];
	_ =	swait.ge [sflag:s4], $0x0  }
0x19: {  	s7 =	sld [smem:$0x3F9F]  }
0x1a: {  	s8 =	sadd.s32 $0xFFFFE003, lr  }
0x1b: {  	s9 =	sadd.s32 $0xFFFFFEF7, lr;
	s5 =	simm.s32 $0xFFFFFFFF;
	p2 =	slt.u32 s8, $0xFFFFF086  }
0x1c: {  	p1 =	slt.u32 s9, $0xF7A;
	s5 =	simm.s32 @!p2 $0x0  }
0x1d: {  	s5 =	simm.s32 @p1 $0x1;
	p0 =	seq.s32 s7, s2  }
0x1e: {  	s7 =	smul.u32 @!p0 $0xF7A, s2;
	p2 =	seq.s32 @!p0 s5, $0x0  }
0x1f: {  	s9 =	smul.u32 $0xF7A, s1;
	s8 =	simm.s32 @!p0 $0x1BF5;
	p2 =	por !p2, p0  }
0x20: {  	[sflag:s8] =	ssyncset.s32 @!p0 $0xFFFFF086;
	s6 =	sadd.s32 @!p0 s3, s7;
	s7 =	simm.s32 @!p0 $0x108  }
0x21: {  	s3 =	sadd.s32 s3, s9;
	s6 =	sadd.s32 @!p0 $0x88, s6;
	s7 =	simm.s32 @p2 $0x1082  }
0x22: {  	[simem:s7], [sflag:s8] =	dma.local @!p0 [hbm:s6], $0xF7A  }
0x23: {  	s9 =	sor.u32 $0xD0000000, s2;
	s6 =	simm.s32 $0x108;
	_ =	swait.ge @!p0 [sflag:s8], $0x0  }
0x24: {  	s3 =	sadd.s32 $0x88, s3;
	s6 =	simm.s32 @!p1 $0x1082;
	[sflag:s4] =	ssyncset.s32 $0xFFFFF086  }
0x25: {  	[simem:s6], [sflag:s4] =	dma.local [hbm:s3], $0xF7A  }
0x26: {  	[smem:$0x3F9F] =	sst s1;
	(tag) =	ssettag s2;
	_ =	strace s9  }
0x27: {  	s1 =	sld [smem:$0x3FAF]  }
0x28: {  	s2 =	sld [smem:$0x3FB0]  }
0x29: {  	s4 =	sld [smem:$0x3FB2]  }
0x2a: {  	p0 =	seq.s32 s5, $0x0;
	s5 =	sld [smem:$0x3FB3]  }
0x2b: {  	s6 =	sld [smem:$0x3FB4]  }
0x2c: {  	s7 =	sld [smem:$0x3FB5]  }
0x2d: {  	s3 =	simm.s32 $0x108;
	s8 =	sld [smem:$0x3FB6]  }
0x2e: {  	s3 =	simm.s32 @!p0 $0x1082;
	s9 =	sld [smem:$0x3FB7]  }
0x2f: {  	lr =	sadd.s32 s0, s3;
	s0 =	sld [smem:$0x3FAE]  }
0x30: {  	s3 =	sld [smem:$0x3FB1]  }
0x31: {  	[smem:$0x3FBA] =	sst s10  }
0x32: {  	s10 =	sld [smem:$0x3FB8];
	_ =	sdelay $0x3  }
0x33: {  	p0 =	seq.s32 s10, $0x1;
	s10 =	sld [smem:$0x3FBA];
	_ =	sdelay $0x3  }
0x34: {  	[smem:$0x3FBA] =	sst s10  }
0x35: {  	s10 =	sld [smem:$0x3FB9];
	_ =	sdelay $0x3  }
0x36: {  	p1 =	seq.s32 s10, $0x1;
	s10 =	sld [smem:$0x3FBA];
	_ =	sdelay $0x3  }
0x37: {  	[smem:$0x3FBA] =	sst s10  }
0x38: {  	s10 =	sld [smem:$0x3FBB]  }
0x39: {  	_ = 	snop;
	(pc) =	sbr.ind lr, $3  }
0x3a: {  	_ = 	snop  }
0x3b: {  	_ = 	snop  }
0x3c: {  	p2 =	seq.s32 s10, $0x1;
	s10 =	sld [smem:$0x3FBA]  }
0x3d: {  	_ =	shalt  }
0x3e: {  	_ =	shalt  }
0x3f: {  	_ =	shalt  }
0x40: {  	_ =	shalt  }
0x41: {  	_ =	shalt  }
0x42: {  	_ =	shalt  }
0x43: {  	_ =	shalt  }
0x44: {  	_ =	shalt  }
0x45: {  	_ =	shalt  }
0x46: {  	_ =	shalt  }
0x47: {  	_ =	shalt  }
0x48: {  	_ =	shalt  }
0x49: {  	_ =	shalt  }
0x4a: {  	_ =	shalt  }
0x4b: {  	_ =	shalt  }
0x4c: {  	_ =	shalt  }
0x4d: {  	_ =	shalt  }
0x4e: {  	_ =	shalt  }
0x4f: {  	_ =	shalt  }
0x50: {  	_ =	shalt  }
0x51: {  	_ =	shalt  }
0x52: {  	_ =	shalt  }
0x53: {  	_ =	shalt  }
0x54: {  	_ =	shalt  }
0x55: {  	_ =	shalt  }
0x56: {  	_ =	shalt  }
0x57: {  	_ =	shalt  }
0x58: {  	_ =	shalt  }
0x59: {  	_ =	shalt  }
0x5a: {  	_ =	shalt  }
0x5b: {  	_ =	shalt  }
0x5c: {  	_ =	shalt  }
0x5d: {  	_ =	shalt  }
0x5e: {  	_ =	shalt  }
0x5f: {  	_ =	shalt  }
0x60: {  	_ =	shalt  }
0x61: {  	_ =	shalt  }
0x62: {  	_ =	shalt  }
0x63: {  	_ =	shalt  }
0x64: {  	_ =	shalt  }
0x65: {  	_ =	shalt  }
0x66: {  	_ =	shalt  }
0x67: {  	_ =	shalt  }
0x68: {  	_ =	shalt  }
0x69: {  	_ =	shalt  }
0x6a: {  	_ =	shalt  }
0x6b: {  	_ =	shalt  }
0x6c: {  	_ =	shalt  }
0x6d: {  	_ =	shalt  }
0x6e: {  	_ =	shalt  }
0x6f: {  	_ =	shalt  }
0x70: {  	_ =	shalt  }
0x71: {  	_ =	shalt  }
0x72: {  	_ =	shalt  }
0x73: {  	_ =	shalt  }
0x74: {  	_ =	shalt  }
0x75: {  	_ =	shalt  }
0x76: {  	_ =	shalt  }
0x77: {  	_ =	shalt  }
0x78: {  	_ =	shalt  }
0x79: {  	_ =	shalt  }
0x7a: {  	_ =	shalt  }
0x7b: {  	_ =	shalt  }
0x7c: {  	_ =	shalt  }
0x7d: {  	_ =	shalt  }
0x7e: {  	_ =	shalt  }
0x7f: {  	_ =	shalt  }
0x80: {  	_ =	shalt  }
0x81: {  	_ =	shalt  }
0x82: {  	_ =	shalt  }
0x83: {  	_ =	shalt  }
0x84: {  	_ =	shalt  }
0x85: {  	_ =	shalt  }
0x86: {  	_ =	shalt  }
0x87: {  	_ =	shalt  }
.Lfunc_end0:
.L_simem_size_0:
called_computation_lowered:
.L_overlay_start_0:
0x88: {  	s2 =	sld [smem:$0x3FD9]  }
0x89: {  	s3 =	sld [smem:$0x3FFE];
	_ =	sdelay $0x1  }
0x8a: {  	s1 =	srdreg.scid  }
0x8b: {  	s0 =	sand.u32 $0x1, s1  }
0x8c: {  	s17 =	sshll.u32 s0, $0xA;
	s2 =	sadd.s32 s3, s2  }
0x8d: {  	s2 =	sadd.s32 s2, s17  }
0x8e: {  	[smem:$0x3FC6] =	sst s2  }
0x8f: {  	_ = 	snop  }
0x90: {  	s2 =	sld [smem:$0x3FD0];
	(tm) =	ssettm $0x1  }
0x91: {  	s18 =	sld [smem:$0x3FFB];
	_ =	sdelay $0x3  }
0x92: {  	_ =	strace s18  }
0x93: {  	s3 =	sld [smem:$0x3FFC];
	_ =	sdelay $0x3  }
0x94: {  	_ =	strace s3  }
0x95: {  	s3 =	sld [smem:$0x3FFD];
	_ =	sdelay $0x3  }
0x96: {  	_ =	strace s3  }
0x97: {  	_ =	strace $0x8FFFFFFF  }
0x98: {  	s19 =	sld [smem:$0x3FDB];
	_ =	sdelay $0x1  }
0x99: {  	s4 =	simm.s32 $_scs_section_size  }
0x9a: {  	s5 =	simm.s32 $_size__tile_overlayer_lowered;
	s6 =	simm.s32 $_tile_overlayer_lowered  }
0x9b: {  	s22 =	simm.s32 $0x1BFF;
	s21 =	sshll.u32 s6, $0x1;
	s3 =	sadd.s32 s4, s19  }
0x9c: {  	s7 =	simm.s32 $0x0;
	s20 =	sshll.u32 s5, $0x1;
	s5 =	sadd.s32 s21, s3  }
0x9d: {  	[timem:s7], [sflag:s22] =	dma.local [hbm:s5], s20  }
0x9e: {  	_ =	swait.ge [sflag:s22], s20  }
0x9f: {  	s4 =	ssub.s32 $0x0, s20;
	[sflag:s22] =	ssyncset.done $0x0  }
0xa0: {  	[sflag:s22] =	ssyncadd.s32 s4;
	_ =	sdelay $0x1  }
0xa1: {  	s23 =	simm.s32 $0x1B8B  }
0xa2: {  	_ =	swait.ge [sflag:s23], $0x1  }
0xa3: {  	[sflag:s23] =	ssyncset.done $0x0  }
0xa4: {  	s25 =	simm.s32 $0x1B8E;
	s24 =	sld [smem:$0x3FFE];
	[sflag:s23] =	ssyncadd.s32 $0xFFFFFFFF  }
0xa5: {  	s26 =	simm.s32 $execute0_lowered;
	[smem:$0x3FD2] =	sst s25  }
0xa6: {  	s5 =	sshll.u32 s26, $0x1;
	_ =	strace $0x80000046;
	[dreg:$0x1] =	wrdreg $0xFFFFFFFF  }
0xa7: {  	s28 =	simm.s32 $_size_execute0_lowered;
	s3 =	sadd.s32 s3, s5;
	[dreg:$0x0] =	wrdreg $0x0  }
0xa8: {  	s5 =	sshll.u32 s28, $0x1;
	[dreg:$0x2] =	wrdreg s3  }
0xa9: {  	[dreg:$0x3] =	wrdreg s5  }
0xaa: {  	[dreg:$0x4] =	wrdreg $0xC0  }
0xab: {  	_ =	task [dreg:s7], $0x5FFFF  }
0xac: {  	[dreg:$0x1] =	wrdreg $0xFFFFFFFF  }
0xad: {  	[dreg:$0x0] =	wrdreg $0x60  }
0xae: {  	[dreg:$0x2] =	wrdreg s24  }
0xaf: {  	[dreg:$0x3] =	wrdreg s2  }
0xb0: {  	[dreg:$0x4] =	wrdreg $0x9  }
0xb1: {  	_ =	task.clear_ibuf [dreg:s7], $0x5FFFF;
	_ =	strace $0x90000046  }
0xb2: {  	s29 =	simm.s32 $0x9;
	_ =	strace $0x80000048  }
0xb3: {  	_ =	swait.ge [sflag:s29], $0x1  }
0xb4: {  	[sflag:s29] =	ssyncadd.s32 $0xFFFFFFFF  }
0xb5: {  	_ =	strace $0x90000048  }
0xb6: {  	_ =	sfence  }
0xb7: {  	s30 =	sld [smem:$0x0];
	_ =	sdelay $0x2  }
0xb8: {  	s31 =	sshll.u32 s1, $0xD;
	s1 =	sshrl.u32 s1, $0x2  }
0xb9: {  	s3 =	sand.u32 $0x4000, s31;
	s1 =	sadd.s32 s1, s30  }
0xba: {  	s0 =	sor.u32 s3, s0;
	s1 =	sshll.u32 s1, $0x11  }
0xbb: {  	s0 =	sor.u32 s1, s0  }
0xbc: {  	s0 =	sadd.s32 $0x8F2B, s0  }
0xbd: {  	[sflag:s0] =	ssyncadd.remote.s32 $0x1  }
0xbe: {  	_ =	sfence.sel $0xFFFF  }
0xbf: {  	[dreg:$0x0] =	wrdreg $0xFFFFFFFF;
	(pc) =	sbr.abs _section_cstart, $3  }
0xc0: {  	[dreg:$0x1] =	wrdreg $0xFFFFFFFF  }
0xc1: {  	_ =	task.clear_ibuf [dreg:s7], $0x2FFFF;
	_ =	strace $0x9FFFFFFF  }
0xc2: {  	(tm) =	ssettm $0x7FFFFFFF  }
0xc3: {  	_ =	shalt  }
tec
execute0_lowered:
.L_overlay_start_1:
0x0: {  	(tag) =	ssettag $0x1  }
0x1: {  	s1 =	srdreg.scid;
	s0 =	stileid.u32  }
0x2: {  	s15 =	rddreg [dreg:$0x0];
	s30 =	sand.u32 $0x1, s1;
	s4 =	sshll.u32 s0, $0x1  }
0x3: {  	s3 =	rddreg [dreg:$0x1];
	s2 =	simm.s32 $0x0;
	s16 =	sor.u32 s30, s4  }
0x4: {  	[smem:$0x7FF] =	sst s2;
	s4 =	sshll.u32 s16, $0x7  }
0x5: {  	_ =	strace $0x80000047;
	s4 =	sadd.s32 s3, s4;
	s3 =	simm.s32 $0x5  }
0x6: {  	[tilespmem:s2], [sflag:$0x5] =	stream.linear.gather [hbm4b:s4+s2], $0x400, $0x38;
	[tilespmem:$0x2400] =	vst v63  }
0x7: {  	_ =	swait.ge [sflag:s3], $0x400  }
0x8: {  	s6 =	simm.s32 $0x10;
	[sflag:s3] =	ssyncset.done $0x0  }
0x9: {  	s7 =	simm.s32 $0x400;
	s5 =	sadd.s32 $0x18A200, s15;
	[sflag:s3] =	ssyncadd.s32 $0xFFFFFC00  }
0xa: {  	[tilespmem:s7], [sflag:$0x1] =	stream.indirect.gather [hbm4b:s5+s6], $0x80, s2, s6, $0xb8;
	[tilespmem:$0x2400] =	vst v63  }
0xb: {  	s8 =	simm.s32 $0x80;
	s9 =	simm.s32 $0xC00  }
0xc: {  	[tilespmem:s9], [sflag:$0x2] =	stream.indirect.gather [hbm4b:s5+s6], $0x80, s8, s6, $0xb8;
	[tilespmem:$0x2400] =	vst v63  }
0xd: {  	s10 =	simm.s32 $0x100;
	s11 =	simm.s32 $0x1400  }
0xe: {  	[tilespmem:s11], [sflag:$0x3] =	stream.indirect.gather [hbm4b:s5+s6], $0x80, s10, s6, $0xb8;
	[tilespmem:$0x2400] =	vst v63  }
0xf: {  	s12 =	simm.s32 $0x180;
	s13 =	simm.s32 $0x1C00;
	s14 =	simm.s32 $0x1  }
0x10: {  	[tilespmem:s13], [sflag:$0x4] =	stream.indirect.gather [hbm4b:s5+s6], $0x80, s12, s6, $0xb8;
	[tilespmem:$0x2400] =	vst v63  }
0x11: {  	s16 =	sshll.u32 s16, $0xB;
	_ =	swait.ge [sflag:s14], $0x800  }
0x12: {  	s31 =	sadd.s32 s16, s15;
	[sflag:s14] =	ssyncset.done $0x0  }
0x13: {  	s15 =	sadd.s32 $0x3800, s31;
	[sflag:s14] =	ssyncadd.s32 $0xFFFFF800  }
0x14: {  	[hbm4b:s15+s2] =	stream.linear.scatter [tilespmem:s7], [sflag:$0x5], $0x800, $0x38;
	[tilespmem:$0x2400] =	vst v63  }
0x15: {  	_ =	swait.ge [sflag:s3], $0x800  }
0x16: {  	[sflag:s3] =	ssyncset.done $0x0  }
0x17: {  	s17 =	simm.s32 $0x2;
	s16 =	simm.s32 $0x200;
	[sflag:s3] =	ssyncadd.s32 $0xFFFFF800  }
0x18: {  	[tilespmem:s7], [sflag:$0x1] =	stream.indirect.gather [hbm4b:s5+s6], $0x80, s16, s6, $0xb8;
	[tilespmem:$0x2400] =	vst v63  }
0x19: {  	_ =	swait.ge [sflag:s17], $0x800  }
0x1a: {  	[sflag:s17] =	ssyncset.done $0x0  }
0x1b: {  	s18 =	sadd.s32 $0x3900, s31;
	[sflag:s17] =	ssyncadd.s32 $0xFFFFF800  }
0x1c: {  	[hbm4b:s18+s2] =	stream.linear.scatter [tilespmem:s9], [sflag:$0x5], $0x800, $0x38;
	[tilespmem:$0x2400] =	vst v63  }
0x1d: {  	_ =	swait.ge [sflag:s3], $0x800  }
0x1e: {  	[sflag:s3] =	ssyncset.done $0x0  }
0x1f: {  	s19 =	simm.s32 $0x280;
	s20 =	simm.s32 $0x3;
	[sflag:s3] =	ssyncadd.s32 $0xFFFFF800  }
0x20: {  	[tilespmem:s9], [sflag:$0x2] =	stream.indirect.gather [hbm4b:s5+s6], $0x80, s19, s6, $0xb8;
	[tilespmem:$0x2400] =	vst v63  }
0x21: {  	_ =	swait.ge [sflag:s20], $0x800  }
0x22: {  	[sflag:s20] =	ssyncset.done $0x0  }
0x23: {  	s21 =	sadd.s32 $0x3A00, s31;
	[sflag:s20] =	ssyncadd.s32 $0xFFFFF800  }
0x24: {  	[hbm4b:s21+s2] =	stream.linear.scatter [tilespmem:s11], [sflag:$0x5], $0x800, $0x38;
	[tilespmem:$0x2400] =	vst v63  }
0x25: {  	_ =	swait.ge [sflag:s3], $0x800  }
0x26: {  	[sflag:s3] =	ssyncset.done $0x0  }
0x27: {  	s22 =	simm.s32 $0x300;
	s23 =	simm.s32 $0x4;
	[sflag:s3] =	ssyncadd.s32 $0xFFFFF800  }
0x28: {  	[tilespmem:s11], [sflag:$0x3] =	stream.indirect.gather [hbm4b:s5+s6], $0x80, s22, s6, $0xb8;
	[tilespmem:$0x2400] =	vst v63  }
0x29: {  	_ =	swait.ge [sflag:s23], $0x800  }
0x2a: {  	[sflag:s23] =	ssyncset.done $0x0  }
0x2b: {  	s24 =	sadd.s32 $0x3B00, s31;
	[sflag:s23] =	ssyncadd.s32 $0xFFFFF800  }
0x2c: {  	[hbm4b:s24+s2] =	stream.linear.scatter [tilespmem:s13], [sflag:$0x5], $0x800, $0x38;
	[tilespmem:$0x2400] =	vst v63  }
0x2d: {  	_ =	swait.ge [sflag:s3], $0x800  }
0x2e: {  	[sflag:s3] =	ssyncset.done $0x0  }
0x2f: {  	s25 =	simm.s32 $0x380;
	[sflag:s3] =	ssyncadd.s32 $0xFFFFF800  }
0x30: {  	[tilespmem:s13], [sflag:$0x4] =	stream.indirect.gather [hbm4b:s5+s6], $0x80, s25, s6, $0xb8;
	[tilespmem:$0x2400] =	vst v63  }
0x31: {  	_ =	swait.ge [sflag:s14], $0x800  }
0x32: {  	[sflag:s14] =	ssyncset.done $0x0  }
0x33: {  	s26 =	sadd.s32 $0x3C00, s31;
	[sflag:s14] =	ssyncadd.s32 $0xFFFFF800  }
0x34: {  	[hbm4b:s26+s2] =	stream.linear.scatter [tilespmem:s7], [sflag:$0x5], $0x800, $0x38;
	[tilespmem:$0x2400] =	vst v63  }
0x35: {  	_ =	swait.ge [sflag:s3], $0x800  }
0x36: {  	[sflag:s3] =	ssyncset.done $0x0  }
0x37: {  	[sflag:s3] =	ssyncadd.s32 $0xFFFFF800  }
0x38: {  	_ =	swait.ge [sflag:s17], $0x800  }
0x39: {  	[sflag:s17] =	ssyncset.done $0x0  }
0x3a: {  	s28 =	sadd.s32 $0x3D00, s31;
	[sflag:s17] =	ssyncadd.s32 $0xFFFFF800  }
0x3b: {  	[hbm4b:s28+s2] =	stream.linear.scatter [tilespmem:s9], [sflag:$0x5], $0x800, $0x38;
	[tilespmem:$0x2400] =	vst v63  }
0x3c: {  	_ =	swait.ge [sflag:s3], $0x800  }
0x3d: {  	[sflag:s3] =	ssyncset.done $0x0  }
0x3e: {  	[sflag:s3] =	ssyncadd.s32 $0xFFFFF800  }
0x3f: {  	_ =	swait.ge [sflag:s20], $0x800  }
0x40: {  	[sflag:s20] =	ssyncset.done $0x0  }
0x41: {  	s30 =	ssub.s32 $0x2, s30;
	s29 =	sadd.s32 $0x3E00, s31;
	[sflag:s20] =	ssyncadd.s32 $0xFFFFF800  }
0x42: {  	[hbm4b:s29+s2] =	stream.linear.scatter [tilespmem:s11], [sflag:$0x5], $0x800, $0x38;
	[tilespmem:$0x2400] =	vst v63  }
0x43: {  	s1 =	sshrl.u32 s30, $0x1;
	_ =	swait.ge [sflag:s3], $0x800  }
0x44: {  	s1 =	ssub.s32 s30, s1;
	[sflag:s3] =	ssyncset.done $0x0  }
0x45: {  	s1 =	smax.u32 s1, $0x1;
	[sflag:s3] =	ssyncadd.s32 $0xFFFFF800  }
0x46: {  	p0 =	sne.s32 s1, $0x1;
	_ =	swait.ge [sflag:s23], $0x800  }
.Ltmp0:
0x47: {  	[sflag:s23] =	ssyncset.done $0x0;
	(pc) =	sbr.rel @!p0 .LBB2_2-.Ltmp0, $4  }
0x48: {  	s30 =	sadd.s32 $0x3F00, s31;
	[sflag:s23] =	ssyncadd.s32 $0xFFFFF800  }
0x49: {  	[hbm4b:s30+s2] =	stream.linear.scatter [tilespmem:s13], [sflag:$0x5], $0x800, $0x38;
	[tilespmem:$0x2400] =	vst v63  }
0x4a: {  	_ =	swait.ge [sflag:s3], $0x800  }
0x4b: {  	s31 =	sadd.s32 $0xFFFFFFFF, s1;
	[sflag:s3] =	ssyncset.done $0x0  }
.LBB2_1:
0x4c: {  	p0 =	sne.s32 s31, $0x1;
	s31 =	sadd.s32 $0xFFFFFFFF, s31;
	[sflag:s3] =	ssyncadd.s32 $0xFFFFF800  }
0x4d: {  	[tilespmem:s2], [sflag:$0x5] =	stream.linear.gather [hbm4b:s4+s2], $0x400, $0x38;
	[tilespmem:$0x2400] =	vst v63  }
0x4e: {  	_ =	swait.ge [sflag:s3], $0x400  }
0x4f: {  	[sflag:s3] =	ssyncset.done $0x0  }
0x50: {  	[sflag:s3] =	ssyncadd.s32 $0xFFFFFC00  }
0x51: {  	[tilespmem:s7], [sflag:$0x1] =	stream.indirect.gather [hbm4b:s5+s6], $0x80, s2, s6, $0xb8;
	[tilespmem:$0x2400] =	vst v63  }
0x52: {  	_ = 	snop  }
0x53: {  	[tilespmem:s9], [sflag:$0x2] =	stream.indirect.gather [hbm4b:s5+s6], $0x80, s8, s6, $0xb8;
	[tilespmem:$0x2400] =	vst v63  }
0x54: {  	_ = 	snop  }
0x55: {  	[tilespmem:s11], [sflag:$0x3] =	stream.indirect.gather [hbm4b:s5+s6], $0x80, s10, s6, $0xb8;
	[tilespmem:$0x2400] =	vst v63  }
0x56: {  	_ = 	snop  }
0x57: {  	[tilespmem:s13], [sflag:$0x4] =	stream.indirect.gather [hbm4b:s5+s6], $0x80, s12, s6, $0xb8;
	[tilespmem:$0x2400] =	vst v63  }
0x58: {  	_ =	swait.ge [sflag:s14], $0x800  }
0x59: {  	[sflag:s14] =	ssyncset.done $0x0  }
0x5a: {  	[sflag:s14] =	ssyncadd.s32 $0xFFFFF800  }
0x5b: {  	[hbm4b:s15+s2] =	stream.linear.scatter [tilespmem:s7], [sflag:$0x5], $0x800, $0x38;
	[tilespmem:$0x2400] =	vst v63  }
0x5c: {  	_ =	swait.ge [sflag:s3], $0x800  }
0x5d: {  	[sflag:s3] =	ssyncset.done $0x0  }
0x5e: {  	[sflag:s3] =	ssyncadd.s32 $0xFFFFF800  }
0x5f: {  	[tilespmem:s7], [sflag:$0x1] =	stream.indirect.gather [hbm4b:s5+s6], $0x80, s16, s6, $0xb8;
	[tilespmem:$0x2400] =	vst v63  }
0x60: {  	_ =	swait.ge [sflag:s17], $0x800  }
0x61: {  	[sflag:s17] =	ssyncset.done $0x0  }
0x62: {  	[sflag:s17] =	ssyncadd.s32 $0xFFFFF800  }
0x63: {  	[hbm4b:s18+s2] =	stream.linear.scatter [tilespmem:s9], [sflag:$0x5], $0x800, $0x38;
	[tilespmem:$0x2400] =	vst v63  }
0x64: {  	_ =	swait.ge [sflag:s3], $0x800  }
0x65: {  	[sflag:s3] =	ssyncset.done $0x0  }
0x66: {  	[sflag:s3] =	ssyncadd.s32 $0xFFFFF800  }
0x67: {  	[tilespmem:s9], [sflag:$0x2] =	stream.indirect.gather [hbm4b:s5+s6], $0x80, s19, s6, $0xb8;
	[tilespmem:$0x2400] =	vst v63  }
0x68: {  	_ =	swait.ge [sflag:s20], $0x800  }
0x69: {  	[sflag:s20] =	ssyncset.done $0x0  }
0x6a: {  	[sflag:s20] =	ssyncadd.s32 $0xFFFFF800  }
0x6b: {  	[hbm4b:s21+s2] =	stream.linear.scatter [tilespmem:s11], [sflag:$0x5], $0x800, $0x38;
	[tilespmem:$0x2400] =	vst v63  }
0x6c: {  	_ =	swait.ge [sflag:s3], $0x800  }
0x6d: {  	[sflag:s3] =	ssyncset.done $0x0  }
0x6e: {  	[sflag:s3] =	ssyncadd.s32 $0xFFFFF800  }
0x6f: {  	[tilespmem:s11], [sflag:$0x3] =	stream.indirect.gather [hbm4b:s5+s6], $0x80, s22, s6, $0xb8;
	[tilespmem:$0x2400] =	vst v63  }
0x70: {  	_ =	swait.ge [sflag:s23], $0x800  }
0x71: {  	[sflag:s23] =	ssyncset.done $0x0  }
0x72: {  	[sflag:s23] =	ssyncadd.s32 $0xFFFFF800  }
0x73: {  	[hbm4b:s24+s2] =	stream.linear.scatter [tilespmem:s13], [sflag:$0x5], $0x800, $0x38;
	[tilespmem:$0x2400] =	vst v63  }
0x74: {  	_ =	swait.ge [sflag:s3], $0x800  }
0x75: {  	[sflag:s3] =	ssyncset.done $0x0  }
0x76: {  	[sflag:s3] =	ssyncadd.s32 $0xFFFFF800  }
0x77: {  	[tilespmem:s13], [sflag:$0x4] =	stream.indirect.gather [hbm4b:s5+s6], $0x80, s25, s6, $0xb8;
	[tilespmem:$0x2400] =	vst v63  }
0x78: {  	_ =	swait.ge [sflag:s14], $0x800  }
0x79: {  	[sflag:s14] =	ssyncset.done $0x0  }
0x7a: {  	[sflag:s14] =	ssyncadd.s32 $0xFFFFF800  }
0x7b: {  	[hbm4b:s26+s2] =	stream.linear.scatter [tilespmem:s7], [sflag:$0x5], $0x800, $0x38;
	[tilespmem:$0x2400] =	vst v63  }
0x7c: {  	_ =	swait.ge [sflag:s3], $0x800  }
0x7d: {  	[sflag:s3] =	ssyncset.done $0x0  }
0x7e: {  	[sflag:s3] =	ssyncadd.s32 $0xFFFFF800  }
0x7f: {  	_ =	swait.ge [sflag:s17], $0x800  }
0x80: {  	[sflag:s17] =	ssyncset.done $0x0  }
0x81: {  	[sflag:s17] =	ssyncadd.s32 $0xFFFFF800  }
0x82: {  	[hbm4b:s28+s2] =	stream.linear.scatter [tilespmem:s9], [sflag:$0x5], $0x800, $0x38;
	[tilespmem:$0x2400] =	vst v63  }
0x83: {  	_ =	swait.ge [sflag:s3], $0x800  }
0x84: {  	[sflag:s3] =	ssyncset.done $0x0  }
0x85: {  	[sflag:s3] =	ssyncadd.s32 $0xFFFFF800  }
0x86: {  	_ =	swait.ge [sflag:s20], $0x800  }
0x87: {  	[sflag:s20] =	ssyncset.done $0x0  }
0x88: {  	[sflag:s20] =	ssyncadd.s32 $0xFFFFF800  }
0x89: {  	[hbm4b:s29+s2] =	stream.linear.scatter [tilespmem:s11], [sflag:$0x5], $0x800, $0x38;
	[tilespmem:$0x2400] =	vst v63  }
0x8a: {  	_ =	swait.ge [sflag:s3], $0x800  }
0x8b: {  	[sflag:s3] =	ssyncset.done $0x0  }
0x8c: {  	[sflag:s3] =	ssyncadd.s32 $0xFFFFF800  }
0x8d: {  	_ =	swait.ge [sflag:s23], $0x800  }
.Ltmp1:
0x8e: {  	[sflag:s23] =	ssyncset.done $0x0;
	(pc) =	sbr.rel @p0 .LBB2_1-.Ltmp1, $4  }
0x8f: {  	[sflag:s23] =	ssyncadd.s32 $0xFFFFF800  }
0x90: {  	[hbm4b:s30+s2] =	stream.linear.scatter [tilespmem:s13], [sflag:$0x5], $0x800, $0x38;
	[tilespmem:$0x2400] =	vst v63  }
0x91: {  	_ =	swait.ge [sflag:s3], $0x800  }
0x92: {  	[sflag:s3] =	ssyncset.done $0x0  }
.LBB2_2:
0x93: {  	[sflag:s3] =	ssyncadd.s32 $0xFFFFF800  }
0x94: {  	_ =	sfence.sel $0x180000  }
0x95: {  	[bflag:$0x0] =	sbarrier.arrive $0xFFFF  }
0x96: {  	_ =	strace $0x90000047  }
0x97: {  	[bflag:$0x2] =	sbarrier.arrive $0xFFFF  }
0x98: {  	p0 =	sne.s32 s0, $0x0;
	s0 =	rddreg [dreg:$0x2]  }
0x99: {  	s0 =	sadd.s32 @!p0 $0x100000, s0  }
0x9a: {  	[sflag:s0] =	ssyncadd.tile.s32 @!p0 $0x1;
	_ =	shalt  }
.Lfunc_end2:
_tile_overlayer_lowered:
.L_overlay_start_2:
0x9b: {  	(tag) =	ssettag $0x2  }
0x9c: {  	s0 =	rddreg [dreg:$0x0];
	s2 =	stileid.u32  }
0x9d: {  	s1 =	rddreg [dreg:$0x1];
	p0 =	sne.s32 s2, $0x0  }
0x9e: {  	s3 =	rddreg [dreg:$0x2];
	[bflag:$0x3] =	sbarrier.arrive $0xFFFF;
	s2 =	simm.s32 @!p0 $0x1C05  }
0x9f: {  	[timem:s3], [sflag:s2] =	dma.local @!p0 [hbm:s0], s1  }
0xa0: {  	s0 =	simm.s32 @!p0 $0x5  }
0xa1: {  	_ =	swait.ge @!p0 [sflag:s0], s1  }
0xa2: {  	s1 =	ssub.s32 @!p0 $0x0, s1;
	[sflag:s0] =	ssyncset.done @!p0 $0x0  }
0xa3: {  	[sflag:s0] =	ssyncadd.s32 @!p0 s1  }
0xa4: {  	[bflag:$0x3] =	sbarrier.arrive $0xFFFF  }
0xa5: {  	_ =	shalt  }

</sc_bundles>
